<compile_context>
chip_gen: v7x
topology: tpu7x:2x2x1
jax: 0.10.2.dev20260603
libtpu: 0.0.44.dev20260713+nightly
codegen_flags: <defaults>
</compile_context>

<pallas_src>
import functools

import jax
import jax.numpy as jnp
from jax import lax
from jax.experimental import pallas as pl
from jax.experimental.pallas import tpu as pltpu
from jax.experimental.pallas import tpu_sc as plsc

LANES = 16
NBUF = 3


def _prep_kernel(ids_ref, lagl_ref, scale_ref, hidden_ref, w_ref, b_ref,
                 cols_ref, vals_ref, g_ref, *, window, vocab):
    h = hidden_ref[...][0]
    w = w_ref[...]
    logits = jnp.dot(h, w, preferred_element_type=jnp.float32)
    g = jax.nn.sigmoid(logits + b_ref[...][0, 0])[:, 0:1]
    g_ref[...] = jnp.broadcast_to(g, g_ref.shape)

    lw_row = (jax.nn.softmax(lagl_ref[...], axis=1)
              * scale_ref[...][0, 0])

    ids = ids_ref[...]
    t = ids.shape[1]
    shifted = [ids]
    for l in range(1, window):
        shifted.append(jnp.concatenate(
            [jnp.full((1, l), -1, jnp.int32), ids[:, : t - l]], axis=1))
    toks = jnp.concatenate(shifted, axis=0)

    merged = jnp.zeros((window, t), jnp.float32)
    notfirst = jnp.zeros((window, t), jnp.bool_)
    row = lax.broadcasted_iota(jnp.int32, (window, t), 0)
    for l2 in range(window):
        eq = toks == toks[l2:l2 + 1, :]
        merged = merged + jnp.where(eq, lw_row[0, l2], 0.0)
        if l2 < window - 1:
            notfirst = notfirst | (eq & (row > l2))
    keep = (toks >= 0) & jnp.logical_not(notfirst)
    cols8 = jnp.where(keep, toks, vocab + row)
    vals8 = jnp.where(keep, merged, 0.0)
    pad_cols = vocab + window + lax.broadcasted_iota(
        jnp.int32, (LANES - window, t), 0)
    cols_ref[...] = jnp.concatenate([cols8, pad_cols], axis=0)
    vals_ref[...] = jnp.concatenate(
        [vals8, jnp.zeros((LANES - window, t), jnp.float32)], axis=0)


def _make_sc_scatter(t, vocab, rows_per_w, nc, ns):
    bufw = vocab + 128
    zchunk = 8
    assert (vocab // LANES) % zchunk == 0
    mesh = plsc.VectorSubcoreMesh(core_axis_name="c", subcore_axis_name="s")

    @functools.partial(
        pl.kernel,
        out_type=jax.ShapeDtypeStruct((1, t, vocab), jnp.float32),
        mesh=mesh,
        scratch_types=[
            pltpu.VMEM((LANES, 2 * rows_per_w), jnp.int32),
            pltpu.VMEM((LANES, 2 * rows_per_w), jnp.float32),
            pltpu.VMEM((rows_per_w, 128), jnp.float32),
        ] + [pltpu.VMEM((bufw,), jnp.float32)] * NBUF
          + [pltpu.SemaphoreType.DMA] * (NBUF + 1),
        compiler_params=pltpu.CompilerParams(needs_layout_passes=False),
    )
    def sc_scatter(cols_hbm, vals_hbm, g_hbm, out_hbm, cols_v, vals_v, g_v,
                   *bufs_sems):
        bufs = bufs_sems[:NBUF]
        sems = bufs_sems[NBUF:]
        wid = lax.axis_index("s") * nc + lax.axis_index("c")
        base = wid * rows_per_w
        blk = (wid // 2) * (2 * rows_per_w)
        hoff = (wid % 2) * rows_per_w
        in_sem = bufs_sems[-1]
        cp_c = pltpu.async_copy(
            cols_hbm.at[:, pl.ds(blk, 2 * rows_per_w)], cols_v, in_sem)
        cp_v = pltpu.async_copy(
            vals_hbm.at[:, pl.ds(blk, 2 * rows_per_w)], vals_v, in_sem)
        cp_g = pltpu.async_copy(
            g_hbm.at[pl.ds(base, rows_per_w)], g_v, in_sem)

        z16 = jnp.zeros((LANES,), jnp.float32)
        z16i = jnp.zeros((LANES,), jnp.int32)
        iota16 = lax.broadcasted_iota(jnp.int32, (LANES,), 0)

        def zero_buf(buf):
            def zero_body(i, carry):
                for k in range(zchunk):
                    buf[pl.ds((i * zchunk + k) * LANES, LANES)] = z16
                return carry
            lax.fori_loop(0, vocab // LANES // zchunk, zero_body, 0)

        zero_buf(bufs[0])
        cp_c.wait()
        cp_v.wait()
        cp_g.wait()

        def row_vecs(r):
            rr = jnp.full((LANES,), r, jnp.int32) + hoff
            idx = plsc.load_gather(cols_v, (iota16, rr))
            return rr, idx

        copies = [None] * NBUF
        for r in range(rows_per_w):
            buf = bufs[r % NBUF]
            if 1 <= r < NBUF:
                zero_buf(buf)
            if r >= NBUF:
                copies[r % NBUF].wait()
                _, idx_old = row_vecs(r - NBUF)
                plsc.store_scatter(buf, (idx_old,), z16)
            rr, idx = row_vecs(r)
            vraw = plsc.load_gather(vals_v, (iota16, rr))
            gv = plsc.load_gather(g_v, (jnp.full((LANES,), r, jnp.int32), z16i))
            plsc.store_scatter(buf, (idx,), vraw * gv)
            copies[r % NBUF] = pltpu.async_copy(
                buf.at[pl.ds(0, vocab)],
                out_hbm.at[0, base + r],
                sems[r % NBUF])
        for k in range(NBUF):
            copies[k].wait()

    return sc_scatter


def kernel(hidden, input_ids, W, b_lin, lag_logits, copy_scale):
    b, t, d = hidden.shape
    vocab = 32000
    window = lag_logits.shape[0]
    lag_row = lag_logits.reshape(1, window)
    scale2 = copy_scale.reshape(1, 1)
    w_pad = jnp.pad(W.reshape(d, 1), ((0, 0), (0, 127)))
    b2 = b_lin.reshape(1, 1)

    cols, vals, g = pl.pallas_call(
        functools.partial(_prep_kernel, window=window, vocab=vocab),
        out_shape=[jax.ShapeDtypeStruct((LANES, t), jnp.int32),
                   jax.ShapeDtypeStruct((LANES, t), jnp.float32),
                   jax.ShapeDtypeStruct((t, 128), jnp.float32)],
    )(input_ids, lag_row, scale2, hidden, w_pad, b2)

    info = plsc.get_sparse_core_info()
    nc, ns = info.num_cores, info.num_subcores
    rows_per_w = t // (nc * ns)
    return _make_sc_scatter(t, vocab, rows_per_w, nc, ns)(cols, vals, g)

# --- scband reference (transcript-rebuilt; emitter-appended) ---
"""Pipeline reference for scband-recent-copy-bias-13486197310065 (READ-ONLY COPY).

The authoritative reference and input builder live on the scoring server;
editing this copy changes nothing except your own understanding.
"""

import jax, jax.numpy as jnp
import numpy as np

D_MODEL = 1024
VOCAB = 32000
WINDOW = 8
B = 1
T = 2048

def setup_inputs(seed: int = 0) -> dict:
    key = jax.random.key(seed)
    k1, k2, k3 = jax.random.split(key, 3)
    hidden = jax.random.normal(k1, (B, T, D_MODEL), dtype=jnp.float32)
    input_ids = jax.random.randint(k2, (B, T), 0, VOCAB, dtype=jnp.int32)
    # learned parameters
    W = jax.random.normal(k3, (1, D_MODEL), dtype=jnp.float32) * (1.0 / np.sqrt(D_MODEL))
    b_lin = jnp.zeros((1,), dtype=jnp.float32)
    lag_logits = jnp.linspace(0.0, -1.5, WINDOW, dtype=jnp.float32)
    copy_scale = jnp.array(1.25, dtype=jnp.float32)
    return {"hidden": hidden, "input_ids": input_ids, "W": W, "b_lin": b_lin,
            "lag_logits": lag_logits, "copy_scale": copy_scale}

def reference(hidden, input_ids, W, b_lin, lag_logits, copy_scale):
    b, t, _ = hidden.shape
    # copy_gate: Linear(d_model -> 1), then sigmoid, squeeze(-1) -> [b, t]
    gate = jax.nn.sigmoid(jnp.einsum('btd,od->bto', hidden, W) + b_lin)[..., 0]
    lag_weights = jax.nn.softmax(lag_logits, axis=0)
    bias = jnp.zeros((b, t, VOCAB), dtype=hidden.dtype)
    bidx = jnp.arange(b)[:, None]
    for lag in range(WINDOW):
        if lag == 0:
            tokens = input_ids
            contrib = gate * lag_weights[0]
            pos = jnp.arange(t)[None, :]
        elif lag < t:
            tokens = input_ids[:, : t - lag]
            contrib = gate[:, lag:] * lag_weights[lag]
            pos = jnp.arange(lag, t)[None, :]
        else:
            continue
        # scatter-add into bias[b_i, pos_j, tokens[b_i, j]] += contrib[b_i, j]
        bias = bias.at[bidx, pos, tokens].add(contrib)
    return copy_scale * bias

if __name__ == "__main__":
    import jax
    _d = setup_inputs()
    print(jax.jit(kernel)(*tuple(_d.values())))

</pallas_src>

<mosaic_0001>
#map = affine_map<(d0, d1) -> (0, 0)>
#map1 = affine_map<(d0, d1) -> (0, 0, 0)>
module attributes {stable_mosaic.version = 14 : i64} {
  func.func @sc_scatter(%arg0: i32, %arg1: i32, %arg2: memref<16x2048xi32, #tpu.memory_space<hbm>>, %arg3: memref<16x2048xf32, #tpu.memory_space<hbm>>, %arg4: memref<2048x128xf32, #tpu.memory_space<hbm>>, %arg5: memref<1x2048x32000xf32, #tpu.memory_space<hbm>>, %arg6: memref<16x128xi32, #tpu.memory_space<vmem>>, %arg7: memref<16x128xf32, #tpu.memory_space<vmem>>, %arg8: memref<64x128xf32, #tpu.memory_space<vmem>>, %arg9: memref<32128xf32, #tpu.memory_space<vmem>>, %arg10: memref<32128xf32, #tpu.memory_space<vmem>>, %arg11: memref<32128xf32, #tpu.memory_space<vmem>>, %arg12: memref<!tpu.dma_semaphore, #tpu.memory_space<semaphore_mem>>, %arg13: memref<!tpu.dma_semaphore, #tpu.memory_space<semaphore_mem>>, %arg14: memref<!tpu.dma_semaphore, #tpu.memory_space<semaphore_mem>>, %arg15: memref<!tpu.dma_semaphore, #tpu.memory_space<semaphore_mem>>) attributes {dimension_semantics = [#tpu.dimension_semantics<core_parallel>, #tpu.dimension_semantics<subcore_parallel>], iteration_bounds = array<i64: 2, 16>, scalar_prefetch = 0 : i64, scratch_operands = 10 : i64, tpu.core_type = #tpu.core_type<sc_vector_subcore>, window_params = [{transform_indices = #map}, {transform_indices = #map}, {transform_indices = #map}, {transform_indices = #map1}]} {
    %mul3A = arith.constant 2 : i32
    %mul3A_0 = arith.muli %arg1, %mul3A : i32
    %add3A = arith.addi %mul3A_0, %arg0 : i32
    %mul3A_1 = arith.constant 64 : i32
    %mul3A_2 = arith.muli %add3A, %mul3A_1 : i32
    %jit3A = arith.constant 2 : i32
    %div3A = arith.divsi %add3A, %jit3A : i32
    %sign3A = arith.constant 0 : i32
    %sign3A_3 = arith.cmpi sgt, %add3A, %sign3A : i32
    %sign3A_4 = arith.extui %sign3A_3 : i1 to i32
    %sign3A_5 = arith.constant 0 : i32
    %sign3A_6 = arith.cmpi slt, %add3A, %sign3A_5 : i32
    %sign3A_7 = arith.extui %sign3A_6 : i1 to i32
    %sign3A_8 = arith.subi %sign3A_4, %sign3A_7 : i32
    %sign3A_9 = arith.constant 0 : i32
    %sign3A_10 = arith.cmpi sgt, %jit3A, %sign3A_9 : i32
    %sign3A_11 = arith.extui %sign3A_10 : i1 to i32
    %sign3A_12 = arith.constant 0 : i32
    %sign3A_13 = arith.cmpi slt, %jit3A, %sign3A_12 : i32
    %sign3A_14 = arith.extui %sign3A_13 : i1 to i32
    %sign3A_15 = arith.subi %sign3A_11, %sign3A_14 : i32
    %ne3A = arith.cmpi ne, %sign3A_8, %sign3A_15 : i32
    %rem3A = arith.remsi %add3A, %jit3A : i32
    %ne3A_16 = arith.constant 0 : i32
    %ne3A_17 = arith.cmpi ne, %rem3A, %ne3A_16 : i32
    %and3A = arith.andi %ne3A, %ne3A_17 : i1
    %sub3A = arith.constant 1 : i32
    %sub3A_18 = arith.subi %div3A, %sub3A : i32
    %select_n3A = arith.select %and3A, %sub3A_18, %div3A : i32
    %mul3A_19 = arith.constant 128 : i32
    %mul3A_20 = arith.muli %select_n3A, %mul3A_19 : i32
    %jit3A_21 = arith.constant 2 : i32
    %eq3A = arith.constant 0 : i32
    %eq3A_22 = arith.cmpi eq, %jit3A_21, %eq3A : i32
    %jit3A_23 = arith.constant 1 : i32
    %select_n3A_24 = arith.select %eq3A_22, %jit3A_23, %jit3A_21 : i32
    %rem3A_25 = arith.remsi %add3A, %select_n3A_24 : i32
    %ne3A_26 = arith.constant 0 : i32
    %ne3A_27 = arith.cmpi ne, %rem3A_25, %ne3A_26 : i32
    %lt3A = arith.constant 0 : i32
    %lt3A_28 = arith.cmpi slt, %rem3A_25, %lt3A : i32
    %lt3A_29 = arith.constant 0 : i32
    %lt3A_30 = arith.cmpi slt, %select_n3A_24, %lt3A_29 : i32
    %ne3A_31 = arith.xori %lt3A_28, %lt3A_30 : i1
    %and3A_32 = arith.andi %ne3A_31, %ne3A_27 : i1
    %add3A_33 = arith.addi %rem3A_25, %select_n3A_24 : i32
    %select_n3A_34 = arith.select %and3A_32, %add3A_33, %rem3A_25 : i32
    %mul3A_35 = arith.constant 64 : i32
    %mul3A_36 = arith.muli %select_n3A_34, %mul3A_35 : i32
    %dma_start3A = arith.constant 0 : i32
    %dma_start3A_37 = tpu.memref_slice %arg2[%dma_start3A, %mul3A_20] : memref<16x2048xi32, #tpu.memory_space<hbm>> -> memref<16x128xi32, #tpu.memory_space<hbm>>
    %dma_start3A_38 = arith.constant 0 : i32
    %dma_start3A_39 = tpu.memref_slice %arg2[%dma_start3A_38, %mul3A_20] : memref<16x2048xi32, #tpu.memory_space<hbm>> -> memref<16x128xi32, #tpu.memory_space<hbm>>
    tpu.enqueue_dma source(%dma_start3A_39 : memref<16x128xi32, #tpu.memory_space<hbm>>) target(%arg6 : memref<16x128xi32, #tpu.memory_space<vmem>>) target_semaphore(%arg15 : memref<!tpu.dma_semaphore, #tpu.memory_space<semaphore_mem>>)
    %dma_start3A_40 = arith.constant 0 : i32
    %dma_start3A_41 = tpu.memref_slice %arg3[%dma_start3A_40, %mul3A_20] : memref<16x2048xf32, #tpu.memory_space<hbm>> -> memref<16x128xf32, #tpu.memory_space<hbm>>
    %dma_start3A_42 = arith.constant 0 : i32
    %dma_start3A_43 = tpu.memref_slice %arg3[%dma_start3A_42, %mul3A_20] : memref<16x2048xf32, #tpu.memory_space<hbm>> -> memref<16x128xf32, #tpu.memory_space<hbm>>
    tpu.enqueue_dma source(%dma_start3A_43 : memref<16x128xf32, #tpu.memory_space<hbm>>) target(%arg7 : memref<16x128xf32, #tpu.memory_space<vmem>>) target_semaphore(%arg15 : memref<!tpu.dma_semaphore, #tpu.memory_space<semaphore_mem>>)
    %dma_start3A_44 = arith.constant 0 : i32
    %dma_start3A_45 = tpu.memref_slice %arg4[%mul3A_2, %dma_start3A_44] : memref<2048x128xf32, #tpu.memory_space<hbm>> -> memref<64x128xf32, #tpu.memory_space<hbm>>
    %dma_start3A_46 = arith.constant 0 : i32
    %dma_start3A_47 = tpu.memref_slice %arg4[%mul3A_2, %dma_start3A_46] : memref<2048x128xf32, #tpu.memory_space<hbm>> -> memref<64x128xf32, #tpu.memory_space<hbm>>
    tpu.enqueue_dma source(%dma_start3A_47 : memref<64x128xf32, #tpu.memory_space<hbm>>) target(%arg8 : memref<64x128xf32, #tpu.memory_space<vmem>>) target_semaphore(%arg15 : memref<!tpu.dma_semaphore, #tpu.memory_space<semaphore_mem>>)
    %broadcast_in_dim3A = arith.constant 0.000000e+00 : f32
    %broadcast_in_dim3A_48 = vector.broadcast %broadcast_in_dim3A : f32 to vector<16xf32>
    %broadcast_in_dim3A_49 = arith.constant 0 : i32
    %broadcast_in_dim3A_50 = vector.broadcast %broadcast_in_dim3A_49 : i32 to vector<16xi32>
    %iota3A = tpu.iota {dimensions = array<i32: 0>} : vector<16xi32>
    %scan3A = arith.constant 0 : i32
    %scan3A_51 = arith.constant 0 : i32
    %scan3A_52 = arith.constant 250 : i32
    %scan3A_53 = arith.addi %scan3A_51, %scan3A_52 : i32
    %scan3A_54 = arith.constant 1 : i32
    scf.for %scan3A_2559 = %scan3A_51 to %scan3A_53 step %scan3A_54  : i32 {
      %mul3A_2560 = arith.constant 8 : i32
      %mul3A_2561 = arith.muli %scan3A_2559, %mul3A_2560 : i32
      %add3A_2562 = arith.constant 0 : i32
      %add3A_2563 = arith.addi %mul3A_2561, %add3A_2562 : i32
      %mul3A_2564 = arith.constant 16 : i32
      %mul3A_2565 = arith.muli %add3A_2563, %mul3A_2564 : i32
      %swap3A = arith.index_cast %mul3A_2565 : i32 to index
      %swap3A_2566 = tpu.vector_load %arg9[%swap3A] {strides = array<i32>} : memref<32128xf32, #tpu.memory_space<vmem>>, vector<16xf32>,
      tpu.vector_store %arg9[%swap3A], %broadcast_in_dim3A_48 {strides = array<i32>} : memref<32128xf32, #tpu.memory_space<vmem>>, vector<16xf32>,
      %mul3A_2567 = arith.constant 8 : i32
      %mul3A_2568 = arith.muli %scan3A_2559, %mul3A_2567 : i32
      %add3A_2569 = arith.constant 1 : i32
      %add3A_2570 = arith.addi %mul3A_2568, %add3A_2569 : i32
      %mul3A_2571 = arith.constant 16 : i32
      %mul3A_2572 = arith.muli %add3A_2570, %mul3A_2571 : i32
      %swap3A_2573 = arith.index_cast %mul3A_2572 : i32 to index
      %swap3A_2574 = tpu.vector_load %arg9[%swap3A_2573] {strides = array<i32>} : memref<32128xf32, #tpu.memory_space<vmem>>, vector<16xf32>,
      tpu.vector_store %arg9[%swap3A_2573], %broadcast_in_dim3A_48 {strides = array<i32>} : memref<32128xf32, #tpu.memory_space<vmem>>, vector<16xf32>,
      %mul3A_2575 = arith.constant 8 : i32
      %mul3A_2576 = arith.muli %scan3A_2559, %mul3A_2575 : i32
      %add3A_2577 = arith.constant 2 : i32
      %add3A_2578 = arith.addi %mul3A_2576, %add3A_2577 : i32
      %mul3A_2579 = arith.constant 16 : i32
      %mul3A_2580 = arith.muli %add3A_2578, %mul3A_2579 : i32
      %swap3A_2581 = arith.index_cast %mul3A_2580 : i32 to index
      %swap3A_2582 = tpu.vector_load %arg9[%swap3A_2581] {strides = array<i32>} : memref<32128xf32, #tpu.memory_space<vmem>>, vector<16xf32>,
      tpu.vector_store %arg9[%swap3A_2581], %broadcast_in_dim3A_48 {strides = array<i32>} : memref<32128xf32, #tpu.memory_space<vmem>>, vector<16xf32>,
      %mul3A_2583 = arith.constant 8 : i32
      %mul3A_2584 = arith.muli %scan3A_2559, %mul3A_2583 : i32
      %add3A_2585 = arith.constant 3 : i32
      %add3A_2586 = arith.addi %mul3A_2584, %add3A_2585 : i32
      %mul3A_2587 = arith.constant 16 : i32
      %mul3A_2588 = arith.muli %add3A_2586, %mul3A_2587 : i32
      %swap3A_2589 = arith.index_cast %mul3A_2588 : i32 to index
      %swap3A_2590 = tpu.vector_load %arg9[%swap3A_2589] {strides = array<i32>} : memref<32128xf32, #tpu.memory_space<vmem>>, vector<16xf32>,
      tpu.vector_store %arg9[%swap3A_2589], %broadcast_in_dim3A_48 {strides = array<i32>} : memref<32128xf32, #tpu.memory_space<vmem>>, vector<16xf32>,
      %mul3A_2591 = arith.constant 8 : i32
      %mul3A_2592 = arith.muli %scan3A_2559, %mul3A_2591 : i32
      %add3A_2593 = arith.constant 4 : i32
      %add3A_2594 = arith.addi %mul3A_2592, %add3A_2593 : i32
      %mul3A_2595 = arith.constant 16 : i32
      %mul3A_2596 = arith.muli %add3A_2594, %mul3A_2595 : i32
      %swap3A_2597 = arith.index_cast %mul3A_2596 : i32 to index
      %swap3A_2598 = tpu.vector_load %arg9[%swap3A_2597] {strides = array<i32>} : memref<32128xf32, #tpu.memory_space<vmem>>, vector<16xf32>,
      tpu.vector_store %arg9[%swap3A_2597], %broadcast_in_dim3A_48 {strides = array<i32>} : memref<32128xf32, #tpu.memory_space<vmem>>, vector<16xf32>,
      %mul3A_2599 = arith.constant 8 : i32
      %mul3A_2600 = arith.muli %scan3A_2559, %mul3A_2599 : i32
      %add3A_2601 = arith.constant 5 : i32
      %add3A_2602 = arith.addi %mul3A_2600, %add3A_2601 : i32
      %mul3A_2603 = arith.constant 16 : i32
      %mul3A_2604 = arith.muli %add3A_2602, %mul3A_2603 : i32
      %swap3A_2605 = arith.index_cast %mul3A_2604 : i32 to index
      %swap3A_2606 = tpu.vector_load %arg9[%swap3A_2605] {strides = array<i32>} : memref<32128xf32, #tpu.memory_space<vmem>>, vector<16xf32>,
      tpu.vector_store %arg9[%swap3A_2605], %broadcast_in_dim3A_48 {strides = array<i32>} : memref<32128xf32, #tpu.memory_space<vmem>>, vector<16xf32>,
      %mul3A_2607 = arith.constant 8 : i32
      %mul3A_2608 = arith.muli %scan3A_2559, %mul3A_2607 : i32
      %add3A_2609 = arith.constant 6 : i32
      %add3A_2610 = arith.addi %mul3A_2608, %add3A_2609 : i32
      %mul3A_2611 = arith.constant 16 : i32
      %mul3A_2612 = arith.muli %add3A_2610, %mul3A_2611 : i32
      %swap3A_2613 = arith.index_cast %mul3A_2612 : i32 to index
      %swap3A_2614 = tpu.vector_load %arg9[%swap3A_2613] {strides = array<i32>} : memref<32128xf32, #tpu.memory_space<vmem>>, vector<16xf32>,
      tpu.vector_store %arg9[%swap3A_2613], %broadcast_in_dim3A_48 {strides = array<i32>} : memref<32128xf32, #tpu.memory_space<vmem>>, vector<16xf32>,
      %mul3A_2615 = arith.constant 8 : i32
      %mul3A_2616 = arith.muli %scan3A_2559, %mul3A_2615 : i32
      %add3A_2617 = arith.constant 7 : i32
      %add3A_2618 = arith.addi %mul3A_2616, %add3A_2617 : i32
      %mul3A_2619 = arith.constant 16 : i32
      %mul3A_2620 = arith.muli %add3A_2618, %mul3A_2619 : i32
      %swap3A_2621 = arith.index_cast %mul3A_2620 : i32 to index
      %swap3A_2622 = tpu.vector_load %arg9[%swap3A_2621] {strides = array<i32>} : memref<32128xf32, #tpu.memory_space<vmem>>, vector<16xf32>,
      tpu.vector_store %arg9[%swap3A_2621], %broadcast_in_dim3A_48 {strides = array<i32>} : memref<32128xf32, #tpu.memory_space<vmem>>, vector<16xf32>,
    }
    %scan3A_55 = arith.constant 250 : i32
    %dma_wait3A = arith.constant 0 : i32
    %dma_wait3A_56 = tpu.memref_slice %arg2[%dma_wait3A, %mul3A_20] : memref<16x2048xi32, #tpu.memory_space<hbm>> -> memref<16x128xi32, #tpu.memory_space<hbm>>
    %dma_wait3A_57 = arith.constant 0 : i32
    %dma_wait3A_58 = tpu.memref_slice %arg2[%dma_wait3A_57, %mul3A_20] : memref<16x2048xi32, #tpu.memory_space<hbm>> -> memref<16x128xi32, #tpu.memory_space<hbm>>
    tpu.wait_dma2 semaphore(%arg15 : memref<!tpu.dma_semaphore, #tpu.memory_space<semaphore_mem>>) src(%dma_wait3A_58 : memref<16x128xi32, #tpu.memory_space<hbm>>) dst(%arg6 : memref<16x128xi32, #tpu.memory_space<vmem>>)
    %dma_wait3A_59 = arith.constant 0 : i32
    %dma_wait3A_60 = tpu.memref_slice %arg3[%dma_wait3A_59, %mul3A_20] : memref<16x2048xf32, #tpu.memory_space<hbm>> -> memref<16x128xf32, #tpu.memory_space<hbm>>
    %dma_wait3A_61 = arith.constant 0 : i32
    %dma_wait3A_62 = tpu.memref_slice %arg3[%dma_wait3A_61, %mul3A_20] : memref<16x2048xf32, #tpu.memory_space<hbm>> -> memref<16x128xf32, #tpu.memory_space<hbm>>
    tpu.wait_dma2 semaphore(%arg15 : memref<!tpu.dma_semaphore, #tpu.memory_space<semaphore_mem>>) src(%dma_wait3A_62 : memref<16x128xf32, #tpu.memory_space<hbm>>) dst(%arg7 : memref<16x128xf32, #tpu.memory_space<vmem>>)
    %dma_wait3A_63 = arith.constant 0 : i32
    %dma_wait3A_64 = tpu.memref_slice %arg4[%mul3A_2, %dma_wait3A_63] : memref<2048x128xf32, #tpu.memory_space<hbm>> -> memref<64x128xf32, #tpu.memory_space<hbm>>
    %dma_wait3A_65 = arith.constant 0 : i32
    %dma_wait3A_66 = tpu.memref_slice %arg4[%mul3A_2, %dma_wait3A_65] : memref<2048x128xf32, #tpu.memory_space<hbm>> -> memref<64x128xf32, #tpu.memory_space<hbm>>
    tpu.wait_dma2 semaphore(%arg15 : memref<!tpu.dma_semaphore, #tpu.memory_space<semaphore_mem>>) src(%dma_wait3A_66 : memref<64x128xf32, #tpu.memory_space<hbm>>) dst(%arg8 : memref<64x128xf32, #tpu.memory_space<vmem>>)
    %broadcast_in_dim3A_67 = arith.constant 0 : i32
    %broadcast_in_dim3A_68 = vector.broadcast %broadcast_in_dim3A_67 : i32 to vector<16xi32>
    %add3A_69 = vector.broadcast %mul3A_36 : i32 to vector<16xi32>
    %add3A_70 = arith.addi %broadcast_in_dim3A_68, %add3A_69 : vector<16xi32>
    %gather3A = tpu.vector_load_idx %arg6[%iota3A, %add3A_70] : memref<16x128xi32, #tpu.memory_space<vmem>>[vector<16xi32>, vector<16xi32>], vector<16xi32>,
    %gather3A_71 = tpu.vector_load_idx %arg7[%iota3A, %add3A_70] : memref<16x128xf32, #tpu.memory_space<vmem>>[vector<16xi32>, vector<16xi32>], vector<16xf32>,
    %broadcast_in_dim3A_72 = arith.constant 0 : i32
    %broadcast_in_dim3A_73 = vector.broadcast %broadcast_in_dim3A_72 : i32 to vector<16xi32>
    %gather3A_74 = tpu.vector_load_idx %arg8[%broadcast_in_dim3A_73, %broadcast_in_dim3A_50] : memref<64x128xf32, #tpu.memory_space<vmem>>[vector<16xi32>, vector<16xi32>], vector<16xf32>,
    %mul3A_75 = arith.mulf %gather3A_71, %gather3A_74 : vector<16xf32>
    tpu.vector_store_idx %arg9[%gather3A], %mul3A_75 : memref<32128xf32, #tpu.memory_space<vmem>>[vector<16xi32>], vector<16xf32>,
    %add3A_76 = arith.constant 0 : i32
    %add3A_77 = arith.addi %mul3A_2, %add3A_76 : i32
    %dma_start3A_78 = arith.constant 0 : i32
    %dma_start3A_79 = arith.constant 0 : i32
    %dma_start3A_80 = tpu.memref_slice %arg9[%dma_start3A_79] : memref<32128xf32, #tpu.memory_space<vmem>> -> memref<32000xf32, #tpu.memory_space<vmem>>
    %dma_start3A_81 = arith.constant 0 : i32
    %dma_start3A_82 = tpu.memref_slice %arg5[%dma_start3A_78, %add3A_77, %dma_start3A_81] : memref<1x2048x32000xf32, #tpu.memory_space<hbm>> -> memref<1x1x32000xf32, #tpu.memory_space<hbm>>
    %dma_start3A_83 = tpu.memref_squeeze %dma_start3A_82 : memref<1x1x32000xf32, #tpu.memory_space<hbm>> -> memref<32000xf32, #tpu.memory_space<hbm>>
    %dma_start3A_84 = arith.constant 0 : i32
    %dma_start3A_85 = tpu.memref_slice %arg5[%dma_start3A_78, %add3A_77, %dma_start3A_84] : memref<1x2048x32000xf32, #tpu.memory_space<hbm>> -> memref<1x1x32000xf32, #tpu.memory_space<hbm>>
    %dma_start3A_86 = tpu.memref_squeeze %dma_start3A_85 : memref<1x1x32000xf32, #tpu.memory_space<hbm>> -> memref<32000xf32, #tpu.memory_space<hbm>>
    %dma_start3A_87 = arith.constant 0 : i32
    %dma_start3A_88 = tpu.memref_slice %arg9[%dma_start3A_87] : memref<32128xf32, #tpu.memory_space<vmem>> -> memref<32000xf32, #tpu.memory_space<vmem>>
    tpu.enqueue_dma source(%dma_start3A_88 : memref<32000xf32, #tpu.memory_space<vmem>>) target(%dma_start3A_86 : memref<32000xf32, #tpu.memory_space<hbm>>) target_semaphore(%arg12 : memref<!tpu.dma_semaphore, #tpu.memory_space<semaphore_mem>>)
    %scan3A_89 = arith.constant 0 : i32
    %scan3A_90 = arith.constant 0 : i32
    %scan3A_91 = arith.constant 250 : i32
    %scan3A_92 = arith.addi %scan3A_90, %scan3A_91 : i32
    %scan3A_93 = arith.constant 1 : i32
    scf.for %scan3A_2559 = %scan3A_90 to %scan3A_92 step %scan3A_93  : i32 {
      %mul3A_2560 = arith.constant 8 : i32
      %mul3A_2561 = arith.muli %scan3A_2559, %mul3A_2560 : i32
      %add3A_2562 = arith.constant 0 : i32
      %add3A_2563 = arith.addi %mul3A_2561, %add3A_2562 : i32
      %mul3A_2564 = arith.constant 16 : i32
      %mul3A_2565 = arith.muli %add3A_2563, %mul3A_2564 : i32
      %swap3A = arith.index_cast %mul3A_2565 : i32 to index
      %swap3A_2566 = tpu.vector_load %arg10[%swap3A] {strides = array<i32>} : memref<32128xf32, #tpu.memory_space<vmem>>, vector<16xf32>,
      tpu.vector_store %arg10[%swap3A], %broadcast_in_dim3A_48 {strides = array<i32>} : memref<32128xf32, #tpu.memory_space<vmem>>, vector<16xf32>,
      %mul3A_2567 = arith.constant 8 : i32
      %mul3A_2568 = arith.muli %scan3A_2559, %mul3A_2567 : i32
      %add3A_2569 = arith.constant 1 : i32
      %add3A_2570 = arith.addi %mul3A_2568, %add3A_2569 : i32
      %mul3A_2571 = arith.constant 16 : i32
      %mul3A_2572 = arith.muli %add3A_2570, %mul3A_2571 : i32
      %swap3A_2573 = arith.index_cast %mul3A_2572 : i32 to index
      %swap3A_2574 = tpu.vector_load %arg10[%swap3A_2573] {strides = array<i32>} : memref<32128xf32, #tpu.memory_space<vmem>>, vector<16xf32>,
      tpu.vector_store %arg10[%swap3A_2573], %broadcast_in_dim3A_48 {strides = array<i32>} : memref<32128xf32, #tpu.memory_space<vmem>>, vector<16xf32>,
      %mul3A_2575 = arith.constant 8 : i32
      %mul3A_2576 = arith.muli %scan3A_2559, %mul3A_2575 : i32
      %add3A_2577 = arith.constant 2 : i32
      %add3A_2578 = arith.addi %mul3A_2576, %add3A_2577 : i32
      %mul3A_2579 = arith.constant 16 : i32
      %mul3A_2580 = arith.muli %add3A_2578, %mul3A_2579 : i32
      %swap3A_2581 = arith.index_cast %mul3A_2580 : i32 to index
      %swap3A_2582 = tpu.vector_load %arg10[%swap3A_2581] {strides = array<i32>} : memref<32128xf32, #tpu.memory_space<vmem>>, vector<16xf32>,
      tpu.vector_store %arg10[%swap3A_2581], %broadcast_in_dim3A_48 {strides = array<i32>} : memref<32128xf32, #tpu.memory_space<vmem>>, vector<16xf32>,
      %mul3A_2583 = arith.constant 8 : i32
      %mul3A_2584 = arith.muli %scan3A_2559, %mul3A_2583 : i32
      %add3A_2585 = arith.constant 3 : i32
      %add3A_2586 = arith.addi %mul3A_2584, %add3A_2585 : i32
      %mul3A_2587 = arith.constant 16 : i32
      %mul3A_2588 = arith.muli %add3A_2586, %mul3A_2587 : i32
      %swap3A_2589 = arith.index_cast %mul3A_2588 : i32 to index
      %swap3A_2590 = tpu.vector_load %arg10[%swap3A_2589] {strides = array<i32>} : memref<32128xf32, #tpu.memory_space<vmem>>, vector<16xf32>,
      tpu.vector_store %arg10[%swap3A_2589], %broadcast_in_dim3A_48 {strides = array<i32>} : memref<32128xf32, #tpu.memory_space<vmem>>, vector<16xf32>,
      %mul3A_2591 = arith.constant 8 : i32
      %mul3A_2592 = arith.muli %scan3A_2559, %mul3A_2591 : i32
      %add3A_2593 = arith.constant 4 : i32
      %add3A_2594 = arith.addi %mul3A_2592, %add3A_2593 : i32
      %mul3A_2595 = arith.constant 16 : i32
      %mul3A_2596 = arith.muli %add3A_2594, %mul3A_2595 : i32
      %swap3A_2597 = arith.index_cast %mul3A_2596 : i32 to index
      %swap3A_2598 = tpu.vector_load %arg10[%swap3A_2597] {strides = array<i32>} : memref<32128xf32, #tpu.memory_space<vmem>>, vector<16xf32>,
      tpu.vector_store %arg10[%swap3A_2597], %broadcast_in_dim3A_48 {strides = array<i32>} : memref<32128xf32, #tpu.memory_space<vmem>>, vector<16xf32>,
      %mul3A_2599 = arith.constant 8 : i32
      %mul3A_2600 = arith.muli %scan3A_2559, %mul3A_2599 : i32
      %add3A_2601 = arith.constant 5 : i32
      %add3A_2602 = arith.addi %mul3A_2600, %add3A_2601 : i32
      %mul3A_2603 = arith.constant 16 : i32
      %mul3A_2604 = arith.muli %add3A_2602, %mul3A_2603 : i32
      %swap3A_2605 = arith.index_cast %mul3A_2604 : i32 to index
      %swap3A_2606 = tpu.vector_load %arg10[%swap3A_2605] {strides = array<i32>} : memref<32128xf32, #tpu.memory_space<vmem>>, vector<16xf32>,
      tpu.vector_store %arg10[%swap3A_2605], %broadcast_in_dim3A_48 {strides = array<i32>} : memref<32128xf32, #tpu.memory_space<vmem>>, vector<16xf32>,
      %mul3A_2607 = arith.constant 8 : i32
      %mul3A_2608 = arith.muli %scan3A_2559, %mul3A_2607 : i32
      %add3A_2609 = arith.constant 6 : i32
      %add3A_2610 = arith.addi %mul3A_2608, %add3A_2609 : i32
      %mul3A_2611 = arith.constant 16 : i32
      %mul3A_2612 = arith.muli %add3A_2610, %mul3A_2611 : i32
      %swap3A_2613 = arith.index_cast %mul3A_2612 : i32 to index
      %swap3A_2614 = tpu.vector_load %arg10[%swap3A_2613] {strides = array<i32>} : memref<32128xf32, #tpu.memory_space<vmem>>, vector<16xf32>,
      tpu.vector_store %arg10[%swap3A_2613], %broadcast_in_dim3A_48 {strides = array<i32>} : memref<32128xf32, #tpu.memory_space<vmem>>, vector<16xf32>,
      %mul3A_2615 = arith.constant 8 : i32
      %mul3A_2616 = arith.muli %scan3A_2559, %mul3A_2615 : i32
      %add3A_2617 = arith.constant 7 : i32
      %add3A_2618 = arith.addi %mul3A_2616, %add3A_2617 : i32
      %mul3A_2619 = arith.constant 16 : i32
      %mul3A_2620 = arith.muli %add3A_2618, %mul3A_2619 : i32
      %swap3A_2621 = arith.index_cast %mul3A_2620 : i32 to index
      %swap3A_2622 = tpu.vector_load %arg10[%swap3A_2621] {strides = array<i32>} : memref<32128xf32, #tpu.memory_space<vmem>>, vector<16xf32>,
      tpu.vector_store %arg10[%swap3A_2621], %broadcast_in_dim3A_48 {strides = array<i32>} : memref<32128xf32, #tpu.memory_space<vmem>>, vector<16xf32>,
    }
    %scan3A_94 = arith.constant 250 : i32
    %broadcast_in_dim3A_95 = arith.constant 1 : i32
    %broadcast_in_dim3A_96 = vector.broadcast %broadcast_in_dim3A_95 : i32 to vector<16xi32>
    %add3A_97 = vector.broadcast %mul3A_36 : i32 to vector<16xi32>
    %add3A_98 = arith.addi %broadcast_in_dim3A_96, %add3A_97 : vector<16xi32>
    %gather3A_99 = tpu.vector_load_idx %arg6[%iota3A, %add3A_98] : memref<16x128xi32, #tpu.memory_space<vmem>>[vector<16xi32>, vector<16xi32>], vector<16xi32>,
    %gather3A_100 = tpu.vector_load_idx %arg7[%iota3A, %add3A_98] : memref<16x128xf32, #tpu.memory_space<vmem>>[vector<16xi32>, vector<16xi32>], vector<16xf32>,
    %broadcast_in_dim3A_101 = arith.constant 1 : i32
    %broadcast_in_dim3A_102 = vector.broadcast %broadcast_in_dim3A_101 : i32 to vector<16xi32>
    %gather3A_103 = tpu.vector_load_idx %arg8[%broadcast_in_dim3A_102, %broadcast_in_dim3A_50] : memref<64x128xf32, #tpu.memory_space<vmem>>[vector<16xi32>, vector<16xi32>], vector<16xf32>,
    %mul3A_104 = arith.mulf %gather3A_100, %gather3A_103 : vector<16xf32>
    tpu.vector_store_idx %arg10[%gather3A_99], %mul3A_104 : memref<32128xf32, #tpu.memory_space<vmem>>[vector<16xi32>], vector<16xf32>,
    %add3A_105 = arith.constant 1 : i32
    %add3A_106 = arith.addi %mul3A_2, %add3A_105 : i32
    %dma_start3A_107 = arith.constant 0 : i32
    %dma_start3A_108 = arith.constant 0 : i32
    %dma_start3A_109 = tpu.memref_slice %arg10[%dma_start3A_108] : memref<32128xf32, #tpu.memory_space<vmem>> -> memref<32000xf32, #tpu.memory_space<vmem>>
    %dma_start3A_110 = arith.constant 0 : i32
    %dma_start3A_111 = tpu.memref_slice %arg5[%dma_start3A_107, %add3A_106, %dma_start3A_110] : memref<1x2048x32000xf32, #tpu.memory_space<hbm>> -> memref<1x1x32000xf32, #tpu.memory_space<hbm>>
    %dma_start3A_112 = tpu.memref_squeeze %dma_start3A_111 : memref<1x1x32000xf32, #tpu.memory_space<hbm>> -> memref<32000xf32, #tpu.memory_space<hbm>>
    %dma_start3A_113 = arith.constant 0 : i32
    %dma_start3A_114 = tpu.memref_slice %arg5[%dma_start3A_107, %add3A_106, %dma_start3A_113] : memref<1x2048x32000xf32, #tpu.memory_space<hbm>> -> memref<1x1x32000xf32, #tpu.memory_space<hbm>>
    %dma_start3A_115 = tpu.memref_squeeze %dma_start3A_114 : memref<1x1x32000xf32, #tpu.memory_space<hbm>> -> memref<32000xf32, #tpu.memory_space<hbm>>
    %dma_start3A_116 = arith.constant 0 : i32
    %dma_start3A_117 = tpu.memref_slice %arg10[%dma_start3A_116] : memref<32128xf32, #tpu.memory_space<vmem>> -> memref<32000xf32, #tpu.memory_space<vmem>>
    tpu.enqueue_dma source(%dma_start3A_117 : memref<32000xf32, #tpu.memory_space<vmem>>) target(%dma_start3A_115 : memref<32000xf32, #tpu.memory_space<hbm>>) target_semaphore(%arg13 : memref<!tpu.dma_semaphore, #tpu.memory_space<semaphore_mem>>)
    %scan3A_118 = arith.constant 0 : i32
    %scan3A_119 = arith.constant 0 : i32
    %scan3A_120 = arith.constant 250 : i32
    %scan3A_121 = arith.addi %scan3A_119, %scan3A_120 : i32
    %scan3A_122 = arith.constant 1 : i32
    scf.for %scan3A_2559 = %scan3A_119 to %scan3A_121 step %scan3A_122  : i32 {
      %mul3A_2560 = arith.constant 8 : i32
      %mul3A_2561 = arith.muli %scan3A_2559, %mul3A_2560 : i32
      %add3A_2562 = arith.constant 0 : i32
      %add3A_2563 = arith.addi %mul3A_2561, %add3A_2562 : i32
      %mul3A_2564 = arith.constant 16 : i32
      %mul3A_2565 = arith.muli %add3A_2563, %mul3A_2564 : i32
      %swap3A = arith.index_cast %mul3A_2565 : i32 to index
      %swap3A_2566 = tpu.vector_load %arg11[%swap3A] {strides = array<i32>} : memref<32128xf32, #tpu.memory_space<vmem>>, vector<16xf32>,
      tpu.vector_store %arg11[%swap3A], %broadcast_in_dim3A_48 {strides = array<i32>} : memref<32128xf32, #tpu.memory_space<vmem>>, vector<16xf32>,
      %mul3A_2567 = arith.constant 8 : i32
      %mul3A_2568 = arith.muli %scan3A_2559, %mul3A_2567 : i32
      %add3A_2569 = arith.constant 1 : i32
      %add3A_2570 = arith.addi %mul3A_2568, %add3A_2569 : i32
      %mul3A_2571 = arith.constant 16 : i32
      %mul3A_2572 = arith.muli %add3A_2570, %mul3A_2571 : i32
      %swap3A_2573 = arith.index_cast %mul3A_2572 : i32 to index
      %swap3A_2574 = tpu.vector_load %arg11[%swap3A_2573] {strides = array<i32>} : memref<32128xf32, #tpu.memory_space<vmem>>, vector<16xf32>,
      tpu.vector_store %arg11[%swap3A_2573], %broadcast_in_dim3A_48 {strides = array<i32>} : memref<32128xf32, #tpu.memory_space<vmem>>, vector<16xf32>,
      %mul3A_2575 = arith.constant 8 : i32
      %mul3A_2576 = arith.muli %scan3A_2559, %mul3A_2575 : i32
      %add3A_2577 = arith.constant 2 : i32
      %add3A_2578 = arith.addi %mul3A_2576, %add3A_2577 : i32
      %mul3A_2579 = arith.constant 16 : i32
      %mul3A_2580 = arith.muli %add3A_2578, %mul3A_2579 : i32
      %swap3A_2581 = arith.index_cast %mul3A_2580 : i32 to index
      %swap3A_2582 = tpu.vector_load %arg11[%swap3A_2581] {strides = array<i32>} : memref<32128xf32, #tpu.memory_space<vmem>>, vector<16xf32>,
      tpu.vector_store %arg11[%swap3A_2581], %broadcast_in_dim3A_48 {strides = array<i32>} : memref<32128xf32, #tpu.memory_space<vmem>>, vector<16xf32>,
      %mul3A_2583 = arith.constant 8 : i32
      %mul3A_2584 = arith.muli %scan3A_2559, %mul3A_2583 : i32
      %add3A_2585 = arith.constant 3 : i32
      %add3A_2586 = arith.addi %mul3A_2584, %add3A_2585 : i32
      %mul3A_2587 = arith.constant 16 : i32
      %mul3A_2588 = arith.muli %add3A_2586, %mul3A_2587 : i32
      %swap3A_2589 = arith.index_cast %mul3A_2588 : i32 to index
      %swap3A_2590 = tpu.vector_load %arg11[%swap3A_2589] {strides = array<i32>} : memref<32128xf32, #tpu.memory_space<vmem>>, vector<16xf32>,
      tpu.vector_store %arg11[%swap3A_2589], %broadcast_in_dim3A_48 {strides = array<i32>} : memref<32128xf32, #tpu.memory_space<vmem>>, vector<16xf32>,
      %mul3A_2591 = arith.constant 8 : i32
      %mul3A_2592 = arith.muli %scan3A_2559, %mul3A_2591 : i32
      %add3A_2593 = arith.constant 4 : i32
      %add3A_2594 = arith.addi %mul3A_2592, %add3A_2593 : i32
      %mul3A_2595 = arith.constant 16 : i32
      %mul3A_2596 = arith.muli %add3A_2594, %mul3A_2595 : i32
      %swap3A_2597 = arith.index_cast %mul3A_2596 : i32 to index
      %swap3A_2598 = tpu.vector_load %arg11[%swap3A_2597] {strides = array<i32>} : memref<32128xf32, #tpu.memory_space<vmem>>, vector<16xf32>,
      tpu.vector_store %arg11[%swap3A_2597], %broadcast_in_dim3A_48 {strides = array<i32>} : memref<32128xf32, #tpu.memory_space<vmem>>, vector<16xf32>,
      %mul3A_2599 = arith.constant 8 : i32
      %mul3A_2600 = arith.muli %scan3A_2559, %mul3A_2599 : i32
      %add3A_2601 = arith.constant 5 : i32
      %add3A_2602 = arith.addi %mul3A_2600, %add3A_2601 : i32
      %mul3A_2603 = arith.constant 16 : i32
      %mul3A_2604 = arith.muli %add3A_2602, %mul3A_2603 : i32
      %swap3A_2605 = arith.index_cast %mul3A_2604 : i32 to index
      %swap3A_2606 = tpu.vector_load %arg11[%swap3A_2605] {strides = array<i32>} : memref<32128xf32, #tpu.memory_space<vmem>>, vector<16xf32>,
      tpu.vector_store %arg11[%swap3A_2605], %broadcast_in_dim3A_48 {strides = array<i32>} : memref<32128xf32, #tpu.memory_space<vmem>>, vector<16xf32>,
      %mul3A_2607 = arith.constant 8 : i32
      %mul3A_2608 = arith.muli %scan3A_2559, %mul3A_2607 : i32
      %add3A_2609 = arith.constant 6 : i32
      %add3A_2610 = arith.addi %mul3A_2608, %add3A_2609 : i32
      %mul3A_2611 = arith.constant 16 : i32
      %mul3A_2612 = arith.muli %add3A_2610, %mul3A_2611 : i32
      %swap3A_2613 = arith.index_cast %mul3A_2612 : i32 to index
      %swap3A_2614 = tpu.vector_load %arg11[%swap3A_2613] {strides = array<i32>} : memref<32128xf32, #tpu.memory_space<vmem>>, vector<16xf32>,
      tpu.vector_store %arg11[%swap3A_2613], %broadcast_in_dim3A_48 {strides = array<i32>} : memref<32128xf32, #tpu.memory_space<vmem>>, vector<16xf32>,
      %mul3A_2615 = arith.constant 8 : i32
      %mul3A_2616 = arith.muli %scan3A_2559, %mul3A_2615 : i32
      %add3A_2617 = arith.constant 7 : i32
      %add3A_2618 = arith.addi %mul3A_2616, %add3A_2617 : i32
      %mul3A_2619 = arith.constant 16 : i32
      %mul3A_2620 = arith.muli %add3A_2618, %mul3A_2619 : i32
      %swap3A_2621 = arith.index_cast %mul3A_2620 : i32 to index
      %swap3A_2622 = tpu.vector_load %arg11[%swap3A_2621] {strides = array<i32>} : memref<32128xf32, #tpu.memory_space<vmem>>, vector<16xf32>,
      tpu.vector_store %arg11[%swap3A_2621], %broadcast_in_dim3A_48 {strides = array<i32>} : memref<32128xf32, #tpu.memory_space<vmem>>, vector<16xf32>,
    }
    %scan3A_123 = arith.constant 250 : i32
    %broadcast_in_dim3A_124 = arith.constant 2 : i32
    %broadcast_in_dim3A_125 = vector.broadcast %broadcast_in_dim3A_124 : i32 to vector<16xi32>
    %add3A_126 = vector.broadcast %mul3A_36 : i32 to vector<16xi32>
    %add3A_127 = arith.addi %broadcast_in_dim3A_125, %add3A_126 : vector<16xi32>
    %gather3A_128 = tpu.vector_load_idx %arg6[%iota3A, %add3A_127] : memref<16x128xi32, #tpu.memory_space<vmem>>[vector<16xi32>, vector<16xi32>], vector<16xi32>,
    %gather3A_129 = tpu.vector_load_idx %arg7[%iota3A, %add3A_127] : memref<16x128xf32, #tpu.memory_space<vmem>>[vector<16xi32>, vector<16xi32>], vector<16xf32>,
    %broadcast_in_dim3A_130 = arith.constant 2 : i32
    %broadcast_in_dim3A_131 = vector.broadcast %broadcast_in_dim3A_130 : i32 to vector<16xi32>
    %gather3A_132 = tpu.vector_load_idx %arg8[%broadcast_in_dim3A_131, %broadcast_in_dim3A_50] : memref<64x128xf32, #tpu.memory_space<vmem>>[vector<16xi32>, vector<16xi32>], vector<16xf32>,
    %mul3A_133 = arith.mulf %gather3A_129, %gather3A_132 : vector<16xf32>
    tpu.vector_store_idx %arg11[%gather3A_128], %mul3A_133 : memref<32128xf32, #tpu.memory_space<vmem>>[vector<16xi32>], vector<16xf32>,
    %add3A_134 = arith.constant 2 : i32
    %add3A_135 = arith.addi %mul3A_2, %add3A_134 : i32
    %dma_start3A_136 = arith.constant 0 : i32
    %dma_start3A_137 = arith.constant 0 : i32
    %dma_start3A_138 = tpu.memref_slice %arg11[%dma_start3A_137] : memref<32128xf32, #tpu.memory_space<vmem>> -> memref<32000xf32, #tpu.memory_space<vmem>>
    %dma_start3A_139 = arith.constant 0 : i32
    %dma_start3A_140 = tpu.memref_slice %arg5[%dma_start3A_136, %add3A_135, %dma_start3A_139] : memref<1x2048x32000xf32, #tpu.memory_space<hbm>> -> memref<1x1x32000xf32, #tpu.memory_space<hbm>>
    %dma_start3A_141 = tpu.memref_squeeze %dma_start3A_140 : memref<1x1x32000xf32, #tpu.memory_space<hbm>> -> memref<32000xf32, #tpu.memory_space<hbm>>
    %dma_start3A_142 = arith.constant 0 : i32
    %dma_start3A_143 = tpu.memref_slice %arg5[%dma_start3A_136, %add3A_135, %dma_start3A_142] : memref<1x2048x32000xf32, #tpu.memory_space<hbm>> -> memref<1x1x32000xf32, #tpu.memory_space<hbm>>
    %dma_start3A_144 = tpu.memref_squeeze %dma_start3A_143 : memref<1x1x32000xf32, #tpu.memory_space<hbm>> -> memref<32000xf32, #tpu.memory_space<hbm>>
    %dma_start3A_145 = arith.constant 0 : i32
    %dma_start3A_146 = tpu.memref_slice %arg11[%dma_start3A_145] : memref<32128xf32, #tpu.memory_space<vmem>> -> memref<32000xf32, #tpu.memory_space<vmem>>
    tpu.enqueue_dma source(%dma_start3A_146 : memref<32000xf32, #tpu.memory_space<vmem>>) target(%dma_start3A_144 : memref<32000xf32, #tpu.memory_space<hbm>>) target_semaphore(%arg14 : memref<!tpu.dma_semaphore, #tpu.memory_space<semaphore_mem>>)
    %dma_wait3A_147 = arith.constant 0 : i32
    %dma_wait3A_148 = arith.constant 0 : i32
    %dma_wait3A_149 = tpu.memref_slice %arg9[%dma_wait3A_148] : memref<32128xf32, #tpu.memory_space<vmem>> -> memref<32000xf32, #tpu.memory_space<vmem>>
    %dma_wait3A_150 = arith.constant 0 : i32
    %dma_wait3A_151 = tpu.memref_slice %arg5[%dma_wait3A_147, %add3A_77, %dma_wait3A_150] : memref<1x2048x32000xf32, #tpu.memory_space<hbm>> -> memref<1x1x32000xf32, #tpu.memory_space<hbm>>
    %dma_wait3A_152 = tpu.memref_squeeze %dma_wait3A_151 : memref<1x1x32000xf32, #tpu.memory_space<hbm>> -> memref<32000xf32, #tpu.memory_space<hbm>>
    %dma_wait3A_153 = arith.constant 0 : i32
    %dma_wait3A_154 = tpu.memref_slice %arg5[%dma_wait3A_147, %add3A_77, %dma_wait3A_153] : memref<1x2048x32000xf32, #tpu.memory_space<hbm>> -> memref<1x1x32000xf32, #tpu.memory_space<hbm>>
    %dma_wait3A_155 = tpu.memref_squeeze %dma_wait3A_154 : memref<1x1x32000xf32, #tpu.memory_space<hbm>> -> memref<32000xf32, #tpu.memory_space<hbm>>
    %dma_wait3A_156 = arith.constant 0 : i32
    %dma_wait3A_157 = tpu.memref_slice %arg9[%dma_wait3A_156] : memref<32128xf32, #tpu.memory_space<vmem>> -> memref<32000xf32, #tpu.memory_space<vmem>>
    tpu.wait_dma2 semaphore(%arg12 : memref<!tpu.dma_semaphore, #tpu.memory_space<semaphore_mem>>) src(%dma_wait3A_157 : memref<32000xf32, #tpu.memory_space<vmem>>) dst(%dma_wait3A_155 : memref<32000xf32, #tpu.memory_space<hbm>>)
    %broadcast_in_dim3A_158 = arith.constant 0 : i32
    %broadcast_in_dim3A_159 = vector.broadcast %broadcast_in_dim3A_158 : i32 to vector<16xi32>
    %add3A_160 = vector.broadcast %mul3A_36 : i32 to vector<16xi32>
    %add3A_161 = arith.addi %broadcast_in_dim3A_159, %add3A_160 : vector<16xi32>
    %gather3A_162 = tpu.vector_load_idx %arg6[%iota3A, %add3A_161] : memref<16x128xi32, #tpu.memory_space<vmem>>[vector<16xi32>, vector<16xi32>], vector<16xi32>,
    tpu.vector_store_idx %arg9[%gather3A_162], %broadcast_in_dim3A_48 : memref<32128xf32, #tpu.memory_space<vmem>>[vector<16xi32>], vector<16xf32>,
    %broadcast_in_dim3A_163 = arith.constant 3 : i32
    %broadcast_in_dim3A_164 = vector.broadcast %broadcast_in_dim3A_163 : i32 to vector<16xi32>
    %add3A_165 = vector.broadcast %mul3A_36 : i32 to vector<16xi32>
    %add3A_166 = arith.addi %broadcast_in_dim3A_164, %add3A_165 : vector<16xi32>
    %gather3A_167 = tpu.vector_load_idx %arg6[%iota3A, %add3A_166] : memref<16x128xi32, #tpu.memory_space<vmem>>[vector<16xi32>, vector<16xi32>], vector<16xi32>,
    %gather3A_168 = tpu.vector_load_idx %arg7[%iota3A, %add3A_166] : memref<16x128xf32, #tpu.memory_space<vmem>>[vector<16xi32>, vector<16xi32>], vector<16xf32>,
    %broadcast_in_dim3A_169 = arith.constant 3 : i32
    %broadcast_in_dim3A_170 = vector.broadcast %broadcast_in_dim3A_169 : i32 to vector<16xi32>
    %gather3A_171 = tpu.vector_load_idx %arg8[%broadcast_in_dim3A_170, %broadcast_in_dim3A_50] : memref<64x128xf32, #tpu.memory_space<vmem>>[vector<16xi32>, vector<16xi32>], vector<16xf32>,
    %mul3A_172 = arith.mulf %gather3A_168, %gather3A_171 : vector<16xf32>
    tpu.vector_store_idx %arg9[%gather3A_167], %mul3A_172 : memref<32128xf32, #tpu.memory_space<vmem>>[vector<16xi32>], vector<16xf32>,
    %add3A_173 = arith.constant 3 : i32
    %add3A_174 = arith.addi %mul3A_2, %add3A_173 : i32
    %dma_start3A_175 = arith.constant 0 : i32
    %dma_start3A_176 = arith.constant 0 : i32
    %dma_start3A_177 = tpu.memref_slice %arg9[%dma_start3A_176] : memref<32128xf32, #tpu.memory_space<vmem>> -> memref<32000xf32, #tpu.memory_space<vmem>>
    %dma_start3A_178 = arith.constant 0 : i32
    %dma_start3A_179 = tpu.memref_slice %arg5[%dma_start3A_175, %add3A_174, %dma_start3A_178] : memref<1x2048x32000xf32, #tpu.memory_space<hbm>> -> memref<1x1x32000xf32, #tpu.memory_space<hbm>>
    %dma_start3A_180 = tpu.memref_squeeze %dma_start3A_179 : memref<1x1x32000xf32, #tpu.memory_space<hbm>> -> memref<32000xf32, #tpu.memory_space<hbm>>
    %dma_start3A_181 = arith.constant 0 : i32
    %dma_start3A_182 = tpu.memref_slice %arg5[%dma_start3A_175, %add3A_174, %dma_start3A_181] : memref<1x2048x32000xf32, #tpu.memory_space<hbm>> -> memref<1x1x32000xf32, #tpu.memory_space<hbm>>
    %dma_start3A_183 = tpu.memref_squeeze %dma_start3A_182 : memref<1x1x32000xf32, #tpu.memory_space<hbm>> -> memref<32000xf32, #tpu.memory_space<hbm>>
    %dma_start3A_184 = arith.constant 0 : i32
    %dma_start3A_185 = tpu.memref_slice %arg9[%dma_start3A_184] : memref<32128xf32, #tpu.memory_space<vmem>> -> memref<32000xf32, #tpu.memory_space<vmem>>
    tpu.enqueue_dma source(%dma_start3A_185 : memref<32000xf32, #tpu.memory_space<vmem>>) target(%dma_start3A_183 : memref<32000xf32, #tpu.memory_space<hbm>>) target_semaphore(%arg12 : memref<!tpu.dma_semaphore, #tpu.memory_space<semaphore_mem>>)
    %dma_wait3A_186 = arith.constant 0 : i32
    %dma_wait3A_187 = arith.constant 0 : i32
    %dma_wait3A_188 = tpu.memref_slice %arg10[%dma_wait3A_187] : memref<32128xf32, #tpu.memory_space<vmem>> -> memref<32000xf32, #tpu.memory_space<vmem>>
    %dma_wait3A_189 = arith.constant 0 : i32
    %dma_wait3A_190 = tpu.memref_slice %arg5[%dma_wait3A_186, %add3A_106, %dma_wait3A_189] : memref<1x2048x32000xf32, #tpu.memory_space<hbm>> -> memref<1x1x32000xf32, #tpu.memory_space<hbm>>
    %dma_wait3A_191 = tpu.memref_squeeze %dma_wait3A_190 : memref<1x1x32000xf32, #tpu.memory_space<hbm>> -> memref<32000xf32, #tpu.memory_space<hbm>>
    %dma_wait3A_192 = arith.constant 0 : i32
    %dma_wait3A_193 = tpu.memref_slice %arg5[%dma_wait3A_186, %add3A_106, %dma_wait3A_192] : memref<1x2048x32000xf32, #tpu.memory_space<hbm>> -> memref<1x1x32000xf32, #tpu.memory_space<hbm>>
    %dma_wait3A_194 = tpu.memref_squeeze %dma_wait3A_193 : memref<1x1x32000xf32, #tpu.memory_space<hbm>> -> memref<32000xf32, #tpu.memory_space<hbm>>
    %dma_wait3A_195 = arith.constant 0 : i32
    %dma_wait3A_196 = tpu.memref_slice %arg10[%dma_wait3A_195] : memref<32128xf32, #tpu.memory_space<vmem>> -> memref<32000xf32, #tpu.memory_space<vmem>>
    tpu.wait_dma2 semaphore(%arg13 : memref<!tpu.dma_semaphore, #tpu.memory_space<semaphore_mem>>) src(%dma_wait3A_196 : memref<32000xf32, #tpu.memory_space<vmem>>) dst(%dma_wait3A_194 : memref<32000xf32, #tpu.memory_space<hbm>>)
    %broadcast_in_dim3A_197 = arith.constant 1 : i32
    %broadcast_in_dim3A_198 = vector.broadcast %broadcast_in_dim3A_197 : i32 to vector<16xi32>
    %add3A_199 = vector.broadcast %mul3A_36 : i32 to vector<16xi32>
    %add3A_200 = arith.addi %broadcast_in_dim3A_198, %add3A_199 : vector<16xi32>
    %gather3A_201 = tpu.vector_load_idx %arg6[%iota3A, %add3A_200] : memref<16x128xi32, #tpu.memory_space<vmem>>[vector<16xi32>, vector<16xi32>], vector<16xi32>,
    tpu.vector_store_idx %arg10[%gather3A_201], %broadcast_in_dim3A_48 : memref<32128xf32, #tpu.memory_space<vmem>>[vector<16xi32>], vector<16xf32>,
    %broadcast_in_dim3A_202 = arith.constant 4 : i32
    %broadcast_in_dim3A_203 = vector.broadcast %broadcast_in_dim3A_202 : i32 to vector<16xi32>
    %add3A_204 = vector.broadcast %mul3A_36 : i32 to vector<16xi32>
    %add3A_205 = arith.addi %broadcast_in_dim3A_203, %add3A_204 : vector<16xi32>
    %gather3A_206 = tpu.vector_load_idx %arg6[%iota3A, %add3A_205] : memref<16x128xi32, #tpu.memory_space<vmem>>[vector<16xi32>, vector<16xi32>], vector<16xi32>,
    %gather3A_207 = tpu.vector_load_idx %arg7[%iota3A, %add3A_205] : memref<16x128xf32, #tpu.memory_space<vmem>>[vector<16xi32>, vector<16xi32>], vector<16xf32>,
    %broadcast_in_dim3A_208 = arith.constant 4 : i32
    %broadcast_in_dim3A_209 = vector.broadcast %broadcast_in_dim3A_208 : i32 to vector<16xi32>
    %gather3A_210 = tpu.vector_load_idx %arg8[%broadcast_in_dim3A_209, %broadcast_in_dim3A_50] : memref<64x128xf32, #tpu.memory_space<vmem>>[vector<16xi32>, vector<16xi32>], vector<16xf32>,
    %mul3A_211 = arith.mulf %gather3A_207, %gather3A_210 : vector<16xf32>
    tpu.vector_store_idx %arg10[%gather3A_206], %mul3A_211 : memref<32128xf32, #tpu.memory_space<vmem>>[vector<16xi32>], vector<16xf32>,
    %add3A_212 = arith.constant 4 : i32
    %add3A_213 = arith.addi %mul3A_2, %add3A_212 : i32
    %dma_start3A_214 = arith.constant 0 : i32
    %dma_start3A_215 = arith.constant 0 : i32
    %dma_start3A_216 = tpu.memref_slice %arg10[%dma_start3A_215] : memref<32128xf32, #tpu.memory_space<vmem>> -> memref<32000xf32, #tpu.memory_space<vmem>>
    %dma_start3A_217 = arith.constant 0 : i32
    %dma_start3A_218 = tpu.memref_slice %arg5[%dma_start3A_214, %add3A_213, %dma_start3A_217] : memref<1x2048x32000xf32, #tpu.memory_space<hbm>> -> memref<1x1x32000xf32, #tpu.memory_space<hbm>>
    %dma_start3A_219 = tpu.memref_squeeze %dma_start3A_218 : memref<1x1x32000xf32, #tpu.memory_space<hbm>> -> memref<32000xf32, #tpu.memory_space<hbm>>
    %dma_start3A_220 = arith.constant 0 : i32
    %dma_start3A_221 = tpu.memref_slice %arg5[%dma_start3A_214, %add3A_213, %dma_start3A_220] : memref<1x2048x32000xf32, #tpu.memory_space<hbm>> -> memref<1x1x32000xf32, #tpu.memory_space<hbm>>
    %dma_start3A_222 = tpu.memref_squeeze %dma_start3A_221 : memref<1x1x32000xf32, #tpu.memory_space<hbm>> -> memref<32000xf32, #tpu.memory_space<hbm>>
    %dma_start3A_223 = arith.constant 0 : i32
    %dma_start3A_224 = tpu.memref_slice %arg10[%dma_start3A_223] : memref<32128xf32, #tpu.memory_space<vmem>> -> memref<32000xf32, #tpu.memory_space<vmem>>
    tpu.enqueue_dma source(%dma_start3A_224 : memref<32000xf32, #tpu.memory_space<vmem>>) target(%dma_start3A_222 : memref<32000xf32, #tpu.memory_space<hbm>>) target_semaphore(%arg13 : memref<!tpu.dma_semaphore, #tpu.memory_space<semaphore_mem>>)
    %dma_wait3A_225 = arith.constant 0 : i32
    %dma_wait3A_226 = arith.constant 0 : i32
    %dma_wait3A_227 = tpu.memref_slice %arg11[%dma_wait3A_226] : memref<32128xf32, #tpu.memory_space<vmem>> -> memref<32000xf32, #tpu.memory_space<vmem>>
    %dma_wait3A_228 = arith.constant 0 : i32
    %dma_wait3A_229 = tpu.memref_slice %arg5[%dma_wait3A_225, %add3A_135, %dma_wait3A_228] : memref<1x2048x32000xf32, #tpu.memory_space<hbm>> -> memref<1x1x32000xf32, #tpu.memory_space<hbm>>
    %dma_wait3A_230 = tpu.memref_squeeze %dma_wait3A_229 : memref<1x1x32000xf32, #tpu.memory_space<hbm>> -> memref<32000xf32, #tpu.memory_space<hbm>>
    %dma_wait3A_231 = arith.constant 0 : i32
    %dma_wait3A_232 = tpu.memref_slice %arg5[%dma_wait3A_225, %add3A_135, %dma_wait3A_231] : memref<1x2048x32000xf32, #tpu.memory_space<hbm>> -> memref<1x1x32000xf32, #tpu.memory_space<hbm>>
    %dma_wait3A_233 = tpu.memref_squeeze %dma_wait3A_232 : memref<1x1x32000xf32, #tpu.memory_space<hbm>> -> memref<32000xf32, #tpu.memory_space<hbm>>
    %dma_wait3A_234 = arith.constant 0 : i32
    %dma_wait3A_235 = tpu.memref_slice %arg11[%dma_wait3A_234] : memref<32128xf32, #tpu.memory_space<vmem>> -> memref<32000xf32, #tpu.memory_space<vmem>>
    tpu.wait_dma2 semaphore(%arg14 : memref<!tpu.dma_semaphore, #tpu.memory_space<semaphore_mem>>) src(%dma_wait3A_235 : memref<32000xf32, #tpu.memory_space<vmem>>) dst(%dma_wait3A_233 : memref<32000xf32, #tpu.memory_space<hbm>>)
    %broadcast_in_dim3A_236 = arith.constant 2 : i32
    %broadcast_in_dim3A_237 = vector.broadcast %broadcast_in_dim3A_236 : i32 to vector<16xi32>
    %add3A_238 = vector.broadcast %mul3A_36 : i32 to vector<16xi32>
    %add3A_239 = arith.addi %broadcast_in_dim3A_237, %add3A_238 : vector<16xi32>
    %gather3A_240 = tpu.vector_load_idx %arg6[%iota3A, %add3A_239] : memref<16x128xi32, #tpu.memory_space<vmem>>[vector<16xi32>, vector<16xi32>], vector<16xi32>,
    tpu.vector_store_idx %arg11[%gather3A_240], %broadcast_in_dim3A_48 : memref<32128xf32, #tpu.memory_space<vmem>>[vector<16xi32>], vector<16xf32>,
    %broadcast_in_dim3A_241 = arith.constant 5 : i32
    %broadcast_in_dim3A_242 = vector.broadcast %broadcast_in_dim3A_241 : i32 to vector<16xi32>
    %add3A_243 = vector.broadcast %mul3A_36 : i32 to vector<16xi32>
    %add3A_244 = arith.addi %broadcast_in_dim3A_242, %add3A_243 : vector<16xi32>
    %gather3A_245 = tpu.vector_load_idx %arg6[%iota3A, %add3A_244] : memref<16x128xi32, #tpu.memory_space<vmem>>[vector<16xi32>, vector<16xi32>], vector<16xi32>,
    %gather3A_246 = tpu.vector_load_idx %arg7[%iota3A, %add3A_244] : memref<16x128xf32, #tpu.memory_space<vmem>>[vector<16xi32>, vector<16xi32>], vector<16xf32>,
    %broadcast_in_dim3A_247 = arith.constant 5 : i32
    %broadcast_in_dim3A_248 = vector.broadcast %broadcast_in_dim3A_247 : i32 to vector<16xi32>
    %gather3A_249 = tpu.vector_load_idx %arg8[%broadcast_in_dim3A_248, %broadcast_in_dim3A_50] : memref<64x128xf32, #tpu.memory_space<vmem>>[vector<16xi32>, vector<16xi32>], vector<16xf32>,
    %mul3A_250 = arith.mulf %gather3A_246, %gather3A_249 : vector<16xf32>
    tpu.vector_store_idx %arg11[%gather3A_245], %mul3A_250 : memref<32128xf32, #tpu.memory_space<vmem>>[vector<16xi32>], vector<16xf32>,
    %add3A_251 = arith.constant 5 : i32
    %add3A_252 = arith.addi %mul3A_2, %add3A_251 : i32
    %dma_start3A_253 = arith.constant 0 : i32
    %dma_start3A_254 = arith.constant 0 : i32
    %dma_start3A_255 = tpu.memref_slice %arg11[%dma_start3A_254] : memref<32128xf32, #tpu.memory_space<vmem>> -> memref<32000xf32, #tpu.memory_space<vmem>>
    %dma_start3A_256 = arith.constant 0 : i32
    %dma_start3A_257 = tpu.memref_slice %arg5[%dma_start3A_253, %add3A_252, %dma_start3A_256] : memref<1x2048x32000xf32, #tpu.memory_space<hbm>> -> memref<1x1x32000xf32, #tpu.memory_space<hbm>>
    %dma_start3A_258 = tpu.memref_squeeze %dma_start3A_257 : memref<1x1x32000xf32, #tpu.memory_space<hbm>> -> memref<32000xf32, #tpu.memory_space<hbm>>
    %dma_start3A_259 = arith.constant 0 : i32
    %dma_start3A_260 = tpu.memref_slice %arg5[%dma_start3A_253, %add3A_252, %dma_start3A_259] : memref<1x2048x32000xf32, #tpu.memory_space<hbm>> -> memref<1x1x32000xf32, #tpu.memory_space<hbm>>
    %dma_start3A_261 = tpu.memref_squeeze %dma_start3A_260 : memref<1x1x32000xf32, #tpu.memory_space<hbm>> -> memref<32000xf32, #tpu.memory_space<hbm>>
    %dma_start3A_262 = arith.constant 0 : i32
    %dma_start3A_263 = tpu.memref_slice %arg11[%dma_start3A_262] : memref<32128xf32, #tpu.memory_space<vmem>> -> memref<32000xf32, #tpu.memory_space<vmem>>
    tpu.enqueue_dma source(%dma_start3A_263 : memref<32000xf32, #tpu.memory_space<vmem>>) target(%dma_start3A_261 : memref<32000xf32, #tpu.memory_space<hbm>>) target_semaphore(%arg14 : memref<!tpu.dma_semaphore, #tpu.memory_space<semaphore_mem>>)
    %dma_wait3A_264 = arith.constant 0 : i32
    %dma_wait3A_265 = arith.constant 0 : i32
    %dma_wait3A_266 = tpu.memref_slice %arg9[%dma_wait3A_265] : memref<32128xf32, #tpu.memory_space<vmem>> -> memref<32000xf32, #tpu.memory_space<vmem>>
    %dma_wait3A_267 = arith.constant 0 : i32
    %dma_wait3A_268 = tpu.memref_slice %arg5[%dma_wait3A_264, %add3A_174, %dma_wait3A_267] : memref<1x2048x32000xf32, #tpu.memory_space<hbm>> -> memref<1x1x32000xf32, #tpu.memory_space<hbm>>
    %dma_wait3A_269 = tpu.memref_squeeze %dma_wait3A_268 : memref<1x1x32000xf32, #tpu.memory_space<hbm>> -> memref<32000xf32, #tpu.memory_space<hbm>>
    %dma_wait3A_270 = arith.constant 0 : i32
    %dma_wait3A_271 = tpu.memref_slice %arg5[%dma_wait3A_264, %add3A_174, %dma_wait3A_270] : memref<1x2048x32000xf32, #tpu.memory_space<hbm>> -> memref<1x1x32000xf32, #tpu.memory_space<hbm>>
    %dma_wait3A_272 = tpu.memref_squeeze %dma_wait3A_271 : memref<1x1x32000xf32, #tpu.memory_space<hbm>> -> memref<32000xf32, #tpu.memory_space<hbm>>
    %dma_wait3A_273 = arith.constant 0 : i32
    %dma_wait3A_274 = tpu.memref_slice %arg9[%dma_wait3A_273] : memref<32128xf32, #tpu.memory_space<vmem>> -> memref<32000xf32, #tpu.memory_space<vmem>>
    tpu.wait_dma2 semaphore(%arg12 : memref<!tpu.dma_semaphore, #tpu.memory_space<semaphore_mem>>) src(%dma_wait3A_274 : memref<32000xf32, #tpu.memory_space<vmem>>) dst(%dma_wait3A_272 : memref<32000xf32, #tpu.memory_space<hbm>>)
    %broadcast_in_dim3A_275 = arith.constant 3 : i32
    %broadcast_in_dim3A_276 = vector.broadcast %broadcast_in_dim3A_275 : i32 to vector<16xi32>
    %add3A_277 = vector.broadcast %mul3A_36 : i32 to vector<16xi32>
    %add3A_278 = arith.addi %broadcast_in_dim3A_276, %add3A_277 : vector<16xi32>
    %gather3A_279 = tpu.vector_load_idx %arg6[%iota3A, %add3A_278] : memref<16x128xi32, #tpu.memory_space<vmem>>[vector<16xi32>, vector<16xi32>], vector<16xi32>,
    tpu.vector_store_idx %arg9[%gather3A_279], %broadcast_in_dim3A_48 : memref<32128xf32, #tpu.memory_space<vmem>>[vector<16xi32>], vector<16xf32>,
    %broadcast_in_dim3A_280 = arith.constant 6 : i32
    %broadcast_in_dim3A_281 = vector.broadcast %broadcast_in_dim3A_280 : i32 to vector<16xi32>
    %add3A_282 = vector.broadcast %mul3A_36 : i32 to vector<16xi32>
    %add3A_283 = arith.addi %broadcast_in_dim3A_281, %add3A_282 : vector<16xi32>
    %gather3A_284 = tpu.vector_load_idx %arg6[%iota3A, %add3A_283] : memref<16x128xi32, #tpu.memory_space<vmem>>[vector<16xi32>, vector<16xi32>], vector<16xi32>,
    %gather3A_285 = tpu.vector_load_idx %arg7[%iota3A, %add3A_283] : memref<16x128xf32, #tpu.memory_space<vmem>>[vector<16xi32>, vector<16xi32>], vector<16xf32>,
    %broadcast_in_dim3A_286 = arith.constant 6 : i32
    %broadcast_in_dim3A_287 = vector.broadcast %broadcast_in_dim3A_286 : i32 to vector<16xi32>
    %gather3A_288 = tpu.vector_load_idx %arg8[%broadcast_in_dim3A_287, %broadcast_in_dim3A_50] : memref<64x128xf32, #tpu.memory_space<vmem>>[vector<16xi32>, vector<16xi32>], vector<16xf32>,
    %mul3A_289 = arith.mulf %gather3A_285, %gather3A_288 : vector<16xf32>
    tpu.vector_store_idx %arg9[%gather3A_284], %mul3A_289 : memref<32128xf32, #tpu.memory_space<vmem>>[vector<16xi32>], vector<16xf32>,
    %add3A_290 = arith.constant 6 : i32
    %add3A_291 = arith.addi %mul3A_2, %add3A_290 : i32
    %dma_start3A_292 = arith.constant 0 : i32
    %dma_start3A_293 = arith.constant 0 : i32
    %dma_start3A_294 = tpu.memref_slice %arg9[%dma_start3A_293] : memref<32128xf32, #tpu.memory_space<vmem>> -> memref<32000xf32, #tpu.memory_space<vmem>>
    %dma_start3A_295 = arith.constant 0 : i32
    %dma_start3A_296 = tpu.memref_slice %arg5[%dma_start3A_292, %add3A_291, %dma_start3A_295] : memref<1x2048x32000xf32, #tpu.memory_space<hbm>> -> memref<1x1x32000xf32, #tpu.memory_space<hbm>>
    %dma_start3A_297 = tpu.memref_squeeze %dma_start3A_296 : memref<1x1x32000xf32, #tpu.memory_space<hbm>> -> memref<32000xf32, #tpu.memory_space<hbm>>
    %dma_start3A_298 = arith.constant 0 : i32
    %dma_start3A_299 = tpu.memref_slice %arg5[%dma_start3A_292, %add3A_291, %dma_start3A_298] : memref<1x2048x32000xf32, #tpu.memory_space<hbm>> -> memref<1x1x32000xf32, #tpu.memory_space<hbm>>
    %dma_start3A_300 = tpu.memref_squeeze %dma_start3A_299 : memref<1x1x32000xf32, #tpu.memory_space<hbm>> -> memref<32000xf32, #tpu.memory_space<hbm>>
    %dma_start3A_301 = arith.constant 0 : i32
    %dma_start3A_302 = tpu.memref_slice %arg9[%dma_start3A_301] : memref<32128xf32, #tpu.memory_space<vmem>> -> memref<32000xf32, #tpu.memory_space<vmem>>
    tpu.enqueue_dma source(%dma_start3A_302 : memref<32000xf32, #tpu.memory_space<vmem>>) target(%dma_start3A_300 : memref<32000xf32, #tpu.memory_space<hbm>>) target_semaphore(%arg12 : memref<!tpu.dma_semaphore, #tpu.memory_space<semaphore_mem>>)
    %dma_wait3A_303 = arith.constant 0 : i32
    %dma_wait3A_304 = arith.constant 0 : i32
    %dma_wait3A_305 = tpu.memref_slice %arg10[%dma_wait3A_304] : memref<32128xf32, #tpu.memory_space<vmem>> -> memref<32000xf32, #tpu.memory_space<vmem>>
    %dma_wait3A_306 = arith.constant 0 : i32
    %dma_wait3A_307 = tpu.memref_slice %arg5[%dma_wait3A_303, %add3A_213, %dma_wait3A_306] : memref<1x2048x32000xf32, #tpu.memory_space<hbm>> -> memref<1x1x32000xf32, #tpu.memory_space<hbm>>
    %dma_wait3A_308 = tpu.memref_squeeze %dma_wait3A_307 : memref<1x1x32000xf32, #tpu.memory_space<hbm>> -> memref<32000xf32, #tpu.memory_space<hbm>>
    %dma_wait3A_309 = arith.constant 0 : i32
    %dma_wait3A_310 = tpu.memref_slice %arg5[%dma_wait3A_303, %add3A_213, %dma_wait3A_309] : memref<1x2048x32000xf32, #tpu.memory_space<hbm>> -> memref<1x1x32000xf32, #tpu.memory_space<hbm>>
    %dma_wait3A_311 = tpu.memref_squeeze %dma_wait3A_310 : memref<1x1x32000xf32, #tpu.memory_space<hbm>> -> memref<32000xf32, #tpu.memory_space<hbm>>
    %dma_wait3A_312 = arith.constant 0 : i32
    %dma_wait3A_313 = tpu.memref_slice %arg10[%dma_wait3A_312] : memref<32128xf32, #tpu.memory_space<vmem>> -> memref<32000xf32, #tpu.memory_space<vmem>>
    tpu.wait_dma2 semaphore(%arg13 : memref<!tpu.dma_semaphore, #tpu.memory_space<semaphore_mem>>) src(%dma_wait3A_313 : memref<32000xf32, #tpu.memory_space<vmem>>) dst(%dma_wait3A_311 : memref<32000xf32, #tpu.memory_space<hbm>>)
    %broadcast_in_dim3A_314 = arith.constant 4 : i32
    %broadcast_in_dim3A_315 = vector.broadcast %broadcast_in_dim3A_314 : i32 to vector<16xi32>
    %add3A_316 = vector.broadcast %mul3A_36 : i32 to vector<16xi32>
    %add3A_317 = arith.addi %broadcast_in_dim3A_315, %add3A_316 : vector<16xi32>
    %gather3A_318 = tpu.vector_load_idx %arg6[%iota3A, %add3A_317] : memref<16x128xi32, #tpu.memory_space<vmem>>[vector<16xi32>, vector<16xi32>], vector<16xi32>,
    tpu.vector_store_idx %arg10[%gather3A_318], %broadcast_in_dim3A_48 : memref<32128xf32, #tpu.memory_space<vmem>>[vector<16xi32>], vector<16xf32>,
    %broadcast_in_dim3A_319 = arith.constant 7 : i32
    %broadcast_in_dim3A_320 = vector.broadcast %broadcast_in_dim3A_319 : i32 to vector<16xi32>
    %add3A_321 = vector.broadcast %mul3A_36 : i32 to vector<16xi32>
    %add3A_322 = arith.addi %broadcast_in_dim3A_320, %add3A_321 : vector<16xi32>
    %gather3A_323 = tpu.vector_load_idx %arg6[%iota3A, %add3A_322] : memref<16x128xi32, #tpu.memory_space<vmem>>[vector<16xi32>, vector<16xi32>], vector<16xi32>,
    %gather3A_324 = tpu.vector_load_idx %arg7[%iota3A, %add3A_322] : memref<16x128xf32, #tpu.memory_space<vmem>>[vector<16xi32>, vector<16xi32>], vector<16xf32>,
    %broadcast_in_dim3A_325 = arith.constant 7 : i32
    %broadcast_in_dim3A_326 = vector.broadcast %broadcast_in_dim3A_325 : i32 to vector<16xi32>
    %gather3A_327 = tpu.vector_load_idx %arg8[%broadcast_in_dim3A_326, %broadcast_in_dim3A_50] : memref<64x128xf32, #tpu.memory_space<vmem>>[vector<16xi32>, vector<16xi32>], vector<16xf32>,
    %mul3A_328 = arith.mulf %gather3A_324, %gather3A_327 : vector<16xf32>
    tpu.vector_store_idx %arg10[%gather3A_323], %mul3A_328 : memref<32128xf32, #tpu.memory_space<vmem>>[vector<16xi32>], vector<16xf32>,
    %add3A_329 = arith.constant 7 : i32
    %add3A_330 = arith.addi %mul3A_2, %add3A_329 : i32
    %dma_start3A_331 = arith.constant 0 : i32
    %dma_start3A_332 = arith.constant 0 : i32
    %dma_start3A_333 = tpu.memref_slice %arg10[%dma_start3A_332] : memref<32128xf32, #tpu.memory_space<vmem>> -> memref<32000xf32, #tpu.memory_space<vmem>>
    %dma_start3A_334 = arith.constant 0 : i32
    %dma_start3A_335 = tpu.memref_slice %arg5[%dma_start3A_331, %add3A_330, %dma_start3A_334] : memref<1x2048x32000xf32, #tpu.memory_space<hbm>> -> memref<1x1x32000xf32, #tpu.memory_space<hbm>>
    %dma_start3A_336 = tpu.memref_squeeze %dma_start3A_335 : memref<1x1x32000xf32, #tpu.memory_space<hbm>> -> memref<32000xf32, #tpu.memory_space<hbm>>
    %dma_start3A_337 = arith.constant 0 : i32
    %dma_start3A_338 = tpu.memref_slice %arg5[%dma_start3A_331, %add3A_330, %dma_start3A_337] : memref<1x2048x32000xf32, #tpu.memory_space<hbm>> -> memref<1x1x32000xf32, #tpu.memory_space<hbm>>
    %dma_start3A_339 = tpu.memref_squeeze %dma_start3A_338 : memref<1x1x32000xf32, #tpu.memory_space<hbm>> -> memref<32000xf32, #tpu.memory_space<hbm>>
    %dma_start3A_340 = arith.constant 0 : i32
    %dma_start3A_341 = tpu.memref_slice %arg10[%dma_start3A_340] : memref<32128xf32, #tpu.memory_space<vmem>> -> memref<32000xf32, #tpu.memory_space<vmem>>
    tpu.enqueue_dma source(%dma_start3A_341 : memref<32000xf32, #tpu.memory_space<vmem>>) target(%dma_start3A_339 : memref<32000xf32, #tpu.memory_space<hbm>>) target_semaphore(%arg13 : memref<!tpu.dma_semaphore, #tpu.memory_space<semaphore_mem>>)
    %dma_wait3A_342 = arith.constant 0 : i32
    %dma_wait3A_343 = arith.constant 0 : i32
    %dma_wait3A_344 = tpu.memref_slice %arg11[%dma_wait3A_343] : memref<32128xf32, #tpu.memory_space<vmem>> -> memref<32000xf32, #tpu.memory_space<vmem>>
    %dma_wait3A_345 = arith.constant 0 : i32
    %dma_wait3A_346 = tpu.memref_slice %arg5[%dma_wait3A_342, %add3A_252, %dma_wait3A_345] : memref<1x2048x32000xf32, #tpu.memory_space<hbm>> -> memref<1x1x32000xf32, #tpu.memory_space<hbm>>
    %dma_wait3A_347 = tpu.memref_squeeze %dma_wait3A_346 : memref<1x1x32000xf32, #tpu.memory_space<hbm>> -> memref<32000xf32, #tpu.memory_space<hbm>>
    %dma_wait3A_348 = arith.constant 0 : i32
    %dma_wait3A_349 = tpu.memref_slice %arg5[%dma_wait3A_342, %add3A_252, %dma_wait3A_348] : memref<1x2048x32000xf32, #tpu.memory_space<hbm>> -> memref<1x1x32000xf32, #tpu.memory_space<hbm>>
    %dma_wait3A_350 = tpu.memref_squeeze %dma_wait3A_349 : memref<1x1x32000xf32, #tpu.memory_space<hbm>> -> memref<32000xf32, #tpu.memory_space<hbm>>
    %dma_wait3A_351 = arith.constant 0 : i32
    %dma_wait3A_352 = tpu.memref_slice %arg11[%dma_wait3A_351] : memref<32128xf32, #tpu.memory_space<vmem>> -> memref<32000xf32, #tpu.memory_space<vmem>>
    tpu.wait_dma2 semaphore(%arg14 : memref<!tpu.dma_semaphore, #tpu.memory_space<semaphore_mem>>) src(%dma_wait3A_352 : memref<32000xf32, #tpu.memory_space<vmem>>) dst(%dma_wait3A_350 : memref<32000xf32, #tpu.memory_space<hbm>>)
    %broadcast_in_dim3A_353 = arith.constant 5 : i32
    %broadcast_in_dim3A_354 = vector.broadcast %broadcast_in_dim3A_353 : i32 to vector<16xi32>
    %add3A_355 = vector.broadcast %mul3A_36 : i32 to vector<16xi32>
    %add3A_356 = arith.addi %broadcast_in_dim3A_354, %add3A_355 : vector<16xi32>
    %gather3A_357 = tpu.vector_load_idx %arg6[%iota3A, %add3A_356] : memref<16x128xi32, #tpu.memory_space<vmem>>[vector<16xi32>, vector<16xi32>], vector<16xi32>,
    tpu.vector_store_idx %arg11[%gather3A_357], %broadcast_in_dim3A_48 : memref<32128xf32, #tpu.memory_space<vmem>>[vector<16xi32>], vector<16xf32>,
    %broadcast_in_dim3A_358 = arith.constant 8 : i32
    %broadcast_in_dim3A_359 = vector.broadcast %broadcast_in_dim3A_358 : i32 to vector<16xi32>
    %add3A_360 = vector.broadcast %mul3A_36 : i32 to vector<16xi32>
    %add3A_361 = arith.addi %broadcast_in_dim3A_359, %add3A_360 : vector<16xi32>
    %gather3A_362 = tpu.vector_load_idx %arg6[%iota3A, %add3A_361] : memref<16x128xi32, #tpu.memory_space<vmem>>[vector<16xi32>, vector<16xi32>], vector<16xi32>,
    %gather3A_363 = tpu.vector_load_idx %arg7[%iota3A, %add3A_361] : memref<16x128xf32, #tpu.memory_space<vmem>>[vector<16xi32>, vector<16xi32>], vector<16xf32>,
    %broadcast_in_dim3A_364 = arith.constant 8 : i32
    %broadcast_in_dim3A_365 = vector.broadcast %broadcast_in_dim3A_364 : i32 to vector<16xi32>
    %gather3A_366 = tpu.vector_load_idx %arg8[%broadcast_in_dim3A_365, %broadcast_in_dim3A_50] : memref<64x128xf32, #tpu.memory_space<vmem>>[vector<16xi32>, vector<16xi32>], vector<16xf32>,
    %mul3A_367 = arith.mulf %gather3A_363, %gather3A_366 : vector<16xf32>
    tpu.vector_store_idx %arg11[%gather3A_362], %mul3A_367 : memref<32128xf32, #tpu.memory_space<vmem>>[vector<16xi32>], vector<16xf32>,
    %add3A_368 = arith.constant 8 : i32
    %add3A_369 = arith.addi %mul3A_2, %add3A_368 : i32
    %dma_start3A_370 = arith.constant 0 : i32
    %dma_start3A_371 = arith.constant 0 : i32
    %dma_start3A_372 = tpu.memref_slice %arg11[%dma_start3A_371] : memref<32128xf32, #tpu.memory_space<vmem>> -> memref<32000xf32, #tpu.memory_space<vmem>>
    %dma_start3A_373 = arith.constant 0 : i32
    %dma_start3A_374 = tpu.memref_slice %arg5[%dma_start3A_370, %add3A_369, %dma_start3A_373] : memref<1x2048x32000xf32, #tpu.memory_space<hbm>> -> memref<1x1x32000xf32, #tpu.memory_space<hbm>>
    %dma_start3A_375 = tpu.memref_squeeze %dma_start3A_374 : memref<1x1x32000xf32, #tpu.memory_space<hbm>> -> memref<32000xf32, #tpu.memory_space<hbm>>
    %dma_start3A_376 = arith.constant 0 : i32
    %dma_start3A_377 = tpu.memref_slice %arg5[%dma_start3A_370, %add3A_369, %dma_start3A_376] : memref<1x2048x32000xf32, #tpu.memory_space<hbm>> -> memref<1x1x32000xf32, #tpu.memory_space<hbm>>
    %dma_start3A_378 = tpu.memref_squeeze %dma_start3A_377 : memref<1x1x32000xf32, #tpu.memory_space<hbm>> -> memref<32000xf32, #tpu.memory_space<hbm>>
    %dma_start3A_379 = arith.constant 0 : i32
    %dma_start3A_380 = tpu.memref_slice %arg11[%dma_start3A_379] : memref<32128xf32, #tpu.memory_space<vmem>> -> memref<32000xf32, #tpu.memory_space<vmem>>
    tpu.enqueue_dma source(%dma_start3A_380 : memref<32000xf32, #tpu.memory_space<vmem>>) target(%dma_start3A_378 : memref<32000xf32, #tpu.memory_space<hbm>>) target_semaphore(%arg14 : memref<!tpu.dma_semaphore, #tpu.memory_space<semaphore_mem>>)
    %dma_wait3A_381 = arith.constant 0 : i32
    %dma_wait3A_382 = arith.constant 0 : i32
    %dma_wait3A_383 = tpu.memref_slice %arg9[%dma_wait3A_382] : memref<32128xf32, #tpu.memory_space<vmem>> -> memref<32000xf32, #tpu.memory_space<vmem>>
    %dma_wait3A_384 = arith.constant 0 : i32
    %dma_wait3A_385 = tpu.memref_slice %arg5[%dma_wait3A_381, %add3A_291, %dma_wait3A_384] : memref<1x2048x32000xf32, #tpu.memory_space<hbm>> -> memref<1x1x32000xf32, #tpu.memory_space<hbm>>
    %dma_wait3A_386 = tpu.memref_squeeze %dma_wait3A_385 : memref<1x1x32000xf32, #tpu.memory_space<hbm>> -> memref<32000xf32, #tpu.memory_space<hbm>>
    %dma_wait3A_387 = arith.constant 0 : i32
    %dma_wait3A_388 = tpu.memref_slice %arg5[%dma_wait3A_381, %add3A_291, %dma_wait3A_387] : memref<1x2048x32000xf32, #tpu.memory_space<hbm>> -> memref<1x1x32000xf32, #tpu.memory_space<hbm>>
    %dma_wait3A_389 = tpu.memref_squeeze %dma_wait3A_388 : memref<1x1x32000xf32, #tpu.memory_space<hbm>> -> memref<32000xf32, #tpu.memory_space<hbm>>
    %dma_wait3A_390 = arith.constant 0 : i32
    %dma_wait3A_391 = tpu.memref_slice %arg9[%dma_wait3A_390] : memref<32128xf32, #tpu.memory_space<vmem>> -> memref<32000xf32, #tpu.memory_space<vmem>>
    tpu.wait_dma2 semaphore(%arg12 : memref<!tpu.dma_semaphore, #tpu.memory_space<semaphore_mem>>) src(%dma_wait3A_391 : memref<32000xf32, #tpu.memory_space<vmem>>) dst(%dma_wait3A_389 : memref<32000xf32, #tpu.memory_space<hbm>>)
    %broadcast_in_dim3A_392 = arith.constant 6 : i32
    %broadcast_in_dim3A_393 = vector.broadcast %broadcast_in_dim3A_392 : i32 to vector<16xi32>
    %add3A_394 = vector.broadcast %mul3A_36 : i32 to vector<16xi32>
    %add3A_395 = arith.addi %broadcast_in_dim3A_393, %add3A_394 : vector<16xi32>
    %gather3A_396 = tpu.vector_load_idx %arg6[%iota3A, %add3A_395] : memref<16x128xi32, #tpu.memory_space<vmem>>[vector<16xi32>, vector<16xi32>], vector<16xi32>,
    tpu.vector_store_idx %arg9[%gather3A_396], %broadcast_in_dim3A_48 : memref<32128xf32, #tpu.memory_space<vmem>>[vector<16xi32>], vector<16xf32>,
    %broadcast_in_dim3A_397 = arith.constant 9 : i32
    %broadcast_in_dim3A_398 = vector.broadcast %broadcast_in_dim3A_397 : i32 to vector<16xi32>
    %add3A_399 = vector.broadcast %mul3A_36 : i32 to vector<16xi32>
    %add3A_400 = arith.addi %broadcast_in_dim3A_398, %add3A_399 : vector<16xi32>
    %gather3A_401 = tpu.vector_load_idx %arg6[%iota3A, %add3A_400] : memref<16x128xi32, #tpu.memory_space<vmem>>[vector<16xi32>, vector<16xi32>], vector<16xi32>,
    %gather3A_402 = tpu.vector_load_idx %arg7[%iota3A, %add3A_400] : memref<16x128xf32, #tpu.memory_space<vmem>>[vector<16xi32>, vector<16xi32>], vector<16xf32>,
    %broadcast_in_dim3A_403 = arith.constant 9 : i32
    %broadcast_in_dim3A_404 = vector.broadcast %broadcast_in_dim3A_403 : i32 to vector<16xi32>
    %gather3A_405 = tpu.vector_load_idx %arg8[%broadcast_in_dim3A_404, %broadcast_in_dim3A_50] : memref<64x128xf32, #tpu.memory_space<vmem>>[vector<16xi32>, vector<16xi32>], vector<16xf32>,
    %mul3A_406 = arith.mulf %gather3A_402, %gather3A_405 : vector<16xf32>
    tpu.vector_store_idx %arg9[%gather3A_401], %mul3A_406 : memref<32128xf32, #tpu.memory_space<vmem>>[vector<16xi32>], vector<16xf32>,
    %add3A_407 = arith.constant 9 : i32
    %add3A_408 = arith.addi %mul3A_2, %add3A_407 : i32
    %dma_start3A_409 = arith.constant 0 : i32
    %dma_start3A_410 = arith.constant 0 : i32
    %dma_start3A_411 = tpu.memref_slice %arg9[%dma_start3A_410] : memref<32128xf32, #tpu.memory_space<vmem>> -> memref<32000xf32, #tpu.memory_space<vmem>>
    %dma_start3A_412 = arith.constant 0 : i32
    %dma_start3A_413 = tpu.memref_slice %arg5[%dma_start3A_409, %add3A_408, %dma_start3A_412] : memref<1x2048x32000xf32, #tpu.memory_space<hbm>> -> memref<1x1x32000xf32, #tpu.memory_space<hbm>>
    %dma_start3A_414 = tpu.memref_squeeze %dma_start3A_413 : memref<1x1x32000xf32, #tpu.memory_space<hbm>> -> memref<32000xf32, #tpu.memory_space<hbm>>
    %dma_start3A_415 = arith.constant 0 : i32
    %dma_start3A_416 = tpu.memref_slice %arg5[%dma_start3A_409, %add3A_408, %dma_start3A_415] : memref<1x2048x32000xf32, #tpu.memory_space<hbm>> -> memref<1x1x32000xf32, #tpu.memory_space<hbm>>
    %dma_start3A_417 = tpu.memref_squeeze %dma_start3A_416 : memref<1x1x32000xf32, #tpu.memory_space<hbm>> -> memref<32000xf32, #tpu.memory_space<hbm>>
    %dma_start3A_418 = arith.constant 0 : i32
    %dma_start3A_419 = tpu.memref_slice %arg9[%dma_start3A_418] : memref<32128xf32, #tpu.memory_space<vmem>> -> memref<32000xf32, #tpu.memory_space<vmem>>
    tpu.enqueue_dma source(%dma_start3A_419 : memref<32000xf32, #tpu.memory_space<vmem>>) target(%dma_start3A_417 : memref<32000xf32, #tpu.memory_space<hbm>>) target_semaphore(%arg12 : memref<!tpu.dma_semaphore, #tpu.memory_space<semaphore_mem>>)
    %dma_wait3A_420 = arith.constant 0 : i32
    %dma_wait3A_421 = arith.constant 0 : i32
    %dma_wait3A_422 = tpu.memref_slice %arg10[%dma_wait3A_421] : memref<32128xf32, #tpu.memory_space<vmem>> -> memref<32000xf32, #tpu.memory_space<vmem>>
    %dma_wait3A_423 = arith.constant 0 : i32
    %dma_wait3A_424 = tpu.memref_slice %arg5[%dma_wait3A_420, %add3A_330, %dma_wait3A_423] : memref<1x2048x32000xf32, #tpu.memory_space<hbm>> -> memref<1x1x32000xf32, #tpu.memory_space<hbm>>
    %dma_wait3A_425 = tpu.memref_squeeze %dma_wait3A_424 : memref<1x1x32000xf32, #tpu.memory_space<hbm>> -> memref<32000xf32, #tpu.memory_space<hbm>>
    %dma_wait3A_426 = arith.constant 0 : i32
    %dma_wait3A_427 = tpu.memref_slice %arg5[%dma_wait3A_420, %add3A_330, %dma_wait3A_426] : memref<1x2048x32000xf32, #tpu.memory_space<hbm>> -> memref<1x1x32000xf32, #tpu.memory_space<hbm>>
    %dma_wait3A_428 = tpu.memref_squeeze %dma_wait3A_427 : memref<1x1x32000xf32, #tpu.memory_space<hbm>> -> memref<32000xf32, #tpu.memory_space<hbm>>
    %dma_wait3A_429 = arith.constant 0 : i32
    %dma_wait3A_430 = tpu.memref_slice %arg10[%dma_wait3A_429] : memref<32128xf32, #tpu.memory_space<vmem>> -> memref<32000xf32, #tpu.memory_space<vmem>>
    tpu.wait_dma2 semaphore(%arg13 : memref<!tpu.dma_semaphore, #tpu.memory_space<semaphore_mem>>) src(%dma_wait3A_430 : memref<32000xf32, #tpu.memory_space<vmem>>) dst(%dma_wait3A_428 : memref<32000xf32, #tpu.memory_space<hbm>>)
    %broadcast_in_dim3A_431 = arith.constant 7 : i32
    %broadcast_in_dim3A_432 = vector.broadcast %broadcast_in_dim3A_431 : i32 to vector<16xi32>
    %add3A_433 = vector.broadcast %mul3A_36 : i32 to vector<16xi32>
    %add3A_434 = arith.addi %broadcast_in_dim3A_432, %add3A_433 : vector<16xi32>
    %gather3A_435 = tpu.vector_load_idx %arg6[%iota3A, %add3A_434] : memref<16x128xi32, #tpu.memory_space<vmem>>[vector<16xi32>, vector<16xi32>], vector<16xi32>,
    tpu.vector_store_idx %arg10[%gather3A_435], %broadcast_in_dim3A_48 : memref<32128xf32, #tpu.memory_space<vmem>>[vector<16xi32>], vector<16xf32>,
    %broadcast_in_dim3A_436 = arith.constant 10 : i32
    %broadcast_in_dim3A_437 = vector.broadcast %broadcast_in_dim3A_436 : i32 to vector<16xi32>
    %add3A_438 = vector.broadcast %mul3A_36 : i32 to vector<16xi32>
    %add3A_439 = arith.addi %broadcast_in_dim3A_437, %add3A_438 : vector<16xi32>
    %gather3A_440 = tpu.vector_load_idx %arg6[%iota3A, %add3A_439] : memref<16x128xi32, #tpu.memory_space<vmem>>[vector<16xi32>, vector<16xi32>], vector<16xi32>,
    %gather3A_441 = tpu.vector_load_idx %arg7[%iota3A, %add3A_439] : memref<16x128xf32, #tpu.memory_space<vmem>>[vector<16xi32>, vector<16xi32>], vector<16xf32>,
    %broadcast_in_dim3A_442 = arith.constant 10 : i32
    %broadcast_in_dim3A_443 = vector.broadcast %broadcast_in_dim3A_442 : i32 to vector<16xi32>
    %gather3A_444 = tpu.vector_load_idx %arg8[%broadcast_in_dim3A_443, %broadcast_in_dim3A_50] : memref<64x128xf32, #tpu.memory_space<vmem>>[vector<16xi32>, vector<16xi32>], vector<16xf32>,
    %mul3A_445 = arith.mulf %gather3A_441, %gather3A_444 : vector<16xf32>
    tpu.vector_store_idx %arg10[%gather3A_440], %mul3A_445 : memref<32128xf32, #tpu.memory_space<vmem>>[vector<16xi32>], vector<16xf32>,
    %add3A_446 = arith.constant 10 : i32
    %add3A_447 = arith.addi %mul3A_2, %add3A_446 : i32
    %dma_start3A_448 = arith.constant 0 : i32
    %dma_start3A_449 = arith.constant 0 : i32
    %dma_start3A_450 = tpu.memref_slice %arg10[%dma_start3A_449] : memref<32128xf32, #tpu.memory_space<vmem>> -> memref<32000xf32, #tpu.memory_space<vmem>>
    %dma_start3A_451 = arith.constant 0 : i32
    %dma_start3A_452 = tpu.memref_slice %arg5[%dma_start3A_448, %add3A_447, %dma_start3A_451] : memref<1x2048x32000xf32, #tpu.memory_space<hbm>> -> memref<1x1x32000xf32, #tpu.memory_space<hbm>>
    %dma_start3A_453 = tpu.memref_squeeze %dma_start3A_452 : memref<1x1x32000xf32, #tpu.memory_space<hbm>> -> memref<32000xf32, #tpu.memory_space<hbm>>
    %dma_start3A_454 = arith.constant 0 : i32
    %dma_start3A_455 = tpu.memref_slice %arg5[%dma_start3A_448, %add3A_447, %dma_start3A_454] : memref<1x2048x32000xf32, #tpu.memory_space<hbm>> -> memref<1x1x32000xf32, #tpu.memory_space<hbm>>
    %dma_start3A_456 = tpu.memref_squeeze %dma_start3A_455 : memref<1x1x32000xf32, #tpu.memory_space<hbm>> -> memref<32000xf32, #tpu.memory_space<hbm>>
    %dma_start3A_457 = arith.constant 0 : i32
    %dma_start3A_458 = tpu.memref_slice %arg10[%dma_start3A_457] : memref<32128xf32, #tpu.memory_space<vmem>> -> memref<32000xf32, #tpu.memory_space<vmem>>
    tpu.enqueue_dma source(%dma_start3A_458 : memref<32000xf32, #tpu.memory_space<vmem>>) target(%dma_start3A_456 : memref<32000xf32, #tpu.memory_space<hbm>>) target_semaphore(%arg13 : memref<!tpu.dma_semaphore, #tpu.memory_space<semaphore_mem>>)
    %dma_wait3A_459 = arith.constant 0 : i32
    %dma_wait3A_460 = arith.constant 0 : i32
    %dma_wait3A_461 = tpu.memref_slice %arg11[%dma_wait3A_460] : memref<32128xf32, #tpu.memory_space<vmem>> -> memref<32000xf32, #tpu.memory_space<vmem>>
    %dma_wait3A_462 = arith.constant 0 : i32
    %dma_wait3A_463 = tpu.memref_slice %arg5[%dma_wait3A_459, %add3A_369, %dma_wait3A_462] : memref<1x2048x32000xf32, #tpu.memory_space<hbm>> -> memref<1x1x32000xf32, #tpu.memory_space<hbm>>
    %dma_wait3A_464 = tpu.memref_squeeze %dma_wait3A_463 : memref<1x1x32000xf32, #tpu.memory_space<hbm>> -> memref<32000xf32, #tpu.memory_space<hbm>>
    %dma_wait3A_465 = arith.constant 0 : i32
    %dma_wait3A_466 = tpu.memref_slice %arg5[%dma_wait3A_459, %add3A_369, %dma_wait3A_465] : memref<1x2048x32000xf32, #tpu.memory_space<hbm>> -> memref<1x1x32000xf32, #tpu.memory_space<hbm>>
    %dma_wait3A_467 = tpu.memref_squeeze %dma_wait3A_466 : memref<1x1x32000xf32, #tpu.memory_space<hbm>> -> memref<32000xf32, #tpu.memory_space<hbm>>
    %dma_wait3A_468 = arith.constant 0 : i32
    %dma_wait3A_469 = tpu.memref_slice %arg11[%dma_wait3A_468] : memref<32128xf32, #tpu.memory_space<vmem>> -> memref<32000xf32, #tpu.memory_space<vmem>>
    tpu.wait_dma2 semaphore(%arg14 : memref<!tpu.dma_semaphore, #tpu.memory_space<semaphore_mem>>) src(%dma_wait3A_469 : memref<32000xf32, #tpu.memory_space<vmem>>) dst(%dma_wait3A_467 : memref<32000xf32, #tpu.memory_space<hbm>>)
    %broadcast_in_dim3A_470 = arith.constant 8 : i32
    %broadcast_in_dim3A_471 = vector.broadcast %broadcast_in_dim3A_470 : i32 to vector<16xi32>
    %add3A_472 = vector.broadcast %mul3A_36 : i32 to vector<16xi32>
    %add3A_473 = arith.addi %broadcast_in_dim3A_471, %add3A_472 : vector<16xi32>
    %gather3A_474 = tpu.vector_load_idx %arg6[%iota3A, %add3A_473] : memref<16x128xi32, #tpu.memory_space<vmem>>[vector<16xi32>, vector<16xi32>], vector<16xi32>,
    tpu.vector_store_idx %arg11[%gather3A_474], %broadcast_in_dim3A_48 : memref<32128xf32, #tpu.memory_space<vmem>>[vector<16xi32>], vector<16xf32>,
    %broadcast_in_dim3A_475 = arith.constant 11 : i32
    %broadcast_in_dim3A_476 = vector.broadcast %broadcast_in_dim3A_475 : i32 to vector<16xi32>
    %add3A_477 = vector.broadcast %mul3A_36 : i32 to vector<16xi32>
    %add3A_478 = arith.addi %broadcast_in_dim3A_476, %add3A_477 : vector<16xi32>
    %gather3A_479 = tpu.vector_load_idx %arg6[%iota3A, %add3A_478] : memref<16x128xi32, #tpu.memory_space<vmem>>[vector<16xi32>, vector<16xi32>], vector<16xi32>,
    %gather3A_480 = tpu.vector_load_idx %arg7[%iota3A, %add3A_478] : memref<16x128xf32, #tpu.memory_space<vmem>>[vector<16xi32>, vector<16xi32>], vector<16xf32>,
    %broadcast_in_dim3A_481 = arith.constant 11 : i32
    %broadcast_in_dim3A_482 = vector.broadcast %broadcast_in_dim3A_481 : i32 to vector<16xi32>
    %gather3A_483 = tpu.vector_load_idx %arg8[%broadcast_in_dim3A_482, %broadcast_in_dim3A_50] : memref<64x128xf32, #tpu.memory_space<vmem>>[vector<16xi32>, vector<16xi32>], vector<16xf32>,
    %mul3A_484 = arith.mulf %gather3A_480, %gather3A_483 : vector<16xf32>
    tpu.vector_store_idx %arg11[%gather3A_479], %mul3A_484 : memref<32128xf32, #tpu.memory_space<vmem>>[vector<16xi32>], vector<16xf32>,
    %add3A_485 = arith.constant 11 : i32
    %add3A_486 = arith.addi %mul3A_2, %add3A_485 : i32
    %dma_start3A_487 = arith.constant 0 : i32
    %dma_start3A_488 = arith.constant 0 : i32
    %dma_start3A_489 = tpu.memref_slice %arg11[%dma_start3A_488] : memref<32128xf32, #tpu.memory_space<vmem>> -> memref<32000xf32, #tpu.memory_space<vmem>>
    %dma_start3A_490 = arith.constant 0 : i32
    %dma_start3A_491 = tpu.memref_slice %arg5[%dma_start3A_487, %add3A_486, %dma_start3A_490] : memref<1x2048x32000xf32, #tpu.memory_space<hbm>> -> memref<1x1x32000xf32, #tpu.memory_space<hbm>>
    %dma_start3A_492 = tpu.memref_squeeze %dma_start3A_491 : memref<1x1x32000xf32, #tpu.memory_space<hbm>> -> memref<32000xf32, #tpu.memory_space<hbm>>
    %dma_start3A_493 = arith.constant 0 : i32
    %dma_start3A_494 = tpu.memref_slice %arg5[%dma_start3A_487, %add3A_486, %dma_start3A_493] : memref<1x2048x32000xf32, #tpu.memory_space<hbm>> -> memref<1x1x32000xf32, #tpu.memory_space<hbm>>
    %dma_start3A_495 = tpu.memref_squeeze %dma_start3A_494 : memref<1x1x32000xf32, #tpu.memory_space<hbm>> -> memref<32000xf32, #tpu.memory_space<hbm>>
    %dma_start3A_496 = arith.constant 0 : i32
    %dma_start3A_497 = tpu.memref_slice %arg11[%dma_start3A_496] : memref<32128xf32, #tpu.memory_space<vmem>> -> memref<32000xf32, #tpu.memory_space<vmem>>
    tpu.enqueue_dma source(%dma_start3A_497 : memref<32000xf32, #tpu.memory_space<vmem>>) target(%dma_start3A_495 : memref<32000xf32, #tpu.memory_space<hbm>>) target_semaphore(%arg14 : memref<!tpu.dma_semaphore, #tpu.memory_space<semaphore_mem>>)
    %dma_wait3A_498 = arith.constant 0 : i32
    %dma_wait3A_499 = arith.constant 0 : i32
    %dma_wait3A_500 = tpu.memref_slice %arg9[%dma_wait3A_499] : memref<32128xf32, #tpu.memory_space<vmem>> -> memref<32000xf32, #tpu.memory_space<vmem>>
    %dma_wait3A_501 = arith.constant 0 : i32
    %dma_wait3A_502 = tpu.memref_slice %arg5[%dma_wait3A_498, %add3A_408, %dma_wait3A_501] : memref<1x2048x32000xf32, #tpu.memory_space<hbm>> -> memref<1x1x32000xf32, #tpu.memory_space<hbm>>
    %dma_wait3A_503 = tpu.memref_squeeze %dma_wait3A_502 : memref<1x1x32000xf32, #tpu.memory_space<hbm>> -> memref<32000xf32, #tpu.memory_space<hbm>>
    %dma_wait3A_504 = arith.constant 0 : i32
    %dma_wait3A_505 = tpu.memref_slice %arg5[%dma_wait3A_498, %add3A_408, %dma_wait3A_504] : memref<1x2048x32000xf32, #tpu.memory_space<hbm>> -> memref<1x1x32000xf32, #tpu.memory_space<hbm>>
    %dma_wait3A_506 = tpu.memref_squeeze %dma_wait3A_505 : memref<1x1x32000xf32, #tpu.memory_space<hbm>> -> memref<32000xf32, #tpu.memory_space<hbm>>
    %dma_wait3A_507 = arith.constant 0 : i32
    %dma_wait3A_508 = tpu.memref_slice %arg9[%dma_wait3A_507] : memref<32128xf32, #tpu.memory_space<vmem>> -> memref<32000xf32, #tpu.memory_space<vmem>>
    tpu.wait_dma2 semaphore(%arg12 : memref<!tpu.dma_semaphore, #tpu.memory_space<semaphore_mem>>) src(%dma_wait3A_508 : memref<32000xf32, #tpu.memory_space<vmem>>) dst(%dma_wait3A_506 : memref<32000xf32, #tpu.memory_space<hbm>>)
    %broadcast_in_dim3A_509 = arith.constant 9 : i32
    %broadcast_in_dim3A_510 = vector.broadcast %broadcast_in_dim3A_509 : i32 to vector<16xi32>
    %add3A_511 = vector.broadcast %mul3A_36 : i32 to vector<16xi32>
    %add3A_512 = arith.addi %broadcast_in_dim3A_510, %add3A_511 : vector<16xi32>
    %gather3A_513 = tpu.vector_load_idx %arg6[%iota3A, %add3A_512] : memref<16x128xi32, #tpu.memory_space<vmem>>[vector<16xi32>, vector<16xi32>], vector<16xi32>,
    tpu.vector_store_idx %arg9[%gather3A_513], %broadcast_in_dim3A_48 : memref<32128xf32, #tpu.memory_space<vmem>>[vector<16xi32>], vector<16xf32>,
    %broadcast_in_dim3A_514 = arith.constant 12 : i32
    %broadcast_in_dim3A_515 = vector.broadcast %broadcast_in_dim3A_514 : i32 to vector<16xi32>
    %add3A_516 = vector.broadcast %mul3A_36 : i32 to vector<16xi32>
    %add3A_517 = arith.addi %broadcast_in_dim3A_515, %add3A_516 : vector<16xi32>
    %gather3A_518 = tpu.vector_load_idx %arg6[%iota3A, %add3A_517] : memref<16x128xi32, #tpu.memory_space<vmem>>[vector<16xi32>, vector<16xi32>], vector<16xi32>,
    %gather3A_519 = tpu.vector_load_idx %arg7[%iota3A, %add3A_517] : memref<16x128xf32, #tpu.memory_space<vmem>>[vector<16xi32>, vector<16xi32>], vector<16xf32>,
    %broadcast_in_dim3A_520 = arith.constant 12 : i32
    %broadcast_in_dim3A_521 = vector.broadcast %broadcast_in_dim3A_520 : i32 to vector<16xi32>
    %gather3A_522 = tpu.vector_load_idx %arg8[%broadcast_in_dim3A_521, %broadcast_in_dim3A_50] : memref<64x128xf32, #tpu.memory_space<vmem>>[vector<16xi32>, vector<16xi32>], vector<16xf32>,
    %mul3A_523 = arith.mulf %gather3A_519, %gather3A_522 : vector<16xf32>
    tpu.vector_store_idx %arg9[%gather3A_518], %mul3A_523 : memref<32128xf32, #tpu.memory_space<vmem>>[vector<16xi32>], vector<16xf32>,
    %add3A_524 = arith.constant 12 : i32
    %add3A_525 = arith.addi %mul3A_2, %add3A_524 : i32
    %dma_start3A_526 = arith.constant 0 : i32
    %dma_start3A_527 = arith.constant 0 : i32
    %dma_start3A_528 = tpu.memref_slice %arg9[%dma_start3A_527] : memref<32128xf32, #tpu.memory_space<vmem>> -> memref<32000xf32, #tpu.memory_space<vmem>>
    %dma_start3A_529 = arith.constant 0 : i32
    %dma_start3A_530 = tpu.memref_slice %arg5[%dma_start3A_526, %add3A_525, %dma_start3A_529] : memref<1x2048x32000xf32, #tpu.memory_space<hbm>> -> memref<1x1x32000xf32, #tpu.memory_space<hbm>>
    %dma_start3A_531 = tpu.memref_squeeze %dma_start3A_530 : memref<1x1x32000xf32, #tpu.memory_space<hbm>> -> memref<32000xf32, #tpu.memory_space<hbm>>
    %dma_start3A_532 = arith.constant 0 : i32
    %dma_start3A_533 = tpu.memref_slice %arg5[%dma_start3A_526, %add3A_525, %dma_start3A_532] : memref<1x2048x32000xf32, #tpu.memory_space<hbm>> -> memref<1x1x32000xf32, #tpu.memory_space<hbm>>
    %dma_start3A_534 = tpu.memref_squeeze %dma_start3A_533 : memref<1x1x32000xf32, #tpu.memory_space<hbm>> -> memref<32000xf32, #tpu.memory_space<hbm>>
    %dma_start3A_535 = arith.constant 0 : i32
    %dma_start3A_536 = tpu.memref_slice %arg9[%dma_start3A_535] : memref<32128xf32, #tpu.memory_space<vmem>> -> memref<32000xf32, #tpu.memory_space<vmem>>
    tpu.enqueue_dma source(%dma_start3A_536 : memref<32000xf32, #tpu.memory_space<vmem>>) target(%dma_start3A_534 : memref<32000xf32, #tpu.memory_space<hbm>>) target_semaphore(%arg12 : memref<!tpu.dma_semaphore, #tpu.memory_space<semaphore_mem>>)
    %dma_wait3A_537 = arith.constant 0 : i32
    %dma_wait3A_538 = arith.constant 0 : i32
    %dma_wait3A_539 = tpu.memref_slice %arg10[%dma_wait3A_538] : memref<32128xf32, #tpu.memory_space<vmem>> -> memref<32000xf32, #tpu.memory_space<vmem>>
    %dma_wait3A_540 = arith.constant 0 : i32
    %dma_wait3A_541 = tpu.memref_slice %arg5[%dma_wait3A_537, %add3A_447, %dma_wait3A_540] : memref<1x2048x32000xf32, #tpu.memory_space<hbm>> -> memref<1x1x32000xf32, #tpu.memory_space<hbm>>
    %dma_wait3A_542 = tpu.memref_squeeze %dma_wait3A_541 : memref<1x1x32000xf32, #tpu.memory_space<hbm>> -> memref<32000xf32, #tpu.memory_space<hbm>>
    %dma_wait3A_543 = arith.constant 0 : i32
    %dma_wait3A_544 = tpu.memref_slice %arg5[%dma_wait3A_537, %add3A_447, %dma_wait3A_543] : memref<1x2048x32000xf32, #tpu.memory_space<hbm>> -> memref<1x1x32000xf32, #tpu.memory_space<hbm>>
    %dma_wait3A_545 = tpu.memref_squeeze %dma_wait3A_544 : memref<1x1x32000xf32, #tpu.memory_space<hbm>> -> memref<32000xf32, #tpu.memory_space<hbm>>
    %dma_wait3A_546 = arith.constant 0 : i32
    %dma_wait3A_547 = tpu.memref_slice %arg10[%dma_wait3A_546] : memref<32128xf32, #tpu.memory_space<vmem>> -> memref<32000xf32, #tpu.memory_space<vmem>>
    tpu.wait_dma2 semaphore(%arg13 : memref<!tpu.dma_semaphore, #tpu.memory_space<semaphore_mem>>) src(%dma_wait3A_547 : memref<32000xf32, #tpu.memory_space<vmem>>) dst(%dma_wait3A_545 : memref<32000xf32, #tpu.memory_space<hbm>>)
    %broadcast_in_dim3A_548 = arith.constant 10 : i32
    %broadcast_in_dim3A_549 = vector.broadcast %broadcast_in_dim3A_548 : i32 to vector<16xi32>
    %add3A_550 = vector.broadcast %mul3A_36 : i32 to vector<16xi32>
    %add3A_551 = arith.addi %broadcast_in_dim3A_549, %add3A_550 : vector<16xi32>
    %gather3A_552 = tpu.vector_load_idx %arg6[%iota3A, %add3A_551] : memref<16x128xi32, #tpu.memory_space<vmem>>[vector<16xi32>, vector<16xi32>], vector<16xi32>,
    tpu.vector_store_idx %arg10[%gather3A_552], %broadcast_in_dim3A_48 : memref<32128xf32, #tpu.memory_space<vmem>>[vector<16xi32>], vector<16xf32>,
    %broadcast_in_dim3A_553 = arith.constant 13 : i32
    %broadcast_in_dim3A_554 = vector.broadcast %broadcast_in_dim3A_553 : i32 to vector<16xi32>
    %add3A_555 = vector.broadcast %mul3A_36 : i32 to vector<16xi32>
    %add3A_556 = arith.addi %broadcast_in_dim3A_554, %add3A_555 : vector<16xi32>
    %gather3A_557 = tpu.vector_load_idx %arg6[%iota3A, %add3A_556] : memref<16x128xi32, #tpu.memory_space<vmem>>[vector<16xi32>, vector<16xi32>], vector<16xi32>,
    %gather3A_558 = tpu.vector_load_idx %arg7[%iota3A, %add3A_556] : memref<16x128xf32, #tpu.memory_space<vmem>>[vector<16xi32>, vector<16xi32>], vector<16xf32>,
    %broadcast_in_dim3A_559 = arith.constant 13 : i32
    %broadcast_in_dim3A_560 = vector.broadcast %broadcast_in_dim3A_559 : i32 to vector<16xi32>
    %gather3A_561 = tpu.vector_load_idx %arg8[%broadcast_in_dim3A_560, %broadcast_in_dim3A_50] : memref<64x128xf32, #tpu.memory_space<vmem>>[vector<16xi32>, vector<16xi32>], vector<16xf32>,
    %mul3A_562 = arith.mulf %gather3A_558, %gather3A_561 : vector<16xf32>
    tpu.vector_store_idx %arg10[%gather3A_557], %mul3A_562 : memref<32128xf32, #tpu.memory_space<vmem>>[vector<16xi32>], vector<16xf32>,
    %add3A_563 = arith.constant 13 : i32
    %add3A_564 = arith.addi %mul3A_2, %add3A_563 : i32
    %dma_start3A_565 = arith.constant 0 : i32
    %dma_start3A_566 = arith.constant 0 : i32
    %dma_start3A_567 = tpu.memref_slice %arg10[%dma_start3A_566] : memref<32128xf32, #tpu.memory_space<vmem>> -> memref<32000xf32, #tpu.memory_space<vmem>>
    %dma_start3A_568 = arith.constant 0 : i32
    %dma_start3A_569 = tpu.memref_slice %arg5[%dma_start3A_565, %add3A_564, %dma_start3A_568] : memref<1x2048x32000xf32, #tpu.memory_space<hbm>> -> memref<1x1x32000xf32, #tpu.memory_space<hbm>>
    %dma_start3A_570 = tpu.memref_squeeze %dma_start3A_569 : memref<1x1x32000xf32, #tpu.memory_space<hbm>> -> memref<32000xf32, #tpu.memory_space<hbm>>
    %dma_start3A_571 = arith.constant 0 : i32
    %dma_start3A_572 = tpu.memref_slice %arg5[%dma_start3A_565, %add3A_564, %dma_start3A_571] : memref<1x2048x32000xf32, #tpu.memory_space<hbm>> -> memref<1x1x32000xf32, #tpu.memory_space<hbm>>
    %dma_start3A_573 = tpu.memref_squeeze %dma_start3A_572 : memref<1x1x32000xf32, #tpu.memory_space<hbm>> -> memref<32000xf32, #tpu.memory_space<hbm>>
    %dma_start3A_574 = arith.constant 0 : i32
    %dma_start3A_575 = tpu.memref_slice %arg10[%dma_start3A_574] : memref<32128xf32, #tpu.memory_space<vmem>> -> memref<32000xf32, #tpu.memory_space<vmem>>
    tpu.enqueue_dma source(%dma_start3A_575 : memref<32000xf32, #tpu.memory_space<vmem>>) target(%dma_start3A_573 : memref<32000xf32, #tpu.memory_space<hbm>>) target_semaphore(%arg13 : memref<!tpu.dma_semaphore, #tpu.memory_space<semaphore_mem>>)
    %dma_wait3A_576 = arith.constant 0 : i32
    %dma_wait3A_577 = arith.constant 0 : i32
    %dma_wait3A_578 = tpu.memref_slice %arg11[%dma_wait3A_577] : memref<32128xf32, #tpu.memory_space<vmem>> -> memref<32000xf32, #tpu.memory_space<vmem>>
    %dma_wait3A_579 = arith.constant 0 : i32
    %dma_wait3A_580 = tpu.memref_slice %arg5[%dma_wait3A_576, %add3A_486, %dma_wait3A_579] : memref<1x2048x32000xf32, #tpu.memory_space<hbm>> -> memref<1x1x32000xf32, #tpu.memory_space<hbm>>
    %dma_wait3A_581 = tpu.memref_squeeze %dma_wait3A_580 : memref<1x1x32000xf32, #tpu.memory_space<hbm>> -> memref<32000xf32, #tpu.memory_space<hbm>>
    %dma_wait3A_582 = arith.constant 0 : i32
    %dma_wait3A_583 = tpu.memref_slice %arg5[%dma_wait3A_576, %add3A_486, %dma_wait3A_582] : memref<1x2048x32000xf32, #tpu.memory_space<hbm>> -> memref<1x1x32000xf32, #tpu.memory_space<hbm>>
    %dma_wait3A_584 = tpu.memref_squeeze %dma_wait3A_583 : memref<1x1x32000xf32, #tpu.memory_space<hbm>> -> memref<32000xf32, #tpu.memory_space<hbm>>
    %dma_wait3A_585 = arith.constant 0 : i32
    %dma_wait3A_586 = tpu.memref_slice %arg11[%dma_wait3A_585] : memref<32128xf32, #tpu.memory_space<vmem>> -> memref<32000xf32, #tpu.memory_space<vmem>>
    tpu.wait_dma2 semaphore(%arg14 : memref<!tpu.dma_semaphore, #tpu.memory_space<semaphore_mem>>) src(%dma_wait3A_586 : memref<32000xf32, #tpu.memory_space<vmem>>) dst(%dma_wait3A_584 : memref<32000xf32, #tpu.memory_space<hbm>>)
    %broadcast_in_dim3A_587 = arith.constant 11 : i32
    %broadcast_in_dim3A_588 = vector.broadcast %broadcast_in_dim3A_587 : i32 to vector<16xi32>
    %add3A_589 = vector.broadcast %mul3A_36 : i32 to vector<16xi32>
    %add3A_590 = arith.addi %broadcast_in_dim3A_588, %add3A_589 : vector<16xi32>
    %gather3A_591 = tpu.vector_load_idx %arg6[%iota3A, %add3A_590] : memref<16x128xi32, #tpu.memory_space<vmem>>[vector<16xi32>, vector<16xi32>], vector<16xi32>,
    tpu.vector_store_idx %arg11[%gather3A_591], %broadcast_in_dim3A_48 : memref<32128xf32, #tpu.memory_space<vmem>>[vector<16xi32>], vector<16xf32>,
    %broadcast_in_dim3A_592 = arith.constant 14 : i32
    %broadcast_in_dim3A_593 = vector.broadcast %broadcast_in_dim3A_592 : i32 to vector<16xi32>
    %add3A_594 = vector.broadcast %mul3A_36 : i32 to vector<16xi32>
    %add3A_595 = arith.addi %broadcast_in_dim3A_593, %add3A_594 : vector<16xi32>
    %gather3A_596 = tpu.vector_load_idx %arg6[%iota3A, %add3A_595] : memref<16x128xi32, #tpu.memory_space<vmem>>[vector<16xi32>, vector<16xi32>], vector<16xi32>,
    %gather3A_597 = tpu.vector_load_idx %arg7[%iota3A, %add3A_595] : memref<16x128xf32, #tpu.memory_space<vmem>>[vector<16xi32>, vector<16xi32>], vector<16xf32>,
    %broadcast_in_dim3A_598 = arith.constant 14 : i32
    %broadcast_in_dim3A_599 = vector.broadcast %broadcast_in_dim3A_598 : i32 to vector<16xi32>
    %gather3A_600 = tpu.vector_load_idx %arg8[%broadcast_in_dim3A_599, %broadcast_in_dim3A_50] : memref<64x128xf32, #tpu.memory_space<vmem>>[vector<16xi32>, vector<16xi32>], vector<16xf32>,
    %mul3A_601 = arith.mulf %gather3A_597, %gather3A_600 : vector<16xf32>
    tpu.vector_store_idx %arg11[%gather3A_596], %mul3A_601 : memref<32128xf32, #tpu.memory_space<vmem>>[vector<16xi32>], vector<16xf32>,
    %add3A_602 = arith.constant 14 : i32
    %add3A_603 = arith.addi %mul3A_2, %add3A_602 : i32
    %dma_start3A_604 = arith.constant 0 : i32
    %dma_start3A_605 = arith.constant 0 : i32
    %dma_start3A_606 = tpu.memref_slice %arg11[%dma_start3A_605] : memref<32128xf32, #tpu.memory_space<vmem>> -> memref<32000xf32, #tpu.memory_space<vmem>>
    %dma_start3A_607 = arith.constant 0 : i32
    %dma_start3A_608 = tpu.memref_slice %arg5[%dma_start3A_604, %add3A_603, %dma_start3A_607] : memref<1x2048x32000xf32, #tpu.memory_space<hbm>> -> memref<1x1x32000xf32, #tpu.memory_space<hbm>>
    %dma_start3A_609 = tpu.memref_squeeze %dma_start3A_608 : memref<1x1x32000xf32, #tpu.memory_space<hbm>> -> memref<32000xf32, #tpu.memory_space<hbm>>
    %dma_start3A_610 = arith.constant 0 : i32
    %dma_start3A_611 = tpu.memref_slice %arg5[%dma_start3A_604, %add3A_603, %dma_start3A_610] : memref<1x2048x32000xf32, #tpu.memory_space<hbm>> -> memref<1x1x32000xf32, #tpu.memory_space<hbm>>
    %dma_start3A_612 = tpu.memref_squeeze %dma_start3A_611 : memref<1x1x32000xf32, #tpu.memory_space<hbm>> -> memref<32000xf32, #tpu.memory_space<hbm>>
    %dma_start3A_613 = arith.constant 0 : i32
    %dma_start3A_614 = tpu.memref_slice %arg11[%dma_start3A_613] : memref<32128xf32, #tpu.memory_space<vmem>> -> memref<32000xf32, #tpu.memory_space<vmem>>
    tpu.enqueue_dma source(%dma_start3A_614 : memref<32000xf32, #tpu.memory_space<vmem>>) target(%dma_start3A_612 : memref<32000xf32, #tpu.memory_space<hbm>>) target_semaphore(%arg14 : memref<!tpu.dma_semaphore, #tpu.memory_space<semaphore_mem>>)
    %dma_wait3A_615 = arith.constant 0 : i32
    %dma_wait3A_616 = arith.constant 0 : i32
    %dma_wait3A_617 = tpu.memref_slice %arg9[%dma_wait3A_616] : memref<32128xf32, #tpu.memory_space<vmem>> -> memref<32000xf32, #tpu.memory_space<vmem>>
    %dma_wait3A_618 = arith.constant 0 : i32
    %dma_wait3A_619 = tpu.memref_slice %arg5[%dma_wait3A_615, %add3A_525, %dma_wait3A_618] : memref<1x2048x32000xf32, #tpu.memory_space<hbm>> -> memref<1x1x32000xf32, #tpu.memory_space<hbm>>
    %dma_wait3A_620 = tpu.memref_squeeze %dma_wait3A_619 : memref<1x1x32000xf32, #tpu.memory_space<hbm>> -> memref<32000xf32, #tpu.memory_space<hbm>>
    %dma_wait3A_621 = arith.constant 0 : i32
    %dma_wait3A_622 = tpu.memref_slice %arg5[%dma_wait3A_615, %add3A_525, %dma_wait3A_621] : memref<1x2048x32000xf32, #tpu.memory_space<hbm>> -> memref<1x1x32000xf32, #tpu.memory_space<hbm>>
    %dma_wait3A_623 = tpu.memref_squeeze %dma_wait3A_622 : memref<1x1x32000xf32, #tpu.memory_space<hbm>> -> memref<32000xf32, #tpu.memory_space<hbm>>
    %dma_wait3A_624 = arith.constant 0 : i32
    %dma_wait3A_625 = tpu.memref_slice %arg9[%dma_wait3A_624] : memref<32128xf32, #tpu.memory_space<vmem>> -> memref<32000xf32, #tpu.memory_space<vmem>>
    tpu.wait_dma2 semaphore(%arg12 : memref<!tpu.dma_semaphore, #tpu.memory_space<semaphore_mem>>) src(%dma_wait3A_625 : memref<32000xf32, #tpu.memory_space<vmem>>) dst(%dma_wait3A_623 : memref<32000xf32, #tpu.memory_space<hbm>>)
    %broadcast_in_dim3A_626 = arith.constant 12 : i32
    %broadcast_in_dim3A_627 = vector.broadcast %broadcast_in_dim3A_626 : i32 to vector<16xi32>
    %add3A_628 = vector.broadcast %mul3A_36 : i32 to vector<16xi32>
    %add3A_629 = arith.addi %broadcast_in_dim3A_627, %add3A_628 : vector<16xi32>
    %gather3A_630 = tpu.vector_load_idx %arg6[%iota3A, %add3A_629] : memref<16x128xi32, #tpu.memory_space<vmem>>[vector<16xi32>, vector<16xi32>], vector<16xi32>,
    tpu.vector_store_idx %arg9[%gather3A_630], %broadcast_in_dim3A_48 : memref<32128xf32, #tpu.memory_space<vmem>>[vector<16xi32>], vector<16xf32>,
    %broadcast_in_dim3A_631 = arith.constant 15 : i32
    %broadcast_in_dim3A_632 = vector.broadcast %broadcast_in_dim3A_631 : i32 to vector<16xi32>
    %add3A_633 = vector.broadcast %mul3A_36 : i32 to vector<16xi32>
    %add3A_634 = arith.addi %broadcast_in_dim3A_632, %add3A_633 : vector<16xi32>
    %gather3A_635 = tpu.vector_load_idx %arg6[%iota3A, %add3A_634] : memref<16x128xi32, #tpu.memory_space<vmem>>[vector<16xi32>, vector<16xi32>], vector<16xi32>,
    %gather3A_636 = tpu.vector_load_idx %arg7[%iota3A, %add3A_634] : memref<16x128xf32, #tpu.memory_space<vmem>>[vector<16xi32>, vector<16xi32>], vector<16xf32>,
    %broadcast_in_dim3A_637 = arith.constant 15 : i32
    %broadcast_in_dim3A_638 = vector.broadcast %broadcast_in_dim3A_637 : i32 to vector<16xi32>
    %gather3A_639 = tpu.vector_load_idx %arg8[%broadcast_in_dim3A_638, %broadcast_in_dim3A_50] : memref<64x128xf32, #tpu.memory_space<vmem>>[vector<16xi32>, vector<16xi32>], vector<16xf32>,
    %mul3A_640 = arith.mulf %gather3A_636, %gather3A_639 : vector<16xf32>
    tpu.vector_store_idx %arg9[%gather3A_635], %mul3A_640 : memref<32128xf32, #tpu.memory_space<vmem>>[vector<16xi32>], vector<16xf32>,
    %add3A_641 = arith.constant 15 : i32
    %add3A_642 = arith.addi %mul3A_2, %add3A_641 : i32
    %dma_start3A_643 = arith.constant 0 : i32
    %dma_start3A_644 = arith.constant 0 : i32
    %dma_start3A_645 = tpu.memref_slice %arg9[%dma_start3A_644] : memref<32128xf32, #tpu.memory_space<vmem>> -> memref<32000xf32, #tpu.memory_space<vmem>>
    %dma_start3A_646 = arith.constant 0 : i32
    %dma_start3A_647 = tpu.memref_slice %arg5[%dma_start3A_643, %add3A_642, %dma_start3A_646] : memref<1x2048x32000xf32, #tpu.memory_space<hbm>> -> memref<1x1x32000xf32, #tpu.memory_space<hbm>>
    %dma_start3A_648 = tpu.memref_squeeze %dma_start3A_647 : memref<1x1x32000xf32, #tpu.memory_space<hbm>> -> memref<32000xf32, #tpu.memory_space<hbm>>
    %dma_start3A_649 = arith.constant 0 : i32
    %dma_start3A_650 = tpu.memref_slice %arg5[%dma_start3A_643, %add3A_642, %dma_start3A_649] : memref<1x2048x32000xf32, #tpu.memory_space<hbm>> -> memref<1x1x32000xf32, #tpu.memory_space<hbm>>
    %dma_start3A_651 = tpu.memref_squeeze %dma_start3A_650 : memref<1x1x32000xf32, #tpu.memory_space<hbm>> -> memref<32000xf32, #tpu.memory_space<hbm>>
    %dma_start3A_652 = arith.constant 0 : i32
    %dma_start3A_653 = tpu.memref_slice %arg9[%dma_start3A_652] : memref<32128xf32, #tpu.memory_space<vmem>> -> memref<32000xf32, #tpu.memory_space<vmem>>
    tpu.enqueue_dma source(%dma_start3A_653 : memref<32000xf32, #tpu.memory_space<vmem>>) target(%dma_start3A_651 : memref<32000xf32, #tpu.memory_space<hbm>>) target_semaphore(%arg12 : memref<!tpu.dma_semaphore, #tpu.memory_space<semaphore_mem>>)
    %dma_wait3A_654 = arith.constant 0 : i32
    %dma_wait3A_655 = arith.constant 0 : i32
    %dma_wait3A_656 = tpu.memref_slice %arg10[%dma_wait3A_655] : memref<32128xf32, #tpu.memory_space<vmem>> -> memref<32000xf32, #tpu.memory_space<vmem>>
    %dma_wait3A_657 = arith.constant 0 : i32
    %dma_wait3A_658 = tpu.memref_slice %arg5[%dma_wait3A_654, %add3A_564, %dma_wait3A_657] : memref<1x2048x32000xf32, #tpu.memory_space<hbm>> -> memref<1x1x32000xf32, #tpu.memory_space<hbm>>
    %dma_wait3A_659 = tpu.memref_squeeze %dma_wait3A_658 : memref<1x1x32000xf32, #tpu.memory_space<hbm>> -> memref<32000xf32, #tpu.memory_space<hbm>>
    %dma_wait3A_660 = arith.constant 0 : i32
    %dma_wait3A_661 = tpu.memref_slice %arg5[%dma_wait3A_654, %add3A_564, %dma_wait3A_660] : memref<1x2048x32000xf32, #tpu.memory_space<hbm>> -> memref<1x1x32000xf32, #tpu.memory_space<hbm>>
    %dma_wait3A_662 = tpu.memref_squeeze %dma_wait3A_661 : memref<1x1x32000xf32, #tpu.memory_space<hbm>> -> memref<32000xf32, #tpu.memory_space<hbm>>
    %dma_wait3A_663 = arith.constant 0 : i32
    %dma_wait3A_664 = tpu.memref_slice %arg10[%dma_wait3A_663] : memref<32128xf32, #tpu.memory_space<vmem>> -> memref<32000xf32, #tpu.memory_space<vmem>>
    tpu.wait_dma2 semaphore(%arg13 : memref<!tpu.dma_semaphore, #tpu.memory_space<semaphore_mem>>) src(%dma_wait3A_664 : memref<32000xf32, #tpu.memory_space<vmem>>) dst(%dma_wait3A_662 : memref<32000xf32, #tpu.memory_space<hbm>>)
    %broadcast_in_dim3A_665 = arith.constant 13 : i32
    %broadcast_in_dim3A_666 = vector.broadcast %broadcast_in_dim3A_665 : i32 to vector<16xi32>
    %add3A_667 = vector.broadcast %mul3A_36 : i32 to vector<16xi32>
    %add3A_668 = arith.addi %broadcast_in_dim3A_666, %add3A_667 : vector<16xi32>
    %gather3A_669 = tpu.vector_load_idx %arg6[%iota3A, %add3A_668] : memref<16x128xi32, #tpu.memory_space<vmem>>[vector<16xi32>, vector<16xi32>], vector<16xi32>,
    tpu.vector_store_idx %arg10[%gather3A_669], %broadcast_in_dim3A_48 : memref<32128xf32, #tpu.memory_space<vmem>>[vector<16xi32>], vector<16xf32>,
    %broadcast_in_dim3A_670 = arith.constant 16 : i32
    %broadcast_in_dim3A_671 = vector.broadcast %broadcast_in_dim3A_670 : i32 to vector<16xi32>
    %add3A_672 = vector.broadcast %mul3A_36 : i32 to vector<16xi32>
    %add3A_673 = arith.addi %broadcast_in_dim3A_671, %add3A_672 : vector<16xi32>
    %gather3A_674 = tpu.vector_load_idx %arg6[%iota3A, %add3A_673] : memref<16x128xi32, #tpu.memory_space<vmem>>[vector<16xi32>, vector<16xi32>], vector<16xi32>,
    %gather3A_675 = tpu.vector_load_idx %arg7[%iota3A, %add3A_673] : memref<16x128xf32, #tpu.memory_space<vmem>>[vector<16xi32>, vector<16xi32>], vector<16xf32>,
    %broadcast_in_dim3A_676 = arith.constant 16 : i32
    %broadcast_in_dim3A_677 = vector.broadcast %broadcast_in_dim3A_676 : i32 to vector<16xi32>
    %gather3A_678 = tpu.vector_load_idx %arg8[%broadcast_in_dim3A_677, %broadcast_in_dim3A_50] : memref<64x128xf32, #tpu.memory_space<vmem>>[vector<16xi32>, vector<16xi32>], vector<16xf32>,
    %mul3A_679 = arith.mulf %gather3A_675, %gather3A_678 : vector<16xf32>
    tpu.vector_store_idx %arg10[%gather3A_674], %mul3A_679 : memref<32128xf32, #tpu.memory_space<vmem>>[vector<16xi32>], vector<16xf32>,
    %add3A_680 = arith.constant 16 : i32
    %add3A_681 = arith.addi %mul3A_2, %add3A_680 : i32
    %dma_start3A_682 = arith.constant 0 : i32
    %dma_start3A_683 = arith.constant 0 : i32
    %dma_start3A_684 = tpu.memref_slice %arg10[%dma_start3A_683] : memref<32128xf32, #tpu.memory_space<vmem>> -> memref<32000xf32, #tpu.memory_space<vmem>>
    %dma_start3A_685 = arith.constant 0 : i32
    %dma_start3A_686 = tpu.memref_slice %arg5[%dma_start3A_682, %add3A_681, %dma_start3A_685] : memref<1x2048x32000xf32, #tpu.memory_space<hbm>> -> memref<1x1x32000xf32, #tpu.memory_space<hbm>>
    %dma_start3A_687 = tpu.memref_squeeze %dma_start3A_686 : memref<1x1x32000xf32, #tpu.memory_space<hbm>> -> memref<32000xf32, #tpu.memory_space<hbm>>
    %dma_start3A_688 = arith.constant 0 : i32
    %dma_start3A_689 = tpu.memref_slice %arg5[%dma_start3A_682, %add3A_681, %dma_start3A_688] : memref<1x2048x32000xf32, #tpu.memory_space<hbm>> -> memref<1x1x32000xf32, #tpu.memory_space<hbm>>
    %dma_start3A_690 = tpu.memref_squeeze %dma_start3A_689 : memref<1x1x32000xf32, #tpu.memory_space<hbm>> -> memref<32000xf32, #tpu.memory_space<hbm>>
    %dma_start3A_691 = arith.constant 0 : i32
    %dma_start3A_692 = tpu.memref_slice %arg10[%dma_start3A_691] : memref<32128xf32, #tpu.memory_space<vmem>> -> memref<32000xf32, #tpu.memory_space<vmem>>
    tpu.enqueue_dma source(%dma_start3A_692 : memref<32000xf32, #tpu.memory_space<vmem>>) target(%dma_start3A_690 : memref<32000xf32, #tpu.memory_space<hbm>>) target_semaphore(%arg13 : memref<!tpu.dma_semaphore, #tpu.memory_space<semaphore_mem>>)
    %dma_wait3A_693 = arith.constant 0 : i32
    %dma_wait3A_694 = arith.constant 0 : i32
    %dma_wait3A_695 = tpu.memref_slice %arg11[%dma_wait3A_694] : memref<32128xf32, #tpu.memory_space<vmem>> -> memref<32000xf32, #tpu.memory_space<vmem>>
    %dma_wait3A_696 = arith.constant 0 : i32
    %dma_wait3A_697 = tpu.memref_slice %arg5[%dma_wait3A_693, %add3A_603, %dma_wait3A_696] : memref<1x2048x32000xf32, #tpu.memory_space<hbm>> -> memref<1x1x32000xf32, #tpu.memory_space<hbm>>
    %dma_wait3A_698 = tpu.memref_squeeze %dma_wait3A_697 : memref<1x1x32000xf32, #tpu.memory_space<hbm>> -> memref<32000xf32, #tpu.memory_space<hbm>>
    %dma_wait3A_699 = arith.constant 0 : i32
    %dma_wait3A_700 = tpu.memref_slice %arg5[%dma_wait3A_693, %add3A_603, %dma_wait3A_699] : memref<1x2048x32000xf32, #tpu.memory_space<hbm>> -> memref<1x1x32000xf32, #tpu.memory_space<hbm>>
    %dma_wait3A_701 = tpu.memref_squeeze %dma_wait3A_700 : memref<1x1x32000xf32, #tpu.memory_space<hbm>> -> memref<32000xf32, #tpu.memory_space<hbm>>
    %dma_wait3A_702 = arith.constant 0 : i32
    %dma_wait3A_703 = tpu.memref_slice %arg11[%dma_wait3A_702] : memref<32128xf32, #tpu.memory_space<vmem>> -> memref<32000xf32, #tpu.memory_space<vmem>>
    tpu.wait_dma2 semaphore(%arg14 : memref<!tpu.dma_semaphore, #tpu.memory_space<semaphore_mem>>) src(%dma_wait3A_703 : memref<32000xf32, #tpu.memory_space<vmem>>) dst(%dma_wait3A_701 : memref<32000xf32, #tpu.memory_space<hbm>>)
    %broadcast_in_dim3A_704 = arith.constant 14 : i32
    %broadcast_in_dim3A_705 = vector.broadcast %broadcast_in_dim3A_704 : i32 to vector<16xi32>
    %add3A_706 = vector.broadcast %mul3A_36 : i32 to vector<16xi32>
    %add3A_707 = arith.addi %broadcast_in_dim3A_705, %add3A_706 : vector<16xi32>
    %gather3A_708 = tpu.vector_load_idx %arg6[%iota3A, %add3A_707] : memref<16x128xi32, #tpu.memory_space<vmem>>[vector<16xi32>, vector<16xi32>], vector<16xi32>,
    tpu.vector_store_idx %arg11[%gather3A_708], %broadcast_in_dim3A_48 : memref<32128xf32, #tpu.memory_space<vmem>>[vector<16xi32>], vector<16xf32>,
    %broadcast_in_dim3A_709 = arith.constant 17 : i32
    %broadcast_in_dim3A_710 = vector.broadcast %broadcast_in_dim3A_709 : i32 to vector<16xi32>
    %add3A_711 = vector.broadcast %mul3A_36 : i32 to vector<16xi32>
    %add3A_712 = arith.addi %broadcast_in_dim3A_710, %add3A_711 : vector<16xi32>
    %gather3A_713 = tpu.vector_load_idx %arg6[%iota3A, %add3A_712] : memref<16x128xi32, #tpu.memory_space<vmem>>[vector<16xi32>, vector<16xi32>], vector<16xi32>,
    %gather3A_714 = tpu.vector_load_idx %arg7[%iota3A, %add3A_712] : memref<16x128xf32, #tpu.memory_space<vmem>>[vector<16xi32>, vector<16xi32>], vector<16xf32>,
    %broadcast_in_dim3A_715 = arith.constant 17 : i32
    %broadcast_in_dim3A_716 = vector.broadcast %broadcast_in_dim3A_715 : i32 to vector<16xi32>
    %gather3A_717 = tpu.vector_load_idx %arg8[%broadcast_in_dim3A_716, %broadcast_in_dim3A_50] : memref<64x128xf32, #tpu.memory_space<vmem>>[vector<16xi32>, vector<16xi32>], vector<16xf32>,
    %mul3A_718 = arith.mulf %gather3A_714, %gather3A_717 : vector<16xf32>
    tpu.vector_store_idx %arg11[%gather3A_713], %mul3A_718 : memref<32128xf32, #tpu.memory_space<vmem>>[vector<16xi32>], vector<16xf32>,
    %add3A_719 = arith.constant 17 : i32
    %add3A_720 = arith.addi %mul3A_2, %add3A_719 : i32
    %dma_start3A_721 = arith.constant 0 : i32
    %dma_start3A_722 = arith.constant 0 : i32
    %dma_start3A_723 = tpu.memref_slice %arg11[%dma_start3A_722] : memref<32128xf32, #tpu.memory_space<vmem>> -> memref<32000xf32, #tpu.memory_space<vmem>>
    %dma_start3A_724 = arith.constant 0 : i32
    %dma_start3A_725 = tpu.memref_slice %arg5[%dma_start3A_721, %add3A_720, %dma_start3A_724] : memref<1x2048x32000xf32, #tpu.memory_space<hbm>> -> memref<1x1x32000xf32, #tpu.memory_space<hbm>>
    %dma_start3A_726 = tpu.memref_squeeze %dma_start3A_725 : memref<1x1x32000xf32, #tpu.memory_space<hbm>> -> memref<32000xf32, #tpu.memory_space<hbm>>
    %dma_start3A_727 = arith.constant 0 : i32
    %dma_start3A_728 = tpu.memref_slice %arg5[%dma_start3A_721, %add3A_720, %dma_start3A_727] : memref<1x2048x32000xf32, #tpu.memory_space<hbm>> -> memref<1x1x32000xf32, #tpu.memory_space<hbm>>
    %dma_start3A_729 = tpu.memref_squeeze %dma_start3A_728 : memref<1x1x32000xf32, #tpu.memory_space<hbm>> -> memref<32000xf32, #tpu.memory_space<hbm>>
    %dma_start3A_730 = arith.constant 0 : i32
    %dma_start3A_731 = tpu.memref_slice %arg11[%dma_start3A_730] : memref<32128xf32, #tpu.memory_space<vmem>> -> memref<32000xf32, #tpu.memory_space<vmem>>
    tpu.enqueue_dma source(%dma_start3A_731 : memref<32000xf32, #tpu.memory_space<vmem>>) target(%dma_start3A_729 : memref<32000xf32, #tpu.memory_space<hbm>>) target_semaphore(%arg14 : memref<!tpu.dma_semaphore, #tpu.memory_space<semaphore_mem>>)
    %dma_wait3A_732 = arith.constant 0 : i32
    %dma_wait3A_733 = arith.constant 0 : i32
    %dma_wait3A_734 = tpu.memref_slice %arg9[%dma_wait3A_733] : memref<32128xf32, #tpu.memory_space<vmem>> -> memref<32000xf32, #tpu.memory_space<vmem>>
    %dma_wait3A_735 = arith.constant 0 : i32
    %dma_wait3A_736 = tpu.memref_slice %arg5[%dma_wait3A_732, %add3A_642, %dma_wait3A_735] : memref<1x2048x32000xf32, #tpu.memory_space<hbm>> -> memref<1x1x32000xf32, #tpu.memory_space<hbm>>
    %dma_wait3A_737 = tpu.memref_squeeze %dma_wait3A_736 : memref<1x1x32000xf32, #tpu.memory_space<hbm>> -> memref<32000xf32, #tpu.memory_space<hbm>>
    %dma_wait3A_738 = arith.constant 0 : i32
    %dma_wait3A_739 = tpu.memref_slice %arg5[%dma_wait3A_732, %add3A_642, %dma_wait3A_738] : memref<1x2048x32000xf32, #tpu.memory_space<hbm>> -> memref<1x1x32000xf32, #tpu.memory_space<hbm>>
    %dma_wait3A_740 = tpu.memref_squeeze %dma_wait3A_739 : memref<1x1x32000xf32, #tpu.memory_space<hbm>> -> memref<32000xf32, #tpu.memory_space<hbm>>
    %dma_wait3A_741 = arith.constant 0 : i32
    %dma_wait3A_742 = tpu.memref_slice %arg9[%dma_wait3A_741] : memref<32128xf32, #tpu.memory_space<vmem>> -> memref<32000xf32, #tpu.memory_space<vmem>>
    tpu.wait_dma2 semaphore(%arg12 : memref<!tpu.dma_semaphore, #tpu.memory_space<semaphore_mem>>) src(%dma_wait3A_742 : memref<32000xf32, #tpu.memory_space<vmem>>) dst(%dma_wait3A_740 : memref<32000xf32, #tpu.memory_space<hbm>>)
    %broadcast_in_dim3A_743 = arith.constant 15 : i32
    %broadcast_in_dim3A_744 = vector.broadcast %broadcast_in_dim3A_743 : i32 to vector<16xi32>
    %add3A_745 = vector.broadcast %mul3A_36 : i32 to vector<16xi32>
    %add3A_746 = arith.addi %broadcast_in_dim3A_744, %add3A_745 : vector<16xi32>
    %gather3A_747 = tpu.vector_load_idx %arg6[%iota3A, %add3A_746] : memref<16x128xi32, #tpu.memory_space<vmem>>[vector<16xi32>, vector<16xi32>], vector<16xi32>,
    tpu.vector_store_idx %arg9[%gather3A_747], %broadcast_in_dim3A_48 : memref<32128xf32, #tpu.memory_space<vmem>>[vector<16xi32>], vector<16xf32>,
    %broadcast_in_dim3A_748 = arith.constant 18 : i32
    %broadcast_in_dim3A_749 = vector.broadcast %broadcast_in_dim3A_748 : i32 to vector<16xi32>
    %add3A_750 = vector.broadcast %mul3A_36 : i32 to vector<16xi32>
    %add3A_751 = arith.addi %broadcast_in_dim3A_749, %add3A_750 : vector<16xi32>
    %gather3A_752 = tpu.vector_load_idx %arg6[%iota3A, %add3A_751] : memref<16x128xi32, #tpu.memory_space<vmem>>[vector<16xi32>, vector<16xi32>], vector<16xi32>,
    %gather3A_753 = tpu.vector_load_idx %arg7[%iota3A, %add3A_751] : memref<16x128xf32, #tpu.memory_space<vmem>>[vector<16xi32>, vector<16xi32>], vector<16xf32>,
    %broadcast_in_dim3A_754 = arith.constant 18 : i32
    %broadcast_in_dim3A_755 = vector.broadcast %broadcast_in_dim3A_754 : i32 to vector<16xi32>
    %gather3A_756 = tpu.vector_load_idx %arg8[%broadcast_in_dim3A_755, %broadcast_in_dim3A_50] : memref<64x128xf32, #tpu.memory_space<vmem>>[vector<16xi32>, vector<16xi32>], vector<16xf32>,
    %mul3A_757 = arith.mulf %gather3A_753, %gather3A_756 : vector<16xf32>
    tpu.vector_store_idx %arg9[%gather3A_752], %mul3A_757 : memref<32128xf32, #tpu.memory_space<vmem>>[vector<16xi32>], vector<16xf32>,
    %add3A_758 = arith.constant 18 : i32
    %add3A_759 = arith.addi %mul3A_2, %add3A_758 : i32
    %dma_start3A_760 = arith.constant 0 : i32
    %dma_start3A_761 = arith.constant 0 : i32
    %dma_start3A_762 = tpu.memref_slice %arg9[%dma_start3A_761] : memref<32128xf32, #tpu.memory_space<vmem>> -> memref<32000xf32, #tpu.memory_space<vmem>>
    %dma_start3A_763 = arith.constant 0 : i32
    %dma_start3A_764 = tpu.memref_slice %arg5[%dma_start3A_760, %add3A_759, %dma_start3A_763] : memref<1x2048x32000xf32, #tpu.memory_space<hbm>> -> memref<1x1x32000xf32, #tpu.memory_space<hbm>>
    %dma_start3A_765 = tpu.memref_squeeze %dma_start3A_764 : memref<1x1x32000xf32, #tpu.memory_space<hbm>> -> memref<32000xf32, #tpu.memory_space<hbm>>
    %dma_start3A_766 = arith.constant 0 : i32
    %dma_start3A_767 = tpu.memref_slice %arg5[%dma_start3A_760, %add3A_759, %dma_start3A_766] : memref<1x2048x32000xf32, #tpu.memory_space<hbm>> -> memref<1x1x32000xf32, #tpu.memory_space<hbm>>
    %dma_start3A_768 = tpu.memref_squeeze %dma_start3A_767 : memref<1x1x32000xf32, #tpu.memory_space<hbm>> -> memref<32000xf32, #tpu.memory_space<hbm>>
    %dma_start3A_769 = arith.constant 0 : i32
    %dma_start3A_770 = tpu.memref_slice %arg9[%dma_start3A_769] : memref<32128xf32, #tpu.memory_space<vmem>> -> memref<32000xf32, #tpu.memory_space<vmem>>
    tpu.enqueue_dma source(%dma_start3A_770 : memref<32000xf32, #tpu.memory_space<vmem>>) target(%dma_start3A_768 : memref<32000xf32, #tpu.memory_space<hbm>>) target_semaphore(%arg12 : memref<!tpu.dma_semaphore, #tpu.memory_space<semaphore_mem>>)
    %dma_wait3A_771 = arith.constant 0 : i32
    %dma_wait3A_772 = arith.constant 0 : i32
    %dma_wait3A_773 = tpu.memref_slice %arg10[%dma_wait3A_772] : memref<32128xf32, #tpu.memory_space<vmem>> -> memref<32000xf32, #tpu.memory_space<vmem>>
    %dma_wait3A_774 = arith.constant 0 : i32
    %dma_wait3A_775 = tpu.memref_slice %arg5[%dma_wait3A_771, %add3A_681, %dma_wait3A_774] : memref<1x2048x32000xf32, #tpu.memory_space<hbm>> -> memref<1x1x32000xf32, #tpu.memory_space<hbm>>
    %dma_wait3A_776 = tpu.memref_squeeze %dma_wait3A_775 : memref<1x1x32000xf32, #tpu.memory_space<hbm>> -> memref<32000xf32, #tpu.memory_space<hbm>>
    %dma_wait3A_777 = arith.constant 0 : i32
    %dma_wait3A_778 = tpu.memref_slice %arg5[%dma_wait3A_771, %add3A_681, %dma_wait3A_777] : memref<1x2048x32000xf32, #tpu.memory_space<hbm>> -> memref<1x1x32000xf32, #tpu.memory_space<hbm>>
    %dma_wait3A_779 = tpu.memref_squeeze %dma_wait3A_778 : memref<1x1x32000xf32, #tpu.memory_space<hbm>> -> memref<32000xf32, #tpu.memory_space<hbm>>
    %dma_wait3A_780 = arith.constant 0 : i32
    %dma_wait3A_781 = tpu.memref_slice %arg10[%dma_wait3A_780] : memref<32128xf32, #tpu.memory_space<vmem>> -> memref<32000xf32, #tpu.memory_space<vmem>>
    tpu.wait_dma2 semaphore(%arg13 : memref<!tpu.dma_semaphore, #tpu.memory_space<semaphore_mem>>) src(%dma_wait3A_781 : memref<32000xf32, #tpu.memory_space<vmem>>) dst(%dma_wait3A_779 : memref<32000xf32, #tpu.memory_space<hbm>>)
    %broadcast_in_dim3A_782 = arith.constant 16 : i32
    %broadcast_in_dim3A_783 = vector.broadcast %broadcast_in_dim3A_782 : i32 to vector<16xi32>
    %add3A_784 = vector.broadcast %mul3A_36 : i32 to vector<16xi32>
    %add3A_785 = arith.addi %broadcast_in_dim3A_783, %add3A_784 : vector<16xi32>
    %gather3A_786 = tpu.vector_load_idx %arg6[%iota3A, %add3A_785] : memref<16x128xi32, #tpu.memory_space<vmem>>[vector<16xi32>, vector<16xi32>], vector<16xi32>,
    tpu.vector_store_idx %arg10[%gather3A_786], %broadcast_in_dim3A_48 : memref<32128xf32, #tpu.memory_space<vmem>>[vector<16xi32>], vector<16xf32>,
    %broadcast_in_dim3A_787 = arith.constant 19 : i32
    %broadcast_in_dim3A_788 = vector.broadcast %broadcast_in_dim3A_787 : i32 to vector<16xi32>
    %add3A_789 = vector.broadcast %mul3A_36 : i32 to vector<16xi32>
    %add3A_790 = arith.addi %broadcast_in_dim3A_788, %add3A_789 : vector<16xi32>
    %gather3A_791 = tpu.vector_load_idx %arg6[%iota3A, %add3A_790] : memref<16x128xi32, #tpu.memory_space<vmem>>[vector<16xi32>, vector<16xi32>], vector<16xi32>,
    %gather3A_792 = tpu.vector_load_idx %arg7[%iota3A, %add3A_790] : memref<16x128xf32, #tpu.memory_space<vmem>>[vector<16xi32>, vector<16xi32>], vector<16xf32>,
    %broadcast_in_dim3A_793 = arith.constant 19 : i32
    %broadcast_in_dim3A_794 = vector.broadcast %broadcast_in_dim3A_793 : i32 to vector<16xi32>
    %gather3A_795 = tpu.vector_load_idx %arg8[%broadcast_in_dim3A_794, %broadcast_in_dim3A_50] : memref<64x128xf32, #tpu.memory_space<vmem>>[vector<16xi32>, vector<16xi32>], vector<16xf32>,
    %mul3A_796 = arith.mulf %gather3A_792, %gather3A_795 : vector<16xf32>
    tpu.vector_store_idx %arg10[%gather3A_791], %mul3A_796 : memref<32128xf32, #tpu.memory_space<vmem>>[vector<16xi32>], vector<16xf32>,
    %add3A_797 = arith.constant 19 : i32
    %add3A_798 = arith.addi %mul3A_2, %add3A_797 : i32
    %dma_start3A_799 = arith.constant 0 : i32
    %dma_start3A_800 = arith.constant 0 : i32
    %dma_start3A_801 = tpu.memref_slice %arg10[%dma_start3A_800] : memref<32128xf32, #tpu.memory_space<vmem>> -> memref<32000xf32, #tpu.memory_space<vmem>>
    %dma_start3A_802 = arith.constant 0 : i32
    %dma_start3A_803 = tpu.memref_slice %arg5[%dma_start3A_799, %add3A_798, %dma_start3A_802] : memref<1x2048x32000xf32, #tpu.memory_space<hbm>> -> memref<1x1x32000xf32, #tpu.memory_space<hbm>>
    %dma_start3A_804 = tpu.memref_squeeze %dma_start3A_803 : memref<1x1x32000xf32, #tpu.memory_space<hbm>> -> memref<32000xf32, #tpu.memory_space<hbm>>
    %dma_start3A_805 = arith.constant 0 : i32
    %dma_start3A_806 = tpu.memref_slice %arg5[%dma_start3A_799, %add3A_798, %dma_start3A_805] : memref<1x2048x32000xf32, #tpu.memory_space<hbm>> -> memref<1x1x32000xf32, #tpu.memory_space<hbm>>
    %dma_start3A_807 = tpu.memref_squeeze %dma_start3A_806 : memref<1x1x32000xf32, #tpu.memory_space<hbm>> -> memref<32000xf32, #tpu.memory_space<hbm>>
    %dma_start3A_808 = arith.constant 0 : i32
    %dma_start3A_809 = tpu.memref_slice %arg10[%dma_start3A_808] : memref<32128xf32, #tpu.memory_space<vmem>> -> memref<32000xf32, #tpu.memory_space<vmem>>
    tpu.enqueue_dma source(%dma_start3A_809 : memref<32000xf32, #tpu.memory_space<vmem>>) target(%dma_start3A_807 : memref<32000xf32, #tpu.memory_space<hbm>>) target_semaphore(%arg13 : memref<!tpu.dma_semaphore, #tpu.memory_space<semaphore_mem>>)
    %dma_wait3A_810 = arith.constant 0 : i32
    %dma_wait3A_811 = arith.constant 0 : i32
    %dma_wait3A_812 = tpu.memref_slice %arg11[%dma_wait3A_811] : memref<32128xf32, #tpu.memory_space<vmem>> -> memref<32000xf32, #tpu.memory_space<vmem>>
    %dma_wait3A_813 = arith.constant 0 : i32
    %dma_wait3A_814 = tpu.memref_slice %arg5[%dma_wait3A_810, %add3A_720, %dma_wait3A_813] : memref<1x2048x32000xf32, #tpu.memory_space<hbm>> -> memref<1x1x32000xf32, #tpu.memory_space<hbm>>
    %dma_wait3A_815 = tpu.memref_squeeze %dma_wait3A_814 : memref<1x1x32000xf32, #tpu.memory_space<hbm>> -> memref<32000xf32, #tpu.memory_space<hbm>>
    %dma_wait3A_816 = arith.constant 0 : i32
    %dma_wait3A_817 = tpu.memref_slice %arg5[%dma_wait3A_810, %add3A_720, %dma_wait3A_816] : memref<1x2048x32000xf32, #tpu.memory_space<hbm>> -> memref<1x1x32000xf32, #tpu.memory_space<hbm>>
    %dma_wait3A_818 = tpu.memref_squeeze %dma_wait3A_817 : memref<1x1x32000xf32, #tpu.memory_space<hbm>> -> memref<32000xf32, #tpu.memory_space<hbm>>
    %dma_wait3A_819 = arith.constant 0 : i32
    %dma_wait3A_820 = tpu.memref_slice %arg11[%dma_wait3A_819] : memref<32128xf32, #tpu.memory_space<vmem>> -> memref<32000xf32, #tpu.memory_space<vmem>>
    tpu.wait_dma2 semaphore(%arg14 : memref<!tpu.dma_semaphore, #tpu.memory_space<semaphore_mem>>) src(%dma_wait3A_820 : memref<32000xf32, #tpu.memory_space<vmem>>) dst(%dma_wait3A_818 : memref<32000xf32, #tpu.memory_space<hbm>>)
    %broadcast_in_dim3A_821 = arith.constant 17 : i32
    %broadcast_in_dim3A_822 = vector.broadcast %broadcast_in_dim3A_821 : i32 to vector<16xi32>
    %add3A_823 = vector.broadcast %mul3A_36 : i32 to vector<16xi32>
    %add3A_824 = arith.addi %broadcast_in_dim3A_822, %add3A_823 : vector<16xi32>
    %gather3A_825 = tpu.vector_load_idx %arg6[%iota3A, %add3A_824] : memref<16x128xi32, #tpu.memory_space<vmem>>[vector<16xi32>, vector<16xi32>], vector<16xi32>,
    tpu.vector_store_idx %arg11[%gather3A_825], %broadcast_in_dim3A_48 : memref<32128xf32, #tpu.memory_space<vmem>>[vector<16xi32>], vector<16xf32>,
    %broadcast_in_dim3A_826 = arith.constant 20 : i32
    %broadcast_in_dim3A_827 = vector.broadcast %broadcast_in_dim3A_826 : i32 to vector<16xi32>
    %add3A_828 = vector.broadcast %mul3A_36 : i32 to vector<16xi32>
    %add3A_829 = arith.addi %broadcast_in_dim3A_827, %add3A_828 : vector<16xi32>
    %gather3A_830 = tpu.vector_load_idx %arg6[%iota3A, %add3A_829] : memref<16x128xi32, #tpu.memory_space<vmem>>[vector<16xi32>, vector<16xi32>], vector<16xi32>,
    %gather3A_831 = tpu.vector_load_idx %arg7[%iota3A, %add3A_829] : memref<16x128xf32, #tpu.memory_space<vmem>>[vector<16xi32>, vector<16xi32>], vector<16xf32>,
    %broadcast_in_dim3A_832 = arith.constant 20 : i32
    %broadcast_in_dim3A_833 = vector.broadcast %broadcast_in_dim3A_832 : i32 to vector<16xi32>
    %gather3A_834 = tpu.vector_load_idx %arg8[%broadcast_in_dim3A_833, %broadcast_in_dim3A_50] : memref<64x128xf32, #tpu.memory_space<vmem>>[vector<16xi32>, vector<16xi32>], vector<16xf32>,
    %mul3A_835 = arith.mulf %gather3A_831, %gather3A_834 : vector<16xf32>
    tpu.vector_store_idx %arg11[%gather3A_830], %mul3A_835 : memref<32128xf32, #tpu.memory_space<vmem>>[vector<16xi32>], vector<16xf32>,
    %add3A_836 = arith.constant 20 : i32
    %add3A_837 = arith.addi %mul3A_2, %add3A_836 : i32
    %dma_start3A_838 = arith.constant 0 : i32
    %dma_start3A_839 = arith.constant 0 : i32
    %dma_start3A_840 = tpu.memref_slice %arg11[%dma_start3A_839] : memref<32128xf32, #tpu.memory_space<vmem>> -> memref<32000xf32, #tpu.memory_space<vmem>>
    %dma_start3A_841 = arith.constant 0 : i32
    %dma_start3A_842 = tpu.memref_slice %arg5[%dma_start3A_838, %add3A_837, %dma_start3A_841] : memref<1x2048x32000xf32, #tpu.memory_space<hbm>> -> memref<1x1x32000xf32, #tpu.memory_space<hbm>>
    %dma_start3A_843 = tpu.memref_squeeze %dma_start3A_842 : memref<1x1x32000xf32, #tpu.memory_space<hbm>> -> memref<32000xf32, #tpu.memory_space<hbm>>
    %dma_start3A_844 = arith.constant 0 : i32
    %dma_start3A_845 = tpu.memref_slice %arg5[%dma_start3A_838, %add3A_837, %dma_start3A_844] : memref<1x2048x32000xf32, #tpu.memory_space<hbm>> -> memref<1x1x32000xf32, #tpu.memory_space<hbm>>
    %dma_start3A_846 = tpu.memref_squeeze %dma_start3A_845 : memref<1x1x32000xf32, #tpu.memory_space<hbm>> -> memref<32000xf32, #tpu.memory_space<hbm>>
    %dma_start3A_847 = arith.constant 0 : i32
    %dma_start3A_848 = tpu.memref_slice %arg11[%dma_start3A_847] : memref<32128xf32, #tpu.memory_space<vmem>> -> memref<32000xf32, #tpu.memory_space<vmem>>
    tpu.enqueue_dma source(%dma_start3A_848 : memref<32000xf32, #tpu.memory_space<vmem>>) target(%dma_start3A_846 : memref<32000xf32, #tpu.memory_space<hbm>>) target_semaphore(%arg14 : memref<!tpu.dma_semaphore, #tpu.memory_space<semaphore_mem>>)
    %dma_wait3A_849 = arith.constant 0 : i32
    %dma_wait3A_850 = arith.constant 0 : i32
    %dma_wait3A_851 = tpu.memref_slice %arg9[%dma_wait3A_850] : memref<32128xf32, #tpu.memory_space<vmem>> -> memref<32000xf32, #tpu.memory_space<vmem>>
    %dma_wait3A_852 = arith.constant 0 : i32
    %dma_wait3A_853 = tpu.memref_slice %arg5[%dma_wait3A_849, %add3A_759, %dma_wait3A_852] : memref<1x2048x32000xf32, #tpu.memory_space<hbm>> -> memref<1x1x32000xf32, #tpu.memory_space<hbm>>
    %dma_wait3A_854 = tpu.memref_squeeze %dma_wait3A_853 : memref<1x1x32000xf32, #tpu.memory_space<hbm>> -> memref<32000xf32, #tpu.memory_space<hbm>>
    %dma_wait3A_855 = arith.constant 0 : i32
    %dma_wait3A_856 = tpu.memref_slice %arg5[%dma_wait3A_849, %add3A_759, %dma_wait3A_855] : memref<1x2048x32000xf32, #tpu.memory_space<hbm>> -> memref<1x1x32000xf32, #tpu.memory_space<hbm>>
    %dma_wait3A_857 = tpu.memref_squeeze %dma_wait3A_856 : memref<1x1x32000xf32, #tpu.memory_space<hbm>> -> memref<32000xf32, #tpu.memory_space<hbm>>
    %dma_wait3A_858 = arith.constant 0 : i32
    %dma_wait3A_859 = tpu.memref_slice %arg9[%dma_wait3A_858] : memref<32128xf32, #tpu.memory_space<vmem>> -> memref<32000xf32, #tpu.memory_space<vmem>>
    tpu.wait_dma2 semaphore(%arg12 : memref<!tpu.dma_semaphore, #tpu.memory_space<semaphore_mem>>) src(%dma_wait3A_859 : memref<32000xf32, #tpu.memory_space<vmem>>) dst(%dma_wait3A_857 : memref<32000xf32, #tpu.memory_space<hbm>>)
    %broadcast_in_dim3A_860 = arith.constant 18 : i32
    %broadcast_in_dim3A_861 = vector.broadcast %broadcast_in_dim3A_860 : i32 to vector<16xi32>
    %add3A_862 = vector.broadcast %mul3A_36 : i32 to vector<16xi32>
    %add3A_863 = arith.addi %broadcast_in_dim3A_861, %add3A_862 : vector<16xi32>
    %gather3A_864 = tpu.vector_load_idx %arg6[%iota3A, %add3A_863] : memref<16x128xi32, #tpu.memory_space<vmem>>[vector<16xi32>, vector<16xi32>], vector<16xi32>,
    tpu.vector_store_idx %arg9[%gather3A_864], %broadcast_in_dim3A_48 : memref<32128xf32, #tpu.memory_space<vmem>>[vector<16xi32>], vector<16xf32>,
    %broadcast_in_dim3A_865 = arith.constant 21 : i32
    %broadcast_in_dim3A_866 = vector.broadcast %broadcast_in_dim3A_865 : i32 to vector<16xi32>
    %add3A_867 = vector.broadcast %mul3A_36 : i32 to vector<16xi32>
    %add3A_868 = arith.addi %broadcast_in_dim3A_866, %add3A_867 : vector<16xi32>
    %gather3A_869 = tpu.vector_load_idx %arg6[%iota3A, %add3A_868] : memref<16x128xi32, #tpu.memory_space<vmem>>[vector<16xi32>, vector<16xi32>], vector<16xi32>,
    %gather3A_870 = tpu.vector_load_idx %arg7[%iota3A, %add3A_868] : memref<16x128xf32, #tpu.memory_space<vmem>>[vector<16xi32>, vector<16xi32>], vector<16xf32>,
    %broadcast_in_dim3A_871 = arith.constant 21 : i32
    %broadcast_in_dim3A_872 = vector.broadcast %broadcast_in_dim3A_871 : i32 to vector<16xi32>
    %gather3A_873 = tpu.vector_load_idx %arg8[%broadcast_in_dim3A_872, %broadcast_in_dim3A_50] : memref<64x128xf32, #tpu.memory_space<vmem>>[vector<16xi32>, vector<16xi32>], vector<16xf32>,
    %mul3A_874 = arith.mulf %gather3A_870, %gather3A_873 : vector<16xf32>
    tpu.vector_store_idx %arg9[%gather3A_869], %mul3A_874 : memref<32128xf32, #tpu.memory_space<vmem>>[vector<16xi32>], vector<16xf32>,
    %add3A_875 = arith.constant 21 : i32
    %add3A_876 = arith.addi %mul3A_2, %add3A_875 : i32
    %dma_start3A_877 = arith.constant 0 : i32
    %dma_start3A_878 = arith.constant 0 : i32
    %dma_start3A_879 = tpu.memref_slice %arg9[%dma_start3A_878] : memref<32128xf32, #tpu.memory_space<vmem>> -> memref<32000xf32, #tpu.memory_space<vmem>>
    %dma_start3A_880 = arith.constant 0 : i32
    %dma_start3A_881 = tpu.memref_slice %arg5[%dma_start3A_877, %add3A_876, %dma_start3A_880] : memref<1x2048x32000xf32, #tpu.memory_space<hbm>> -> memref<1x1x32000xf32, #tpu.memory_space<hbm>>
    %dma_start3A_882 = tpu.memref_squeeze %dma_start3A_881 : memref<1x1x32000xf32, #tpu.memory_space<hbm>> -> memref<32000xf32, #tpu.memory_space<hbm>>
    %dma_start3A_883 = arith.constant 0 : i32
    %dma_start3A_884 = tpu.memref_slice %arg5[%dma_start3A_877, %add3A_876, %dma_start3A_883] : memref<1x2048x32000xf32, #tpu.memory_space<hbm>> -> memref<1x1x32000xf32, #tpu.memory_space<hbm>>
    %dma_start3A_885 = tpu.memref_squeeze %dma_start3A_884 : memref<1x1x32000xf32, #tpu.memory_space<hbm>> -> memref<32000xf32, #tpu.memory_space<hbm>>
    %dma_start3A_886 = arith.constant 0 : i32
    %dma_start3A_887 = tpu.memref_slice %arg9[%dma_start3A_886] : memref<32128xf32, #tpu.memory_space<vmem>> -> memref<32000xf32, #tpu.memory_space<vmem>>
    tpu.enqueue_dma source(%dma_start3A_887 : memref<32000xf32, #tpu.memory_space<vmem>>) target(%dma_start3A_885 : memref<32000xf32, #tpu.memory_space<hbm>>) target_semaphore(%arg12 : memref<!tpu.dma_semaphore, #tpu.memory_space<semaphore_mem>>)
    %dma_wait3A_888 = arith.constant 0 : i32
    %dma_wait3A_889 = arith.constant 0 : i32
    %dma_wait3A_890 = tpu.memref_slice %arg10[%dma_wait3A_889] : memref<32128xf32, #tpu.memory_space<vmem>> -> memref<32000xf32, #tpu.memory_space<vmem>>
    %dma_wait3A_891 = arith.constant 0 : i32
    %dma_wait3A_892 = tpu.memref_slice %arg5[%dma_wait3A_888, %add3A_798, %dma_wait3A_891] : memref<1x2048x32000xf32, #tpu.memory_space<hbm>> -> memref<1x1x32000xf32, #tpu.memory_space<hbm>>
    %dma_wait3A_893 = tpu.memref_squeeze %dma_wait3A_892 : memref<1x1x32000xf32, #tpu.memory_space<hbm>> -> memref<32000xf32, #tpu.memory_space<hbm>>
    %dma_wait3A_894 = arith.constant 0 : i32
    %dma_wait3A_895 = tpu.memref_slice %arg5[%dma_wait3A_888, %add3A_798, %dma_wait3A_894] : memref<1x2048x32000xf32, #tpu.memory_space<hbm>> -> memref<1x1x32000xf32, #tpu.memory_space<hbm>>
    %dma_wait3A_896 = tpu.memref_squeeze %dma_wait3A_895 : memref<1x1x32000xf32, #tpu.memory_space<hbm>> -> memref<32000xf32, #tpu.memory_space<hbm>>
    %dma_wait3A_897 = arith.constant 0 : i32
    %dma_wait3A_898 = tpu.memref_slice %arg10[%dma_wait3A_897] : memref<32128xf32, #tpu.memory_space<vmem>> -> memref<32000xf32, #tpu.memory_space<vmem>>
    tpu.wait_dma2 semaphore(%arg13 : memref<!tpu.dma_semaphore, #tpu.memory_space<semaphore_mem>>) src(%dma_wait3A_898 : memref<32000xf32, #tpu.memory_space<vmem>>) dst(%dma_wait3A_896 : memref<32000xf32, #tpu.memory_space<hbm>>)
    %broadcast_in_dim3A_899 = arith.constant 19 : i32
    %broadcast_in_dim3A_900 = vector.broadcast %broadcast_in_dim3A_899 : i32 to vector<16xi32>
    %add3A_901 = vector.broadcast %mul3A_36 : i32 to vector<16xi32>
    %add3A_902 = arith.addi %broadcast_in_dim3A_900, %add3A_901 : vector<16xi32>
    %gather3A_903 = tpu.vector_load_idx %arg6[%iota3A, %add3A_902] : memref<16x128xi32, #tpu.memory_space<vmem>>[vector<16xi32>, vector<16xi32>], vector<16xi32>,
    tpu.vector_store_idx %arg10[%gather3A_903], %broadcast_in_dim3A_48 : memref<32128xf32, #tpu.memory_space<vmem>>[vector<16xi32>], vector<16xf32>,
    %broadcast_in_dim3A_904 = arith.constant 22 : i32
    %broadcast_in_dim3A_905 = vector.broadcast %broadcast_in_dim3A_904 : i32 to vector<16xi32>
    %add3A_906 = vector.broadcast %mul3A_36 : i32 to vector<16xi32>
    %add3A_907 = arith.addi %broadcast_in_dim3A_905, %add3A_906 : vector<16xi32>
    %gather3A_908 = tpu.vector_load_idx %arg6[%iota3A, %add3A_907] : memref<16x128xi32, #tpu.memory_space<vmem>>[vector<16xi32>, vector<16xi32>], vector<16xi32>,
    %gather3A_909 = tpu.vector_load_idx %arg7[%iota3A, %add3A_907] : memref<16x128xf32, #tpu.memory_space<vmem>>[vector<16xi32>, vector<16xi32>], vector<16xf32>,
    %broadcast_in_dim3A_910 = arith.constant 22 : i32
    %broadcast_in_dim3A_911 = vector.broadcast %broadcast_in_dim3A_910 : i32 to vector<16xi32>
    %gather3A_912 = tpu.vector_load_idx %arg8[%broadcast_in_dim3A_911, %broadcast_in_dim3A_50] : memref<64x128xf32, #tpu.memory_space<vmem>>[vector<16xi32>, vector<16xi32>], vector<16xf32>,
    %mul3A_913 = arith.mulf %gather3A_909, %gather3A_912 : vector<16xf32>
    tpu.vector_store_idx %arg10[%gather3A_908], %mul3A_913 : memref<32128xf32, #tpu.memory_space<vmem>>[vector<16xi32>], vector<16xf32>,
    %add3A_914 = arith.constant 22 : i32
    %add3A_915 = arith.addi %mul3A_2, %add3A_914 : i32
    %dma_start3A_916 = arith.constant 0 : i32
    %dma_start3A_917 = arith.constant 0 : i32
    %dma_start3A_918 = tpu.memref_slice %arg10[%dma_start3A_917] : memref<32128xf32, #tpu.memory_space<vmem>> -> memref<32000xf32, #tpu.memory_space<vmem>>
    %dma_start3A_919 = arith.constant 0 : i32
    %dma_start3A_920 = tpu.memref_slice %arg5[%dma_start3A_916, %add3A_915, %dma_start3A_919] : memref<1x2048x32000xf32, #tpu.memory_space<hbm>> -> memref<1x1x32000xf32, #tpu.memory_space<hbm>>
    %dma_start3A_921 = tpu.memref_squeeze %dma_start3A_920 : memref<1x1x32000xf32, #tpu.memory_space<hbm>> -> memref<32000xf32, #tpu.memory_space<hbm>>
    %dma_start3A_922 = arith.constant 0 : i32
    %dma_start3A_923 = tpu.memref_slice %arg5[%dma_start3A_916, %add3A_915, %dma_start3A_922] : memref<1x2048x32000xf32, #tpu.memory_space<hbm>> -> memref<1x1x32000xf32, #tpu.memory_space<hbm>>
    %dma_start3A_924 = tpu.memref_squeeze %dma_start3A_923 : memref<1x1x32000xf32, #tpu.memory_space<hbm>> -> memref<32000xf32, #tpu.memory_space<hbm>>
    %dma_start3A_925 = arith.constant 0 : i32
    %dma_start3A_926 = tpu.memref_slice %arg10[%dma_start3A_925] : memref<32128xf32, #tpu.memory_space<vmem>> -> memref<32000xf32, #tpu.memory_space<vmem>>
    tpu.enqueue_dma source(%dma_start3A_926 : memref<32000xf32, #tpu.memory_space<vmem>>) target(%dma_start3A_924 : memref<32000xf32, #tpu.memory_space<hbm>>) target_semaphore(%arg13 : memref<!tpu.dma_semaphore, #tpu.memory_space<semaphore_mem>>)
    %dma_wait3A_927 = arith.constant 0 : i32
    %dma_wait3A_928 = arith.constant 0 : i32
    %dma_wait3A_929 = tpu.memref_slice %arg11[%dma_wait3A_928] : memref<32128xf32, #tpu.memory_space<vmem>> -> memref<32000xf32, #tpu.memory_space<vmem>>
    %dma_wait3A_930 = arith.constant 0 : i32
    %dma_wait3A_931 = tpu.memref_slice %arg5[%dma_wait3A_927, %add3A_837, %dma_wait3A_930] : memref<1x2048x32000xf32, #tpu.memory_space<hbm>> -> memref<1x1x32000xf32, #tpu.memory_space<hbm>>
    %dma_wait3A_932 = tpu.memref_squeeze %dma_wait3A_931 : memref<1x1x32000xf32, #tpu.memory_space<hbm>> -> memref<32000xf32, #tpu.memory_space<hbm>>
    %dma_wait3A_933 = arith.constant 0 : i32
    %dma_wait3A_934 = tpu.memref_slice %arg5[%dma_wait3A_927, %add3A_837, %dma_wait3A_933] : memref<1x2048x32000xf32, #tpu.memory_space<hbm>> -> memref<1x1x32000xf32, #tpu.memory_space<hbm>>
    %dma_wait3A_935 = tpu.memref_squeeze %dma_wait3A_934 : memref<1x1x32000xf32, #tpu.memory_space<hbm>> -> memref<32000xf32, #tpu.memory_space<hbm>>
    %dma_wait3A_936 = arith.constant 0 : i32
    %dma_wait3A_937 = tpu.memref_slice %arg11[%dma_wait3A_936] : memref<32128xf32, #tpu.memory_space<vmem>> -> memref<32000xf32, #tpu.memory_space<vmem>>
    tpu.wait_dma2 semaphore(%arg14 : memref<!tpu.dma_semaphore, #tpu.memory_space<semaphore_mem>>) src(%dma_wait3A_937 : memref<32000xf32, #tpu.memory_space<vmem>>) dst(%dma_wait3A_935 : memref<32000xf32, #tpu.memory_space<hbm>>)
    %broadcast_in_dim3A_938 = arith.constant 20 : i32
    %broadcast_in_dim3A_939 = vector.broadcast %broadcast_in_dim3A_938 : i32 to vector<16xi32>
    %add3A_940 = vector.broadcast %mul3A_36 : i32 to vector<16xi32>
    %add3A_941 = arith.addi %broadcast_in_dim3A_939, %add3A_940 : vector<16xi32>
    %gather3A_942 = tpu.vector_load_idx %arg6[%iota3A, %add3A_941] : memref<16x128xi32, #tpu.memory_space<vmem>>[vector<16xi32>, vector<16xi32>], vector<16xi32>,
    tpu.vector_store_idx %arg11[%gather3A_942], %broadcast_in_dim3A_48 : memref<32128xf32, #tpu.memory_space<vmem>>[vector<16xi32>], vector<16xf32>,
    %broadcast_in_dim3A_943 = arith.constant 23 : i32
    %broadcast_in_dim3A_944 = vector.broadcast %broadcast_in_dim3A_943 : i32 to vector<16xi32>
    %add3A_945 = vector.broadcast %mul3A_36 : i32 to vector<16xi32>
    %add3A_946 = arith.addi %broadcast_in_dim3A_944, %add3A_945 : vector<16xi32>
    %gather3A_947 = tpu.vector_load_idx %arg6[%iota3A, %add3A_946] : memref<16x128xi32, #tpu.memory_space<vmem>>[vector<16xi32>, vector<16xi32>], vector<16xi32>,
    %gather3A_948 = tpu.vector_load_idx %arg7[%iota3A, %add3A_946] : memref<16x128xf32, #tpu.memory_space<vmem>>[vector<16xi32>, vector<16xi32>], vector<16xf32>,
    %broadcast_in_dim3A_949 = arith.constant 23 : i32
    %broadcast_in_dim3A_950 = vector.broadcast %broadcast_in_dim3A_949 : i32 to vector<16xi32>
    %gather3A_951 = tpu.vector_load_idx %arg8[%broadcast_in_dim3A_950, %broadcast_in_dim3A_50] : memref<64x128xf32, #tpu.memory_space<vmem>>[vector<16xi32>, vector<16xi32>], vector<16xf32>,
    %mul3A_952 = arith.mulf %gather3A_948, %gather3A_951 : vector<16xf32>
    tpu.vector_store_idx %arg11[%gather3A_947], %mul3A_952 : memref<32128xf32, #tpu.memory_space<vmem>>[vector<16xi32>], vector<16xf32>,
    %add3A_953 = arith.constant 23 : i32
    %add3A_954 = arith.addi %mul3A_2, %add3A_953 : i32
    %dma_start3A_955 = arith.constant 0 : i32
    %dma_start3A_956 = arith.constant 0 : i32
    %dma_start3A_957 = tpu.memref_slice %arg11[%dma_start3A_956] : memref<32128xf32, #tpu.memory_space<vmem>> -> memref<32000xf32, #tpu.memory_space<vmem>>
    %dma_start3A_958 = arith.constant 0 : i32
    %dma_start3A_959 = tpu.memref_slice %arg5[%dma_start3A_955, %add3A_954, %dma_start3A_958] : memref<1x2048x32000xf32, #tpu.memory_space<hbm>> -> memref<1x1x32000xf32, #tpu.memory_space<hbm>>
    %dma_start3A_960 = tpu.memref_squeeze %dma_start3A_959 : memref<1x1x32000xf32, #tpu.memory_space<hbm>> -> memref<32000xf32, #tpu.memory_space<hbm>>
    %dma_start3A_961 = arith.constant 0 : i32
    %dma_start3A_962 = tpu.memref_slice %arg5[%dma_start3A_955, %add3A_954, %dma_start3A_961] : memref<1x2048x32000xf32, #tpu.memory_space<hbm>> -> memref<1x1x32000xf32, #tpu.memory_space<hbm>>
    %dma_start3A_963 = tpu.memref_squeeze %dma_start3A_962 : memref<1x1x32000xf32, #tpu.memory_space<hbm>> -> memref<32000xf32, #tpu.memory_space<hbm>>
    %dma_start3A_964 = arith.constant 0 : i32
    %dma_start3A_965 = tpu.memref_slice %arg11[%dma_start3A_964] : memref<32128xf32, #tpu.memory_space<vmem>> -> memref<32000xf32, #tpu.memory_space<vmem>>
    tpu.enqueue_dma source(%dma_start3A_965 : memref<32000xf32, #tpu.memory_space<vmem>>) target(%dma_start3A_963 : memref<32000xf32, #tpu.memory_space<hbm>>) target_semaphore(%arg14 : memref<!tpu.dma_semaphore, #tpu.memory_space<semaphore_mem>>)
    %dma_wait3A_966 = arith.constant 0 : i32
    %dma_wait3A_967 = arith.constant 0 : i32
    %dma_wait3A_968 = tpu.memref_slice %arg9[%dma_wait3A_967] : memref<32128xf32, #tpu.memory_space<vmem>> -> memref<32000xf32, #tpu.memory_space<vmem>>
    %dma_wait3A_969 = arith.constant 0 : i32
    %dma_wait3A_970 = tpu.memref_slice %arg5[%dma_wait3A_966, %add3A_876, %dma_wait3A_969] : memref<1x2048x32000xf32, #tpu.memory_space<hbm>> -> memref<1x1x32000xf32, #tpu.memory_space<hbm>>
    %dma_wait3A_971 = tpu.memref_squeeze %dma_wait3A_970 : memref<1x1x32000xf32, #tpu.memory_space<hbm>> -> memref<32000xf32, #tpu.memory_space<hbm>>
    %dma_wait3A_972 = arith.constant 0 : i32
    %dma_wait3A_973 = tpu.memref_slice %arg5[%dma_wait3A_966, %add3A_876, %dma_wait3A_972] : memref<1x2048x32000xf32, #tpu.memory_space<hbm>> -> memref<1x1x32000xf32, #tpu.memory_space<hbm>>
    %dma_wait3A_974 = tpu.memref_squeeze %dma_wait3A_973 : memref<1x1x32000xf32, #tpu.memory_space<hbm>> -> memref<32000xf32, #tpu.memory_space<hbm>>
    %dma_wait3A_975 = arith.constant 0 : i32
    %dma_wait3A_976 = tpu.memref_slice %arg9[%dma_wait3A_975] : memref<32128xf32, #tpu.memory_space<vmem>> -> memref<32000xf32, #tpu.memory_space<vmem>>
    tpu.wait_dma2 semaphore(%arg12 : memref<!tpu.dma_semaphore, #tpu.memory_space<semaphore_mem>>) src(%dma_wait3A_976 : memref<32000xf32, #tpu.memory_space<vmem>>) dst(%dma_wait3A_974 : memref<32000xf32, #tpu.memory_space<hbm>>)
    %broadcast_in_dim3A_977 = arith.constant 21 : i32
    %broadcast_in_dim3A_978 = vector.broadcast %broadcast_in_dim3A_977 : i32 to vector<16xi32>
    %add3A_979 = vector.broadcast %mul3A_36 : i32 to vector<16xi32>
    %add3A_980 = arith.addi %broadcast_in_dim3A_978, %add3A_979 : vector<16xi32>
    %gather3A_981 = tpu.vector_load_idx %arg6[%iota3A, %add3A_980] : memref<16x128xi32, #tpu.memory_space<vmem>>[vector<16xi32>, vector<16xi32>], vector<16xi32>,
    tpu.vector_store_idx %arg9[%gather3A_981], %broadcast_in_dim3A_48 : memref<32128xf32, #tpu.memory_space<vmem>>[vector<16xi32>], vector<16xf32>,
    %broadcast_in_dim3A_982 = arith.constant 24 : i32
    %broadcast_in_dim3A_983 = vector.broadcast %broadcast_in_dim3A_982 : i32 to vector<16xi32>
    %add3A_984 = vector.broadcast %mul3A_36 : i32 to vector<16xi32>
    %add3A_985 = arith.addi %broadcast_in_dim3A_983, %add3A_984 : vector<16xi32>
    %gather3A_986 = tpu.vector_load_idx %arg6[%iota3A, %add3A_985] : memref<16x128xi32, #tpu.memory_space<vmem>>[vector<16xi32>, vector<16xi32>], vector<16xi32>,
    %gather3A_987 = tpu.vector_load_idx %arg7[%iota3A, %add3A_985] : memref<16x128xf32, #tpu.memory_space<vmem>>[vector<16xi32>, vector<16xi32>], vector<16xf32>,
    %broadcast_in_dim3A_988 = arith.constant 24 : i32
    %broadcast_in_dim3A_989 = vector.broadcast %broadcast_in_dim3A_988 : i32 to vector<16xi32>
    %gather3A_990 = tpu.vector_load_idx %arg8[%broadcast_in_dim3A_989, %broadcast_in_dim3A_50] : memref<64x128xf32, #tpu.memory_space<vmem>>[vector<16xi32>, vector<16xi32>], vector<16xf32>,
    %mul3A_991 = arith.mulf %gather3A_987, %gather3A_990 : vector<16xf32>
    tpu.vector_store_idx %arg9[%gather3A_986], %mul3A_991 : memref<32128xf32, #tpu.memory_space<vmem>>[vector<16xi32>], vector<16xf32>,
    %add3A_992 = arith.constant 24 : i32
    %add3A_993 = arith.addi %mul3A_2, %add3A_992 : i32
    %dma_start3A_994 = arith.constant 0 : i32
    %dma_start3A_995 = arith.constant 0 : i32
    %dma_start3A_996 = tpu.memref_slice %arg9[%dma_start3A_995] : memref<32128xf32, #tpu.memory_space<vmem>> -> memref<32000xf32, #tpu.memory_space<vmem>>
    %dma_start3A_997 = arith.constant 0 : i32
    %dma_start3A_998 = tpu.memref_slice %arg5[%dma_start3A_994, %add3A_993, %dma_start3A_997] : memref<1x2048x32000xf32, #tpu.memory_space<hbm>> -> memref<1x1x32000xf32, #tpu.memory_space<hbm>>
    %dma_start3A_999 = tpu.memref_squeeze %dma_start3A_998 : memref<1x1x32000xf32, #tpu.memory_space<hbm>> -> memref<32000xf32, #tpu.memory_space<hbm>>
    %dma_start3A_1000 = arith.constant 0 : i32
    %dma_start3A_1001 = tpu.memref_slice %arg5[%dma_start3A_994, %add3A_993, %dma_start3A_1000] : memref<1x2048x32000xf32, #tpu.memory_space<hbm>> -> memref<1x1x32000xf32, #tpu.memory_space<hbm>>
    %dma_start3A_1002 = tpu.memref_squeeze %dma_start3A_1001 : memref<1x1x32000xf32, #tpu.memory_space<hbm>> -> memref<32000xf32, #tpu.memory_space<hbm>>
    %dma_start3A_1003 = arith.constant 0 : i32
    %dma_start3A_1004 = tpu.memref_slice %arg9[%dma_start3A_1003] : memref<32128xf32, #tpu.memory_space<vmem>> -> memref<32000xf32, #tpu.memory_space<vmem>>
    tpu.enqueue_dma source(%dma_start3A_1004 : memref<32000xf32, #tpu.memory_space<vmem>>) target(%dma_start3A_1002 : memref<32000xf32, #tpu.memory_space<hbm>>) target_semaphore(%arg12 : memref<!tpu.dma_semaphore, #tpu.memory_space<semaphore_mem>>)
    %dma_wait3A_1005 = arith.constant 0 : i32
    %dma_wait3A_1006 = arith.constant 0 : i32
    %dma_wait3A_1007 = tpu.memref_slice %arg10[%dma_wait3A_1006] : memref<32128xf32, #tpu.memory_space<vmem>> -> memref<32000xf32, #tpu.memory_space<vmem>>
    %dma_wait3A_1008 = arith.constant 0 : i32
    %dma_wait3A_1009 = tpu.memref_slice %arg5[%dma_wait3A_1005, %add3A_915, %dma_wait3A_1008] : memref<1x2048x32000xf32, #tpu.memory_space<hbm>> -> memref<1x1x32000xf32, #tpu.memory_space<hbm>>
    %dma_wait3A_1010 = tpu.memref_squeeze %dma_wait3A_1009 : memref<1x1x32000xf32, #tpu.memory_space<hbm>> -> memref<32000xf32, #tpu.memory_space<hbm>>
    %dma_wait3A_1011 = arith.constant 0 : i32
    %dma_wait3A_1012 = tpu.memref_slice %arg5[%dma_wait3A_1005, %add3A_915, %dma_wait3A_1011] : memref<1x2048x32000xf32, #tpu.memory_space<hbm>> -> memref<1x1x32000xf32, #tpu.memory_space<hbm>>
    %dma_wait3A_1013 = tpu.memref_squeeze %dma_wait3A_1012 : memref<1x1x32000xf32, #tpu.memory_space<hbm>> -> memref<32000xf32, #tpu.memory_space<hbm>>
    %dma_wait3A_1014 = arith.constant 0 : i32
    %dma_wait3A_1015 = tpu.memref_slice %arg10[%dma_wait3A_1014] : memref<32128xf32, #tpu.memory_space<vmem>> -> memref<32000xf32, #tpu.memory_space<vmem>>
    tpu.wait_dma2 semaphore(%arg13 : memref<!tpu.dma_semaphore, #tpu.memory_space<semaphore_mem>>) src(%dma_wait3A_1015 : memref<32000xf32, #tpu.memory_space<vmem>>) dst(%dma_wait3A_1013 : memref<32000xf32, #tpu.memory_space<hbm>>)
    %broadcast_in_dim3A_1016 = arith.constant 22 : i32
    %broadcast_in_dim3A_1017 = vector.broadcast %broadcast_in_dim3A_1016 : i32 to vector<16xi32>
    %add3A_1018 = vector.broadcast %mul3A_36 : i32 to vector<16xi32>
    %add3A_1019 = arith.addi %broadcast_in_dim3A_1017, %add3A_1018 : vector<16xi32>
    %gather3A_1020 = tpu.vector_load_idx %arg6[%iota3A, %add3A_1019] : memref<16x128xi32, #tpu.memory_space<vmem>>[vector<16xi32>, vector<16xi32>], vector<16xi32>,
    tpu.vector_store_idx %arg10[%gather3A_1020], %broadcast_in_dim3A_48 : memref<32128xf32, #tpu.memory_space<vmem>>[vector<16xi32>], vector<16xf32>,
    %broadcast_in_dim3A_1021 = arith.constant 25 : i32
    %broadcast_in_dim3A_1022 = vector.broadcast %broadcast_in_dim3A_1021 : i32 to vector<16xi32>
    %add3A_1023 = vector.broadcast %mul3A_36 : i32 to vector<16xi32>
    %add3A_1024 = arith.addi %broadcast_in_dim3A_1022, %add3A_1023 : vector<16xi32>
    %gather3A_1025 = tpu.vector_load_idx %arg6[%iota3A, %add3A_1024] : memref<16x128xi32, #tpu.memory_space<vmem>>[vector<16xi32>, vector<16xi32>], vector<16xi32>,
    %gather3A_1026 = tpu.vector_load_idx %arg7[%iota3A, %add3A_1024] : memref<16x128xf32, #tpu.memory_space<vmem>>[vector<16xi32>, vector<16xi32>], vector<16xf32>,
    %broadcast_in_dim3A_1027 = arith.constant 25 : i32
    %broadcast_in_dim3A_1028 = vector.broadcast %broadcast_in_dim3A_1027 : i32 to vector<16xi32>
    %gather3A_1029 = tpu.vector_load_idx %arg8[%broadcast_in_dim3A_1028, %broadcast_in_dim3A_50] : memref<64x128xf32, #tpu.memory_space<vmem>>[vector<16xi32>, vector<16xi32>], vector<16xf32>,
    %mul3A_1030 = arith.mulf %gather3A_1026, %gather3A_1029 : vector<16xf32>
    tpu.vector_store_idx %arg10[%gather3A_1025], %mul3A_1030 : memref<32128xf32, #tpu.memory_space<vmem>>[vector<16xi32>], vector<16xf32>,
    %add3A_1031 = arith.constant 25 : i32
    %add3A_1032 = arith.addi %mul3A_2, %add3A_1031 : i32
    %dma_start3A_1033 = arith.constant 0 : i32
    %dma_start3A_1034 = arith.constant 0 : i32
    %dma_start3A_1035 = tpu.memref_slice %arg10[%dma_start3A_1034] : memref<32128xf32, #tpu.memory_space<vmem>> -> memref<32000xf32, #tpu.memory_space<vmem>>
    %dma_start3A_1036 = arith.constant 0 : i32
    %dma_start3A_1037 = tpu.memref_slice %arg5[%dma_start3A_1033, %add3A_1032, %dma_start3A_1036] : memref<1x2048x32000xf32, #tpu.memory_space<hbm>> -> memref<1x1x32000xf32, #tpu.memory_space<hbm>>
    %dma_start3A_1038 = tpu.memref_squeeze %dma_start3A_1037 : memref<1x1x32000xf32, #tpu.memory_space<hbm>> -> memref<32000xf32, #tpu.memory_space<hbm>>
    %dma_start3A_1039 = arith.constant 0 : i32
    %dma_start3A_1040 = tpu.memref_slice %arg5[%dma_start3A_1033, %add3A_1032, %dma_start3A_1039] : memref<1x2048x32000xf32, #tpu.memory_space<hbm>> -> memref<1x1x32000xf32, #tpu.memory_space<hbm>>
    %dma_start3A_1041 = tpu.memref_squeeze %dma_start3A_1040 : memref<1x1x32000xf32, #tpu.memory_space<hbm>> -> memref<32000xf32, #tpu.memory_space<hbm>>
    %dma_start3A_1042 = arith.constant 0 : i32
    %dma_start3A_1043 = tpu.memref_slice %arg10[%dma_start3A_1042] : memref<32128xf32, #tpu.memory_space<vmem>> -> memref<32000xf32, #tpu.memory_space<vmem>>
    tpu.enqueue_dma source(%dma_start3A_1043 : memref<32000xf32, #tpu.memory_space<vmem>>) target(%dma_start3A_1041 : memref<32000xf32, #tpu.memory_space<hbm>>) target_semaphore(%arg13 : memref<!tpu.dma_semaphore, #tpu.memory_space<semaphore_mem>>)
    %dma_wait3A_1044 = arith.constant 0 : i32
    %dma_wait3A_1045 = arith.constant 0 : i32
    %dma_wait3A_1046 = tpu.memref_slice %arg11[%dma_wait3A_1045] : memref<32128xf32, #tpu.memory_space<vmem>> -> memref<32000xf32, #tpu.memory_space<vmem>>
    %dma_wait3A_1047 = arith.constant 0 : i32
    %dma_wait3A_1048 = tpu.memref_slice %arg5[%dma_wait3A_1044, %add3A_954, %dma_wait3A_1047] : memref<1x2048x32000xf32, #tpu.memory_space<hbm>> -> memref<1x1x32000xf32, #tpu.memory_space<hbm>>
    %dma_wait3A_1049 = tpu.memref_squeeze %dma_wait3A_1048 : memref<1x1x32000xf32, #tpu.memory_space<hbm>> -> memref<32000xf32, #tpu.memory_space<hbm>>
    %dma_wait3A_1050 = arith.constant 0 : i32
    %dma_wait3A_1051 = tpu.memref_slice %arg5[%dma_wait3A_1044, %add3A_954, %dma_wait3A_1050] : memref<1x2048x32000xf32, #tpu.memory_space<hbm>> -> memref<1x1x32000xf32, #tpu.memory_space<hbm>>
    %dma_wait3A_1052 = tpu.memref_squeeze %dma_wait3A_1051 : memref<1x1x32000xf32, #tpu.memory_space<hbm>> -> memref<32000xf32, #tpu.memory_space<hbm>>
    %dma_wait3A_1053 = arith.constant 0 : i32
    %dma_wait3A_1054 = tpu.memref_slice %arg11[%dma_wait3A_1053] : memref<32128xf32, #tpu.memory_space<vmem>> -> memref<32000xf32, #tpu.memory_space<vmem>>
    tpu.wait_dma2 semaphore(%arg14 : memref<!tpu.dma_semaphore, #tpu.memory_space<semaphore_mem>>) src(%dma_wait3A_1054 : memref<32000xf32, #tpu.memory_space<vmem>>) dst(%dma_wait3A_1052 : memref<32000xf32, #tpu.memory_space<hbm>>)
    %broadcast_in_dim3A_1055 = arith.constant 23 : i32
    %broadcast_in_dim3A_1056 = vector.broadcast %broadcast_in_dim3A_1055 : i32 to vector<16xi32>
    %add3A_1057 = vector.broadcast %mul3A_36 : i32 to vector<16xi32>
    %add3A_1058 = arith.addi %broadcast_in_dim3A_1056, %add3A_1057 : vector<16xi32>
    %gather3A_1059 = tpu.vector_load_idx %arg6[%iota3A, %add3A_1058] : memref<16x128xi32, #tpu.memory_space<vmem>>[vector<16xi32>, vector<16xi32>], vector<16xi32>,
    tpu.vector_store_idx %arg11[%gather3A_1059], %broadcast_in_dim3A_48 : memref<32128xf32, #tpu.memory_space<vmem>>[vector<16xi32>], vector<16xf32>,
    %broadcast_in_dim3A_1060 = arith.constant 26 : i32
    %broadcast_in_dim3A_1061 = vector.broadcast %broadcast_in_dim3A_1060 : i32 to vector<16xi32>
    %add3A_1062 = vector.broadcast %mul3A_36 : i32 to vector<16xi32>
    %add3A_1063 = arith.addi %broadcast_in_dim3A_1061, %add3A_1062 : vector<16xi32>
    %gather3A_1064 = tpu.vector_load_idx %arg6[%iota3A, %add3A_1063] : memref<16x128xi32, #tpu.memory_space<vmem>>[vector<16xi32>, vector<16xi32>], vector<16xi32>,
    %gather3A_1065 = tpu.vector_load_idx %arg7[%iota3A, %add3A_1063] : memref<16x128xf32, #tpu.memory_space<vmem>>[vector<16xi32>, vector<16xi32>], vector<16xf32>,
    %broadcast_in_dim3A_1066 = arith.constant 26 : i32
    %broadcast_in_dim3A_1067 = vector.broadcast %broadcast_in_dim3A_1066 : i32 to vector<16xi32>
    %gather3A_1068 = tpu.vector_load_idx %arg8[%broadcast_in_dim3A_1067, %broadcast_in_dim3A_50] : memref<64x128xf32, #tpu.memory_space<vmem>>[vector<16xi32>, vector<16xi32>], vector<16xf32>,
    %mul3A_1069 = arith.mulf %gather3A_1065, %gather3A_1068 : vector<16xf32>
    tpu.vector_store_idx %arg11[%gather3A_1064], %mul3A_1069 : memref<32128xf32, #tpu.memory_space<vmem>>[vector<16xi32>], vector<16xf32>,
    %add3A_1070 = arith.constant 26 : i32
    %add3A_1071 = arith.addi %mul3A_2, %add3A_1070 : i32
    %dma_start3A_1072 = arith.constant 0 : i32
    %dma_start3A_1073 = arith.constant 0 : i32
    %dma_start3A_1074 = tpu.memref_slice %arg11[%dma_start3A_1073] : memref<32128xf32, #tpu.memory_space<vmem>> -> memref<32000xf32, #tpu.memory_space<vmem>>
    %dma_start3A_1075 = arith.constant 0 : i32
    %dma_start3A_1076 = tpu.memref_slice %arg5[%dma_start3A_1072, %add3A_1071, %dma_start3A_1075] : memref<1x2048x32000xf32, #tpu.memory_space<hbm>> -> memref<1x1x32000xf32, #tpu.memory_space<hbm>>
    %dma_start3A_1077 = tpu.memref_squeeze %dma_start3A_1076 : memref<1x1x32000xf32, #tpu.memory_space<hbm>> -> memref<32000xf32, #tpu.memory_space<hbm>>
    %dma_start3A_1078 = arith.constant 0 : i32
    %dma_start3A_1079 = tpu.memref_slice %arg5[%dma_start3A_1072, %add3A_1071, %dma_start3A_1078] : memref<1x2048x32000xf32, #tpu.memory_space<hbm>> -> memref<1x1x32000xf32, #tpu.memory_space<hbm>>
    %dma_start3A_1080 = tpu.memref_squeeze %dma_start3A_1079 : memref<1x1x32000xf32, #tpu.memory_space<hbm>> -> memref<32000xf32, #tpu.memory_space<hbm>>
    %dma_start3A_1081 = arith.constant 0 : i32
    %dma_start3A_1082 = tpu.memref_slice %arg11[%dma_start3A_1081] : memref<32128xf32, #tpu.memory_space<vmem>> -> memref<32000xf32, #tpu.memory_space<vmem>>
    tpu.enqueue_dma source(%dma_start3A_1082 : memref<32000xf32, #tpu.memory_space<vmem>>) target(%dma_start3A_1080 : memref<32000xf32, #tpu.memory_space<hbm>>) target_semaphore(%arg14 : memref<!tpu.dma_semaphore, #tpu.memory_space<semaphore_mem>>)
    %dma_wait3A_1083 = arith.constant 0 : i32
    %dma_wait3A_1084 = arith.constant 0 : i32
    %dma_wait3A_1085 = tpu.memref_slice %arg9[%dma_wait3A_1084] : memref<32128xf32, #tpu.memory_space<vmem>> -> memref<32000xf32, #tpu.memory_space<vmem>>
    %dma_wait3A_1086 = arith.constant 0 : i32
    %dma_wait3A_1087 = tpu.memref_slice %arg5[%dma_wait3A_1083, %add3A_993, %dma_wait3A_1086] : memref<1x2048x32000xf32, #tpu.memory_space<hbm>> -> memref<1x1x32000xf32, #tpu.memory_space<hbm>>
    %dma_wait3A_1088 = tpu.memref_squeeze %dma_wait3A_1087 : memref<1x1x32000xf32, #tpu.memory_space<hbm>> -> memref<32000xf32, #tpu.memory_space<hbm>>
    %dma_wait3A_1089 = arith.constant 0 : i32
    %dma_wait3A_1090 = tpu.memref_slice %arg5[%dma_wait3A_1083, %add3A_993, %dma_wait3A_1089] : memref<1x2048x32000xf32, #tpu.memory_space<hbm>> -> memref<1x1x32000xf32, #tpu.memory_space<hbm>>
    %dma_wait3A_1091 = tpu.memref_squeeze %dma_wait3A_1090 : memref<1x1x32000xf32, #tpu.memory_space<hbm>> -> memref<32000xf32, #tpu.memory_space<hbm>>
    %dma_wait3A_1092 = arith.constant 0 : i32
    %dma_wait3A_1093 = tpu.memref_slice %arg9[%dma_wait3A_1092] : memref<32128xf32, #tpu.memory_space<vmem>> -> memref<32000xf32, #tpu.memory_space<vmem>>
    tpu.wait_dma2 semaphore(%arg12 : memref<!tpu.dma_semaphore, #tpu.memory_space<semaphore_mem>>) src(%dma_wait3A_1093 : memref<32000xf32, #tpu.memory_space<vmem>>) dst(%dma_wait3A_1091 : memref<32000xf32, #tpu.memory_space<hbm>>)
    %broadcast_in_dim3A_1094 = arith.constant 24 : i32
    %broadcast_in_dim3A_1095 = vector.broadcast %broadcast_in_dim3A_1094 : i32 to vector<16xi32>
    %add3A_1096 = vector.broadcast %mul3A_36 : i32 to vector<16xi32>
    %add3A_1097 = arith.addi %broadcast_in_dim3A_1095, %add3A_1096 : vector<16xi32>
    %gather3A_1098 = tpu.vector_load_idx %arg6[%iota3A, %add3A_1097] : memref<16x128xi32, #tpu.memory_space<vmem>>[vector<16xi32>, vector<16xi32>], vector<16xi32>,
    tpu.vector_store_idx %arg9[%gather3A_1098], %broadcast_in_dim3A_48 : memref<32128xf32, #tpu.memory_space<vmem>>[vector<16xi32>], vector<16xf32>,
    %broadcast_in_dim3A_1099 = arith.constant 27 : i32
    %broadcast_in_dim3A_1100 = vector.broadcast %broadcast_in_dim3A_1099 : i32 to vector<16xi32>
    %add3A_1101 = vector.broadcast %mul3A_36 : i32 to vector<16xi32>
    %add3A_1102 = arith.addi %broadcast_in_dim3A_1100, %add3A_1101 : vector<16xi32>
    %gather3A_1103 = tpu.vector_load_idx %arg6[%iota3A, %add3A_1102] : memref<16x128xi32, #tpu.memory_space<vmem>>[vector<16xi32>, vector<16xi32>], vector<16xi32>,
    %gather3A_1104 = tpu.vector_load_idx %arg7[%iota3A, %add3A_1102] : memref<16x128xf32, #tpu.memory_space<vmem>>[vector<16xi32>, vector<16xi32>], vector<16xf32>,
    %broadcast_in_dim3A_1105 = arith.constant 27 : i32
    %broadcast_in_dim3A_1106 = vector.broadcast %broadcast_in_dim3A_1105 : i32 to vector<16xi32>
    %gather3A_1107 = tpu.vector_load_idx %arg8[%broadcast_in_dim3A_1106, %broadcast_in_dim3A_50] : memref<64x128xf32, #tpu.memory_space<vmem>>[vector<16xi32>, vector<16xi32>], vector<16xf32>,
    %mul3A_1108 = arith.mulf %gather3A_1104, %gather3A_1107 : vector<16xf32>
    tpu.vector_store_idx %arg9[%gather3A_1103], %mul3A_1108 : memref<32128xf32, #tpu.memory_space<vmem>>[vector<16xi32>], vector<16xf32>,
    %add3A_1109 = arith.constant 27 : i32
    %add3A_1110 = arith.addi %mul3A_2, %add3A_1109 : i32
    %dma_start3A_1111 = arith.constant 0 : i32
    %dma_start3A_1112 = arith.constant 0 : i32
    %dma_start3A_1113 = tpu.memref_slice %arg9[%dma_start3A_1112] : memref<32128xf32, #tpu.memory_space<vmem>> -> memref<32000xf32, #tpu.memory_space<vmem>>
    %dma_start3A_1114 = arith.constant 0 : i32
    %dma_start3A_1115 = tpu.memref_slice %arg5[%dma_start3A_1111, %add3A_1110, %dma_start3A_1114] : memref<1x2048x32000xf32, #tpu.memory_space<hbm>> -> memref<1x1x32000xf32, #tpu.memory_space<hbm>>
    %dma_start3A_1116 = tpu.memref_squeeze %dma_start3A_1115 : memref<1x1x32000xf32, #tpu.memory_space<hbm>> -> memref<32000xf32, #tpu.memory_space<hbm>>
    %dma_start3A_1117 = arith.constant 0 : i32
    %dma_start3A_1118 = tpu.memref_slice %arg5[%dma_start3A_1111, %add3A_1110, %dma_start3A_1117] : memref<1x2048x32000xf32, #tpu.memory_space<hbm>> -> memref<1x1x32000xf32, #tpu.memory_space<hbm>>
    %dma_start3A_1119 = tpu.memref_squeeze %dma_start3A_1118 : memref<1x1x32000xf32, #tpu.memory_space<hbm>> -> memref<32000xf32, #tpu.memory_space<hbm>>
    %dma_start3A_1120 = arith.constant 0 : i32
    %dma_start3A_1121 = tpu.memref_slice %arg9[%dma_start3A_1120] : memref<32128xf32, #tpu.memory_space<vmem>> -> memref<32000xf32, #tpu.memory_space<vmem>>
    tpu.enqueue_dma source(%dma_start3A_1121 : memref<32000xf32, #tpu.memory_space<vmem>>) target(%dma_start3A_1119 : memref<32000xf32, #tpu.memory_space<hbm>>) target_semaphore(%arg12 : memref<!tpu.dma_semaphore, #tpu.memory_space<semaphore_mem>>)
    %dma_wait3A_1122 = arith.constant 0 : i32
    %dma_wait3A_1123 = arith.constant 0 : i32
    %dma_wait3A_1124 = tpu.memref_slice %arg10[%dma_wait3A_1123] : memref<32128xf32, #tpu.memory_space<vmem>> -> memref<32000xf32, #tpu.memory_space<vmem>>
    %dma_wait3A_1125 = arith.constant 0 : i32
    %dma_wait3A_1126 = tpu.memref_slice %arg5[%dma_wait3A_1122, %add3A_1032, %dma_wait3A_1125] : memref<1x2048x32000xf32, #tpu.memory_space<hbm>> -> memref<1x1x32000xf32, #tpu.memory_space<hbm>>
    %dma_wait3A_1127 = tpu.memref_squeeze %dma_wait3A_1126 : memref<1x1x32000xf32, #tpu.memory_space<hbm>> -> memref<32000xf32, #tpu.memory_space<hbm>>
    %dma_wait3A_1128 = arith.constant 0 : i32
    %dma_wait3A_1129 = tpu.memref_slice %arg5[%dma_wait3A_1122, %add3A_1032, %dma_wait3A_1128] : memref<1x2048x32000xf32, #tpu.memory_space<hbm>> -> memref<1x1x32000xf32, #tpu.memory_space<hbm>>
    %dma_wait3A_1130 = tpu.memref_squeeze %dma_wait3A_1129 : memref<1x1x32000xf32, #tpu.memory_space<hbm>> -> memref<32000xf32, #tpu.memory_space<hbm>>
    %dma_wait3A_1131 = arith.constant 0 : i32
    %dma_wait3A_1132 = tpu.memref_slice %arg10[%dma_wait3A_1131] : memref<32128xf32, #tpu.memory_space<vmem>> -> memref<32000xf32, #tpu.memory_space<vmem>>
    tpu.wait_dma2 semaphore(%arg13 : memref<!tpu.dma_semaphore, #tpu.memory_space<semaphore_mem>>) src(%dma_wait3A_1132 : memref<32000xf32, #tpu.memory_space<vmem>>) dst(%dma_wait3A_1130 : memref<32000xf32, #tpu.memory_space<hbm>>)
    %broadcast_in_dim3A_1133 = arith.constant 25 : i32
    %broadcast_in_dim3A_1134 = vector.broadcast %broadcast_in_dim3A_1133 : i32 to vector<16xi32>
    %add3A_1135 = vector.broadcast %mul3A_36 : i32 to vector<16xi32>
    %add3A_1136 = arith.addi %broadcast_in_dim3A_1134, %add3A_1135 : vector<16xi32>
    %gather3A_1137 = tpu.vector_load_idx %arg6[%iota3A, %add3A_1136] : memref<16x128xi32, #tpu.memory_space<vmem>>[vector<16xi32>, vector<16xi32>], vector<16xi32>,
    tpu.vector_store_idx %arg10[%gather3A_1137], %broadcast_in_dim3A_48 : memref<32128xf32, #tpu.memory_space<vmem>>[vector<16xi32>], vector<16xf32>,
    %broadcast_in_dim3A_1138 = arith.constant 28 : i32
    %broadcast_in_dim3A_1139 = vector.broadcast %broadcast_in_dim3A_1138 : i32 to vector<16xi32>
    %add3A_1140 = vector.broadcast %mul3A_36 : i32 to vector<16xi32>
    %add3A_1141 = arith.addi %broadcast_in_dim3A_1139, %add3A_1140 : vector<16xi32>
    %gather3A_1142 = tpu.vector_load_idx %arg6[%iota3A, %add3A_1141] : memref<16x128xi32, #tpu.memory_space<vmem>>[vector<16xi32>, vector<16xi32>], vector<16xi32>,
    %gather3A_1143 = tpu.vector_load_idx %arg7[%iota3A, %add3A_1141] : memref<16x128xf32, #tpu.memory_space<vmem>>[vector<16xi32>, vector<16xi32>], vector<16xf32>,
    %broadcast_in_dim3A_1144 = arith.constant 28 : i32
    %broadcast_in_dim3A_1145 = vector.broadcast %broadcast_in_dim3A_1144 : i32 to vector<16xi32>
    %gather3A_1146 = tpu.vector_load_idx %arg8[%broadcast_in_dim3A_1145, %broadcast_in_dim3A_50] : memref<64x128xf32, #tpu.memory_space<vmem>>[vector<16xi32>, vector<16xi32>], vector<16xf32>,
    %mul3A_1147 = arith.mulf %gather3A_1143, %gather3A_1146 : vector<16xf32>
    tpu.vector_store_idx %arg10[%gather3A_1142], %mul3A_1147 : memref<32128xf32, #tpu.memory_space<vmem>>[vector<16xi32>], vector<16xf32>,
    %add3A_1148 = arith.constant 28 : i32
    %add3A_1149 = arith.addi %mul3A_2, %add3A_1148 : i32
    %dma_start3A_1150 = arith.constant 0 : i32
    %dma_start3A_1151 = arith.constant 0 : i32
    %dma_start3A_1152 = tpu.memref_slice %arg10[%dma_start3A_1151] : memref<32128xf32, #tpu.memory_space<vmem>> -> memref<32000xf32, #tpu.memory_space<vmem>>
    %dma_start3A_1153 = arith.constant 0 : i32
    %dma_start3A_1154 = tpu.memref_slice %arg5[%dma_start3A_1150, %add3A_1149, %dma_start3A_1153] : memref<1x2048x32000xf32, #tpu.memory_space<hbm>> -> memref<1x1x32000xf32, #tpu.memory_space<hbm>>
    %dma_start3A_1155 = tpu.memref_squeeze %dma_start3A_1154 : memref<1x1x32000xf32, #tpu.memory_space<hbm>> -> memref<32000xf32, #tpu.memory_space<hbm>>
    %dma_start3A_1156 = arith.constant 0 : i32
    %dma_start3A_1157 = tpu.memref_slice %arg5[%dma_start3A_1150, %add3A_1149, %dma_start3A_1156] : memref<1x2048x32000xf32, #tpu.memory_space<hbm>> -> memref<1x1x32000xf32, #tpu.memory_space<hbm>>
    %dma_start3A_1158 = tpu.memref_squeeze %dma_start3A_1157 : memref<1x1x32000xf32, #tpu.memory_space<hbm>> -> memref<32000xf32, #tpu.memory_space<hbm>>
    %dma_start3A_1159 = arith.constant 0 : i32
    %dma_start3A_1160 = tpu.memref_slice %arg10[%dma_start3A_1159] : memref<32128xf32, #tpu.memory_space<vmem>> -> memref<32000xf32, #tpu.memory_space<vmem>>
    tpu.enqueue_dma source(%dma_start3A_1160 : memref<32000xf32, #tpu.memory_space<vmem>>) target(%dma_start3A_1158 : memref<32000xf32, #tpu.memory_space<hbm>>) target_semaphore(%arg13 : memref<!tpu.dma_semaphore, #tpu.memory_space<semaphore_mem>>)
    %dma_wait3A_1161 = arith.constant 0 : i32
    %dma_wait3A_1162 = arith.constant 0 : i32
    %dma_wait3A_1163 = tpu.memref_slice %arg11[%dma_wait3A_1162] : memref<32128xf32, #tpu.memory_space<vmem>> -> memref<32000xf32, #tpu.memory_space<vmem>>
    %dma_wait3A_1164 = arith.constant 0 : i32
    %dma_wait3A_1165 = tpu.memref_slice %arg5[%dma_wait3A_1161, %add3A_1071, %dma_wait3A_1164] : memref<1x2048x32000xf32, #tpu.memory_space<hbm>> -> memref<1x1x32000xf32, #tpu.memory_space<hbm>>
    %dma_wait3A_1166 = tpu.memref_squeeze %dma_wait3A_1165 : memref<1x1x32000xf32, #tpu.memory_space<hbm>> -> memref<32000xf32, #tpu.memory_space<hbm>>
    %dma_wait3A_1167 = arith.constant 0 : i32
    %dma_wait3A_1168 = tpu.memref_slice %arg5[%dma_wait3A_1161, %add3A_1071, %dma_wait3A_1167] : memref<1x2048x32000xf32, #tpu.memory_space<hbm>> -> memref<1x1x32000xf32, #tpu.memory_space<hbm>>
    %dma_wait3A_1169 = tpu.memref_squeeze %dma_wait3A_1168 : memref<1x1x32000xf32, #tpu.memory_space<hbm>> -> memref<32000xf32, #tpu.memory_space<hbm>>
    %dma_wait3A_1170 = arith.constant 0 : i32
    %dma_wait3A_1171 = tpu.memref_slice %arg11[%dma_wait3A_1170] : memref<32128xf32, #tpu.memory_space<vmem>> -> memref<32000xf32, #tpu.memory_space<vmem>>
    tpu.wait_dma2 semaphore(%arg14 : memref<!tpu.dma_semaphore, #tpu.memory_space<semaphore_mem>>) src(%dma_wait3A_1171 : memref<32000xf32, #tpu.memory_space<vmem>>) dst(%dma_wait3A_1169 : memref<32000xf32, #tpu.memory_space<hbm>>)
    %broadcast_in_dim3A_1172 = arith.constant 26 : i32
    %broadcast_in_dim3A_1173 = vector.broadcast %broadcast_in_dim3A_1172 : i32 to vector<16xi32>
    %add3A_1174 = vector.broadcast %mul3A_36 : i32 to vector<16xi32>
    %add3A_1175 = arith.addi %broadcast_in_dim3A_1173, %add3A_1174 : vector<16xi32>
    %gather3A_1176 = tpu.vector_load_idx %arg6[%iota3A, %add3A_1175] : memref<16x128xi32, #tpu.memory_space<vmem>>[vector<16xi32>, vector<16xi32>], vector<16xi32>,
    tpu.vector_store_idx %arg11[%gather3A_1176], %broadcast_in_dim3A_48 : memref<32128xf32, #tpu.memory_space<vmem>>[vector<16xi32>], vector<16xf32>,
    %broadcast_in_dim3A_1177 = arith.constant 29 : i32
    %broadcast_in_dim3A_1178 = vector.broadcast %broadcast_in_dim3A_1177 : i32 to vector<16xi32>
    %add3A_1179 = vector.broadcast %mul3A_36 : i32 to vector<16xi32>
    %add3A_1180 = arith.addi %broadcast_in_dim3A_1178, %add3A_1179 : vector<16xi32>
    %gather3A_1181 = tpu.vector_load_idx %arg6[%iota3A, %add3A_1180] : memref<16x128xi32, #tpu.memory_space<vmem>>[vector<16xi32>, vector<16xi32>], vector<16xi32>,
    %gather3A_1182 = tpu.vector_load_idx %arg7[%iota3A, %add3A_1180] : memref<16x128xf32, #tpu.memory_space<vmem>>[vector<16xi32>, vector<16xi32>], vector<16xf32>,
    %broadcast_in_dim3A_1183 = arith.constant 29 : i32
    %broadcast_in_dim3A_1184 = vector.broadcast %broadcast_in_dim3A_1183 : i32 to vector<16xi32>
    %gather3A_1185 = tpu.vector_load_idx %arg8[%broadcast_in_dim3A_1184, %broadcast_in_dim3A_50] : memref<64x128xf32, #tpu.memory_space<vmem>>[vector<16xi32>, vector<16xi32>], vector<16xf32>,
    %mul3A_1186 = arith.mulf %gather3A_1182, %gather3A_1185 : vector<16xf32>
    tpu.vector_store_idx %arg11[%gather3A_1181], %mul3A_1186 : memref<32128xf32, #tpu.memory_space<vmem>>[vector<16xi32>], vector<16xf32>,
    %add3A_1187 = arith.constant 29 : i32
    %add3A_1188 = arith.addi %mul3A_2, %add3A_1187 : i32
    %dma_start3A_1189 = arith.constant 0 : i32
    %dma_start3A_1190 = arith.constant 0 : i32
    %dma_start3A_1191 = tpu.memref_slice %arg11[%dma_start3A_1190] : memref<32128xf32, #tpu.memory_space<vmem>> -> memref<32000xf32, #tpu.memory_space<vmem>>
    %dma_start3A_1192 = arith.constant 0 : i32
    %dma_start3A_1193 = tpu.memref_slice %arg5[%dma_start3A_1189, %add3A_1188, %dma_start3A_1192] : memref<1x2048x32000xf32, #tpu.memory_space<hbm>> -> memref<1x1x32000xf32, #tpu.memory_space<hbm>>
    %dma_start3A_1194 = tpu.memref_squeeze %dma_start3A_1193 : memref<1x1x32000xf32, #tpu.memory_space<hbm>> -> memref<32000xf32, #tpu.memory_space<hbm>>
    %dma_start3A_1195 = arith.constant 0 : i32
    %dma_start3A_1196 = tpu.memref_slice %arg5[%dma_start3A_1189, %add3A_1188, %dma_start3A_1195] : memref<1x2048x32000xf32, #tpu.memory_space<hbm>> -> memref<1x1x32000xf32, #tpu.memory_space<hbm>>
    %dma_start3A_1197 = tpu.memref_squeeze %dma_start3A_1196 : memref<1x1x32000xf32, #tpu.memory_space<hbm>> -> memref<32000xf32, #tpu.memory_space<hbm>>
    %dma_start3A_1198 = arith.constant 0 : i32
    %dma_start3A_1199 = tpu.memref_slice %arg11[%dma_start3A_1198] : memref<32128xf32, #tpu.memory_space<vmem>> -> memref<32000xf32, #tpu.memory_space<vmem>>
    tpu.enqueue_dma source(%dma_start3A_1199 : memref<32000xf32, #tpu.memory_space<vmem>>) target(%dma_start3A_1197 : memref<32000xf32, #tpu.memory_space<hbm>>) target_semaphore(%arg14 : memref<!tpu.dma_semaphore, #tpu.memory_space<semaphore_mem>>)
    %dma_wait3A_1200 = arith.constant 0 : i32
    %dma_wait3A_1201 = arith.constant 0 : i32
    %dma_wait3A_1202 = tpu.memref_slice %arg9[%dma_wait3A_1201] : memref<32128xf32, #tpu.memory_space<vmem>> -> memref<32000xf32, #tpu.memory_space<vmem>>
    %dma_wait3A_1203 = arith.constant 0 : i32
    %dma_wait3A_1204 = tpu.memref_slice %arg5[%dma_wait3A_1200, %add3A_1110, %dma_wait3A_1203] : memref<1x2048x32000xf32, #tpu.memory_space<hbm>> -> memref<1x1x32000xf32, #tpu.memory_space<hbm>>
    %dma_wait3A_1205 = tpu.memref_squeeze %dma_wait3A_1204 : memref<1x1x32000xf32, #tpu.memory_space<hbm>> -> memref<32000xf32, #tpu.memory_space<hbm>>
    %dma_wait3A_1206 = arith.constant 0 : i32
    %dma_wait3A_1207 = tpu.memref_slice %arg5[%dma_wait3A_1200, %add3A_1110, %dma_wait3A_1206] : memref<1x2048x32000xf32, #tpu.memory_space<hbm>> -> memref<1x1x32000xf32, #tpu.memory_space<hbm>>
    %dma_wait3A_1208 = tpu.memref_squeeze %dma_wait3A_1207 : memref<1x1x32000xf32, #tpu.memory_space<hbm>> -> memref<32000xf32, #tpu.memory_space<hbm>>
    %dma_wait3A_1209 = arith.constant 0 : i32
    %dma_wait3A_1210 = tpu.memref_slice %arg9[%dma_wait3A_1209] : memref<32128xf32, #tpu.memory_space<vmem>> -> memref<32000xf32, #tpu.memory_space<vmem>>
    tpu.wait_dma2 semaphore(%arg12 : memref<!tpu.dma_semaphore, #tpu.memory_space<semaphore_mem>>) src(%dma_wait3A_1210 : memref<32000xf32, #tpu.memory_space<vmem>>) dst(%dma_wait3A_1208 : memref<32000xf32, #tpu.memory_space<hbm>>)
    %broadcast_in_dim3A_1211 = arith.constant 27 : i32
    %broadcast_in_dim3A_1212 = vector.broadcast %broadcast_in_dim3A_1211 : i32 to vector<16xi32>
    %add3A_1213 = vector.broadcast %mul3A_36 : i32 to vector<16xi32>
    %add3A_1214 = arith.addi %broadcast_in_dim3A_1212, %add3A_1213 : vector<16xi32>
    %gather3A_1215 = tpu.vector_load_idx %arg6[%iota3A, %add3A_1214] : memref<16x128xi32, #tpu.memory_space<vmem>>[vector<16xi32>, vector<16xi32>], vector<16xi32>,
    tpu.vector_store_idx %arg9[%gather3A_1215], %broadcast_in_dim3A_48 : memref<32128xf32, #tpu.memory_space<vmem>>[vector<16xi32>], vector<16xf32>,
    %broadcast_in_dim3A_1216 = arith.constant 30 : i32
    %broadcast_in_dim3A_1217 = vector.broadcast %broadcast_in_dim3A_1216 : i32 to vector<16xi32>
    %add3A_1218 = vector.broadcast %mul3A_36 : i32 to vector<16xi32>
    %add3A_1219 = arith.addi %broadcast_in_dim3A_1217, %add3A_1218 : vector<16xi32>
    %gather3A_1220 = tpu.vector_load_idx %arg6[%iota3A, %add3A_1219] : memref<16x128xi32, #tpu.memory_space<vmem>>[vector<16xi32>, vector<16xi32>], vector<16xi32>,
    %gather3A_1221 = tpu.vector_load_idx %arg7[%iota3A, %add3A_1219] : memref<16x128xf32, #tpu.memory_space<vmem>>[vector<16xi32>, vector<16xi32>], vector<16xf32>,
    %broadcast_in_dim3A_1222 = arith.constant 30 : i32
    %broadcast_in_dim3A_1223 = vector.broadcast %broadcast_in_dim3A_1222 : i32 to vector<16xi32>
    %gather3A_1224 = tpu.vector_load_idx %arg8[%broadcast_in_dim3A_1223, %broadcast_in_dim3A_50] : memref<64x128xf32, #tpu.memory_space<vmem>>[vector<16xi32>, vector<16xi32>], vector<16xf32>,
    %mul3A_1225 = arith.mulf %gather3A_1221, %gather3A_1224 : vector<16xf32>
    tpu.vector_store_idx %arg9[%gather3A_1220], %mul3A_1225 : memref<32128xf32, #tpu.memory_space<vmem>>[vector<16xi32>], vector<16xf32>,
    %add3A_1226 = arith.constant 30 : i32
    %add3A_1227 = arith.addi %mul3A_2, %add3A_1226 : i32
    %dma_start3A_1228 = arith.constant 0 : i32
    %dma_start3A_1229 = arith.constant 0 : i32
    %dma_start3A_1230 = tpu.memref_slice %arg9[%dma_start3A_1229] : memref<32128xf32, #tpu.memory_space<vmem>> -> memref<32000xf32, #tpu.memory_space<vmem>>
    %dma_start3A_1231 = arith.constant 0 : i32
    %dma_start3A_1232 = tpu.memref_slice %arg5[%dma_start3A_1228, %add3A_1227, %dma_start3A_1231] : memref<1x2048x32000xf32, #tpu.memory_space<hbm>> -> memref<1x1x32000xf32, #tpu.memory_space<hbm>>
    %dma_start3A_1233 = tpu.memref_squeeze %dma_start3A_1232 : memref<1x1x32000xf32, #tpu.memory_space<hbm>> -> memref<32000xf32, #tpu.memory_space<hbm>>
    %dma_start3A_1234 = arith.constant 0 : i32
    %dma_start3A_1235 = tpu.memref_slice %arg5[%dma_start3A_1228, %add3A_1227, %dma_start3A_1234] : memref<1x2048x32000xf32, #tpu.memory_space<hbm>> -> memref<1x1x32000xf32, #tpu.memory_space<hbm>>
    %dma_start3A_1236 = tpu.memref_squeeze %dma_start3A_1235 : memref<1x1x32000xf32, #tpu.memory_space<hbm>> -> memref<32000xf32, #tpu.memory_space<hbm>>
    %dma_start3A_1237 = arith.constant 0 : i32
    %dma_start3A_1238 = tpu.memref_slice %arg9[%dma_start3A_1237] : memref<32128xf32, #tpu.memory_space<vmem>> -> memref<32000xf32, #tpu.memory_space<vmem>>
    tpu.enqueue_dma source(%dma_start3A_1238 : memref<32000xf32, #tpu.memory_space<vmem>>) target(%dma_start3A_1236 : memref<32000xf32, #tpu.memory_space<hbm>>) target_semaphore(%arg12 : memref<!tpu.dma_semaphore, #tpu.memory_space<semaphore_mem>>)
    %dma_wait3A_1239 = arith.constant 0 : i32
    %dma_wait3A_1240 = arith.constant 0 : i32
    %dma_wait3A_1241 = tpu.memref_slice %arg10[%dma_wait3A_1240] : memref<32128xf32, #tpu.memory_space<vmem>> -> memref<32000xf32, #tpu.memory_space<vmem>>
    %dma_wait3A_1242 = arith.constant 0 : i32
    %dma_wait3A_1243 = tpu.memref_slice %arg5[%dma_wait3A_1239, %add3A_1149, %dma_wait3A_1242] : memref<1x2048x32000xf32, #tpu.memory_space<hbm>> -> memref<1x1x32000xf32, #tpu.memory_space<hbm>>
    %dma_wait3A_1244 = tpu.memref_squeeze %dma_wait3A_1243 : memref<1x1x32000xf32, #tpu.memory_space<hbm>> -> memref<32000xf32, #tpu.memory_space<hbm>>
    %dma_wait3A_1245 = arith.constant 0 : i32
    %dma_wait3A_1246 = tpu.memref_slice %arg5[%dma_wait3A_1239, %add3A_1149, %dma_wait3A_1245] : memref<1x2048x32000xf32, #tpu.memory_space<hbm>> -> memref<1x1x32000xf32, #tpu.memory_space<hbm>>
    %dma_wait3A_1247 = tpu.memref_squeeze %dma_wait3A_1246 : memref<1x1x32000xf32, #tpu.memory_space<hbm>> -> memref<32000xf32, #tpu.memory_space<hbm>>
    %dma_wait3A_1248 = arith.constant 0 : i32
    %dma_wait3A_1249 = tpu.memref_slice %arg10[%dma_wait3A_1248] : memref<32128xf32, #tpu.memory_space<vmem>> -> memref<32000xf32, #tpu.memory_space<vmem>>
    tpu.wait_dma2 semaphore(%arg13 : memref<!tpu.dma_semaphore, #tpu.memory_space<semaphore_mem>>) src(%dma_wait3A_1249 : memref<32000xf32, #tpu.memory_space<vmem>>) dst(%dma_wait3A_1247 : memref<32000xf32, #tpu.memory_space<hbm>>)
    %broadcast_in_dim3A_1250 = arith.constant 28 : i32
    %broadcast_in_dim3A_1251 = vector.broadcast %broadcast_in_dim3A_1250 : i32 to vector<16xi32>
    %add3A_1252 = vector.broadcast %mul3A_36 : i32 to vector<16xi32>
    %add3A_1253 = arith.addi %broadcast_in_dim3A_1251, %add3A_1252 : vector<16xi32>
    %gather3A_1254 = tpu.vector_load_idx %arg6[%iota3A, %add3A_1253] : memref<16x128xi32, #tpu.memory_space<vmem>>[vector<16xi32>, vector<16xi32>], vector<16xi32>,
    tpu.vector_store_idx %arg10[%gather3A_1254], %broadcast_in_dim3A_48 : memref<32128xf32, #tpu.memory_space<vmem>>[vector<16xi32>], vector<16xf32>,
    %broadcast_in_dim3A_1255 = arith.constant 31 : i32
    %broadcast_in_dim3A_1256 = vector.broadcast %broadcast_in_dim3A_1255 : i32 to vector<16xi32>
    %add3A_1257 = vector.broadcast %mul3A_36 : i32 to vector<16xi32>
    %add3A_1258 = arith.addi %broadcast_in_dim3A_1256, %add3A_1257 : vector<16xi32>
    %gather3A_1259 = tpu.vector_load_idx %arg6[%iota3A, %add3A_1258] : memref<16x128xi32, #tpu.memory_space<vmem>>[vector<16xi32>, vector<16xi32>], vector<16xi32>,
    %gather3A_1260 = tpu.vector_load_idx %arg7[%iota3A, %add3A_1258] : memref<16x128xf32, #tpu.memory_space<vmem>>[vector<16xi32>, vector<16xi32>], vector<16xf32>,
    %broadcast_in_dim3A_1261 = arith.constant 31 : i32
    %broadcast_in_dim3A_1262 = vector.broadcast %broadcast_in_dim3A_1261 : i32 to vector<16xi32>
    %gather3A_1263 = tpu.vector_load_idx %arg8[%broadcast_in_dim3A_1262, %broadcast_in_dim3A_50] : memref<64x128xf32, #tpu.memory_space<vmem>>[vector<16xi32>, vector<16xi32>], vector<16xf32>,
    %mul3A_1264 = arith.mulf %gather3A_1260, %gather3A_1263 : vector<16xf32>
    tpu.vector_store_idx %arg10[%gather3A_1259], %mul3A_1264 : memref<32128xf32, #tpu.memory_space<vmem>>[vector<16xi32>], vector<16xf32>,
    %add3A_1265 = arith.constant 31 : i32
    %add3A_1266 = arith.addi %mul3A_2, %add3A_1265 : i32
    %dma_start3A_1267 = arith.constant 0 : i32
    %dma_start3A_1268 = arith.constant 0 : i32
    %dma_start3A_1269 = tpu.memref_slice %arg10[%dma_start3A_1268] : memref<32128xf32, #tpu.memory_space<vmem>> -> memref<32000xf32, #tpu.memory_space<vmem>>
    %dma_start3A_1270 = arith.constant 0 : i32
    %dma_start3A_1271 = tpu.memref_slice %arg5[%dma_start3A_1267, %add3A_1266, %dma_start3A_1270] : memref<1x2048x32000xf32, #tpu.memory_space<hbm>> -> memref<1x1x32000xf32, #tpu.memory_space<hbm>>
    %dma_start3A_1272 = tpu.memref_squeeze %dma_start3A_1271 : memref<1x1x32000xf32, #tpu.memory_space<hbm>> -> memref<32000xf32, #tpu.memory_space<hbm>>
    %dma_start3A_1273 = arith.constant 0 : i32
    %dma_start3A_1274 = tpu.memref_slice %arg5[%dma_start3A_1267, %add3A_1266, %dma_start3A_1273] : memref<1x2048x32000xf32, #tpu.memory_space<hbm>> -> memref<1x1x32000xf32, #tpu.memory_space<hbm>>
    %dma_start3A_1275 = tpu.memref_squeeze %dma_start3A_1274 : memref<1x1x32000xf32, #tpu.memory_space<hbm>> -> memref<32000xf32, #tpu.memory_space<hbm>>
    %dma_start3A_1276 = arith.constant 0 : i32
    %dma_start3A_1277 = tpu.memref_slice %arg10[%dma_start3A_1276] : memref<32128xf32, #tpu.memory_space<vmem>> -> memref<32000xf32, #tpu.memory_space<vmem>>
    tpu.enqueue_dma source(%dma_start3A_1277 : memref<32000xf32, #tpu.memory_space<vmem>>) target(%dma_start3A_1275 : memref<32000xf32, #tpu.memory_space<hbm>>) target_semaphore(%arg13 : memref<!tpu.dma_semaphore, #tpu.memory_space<semaphore_mem>>)
    %dma_wait3A_1278 = arith.constant 0 : i32
    %dma_wait3A_1279 = arith.constant 0 : i32
    %dma_wait3A_1280 = tpu.memref_slice %arg11[%dma_wait3A_1279] : memref<32128xf32, #tpu.memory_space<vmem>> -> memref<32000xf32, #tpu.memory_space<vmem>>
    %dma_wait3A_1281 = arith.constant 0 : i32
    %dma_wait3A_1282 = tpu.memref_slice %arg5[%dma_wait3A_1278, %add3A_1188, %dma_wait3A_1281] : memref<1x2048x32000xf32, #tpu.memory_space<hbm>> -> memref<1x1x32000xf32, #tpu.memory_space<hbm>>
    %dma_wait3A_1283 = tpu.memref_squeeze %dma_wait3A_1282 : memref<1x1x32000xf32, #tpu.memory_space<hbm>> -> memref<32000xf32, #tpu.memory_space<hbm>>
    %dma_wait3A_1284 = arith.constant 0 : i32
    %dma_wait3A_1285 = tpu.memref_slice %arg5[%dma_wait3A_1278, %add3A_1188, %dma_wait3A_1284] : memref<1x2048x32000xf32, #tpu.memory_space<hbm>> -> memref<1x1x32000xf32, #tpu.memory_space<hbm>>
    %dma_wait3A_1286 = tpu.memref_squeeze %dma_wait3A_1285 : memref<1x1x32000xf32, #tpu.memory_space<hbm>> -> memref<32000xf32, #tpu.memory_space<hbm>>
    %dma_wait3A_1287 = arith.constant 0 : i32
    %dma_wait3A_1288 = tpu.memref_slice %arg11[%dma_wait3A_1287] : memref<32128xf32, #tpu.memory_space<vmem>> -> memref<32000xf32, #tpu.memory_space<vmem>>
    tpu.wait_dma2 semaphore(%arg14 : memref<!tpu.dma_semaphore, #tpu.memory_space<semaphore_mem>>) src(%dma_wait3A_1288 : memref<32000xf32, #tpu.memory_space<vmem>>) dst(%dma_wait3A_1286 : memref<32000xf32, #tpu.memory_space<hbm>>)
    %broadcast_in_dim3A_1289 = arith.constant 29 : i32
    %broadcast_in_dim3A_1290 = vector.broadcast %broadcast_in_dim3A_1289 : i32 to vector<16xi32>
    %add3A_1291 = vector.broadcast %mul3A_36 : i32 to vector<16xi32>
    %add3A_1292 = arith.addi %broadcast_in_dim3A_1290, %add3A_1291 : vector<16xi32>
    %gather3A_1293 = tpu.vector_load_idx %arg6[%iota3A, %add3A_1292] : memref<16x128xi32, #tpu.memory_space<vmem>>[vector<16xi32>, vector<16xi32>], vector<16xi32>,
    tpu.vector_store_idx %arg11[%gather3A_1293], %broadcast_in_dim3A_48 : memref<32128xf32, #tpu.memory_space<vmem>>[vector<16xi32>], vector<16xf32>,
    %broadcast_in_dim3A_1294 = arith.constant 32 : i32
    %broadcast_in_dim3A_1295 = vector.broadcast %broadcast_in_dim3A_1294 : i32 to vector<16xi32>
    %add3A_1296 = vector.broadcast %mul3A_36 : i32 to vector<16xi32>
    %add3A_1297 = arith.addi %broadcast_in_dim3A_1295, %add3A_1296 : vector<16xi32>
    %gather3A_1298 = tpu.vector_load_idx %arg6[%iota3A, %add3A_1297] : memref<16x128xi32, #tpu.memory_space<vmem>>[vector<16xi32>, vector<16xi32>], vector<16xi32>,
    %gather3A_1299 = tpu.vector_load_idx %arg7[%iota3A, %add3A_1297] : memref<16x128xf32, #tpu.memory_space<vmem>>[vector<16xi32>, vector<16xi32>], vector<16xf32>,
    %broadcast_in_dim3A_1300 = arith.constant 32 : i32
    %broadcast_in_dim3A_1301 = vector.broadcast %broadcast_in_dim3A_1300 : i32 to vector<16xi32>
    %gather3A_1302 = tpu.vector_load_idx %arg8[%broadcast_in_dim3A_1301, %broadcast_in_dim3A_50] : memref<64x128xf32, #tpu.memory_space<vmem>>[vector<16xi32>, vector<16xi32>], vector<16xf32>,
    %mul3A_1303 = arith.mulf %gather3A_1299, %gather3A_1302 : vector<16xf32>
    tpu.vector_store_idx %arg11[%gather3A_1298], %mul3A_1303 : memref<32128xf32, #tpu.memory_space<vmem>>[vector<16xi32>], vector<16xf32>,
    %add3A_1304 = arith.constant 32 : i32
    %add3A_1305 = arith.addi %mul3A_2, %add3A_1304 : i32
    %dma_start3A_1306 = arith.constant 0 : i32
    %dma_start3A_1307 = arith.constant 0 : i32
    %dma_start3A_1308 = tpu.memref_slice %arg11[%dma_start3A_1307] : memref<32128xf32, #tpu.memory_space<vmem>> -> memref<32000xf32, #tpu.memory_space<vmem>>
    %dma_start3A_1309 = arith.constant 0 : i32
    %dma_start3A_1310 = tpu.memref_slice %arg5[%dma_start3A_1306, %add3A_1305, %dma_start3A_1309] : memref<1x2048x32000xf32, #tpu.memory_space<hbm>> -> memref<1x1x32000xf32, #tpu.memory_space<hbm>>
    %dma_start3A_1311 = tpu.memref_squeeze %dma_start3A_1310 : memref<1x1x32000xf32, #tpu.memory_space<hbm>> -> memref<32000xf32, #tpu.memory_space<hbm>>
    %dma_start3A_1312 = arith.constant 0 : i32
    %dma_start3A_1313 = tpu.memref_slice %arg5[%dma_start3A_1306, %add3A_1305, %dma_start3A_1312] : memref<1x2048x32000xf32, #tpu.memory_space<hbm>> -> memref<1x1x32000xf32, #tpu.memory_space<hbm>>
    %dma_start3A_1314 = tpu.memref_squeeze %dma_start3A_1313 : memref<1x1x32000xf32, #tpu.memory_space<hbm>> -> memref<32000xf32, #tpu.memory_space<hbm>>
    %dma_start3A_1315 = arith.constant 0 : i32
    %dma_start3A_1316 = tpu.memref_slice %arg11[%dma_start3A_1315] : memref<32128xf32, #tpu.memory_space<vmem>> -> memref<32000xf32, #tpu.memory_space<vmem>>
    tpu.enqueue_dma source(%dma_start3A_1316 : memref<32000xf32, #tpu.memory_space<vmem>>) target(%dma_start3A_1314 : memref<32000xf32, #tpu.memory_space<hbm>>) target_semaphore(%arg14 : memref<!tpu.dma_semaphore, #tpu.memory_space<semaphore_mem>>)
    %dma_wait3A_1317 = arith.constant 0 : i32
    %dma_wait3A_1318 = arith.constant 0 : i32
    %dma_wait3A_1319 = tpu.memref_slice %arg9[%dma_wait3A_1318] : memref<32128xf32, #tpu.memory_space<vmem>> -> memref<32000xf32, #tpu.memory_space<vmem>>
    %dma_wait3A_1320 = arith.constant 0 : i32
    %dma_wait3A_1321 = tpu.memref_slice %arg5[%dma_wait3A_1317, %add3A_1227, %dma_wait3A_1320] : memref<1x2048x32000xf32, #tpu.memory_space<hbm>> -> memref<1x1x32000xf32, #tpu.memory_space<hbm>>
    %dma_wait3A_1322 = tpu.memref_squeeze %dma_wait3A_1321 : memref<1x1x32000xf32, #tpu.memory_space<hbm>> -> memref<32000xf32, #tpu.memory_space<hbm>>
    %dma_wait3A_1323 = arith.constant 0 : i32
    %dma_wait3A_1324 = tpu.memref_slice %arg5[%dma_wait3A_1317, %add3A_1227, %dma_wait3A_1323] : memref<1x2048x32000xf32, #tpu.memory_space<hbm>> -> memref<1x1x32000xf32, #tpu.memory_space<hbm>>
    %dma_wait3A_1325 = tpu.memref_squeeze %dma_wait3A_1324 : memref<1x1x32000xf32, #tpu.memory_space<hbm>> -> memref<32000xf32, #tpu.memory_space<hbm>>
    %dma_wait3A_1326 = arith.constant 0 : i32
    %dma_wait3A_1327 = tpu.memref_slice %arg9[%dma_wait3A_1326] : memref<32128xf32, #tpu.memory_space<vmem>> -> memref<32000xf32, #tpu.memory_space<vmem>>
    tpu.wait_dma2 semaphore(%arg12 : memref<!tpu.dma_semaphore, #tpu.memory_space<semaphore_mem>>) src(%dma_wait3A_1327 : memref<32000xf32, #tpu.memory_space<vmem>>) dst(%dma_wait3A_1325 : memref<32000xf32, #tpu.memory_space<hbm>>)
    %broadcast_in_dim3A_1328 = arith.constant 30 : i32
    %broadcast_in_dim3A_1329 = vector.broadcast %broadcast_in_dim3A_1328 : i32 to vector<16xi32>
    %add3A_1330 = vector.broadcast %mul3A_36 : i32 to vector<16xi32>
    %add3A_1331 = arith.addi %broadcast_in_dim3A_1329, %add3A_1330 : vector<16xi32>
    %gather3A_1332 = tpu.vector_load_idx %arg6[%iota3A, %add3A_1331] : memref<16x128xi32, #tpu.memory_space<vmem>>[vector<16xi32>, vector<16xi32>], vector<16xi32>,
    tpu.vector_store_idx %arg9[%gather3A_1332], %broadcast_in_dim3A_48 : memref<32128xf32, #tpu.memory_space<vmem>>[vector<16xi32>], vector<16xf32>,
    %broadcast_in_dim3A_1333 = arith.constant 33 : i32
    %broadcast_in_dim3A_1334 = vector.broadcast %broadcast_in_dim3A_1333 : i32 to vector<16xi32>
    %add3A_1335 = vector.broadcast %mul3A_36 : i32 to vector<16xi32>
    %add3A_1336 = arith.addi %broadcast_in_dim3A_1334, %add3A_1335 : vector<16xi32>
    %gather3A_1337 = tpu.vector_load_idx %arg6[%iota3A, %add3A_1336] : memref<16x128xi32, #tpu.memory_space<vmem>>[vector<16xi32>, vector<16xi32>], vector<16xi32>,
    %gather3A_1338 = tpu.vector_load_idx %arg7[%iota3A, %add3A_1336] : memref<16x128xf32, #tpu.memory_space<vmem>>[vector<16xi32>, vector<16xi32>], vector<16xf32>,
    %broadcast_in_dim3A_1339 = arith.constant 33 : i32
    %broadcast_in_dim3A_1340 = vector.broadcast %broadcast_in_dim3A_1339 : i32 to vector<16xi32>
    %gather3A_1341 = tpu.vector_load_idx %arg8[%broadcast_in_dim3A_1340, %broadcast_in_dim3A_50] : memref<64x128xf32, #tpu.memory_space<vmem>>[vector<16xi32>, vector<16xi32>], vector<16xf32>,
    %mul3A_1342 = arith.mulf %gather3A_1338, %gather3A_1341 : vector<16xf32>
    tpu.vector_store_idx %arg9[%gather3A_1337], %mul3A_1342 : memref<32128xf32, #tpu.memory_space<vmem>>[vector<16xi32>], vector<16xf32>,
    %add3A_1343 = arith.constant 33 : i32
    %add3A_1344 = arith.addi %mul3A_2, %add3A_1343 : i32
    %dma_start3A_1345 = arith.constant 0 : i32
    %dma_start3A_1346 = arith.constant 0 : i32
    %dma_start3A_1347 = tpu.memref_slice %arg9[%dma_start3A_1346] : memref<32128xf32, #tpu.memory_space<vmem>> -> memref<32000xf32, #tpu.memory_space<vmem>>
    %dma_start3A_1348 = arith.constant 0 : i32
    %dma_start3A_1349 = tpu.memref_slice %arg5[%dma_start3A_1345, %add3A_1344, %dma_start3A_1348] : memref<1x2048x32000xf32, #tpu.memory_space<hbm>> -> memref<1x1x32000xf32, #tpu.memory_space<hbm>>
    %dma_start3A_1350 = tpu.memref_squeeze %dma_start3A_1349 : memref<1x1x32000xf32, #tpu.memory_space<hbm>> -> memref<32000xf32, #tpu.memory_space<hbm>>
    %dma_start3A_1351 = arith.constant 0 : i32
    %dma_start3A_1352 = tpu.memref_slice %arg5[%dma_start3A_1345, %add3A_1344, %dma_start3A_1351] : memref<1x2048x32000xf32, #tpu.memory_space<hbm>> -> memref<1x1x32000xf32, #tpu.memory_space<hbm>>
    %dma_start3A_1353 = tpu.memref_squeeze %dma_start3A_1352 : memref<1x1x32000xf32, #tpu.memory_space<hbm>> -> memref<32000xf32, #tpu.memory_space<hbm>>
    %dma_start3A_1354 = arith.constant 0 : i32
    %dma_start3A_1355 = tpu.memref_slice %arg9[%dma_start3A_1354] : memref<32128xf32, #tpu.memory_space<vmem>> -> memref<32000xf32, #tpu.memory_space<vmem>>
    tpu.enqueue_dma source(%dma_start3A_1355 : memref<32000xf32, #tpu.memory_space<vmem>>) target(%dma_start3A_1353 : memref<32000xf32, #tpu.memory_space<hbm>>) target_semaphore(%arg12 : memref<!tpu.dma_semaphore, #tpu.memory_space<semaphore_mem>>)
    %dma_wait3A_1356 = arith.constant 0 : i32
    %dma_wait3A_1357 = arith.constant 0 : i32
    %dma_wait3A_1358 = tpu.memref_slice %arg10[%dma_wait3A_1357] : memref<32128xf32, #tpu.memory_space<vmem>> -> memref<32000xf32, #tpu.memory_space<vmem>>
    %dma_wait3A_1359 = arith.constant 0 : i32
    %dma_wait3A_1360 = tpu.memref_slice %arg5[%dma_wait3A_1356, %add3A_1266, %dma_wait3A_1359] : memref<1x2048x32000xf32, #tpu.memory_space<hbm>> -> memref<1x1x32000xf32, #tpu.memory_space<hbm>>
    %dma_wait3A_1361 = tpu.memref_squeeze %dma_wait3A_1360 : memref<1x1x32000xf32, #tpu.memory_space<hbm>> -> memref<32000xf32, #tpu.memory_space<hbm>>
    %dma_wait3A_1362 = arith.constant 0 : i32
    %dma_wait3A_1363 = tpu.memref_slice %arg5[%dma_wait3A_1356, %add3A_1266, %dma_wait3A_1362] : memref<1x2048x32000xf32, #tpu.memory_space<hbm>> -> memref<1x1x32000xf32, #tpu.memory_space<hbm>>
    %dma_wait3A_1364 = tpu.memref_squeeze %dma_wait3A_1363 : memref<1x1x32000xf32, #tpu.memory_space<hbm>> -> memref<32000xf32, #tpu.memory_space<hbm>>
    %dma_wait3A_1365 = arith.constant 0 : i32
    %dma_wait3A_1366 = tpu.memref_slice %arg10[%dma_wait3A_1365] : memref<32128xf32, #tpu.memory_space<vmem>> -> memref<32000xf32, #tpu.memory_space<vmem>>
    tpu.wait_dma2 semaphore(%arg13 : memref<!tpu.dma_semaphore, #tpu.memory_space<semaphore_mem>>) src(%dma_wait3A_1366 : memref<32000xf32, #tpu.memory_space<vmem>>) dst(%dma_wait3A_1364 : memref<32000xf32, #tpu.memory_space<hbm>>)
    %broadcast_in_dim3A_1367 = arith.constant 31 : i32
    %broadcast_in_dim3A_1368 = vector.broadcast %broadcast_in_dim3A_1367 : i32 to vector<16xi32>
    %add3A_1369 = vector.broadcast %mul3A_36 : i32 to vector<16xi32>
    %add3A_1370 = arith.addi %broadcast_in_dim3A_1368, %add3A_1369 : vector<16xi32>
    %gather3A_1371 = tpu.vector_load_idx %arg6[%iota3A, %add3A_1370] : memref<16x128xi32, #tpu.memory_space<vmem>>[vector<16xi32>, vector<16xi32>], vector<16xi32>,
    tpu.vector_store_idx %arg10[%gather3A_1371], %broadcast_in_dim3A_48 : memref<32128xf32, #tpu.memory_space<vmem>>[vector<16xi32>], vector<16xf32>,
    %broadcast_in_dim3A_1372 = arith.constant 34 : i32
    %broadcast_in_dim3A_1373 = vector.broadcast %broadcast_in_dim3A_1372 : i32 to vector<16xi32>
    %add3A_1374 = vector.broadcast %mul3A_36 : i32 to vector<16xi32>
    %add3A_1375 = arith.addi %broadcast_in_dim3A_1373, %add3A_1374 : vector<16xi32>
    %gather3A_1376 = tpu.vector_load_idx %arg6[%iota3A, %add3A_1375] : memref<16x128xi32, #tpu.memory_space<vmem>>[vector<16xi32>, vector<16xi32>], vector<16xi32>,
    %gather3A_1377 = tpu.vector_load_idx %arg7[%iota3A, %add3A_1375] : memref<16x128xf32, #tpu.memory_space<vmem>>[vector<16xi32>, vector<16xi32>], vector<16xf32>,
    %broadcast_in_dim3A_1378 = arith.constant 34 : i32
    %broadcast_in_dim3A_1379 = vector.broadcast %broadcast_in_dim3A_1378 : i32 to vector<16xi32>
    %gather3A_1380 = tpu.vector_load_idx %arg8[%broadcast_in_dim3A_1379, %broadcast_in_dim3A_50] : memref<64x128xf32, #tpu.memory_space<vmem>>[vector<16xi32>, vector<16xi32>], vector<16xf32>,
    %mul3A_1381 = arith.mulf %gather3A_1377, %gather3A_1380 : vector<16xf32>
    tpu.vector_store_idx %arg10[%gather3A_1376], %mul3A_1381 : memref<32128xf32, #tpu.memory_space<vmem>>[vector<16xi32>], vector<16xf32>,
    %add3A_1382 = arith.constant 34 : i32
    %add3A_1383 = arith.addi %mul3A_2, %add3A_1382 : i32
    %dma_start3A_1384 = arith.constant 0 : i32
    %dma_start3A_1385 = arith.constant 0 : i32
    %dma_start3A_1386 = tpu.memref_slice %arg10[%dma_start3A_1385] : memref<32128xf32, #tpu.memory_space<vmem>> -> memref<32000xf32, #tpu.memory_space<vmem>>
    %dma_start3A_1387 = arith.constant 0 : i32
    %dma_start3A_1388 = tpu.memref_slice %arg5[%dma_start3A_1384, %add3A_1383, %dma_start3A_1387] : memref<1x2048x32000xf32, #tpu.memory_space<hbm>> -> memref<1x1x32000xf32, #tpu.memory_space<hbm>>
    %dma_start3A_1389 = tpu.memref_squeeze %dma_start3A_1388 : memref<1x1x32000xf32, #tpu.memory_space<hbm>> -> memref<32000xf32, #tpu.memory_space<hbm>>
    %dma_start3A_1390 = arith.constant 0 : i32
    %dma_start3A_1391 = tpu.memref_slice %arg5[%dma_start3A_1384, %add3A_1383, %dma_start3A_1390] : memref<1x2048x32000xf32, #tpu.memory_space<hbm>> -> memref<1x1x32000xf32, #tpu.memory_space<hbm>>
    %dma_start3A_1392 = tpu.memref_squeeze %dma_start3A_1391 : memref<1x1x32000xf32, #tpu.memory_space<hbm>> -> memref<32000xf32, #tpu.memory_space<hbm>>
    %dma_start3A_1393 = arith.constant 0 : i32
    %dma_start3A_1394 = tpu.memref_slice %arg10[%dma_start3A_1393] : memref<32128xf32, #tpu.memory_space<vmem>> -> memref<32000xf32, #tpu.memory_space<vmem>>
    tpu.enqueue_dma source(%dma_start3A_1394 : memref<32000xf32, #tpu.memory_space<vmem>>) target(%dma_start3A_1392 : memref<32000xf32, #tpu.memory_space<hbm>>) target_semaphore(%arg13 : memref<!tpu.dma_semaphore, #tpu.memory_space<semaphore_mem>>)
    %dma_wait3A_1395 = arith.constant 0 : i32
    %dma_wait3A_1396 = arith.constant 0 : i32
    %dma_wait3A_1397 = tpu.memref_slice %arg11[%dma_wait3A_1396] : memref<32128xf32, #tpu.memory_space<vmem>> -> memref<32000xf32, #tpu.memory_space<vmem>>
    %dma_wait3A_1398 = arith.constant 0 : i32
    %dma_wait3A_1399 = tpu.memref_slice %arg5[%dma_wait3A_1395, %add3A_1305, %dma_wait3A_1398] : memref<1x2048x32000xf32, #tpu.memory_space<hbm>> -> memref<1x1x32000xf32, #tpu.memory_space<hbm>>
    %dma_wait3A_1400 = tpu.memref_squeeze %dma_wait3A_1399 : memref<1x1x32000xf32, #tpu.memory_space<hbm>> -> memref<32000xf32, #tpu.memory_space<hbm>>
    %dma_wait3A_1401 = arith.constant 0 : i32
    %dma_wait3A_1402 = tpu.memref_slice %arg5[%dma_wait3A_1395, %add3A_1305, %dma_wait3A_1401] : memref<1x2048x32000xf32, #tpu.memory_space<hbm>> -> memref<1x1x32000xf32, #tpu.memory_space<hbm>>
    %dma_wait3A_1403 = tpu.memref_squeeze %dma_wait3A_1402 : memref<1x1x32000xf32, #tpu.memory_space<hbm>> -> memref<32000xf32, #tpu.memory_space<hbm>>
    %dma_wait3A_1404 = arith.constant 0 : i32
    %dma_wait3A_1405 = tpu.memref_slice %arg11[%dma_wait3A_1404] : memref<32128xf32, #tpu.memory_space<vmem>> -> memref<32000xf32, #tpu.memory_space<vmem>>
    tpu.wait_dma2 semaphore(%arg14 : memref<!tpu.dma_semaphore, #tpu.memory_space<semaphore_mem>>) src(%dma_wait3A_1405 : memref<32000xf32, #tpu.memory_space<vmem>>) dst(%dma_wait3A_1403 : memref<32000xf32, #tpu.memory_space<hbm>>)
    %broadcast_in_dim3A_1406 = arith.constant 32 : i32
    %broadcast_in_dim3A_1407 = vector.broadcast %broadcast_in_dim3A_1406 : i32 to vector<16xi32>
    %add3A_1408 = vector.broadcast %mul3A_36 : i32 to vector<16xi32>
    %add3A_1409 = arith.addi %broadcast_in_dim3A_1407, %add3A_1408 : vector<16xi32>
    %gather3A_1410 = tpu.vector_load_idx %arg6[%iota3A, %add3A_1409] : memref<16x128xi32, #tpu.memory_space<vmem>>[vector<16xi32>, vector<16xi32>], vector<16xi32>,
    tpu.vector_store_idx %arg11[%gather3A_1410], %broadcast_in_dim3A_48 : memref<32128xf32, #tpu.memory_space<vmem>>[vector<16xi32>], vector<16xf32>,
    %broadcast_in_dim3A_1411 = arith.constant 35 : i32
    %broadcast_in_dim3A_1412 = vector.broadcast %broadcast_in_dim3A_1411 : i32 to vector<16xi32>
    %add3A_1413 = vector.broadcast %mul3A_36 : i32 to vector<16xi32>
    %add3A_1414 = arith.addi %broadcast_in_dim3A_1412, %add3A_1413 : vector<16xi32>
    %gather3A_1415 = tpu.vector_load_idx %arg6[%iota3A, %add3A_1414] : memref<16x128xi32, #tpu.memory_space<vmem>>[vector<16xi32>, vector<16xi32>], vector<16xi32>,
    %gather3A_1416 = tpu.vector_load_idx %arg7[%iota3A, %add3A_1414] : memref<16x128xf32, #tpu.memory_space<vmem>>[vector<16xi32>, vector<16xi32>], vector<16xf32>,
    %broadcast_in_dim3A_1417 = arith.constant 35 : i32
    %broadcast_in_dim3A_1418 = vector.broadcast %broadcast_in_dim3A_1417 : i32 to vector<16xi32>
    %gather3A_1419 = tpu.vector_load_idx %arg8[%broadcast_in_dim3A_1418, %broadcast_in_dim3A_50] : memref<64x128xf32, #tpu.memory_space<vmem>>[vector<16xi32>, vector<16xi32>], vector<16xf32>,
    %mul3A_1420 = arith.mulf %gather3A_1416, %gather3A_1419 : vector<16xf32>
    tpu.vector_store_idx %arg11[%gather3A_1415], %mul3A_1420 : memref<32128xf32, #tpu.memory_space<vmem>>[vector<16xi32>], vector<16xf32>,
    %add3A_1421 = arith.constant 35 : i32
    %add3A_1422 = arith.addi %mul3A_2, %add3A_1421 : i32
    %dma_start3A_1423 = arith.constant 0 : i32
    %dma_start3A_1424 = arith.constant 0 : i32
    %dma_start3A_1425 = tpu.memref_slice %arg11[%dma_start3A_1424] : memref<32128xf32, #tpu.memory_space<vmem>> -> memref<32000xf32, #tpu.memory_space<vmem>>
    %dma_start3A_1426 = arith.constant 0 : i32
    %dma_start3A_1427 = tpu.memref_slice %arg5[%dma_start3A_1423, %add3A_1422, %dma_start3A_1426] : memref<1x2048x32000xf32, #tpu.memory_space<hbm>> -> memref<1x1x32000xf32, #tpu.memory_space<hbm>>
    %dma_start3A_1428 = tpu.memref_squeeze %dma_start3A_1427 : memref<1x1x32000xf32, #tpu.memory_space<hbm>> -> memref<32000xf32, #tpu.memory_space<hbm>>
    %dma_start3A_1429 = arith.constant 0 : i32
    %dma_start3A_1430 = tpu.memref_slice %arg5[%dma_start3A_1423, %add3A_1422, %dma_start3A_1429] : memref<1x2048x32000xf32, #tpu.memory_space<hbm>> -> memref<1x1x32000xf32, #tpu.memory_space<hbm>>
    %dma_start3A_1431 = tpu.memref_squeeze %dma_start3A_1430 : memref<1x1x32000xf32, #tpu.memory_space<hbm>> -> memref<32000xf32, #tpu.memory_space<hbm>>
    %dma_start3A_1432 = arith.constant 0 : i32
    %dma_start3A_1433 = tpu.memref_slice %arg11[%dma_start3A_1432] : memref<32128xf32, #tpu.memory_space<vmem>> -> memref<32000xf32, #tpu.memory_space<vmem>>
    tpu.enqueue_dma source(%dma_start3A_1433 : memref<32000xf32, #tpu.memory_space<vmem>>) target(%dma_start3A_1431 : memref<32000xf32, #tpu.memory_space<hbm>>) target_semaphore(%arg14 : memref<!tpu.dma_semaphore, #tpu.memory_space<semaphore_mem>>)
    %dma_wait3A_1434 = arith.constant 0 : i32
    %dma_wait3A_1435 = arith.constant 0 : i32
    %dma_wait3A_1436 = tpu.memref_slice %arg9[%dma_wait3A_1435] : memref<32128xf32, #tpu.memory_space<vmem>> -> memref<32000xf32, #tpu.memory_space<vmem>>
    %dma_wait3A_1437 = arith.constant 0 : i32
    %dma_wait3A_1438 = tpu.memref_slice %arg5[%dma_wait3A_1434, %add3A_1344, %dma_wait3A_1437] : memref<1x2048x32000xf32, #tpu.memory_space<hbm>> -> memref<1x1x32000xf32, #tpu.memory_space<hbm>>
    %dma_wait3A_1439 = tpu.memref_squeeze %dma_wait3A_1438 : memref<1x1x32000xf32, #tpu.memory_space<hbm>> -> memref<32000xf32, #tpu.memory_space<hbm>>
    %dma_wait3A_1440 = arith.constant 0 : i32
    %dma_wait3A_1441 = tpu.memref_slice %arg5[%dma_wait3A_1434, %add3A_1344, %dma_wait3A_1440] : memref<1x2048x32000xf32, #tpu.memory_space<hbm>> -> memref<1x1x32000xf32, #tpu.memory_space<hbm>>
    %dma_wait3A_1442 = tpu.memref_squeeze %dma_wait3A_1441 : memref<1x1x32000xf32, #tpu.memory_space<hbm>> -> memref<32000xf32, #tpu.memory_space<hbm>>
    %dma_wait3A_1443 = arith.constant 0 : i32
    %dma_wait3A_1444 = tpu.memref_slice %arg9[%dma_wait3A_1443] : memref<32128xf32, #tpu.memory_space<vmem>> -> memref<32000xf32, #tpu.memory_space<vmem>>
    tpu.wait_dma2 semaphore(%arg12 : memref<!tpu.dma_semaphore, #tpu.memory_space<semaphore_mem>>) src(%dma_wait3A_1444 : memref<32000xf32, #tpu.memory_space<vmem>>) dst(%dma_wait3A_1442 : memref<32000xf32, #tpu.memory_space<hbm>>)
    %broadcast_in_dim3A_1445 = arith.constant 33 : i32
    %broadcast_in_dim3A_1446 = vector.broadcast %broadcast_in_dim3A_1445 : i32 to vector<16xi32>
    %add3A_1447 = vector.broadcast %mul3A_36 : i32 to vector<16xi32>
    %add3A_1448 = arith.addi %broadcast_in_dim3A_1446, %add3A_1447 : vector<16xi32>
    %gather3A_1449 = tpu.vector_load_idx %arg6[%iota3A, %add3A_1448] : memref<16x128xi32, #tpu.memory_space<vmem>>[vector<16xi32>, vector<16xi32>], vector<16xi32>,
    tpu.vector_store_idx %arg9[%gather3A_1449], %broadcast_in_dim3A_48 : memref<32128xf32, #tpu.memory_space<vmem>>[vector<16xi32>], vector<16xf32>,
    %broadcast_in_dim3A_1450 = arith.constant 36 : i32
    %broadcast_in_dim3A_1451 = vector.broadcast %broadcast_in_dim3A_1450 : i32 to vector<16xi32>
    %add3A_1452 = vector.broadcast %mul3A_36 : i32 to vector<16xi32>
    %add3A_1453 = arith.addi %broadcast_in_dim3A_1451, %add3A_1452 : vector<16xi32>
    %gather3A_1454 = tpu.vector_load_idx %arg6[%iota3A, %add3A_1453] : memref<16x128xi32, #tpu.memory_space<vmem>>[vector<16xi32>, vector<16xi32>], vector<16xi32>,
    %gather3A_1455 = tpu.vector_load_idx %arg7[%iota3A, %add3A_1453] : memref<16x128xf32, #tpu.memory_space<vmem>>[vector<16xi32>, vector<16xi32>], vector<16xf32>,
    %broadcast_in_dim3A_1456 = arith.constant 36 : i32
    %broadcast_in_dim3A_1457 = vector.broadcast %broadcast_in_dim3A_1456 : i32 to vector<16xi32>
    %gather3A_1458 = tpu.vector_load_idx %arg8[%broadcast_in_dim3A_1457, %broadcast_in_dim3A_50] : memref<64x128xf32, #tpu.memory_space<vmem>>[vector<16xi32>, vector<16xi32>], vector<16xf32>,
    %mul3A_1459 = arith.mulf %gather3A_1455, %gather3A_1458 : vector<16xf32>
    tpu.vector_store_idx %arg9[%gather3A_1454], %mul3A_1459 : memref<32128xf32, #tpu.memory_space<vmem>>[vector<16xi32>], vector<16xf32>,
    %add3A_1460 = arith.constant 36 : i32
    %add3A_1461 = arith.addi %mul3A_2, %add3A_1460 : i32
    %dma_start3A_1462 = arith.constant 0 : i32
    %dma_start3A_1463 = arith.constant 0 : i32
    %dma_start3A_1464 = tpu.memref_slice %arg9[%dma_start3A_1463] : memref<32128xf32, #tpu.memory_space<vmem>> -> memref<32000xf32, #tpu.memory_space<vmem>>
    %dma_start3A_1465 = arith.constant 0 : i32
    %dma_start3A_1466 = tpu.memref_slice %arg5[%dma_start3A_1462, %add3A_1461, %dma_start3A_1465] : memref<1x2048x32000xf32, #tpu.memory_space<hbm>> -> memref<1x1x32000xf32, #tpu.memory_space<hbm>>
    %dma_start3A_1467 = tpu.memref_squeeze %dma_start3A_1466 : memref<1x1x32000xf32, #tpu.memory_space<hbm>> -> memref<32000xf32, #tpu.memory_space<hbm>>
    %dma_start3A_1468 = arith.constant 0 : i32
    %dma_start3A_1469 = tpu.memref_slice %arg5[%dma_start3A_1462, %add3A_1461, %dma_start3A_1468] : memref<1x2048x32000xf32, #tpu.memory_space<hbm>> -> memref<1x1x32000xf32, #tpu.memory_space<hbm>>
    %dma_start3A_1470 = tpu.memref_squeeze %dma_start3A_1469 : memref<1x1x32000xf32, #tpu.memory_space<hbm>> -> memref<32000xf32, #tpu.memory_space<hbm>>
    %dma_start3A_1471 = arith.constant 0 : i32
    %dma_start3A_1472 = tpu.memref_slice %arg9[%dma_start3A_1471] : memref<32128xf32, #tpu.memory_space<vmem>> -> memref<32000xf32, #tpu.memory_space<vmem>>
    tpu.enqueue_dma source(%dma_start3A_1472 : memref<32000xf32, #tpu.memory_space<vmem>>) target(%dma_start3A_1470 : memref<32000xf32, #tpu.memory_space<hbm>>) target_semaphore(%arg12 : memref<!tpu.dma_semaphore, #tpu.memory_space<semaphore_mem>>)
    %dma_wait3A_1473 = arith.constant 0 : i32
    %dma_wait3A_1474 = arith.constant 0 : i32
    %dma_wait3A_1475 = tpu.memref_slice %arg10[%dma_wait3A_1474] : memref<32128xf32, #tpu.memory_space<vmem>> -> memref<32000xf32, #tpu.memory_space<vmem>>
    %dma_wait3A_1476 = arith.constant 0 : i32
    %dma_wait3A_1477 = tpu.memref_slice %arg5[%dma_wait3A_1473, %add3A_1383, %dma_wait3A_1476] : memref<1x2048x32000xf32, #tpu.memory_space<hbm>> -> memref<1x1x32000xf32, #tpu.memory_space<hbm>>
    %dma_wait3A_1478 = tpu.memref_squeeze %dma_wait3A_1477 : memref<1x1x32000xf32, #tpu.memory_space<hbm>> -> memref<32000xf32, #tpu.memory_space<hbm>>
    %dma_wait3A_1479 = arith.constant 0 : i32
    %dma_wait3A_1480 = tpu.memref_slice %arg5[%dma_wait3A_1473, %add3A_1383, %dma_wait3A_1479] : memref<1x2048x32000xf32, #tpu.memory_space<hbm>> -> memref<1x1x32000xf32, #tpu.memory_space<hbm>>
    %dma_wait3A_1481 = tpu.memref_squeeze %dma_wait3A_1480 : memref<1x1x32000xf32, #tpu.memory_space<hbm>> -> memref<32000xf32, #tpu.memory_space<hbm>>
    %dma_wait3A_1482 = arith.constant 0 : i32
    %dma_wait3A_1483 = tpu.memref_slice %arg10[%dma_wait3A_1482] : memref<32128xf32, #tpu.memory_space<vmem>> -> memref<32000xf32, #tpu.memory_space<vmem>>
    tpu.wait_dma2 semaphore(%arg13 : memref<!tpu.dma_semaphore, #tpu.memory_space<semaphore_mem>>) src(%dma_wait3A_1483 : memref<32000xf32, #tpu.memory_space<vmem>>) dst(%dma_wait3A_1481 : memref<32000xf32, #tpu.memory_space<hbm>>)
    %broadcast_in_dim3A_1484 = arith.constant 34 : i32
    %broadcast_in_dim3A_1485 = vector.broadcast %broadcast_in_dim3A_1484 : i32 to vector<16xi32>
    %add3A_1486 = vector.broadcast %mul3A_36 : i32 to vector<16xi32>
    %add3A_1487 = arith.addi %broadcast_in_dim3A_1485, %add3A_1486 : vector<16xi32>
    %gather3A_1488 = tpu.vector_load_idx %arg6[%iota3A, %add3A_1487] : memref<16x128xi32, #tpu.memory_space<vmem>>[vector<16xi32>, vector<16xi32>], vector<16xi32>,
    tpu.vector_store_idx %arg10[%gather3A_1488], %broadcast_in_dim3A_48 : memref<32128xf32, #tpu.memory_space<vmem>>[vector<16xi32>], vector<16xf32>,
    %broadcast_in_dim3A_1489 = arith.constant 37 : i32
    %broadcast_in_dim3A_1490 = vector.broadcast %broadcast_in_dim3A_1489 : i32 to vector<16xi32>
    %add3A_1491 = vector.broadcast %mul3A_36 : i32 to vector<16xi32>
    %add3A_1492 = arith.addi %broadcast_in_dim3A_1490, %add3A_1491 : vector<16xi32>
    %gather3A_1493 = tpu.vector_load_idx %arg6[%iota3A, %add3A_1492] : memref<16x128xi32, #tpu.memory_space<vmem>>[vector<16xi32>, vector<16xi32>], vector<16xi32>,
    %gather3A_1494 = tpu.vector_load_idx %arg7[%iota3A, %add3A_1492] : memref<16x128xf32, #tpu.memory_space<vmem>>[vector<16xi32>, vector<16xi32>], vector<16xf32>,
    %broadcast_in_dim3A_1495 = arith.constant 37 : i32
    %broadcast_in_dim3A_1496 = vector.broadcast %broadcast_in_dim3A_1495 : i32 to vector<16xi32>
    %gather3A_1497 = tpu.vector_load_idx %arg8[%broadcast_in_dim3A_1496, %broadcast_in_dim3A_50] : memref<64x128xf32, #tpu.memory_space<vmem>>[vector<16xi32>, vector<16xi32>], vector<16xf32>,
    %mul3A_1498 = arith.mulf %gather3A_1494, %gather3A_1497 : vector<16xf32>
    tpu.vector_store_idx %arg10[%gather3A_1493], %mul3A_1498 : memref<32128xf32, #tpu.memory_space<vmem>>[vector<16xi32>], vector<16xf32>,
    %add3A_1499 = arith.constant 37 : i32
    %add3A_1500 = arith.addi %mul3A_2, %add3A_1499 : i32
    %dma_start3A_1501 = arith.constant 0 : i32
    %dma_start3A_1502 = arith.constant 0 : i32
    %dma_start3A_1503 = tpu.memref_slice %arg10[%dma_start3A_1502] : memref<32128xf32, #tpu.memory_space<vmem>> -> memref<32000xf32, #tpu.memory_space<vmem>>
    %dma_start3A_1504 = arith.constant 0 : i32
    %dma_start3A_1505 = tpu.memref_slice %arg5[%dma_start3A_1501, %add3A_1500, %dma_start3A_1504] : memref<1x2048x32000xf32, #tpu.memory_space<hbm>> -> memref<1x1x32000xf32, #tpu.memory_space<hbm>>
    %dma_start3A_1506 = tpu.memref_squeeze %dma_start3A_1505 : memref<1x1x32000xf32, #tpu.memory_space<hbm>> -> memref<32000xf32, #tpu.memory_space<hbm>>
    %dma_start3A_1507 = arith.constant 0 : i32
    %dma_start3A_1508 = tpu.memref_slice %arg5[%dma_start3A_1501, %add3A_1500, %dma_start3A_1507] : memref<1x2048x32000xf32, #tpu.memory_space<hbm>> -> memref<1x1x32000xf32, #tpu.memory_space<hbm>>
    %dma_start3A_1509 = tpu.memref_squeeze %dma_start3A_1508 : memref<1x1x32000xf32, #tpu.memory_space<hbm>> -> memref<32000xf32, #tpu.memory_space<hbm>>
    %dma_start3A_1510 = arith.constant 0 : i32
    %dma_start3A_1511 = tpu.memref_slice %arg10[%dma_start3A_1510] : memref<32128xf32, #tpu.memory_space<vmem>> -> memref<32000xf32, #tpu.memory_space<vmem>>
    tpu.enqueue_dma source(%dma_start3A_1511 : memref<32000xf32, #tpu.memory_space<vmem>>) target(%dma_start3A_1509 : memref<32000xf32, #tpu.memory_space<hbm>>) target_semaphore(%arg13 : memref<!tpu.dma_semaphore, #tpu.memory_space<semaphore_mem>>)
    %dma_wait3A_1512 = arith.constant 0 : i32
    %dma_wait3A_1513 = arith.constant 0 : i32
    %dma_wait3A_1514 = tpu.memref_slice %arg11[%dma_wait3A_1513] : memref<32128xf32, #tpu.memory_space<vmem>> -> memref<32000xf32, #tpu.memory_space<vmem>>
    %dma_wait3A_1515 = arith.constant 0 : i32
    %dma_wait3A_1516 = tpu.memref_slice %arg5[%dma_wait3A_1512, %add3A_1422, %dma_wait3A_1515] : memref<1x2048x32000xf32, #tpu.memory_space<hbm>> -> memref<1x1x32000xf32, #tpu.memory_space<hbm>>
    %dma_wait3A_1517 = tpu.memref_squeeze %dma_wait3A_1516 : memref<1x1x32000xf32, #tpu.memory_space<hbm>> -> memref<32000xf32, #tpu.memory_space<hbm>>
    %dma_wait3A_1518 = arith.constant 0 : i32
    %dma_wait3A_1519 = tpu.memref_slice %arg5[%dma_wait3A_1512, %add3A_1422, %dma_wait3A_1518] : memref<1x2048x32000xf32, #tpu.memory_space<hbm>> -> memref<1x1x32000xf32, #tpu.memory_space<hbm>>
    %dma_wait3A_1520 = tpu.memref_squeeze %dma_wait3A_1519 : memref<1x1x32000xf32, #tpu.memory_space<hbm>> -> memref<32000xf32, #tpu.memory_space<hbm>>
    %dma_wait3A_1521 = arith.constant 0 : i32
    %dma_wait3A_1522 = tpu.memref_slice %arg11[%dma_wait3A_1521] : memref<32128xf32, #tpu.memory_space<vmem>> -> memref<32000xf32, #tpu.memory_space<vmem>>
    tpu.wait_dma2 semaphore(%arg14 : memref<!tpu.dma_semaphore, #tpu.memory_space<semaphore_mem>>) src(%dma_wait3A_1522 : memref<32000xf32, #tpu.memory_space<vmem>>) dst(%dma_wait3A_1520 : memref<32000xf32, #tpu.memory_space<hbm>>)
    %broadcast_in_dim3A_1523 = arith.constant 35 : i32
    %broadcast_in_dim3A_1524 = vector.broadcast %broadcast_in_dim3A_1523 : i32 to vector<16xi32>
    %add3A_1525 = vector.broadcast %mul3A_36 : i32 to vector<16xi32>
    %add3A_1526 = arith.addi %broadcast_in_dim3A_1524, %add3A_1525 : vector<16xi32>
    %gather3A_1527 = tpu.vector_load_idx %arg6[%iota3A, %add3A_1526] : memref<16x128xi32, #tpu.memory_space<vmem>>[vector<16xi32>, vector<16xi32>], vector<16xi32>,
    tpu.vector_store_idx %arg11[%gather3A_1527], %broadcast_in_dim3A_48 : memref<32128xf32, #tpu.memory_space<vmem>>[vector<16xi32>], vector<16xf32>,
    %broadcast_in_dim3A_1528 = arith.constant 38 : i32
    %broadcast_in_dim3A_1529 = vector.broadcast %broadcast_in_dim3A_1528 : i32 to vector<16xi32>
    %add3A_1530 = vector.broadcast %mul3A_36 : i32 to vector<16xi32>
    %add3A_1531 = arith.addi %broadcast_in_dim3A_1529, %add3A_1530 : vector<16xi32>
    %gather3A_1532 = tpu.vector_load_idx %arg6[%iota3A, %add3A_1531] : memref<16x128xi32, #tpu.memory_space<vmem>>[vector<16xi32>, vector<16xi32>], vector<16xi32>,
    %gather3A_1533 = tpu.vector_load_idx %arg7[%iota3A, %add3A_1531] : memref<16x128xf32, #tpu.memory_space<vmem>>[vector<16xi32>, vector<16xi32>], vector<16xf32>,
    %broadcast_in_dim3A_1534 = arith.constant 38 : i32
    %broadcast_in_dim3A_1535 = vector.broadcast %broadcast_in_dim3A_1534 : i32 to vector<16xi32>
    %gather3A_1536 = tpu.vector_load_idx %arg8[%broadcast_in_dim3A_1535, %broadcast_in_dim3A_50] : memref<64x128xf32, #tpu.memory_space<vmem>>[vector<16xi32>, vector<16xi32>], vector<16xf32>,
    %mul3A_1537 = arith.mulf %gather3A_1533, %gather3A_1536 : vector<16xf32>
    tpu.vector_store_idx %arg11[%gather3A_1532], %mul3A_1537 : memref<32128xf32, #tpu.memory_space<vmem>>[vector<16xi32>], vector<16xf32>,
    %add3A_1538 = arith.constant 38 : i32
    %add3A_1539 = arith.addi %mul3A_2, %add3A_1538 : i32
    %dma_start3A_1540 = arith.constant 0 : i32
    %dma_start3A_1541 = arith.constant 0 : i32
    %dma_start3A_1542 = tpu.memref_slice %arg11[%dma_start3A_1541] : memref<32128xf32, #tpu.memory_space<vmem>> -> memref<32000xf32, #tpu.memory_space<vmem>>
    %dma_start3A_1543 = arith.constant 0 : i32
    %dma_start3A_1544 = tpu.memref_slice %arg5[%dma_start3A_1540, %add3A_1539, %dma_start3A_1543] : memref<1x2048x32000xf32, #tpu.memory_space<hbm>> -> memref<1x1x32000xf32, #tpu.memory_space<hbm>>
    %dma_start3A_1545 = tpu.memref_squeeze %dma_start3A_1544 : memref<1x1x32000xf32, #tpu.memory_space<hbm>> -> memref<32000xf32, #tpu.memory_space<hbm>>
    %dma_start3A_1546 = arith.constant 0 : i32
    %dma_start3A_1547 = tpu.memref_slice %arg5[%dma_start3A_1540, %add3A_1539, %dma_start3A_1546] : memref<1x2048x32000xf32, #tpu.memory_space<hbm>> -> memref<1x1x32000xf32, #tpu.memory_space<hbm>>
    %dma_start3A_1548 = tpu.memref_squeeze %dma_start3A_1547 : memref<1x1x32000xf32, #tpu.memory_space<hbm>> -> memref<32000xf32, #tpu.memory_space<hbm>>
    %dma_start3A_1549 = arith.constant 0 : i32
    %dma_start3A_1550 = tpu.memref_slice %arg11[%dma_start3A_1549] : memref<32128xf32, #tpu.memory_space<vmem>> -> memref<32000xf32, #tpu.memory_space<vmem>>
    tpu.enqueue_dma source(%dma_start3A_1550 : memref<32000xf32, #tpu.memory_space<vmem>>) target(%dma_start3A_1548 : memref<32000xf32, #tpu.memory_space<hbm>>) target_semaphore(%arg14 : memref<!tpu.dma_semaphore, #tpu.memory_space<semaphore_mem>>)
    %dma_wait3A_1551 = arith.constant 0 : i32
    %dma_wait3A_1552 = arith.constant 0 : i32
    %dma_wait3A_1553 = tpu.memref_slice %arg9[%dma_wait3A_1552] : memref<32128xf32, #tpu.memory_space<vmem>> -> memref<32000xf32, #tpu.memory_space<vmem>>
    %dma_wait3A_1554 = arith.constant 0 : i32
    %dma_wait3A_1555 = tpu.memref_slice %arg5[%dma_wait3A_1551, %add3A_1461, %dma_wait3A_1554] : memref<1x2048x32000xf32, #tpu.memory_space<hbm>> -> memref<1x1x32000xf32, #tpu.memory_space<hbm>>
    %dma_wait3A_1556 = tpu.memref_squeeze %dma_wait3A_1555 : memref<1x1x32000xf32, #tpu.memory_space<hbm>> -> memref<32000xf32, #tpu.memory_space<hbm>>
    %dma_wait3A_1557 = arith.constant 0 : i32
    %dma_wait3A_1558 = tpu.memref_slice %arg5[%dma_wait3A_1551, %add3A_1461, %dma_wait3A_1557] : memref<1x2048x32000xf32, #tpu.memory_space<hbm>> -> memref<1x1x32000xf32, #tpu.memory_space<hbm>>
    %dma_wait3A_1559 = tpu.memref_squeeze %dma_wait3A_1558 : memref<1x1x32000xf32, #tpu.memory_space<hbm>> -> memref<32000xf32, #tpu.memory_space<hbm>>
    %dma_wait3A_1560 = arith.constant 0 : i32
    %dma_wait3A_1561 = tpu.memref_slice %arg9[%dma_wait3A_1560] : memref<32128xf32, #tpu.memory_space<vmem>> -> memref<32000xf32, #tpu.memory_space<vmem>>
    tpu.wait_dma2 semaphore(%arg12 : memref<!tpu.dma_semaphore, #tpu.memory_space<semaphore_mem>>) src(%dma_wait3A_1561 : memref<32000xf32, #tpu.memory_space<vmem>>) dst(%dma_wait3A_1559 : memref<32000xf32, #tpu.memory_space<hbm>>)
    %broadcast_in_dim3A_1562 = arith.constant 36 : i32
    %broadcast_in_dim3A_1563 = vector.broadcast %broadcast_in_dim3A_1562 : i32 to vector<16xi32>
    %add3A_1564 = vector.broadcast %mul3A_36 : i32 to vector<16xi32>
    %add3A_1565 = arith.addi %broadcast_in_dim3A_1563, %add3A_1564 : vector<16xi32>
    %gather3A_1566 = tpu.vector_load_idx %arg6[%iota3A, %add3A_1565] : memref<16x128xi32, #tpu.memory_space<vmem>>[vector<16xi32>, vector<16xi32>], vector<16xi32>,
    tpu.vector_store_idx %arg9[%gather3A_1566], %broadcast_in_dim3A_48 : memref<32128xf32, #tpu.memory_space<vmem>>[vector<16xi32>], vector<16xf32>,
    %broadcast_in_dim3A_1567 = arith.constant 39 : i32
    %broadcast_in_dim3A_1568 = vector.broadcast %broadcast_in_dim3A_1567 : i32 to vector<16xi32>
    %add3A_1569 = vector.broadcast %mul3A_36 : i32 to vector<16xi32>
    %add3A_1570 = arith.addi %broadcast_in_dim3A_1568, %add3A_1569 : vector<16xi32>
    %gather3A_1571 = tpu.vector_load_idx %arg6[%iota3A, %add3A_1570] : memref<16x128xi32, #tpu.memory_space<vmem>>[vector<16xi32>, vector<16xi32>], vector<16xi32>,
    %gather3A_1572 = tpu.vector_load_idx %arg7[%iota3A, %add3A_1570] : memref<16x128xf32, #tpu.memory_space<vmem>>[vector<16xi32>, vector<16xi32>], vector<16xf32>,
    %broadcast_in_dim3A_1573 = arith.constant 39 : i32
    %broadcast_in_dim3A_1574 = vector.broadcast %broadcast_in_dim3A_1573 : i32 to vector<16xi32>
    %gather3A_1575 = tpu.vector_load_idx %arg8[%broadcast_in_dim3A_1574, %broadcast_in_dim3A_50] : memref<64x128xf32, #tpu.memory_space<vmem>>[vector<16xi32>, vector<16xi32>], vector<16xf32>,
    %mul3A_1576 = arith.mulf %gather3A_1572, %gather3A_1575 : vector<16xf32>
    tpu.vector_store_idx %arg9[%gather3A_1571], %mul3A_1576 : memref<32128xf32, #tpu.memory_space<vmem>>[vector<16xi32>], vector<16xf32>,
    %add3A_1577 = arith.constant 39 : i32
    %add3A_1578 = arith.addi %mul3A_2, %add3A_1577 : i32
    %dma_start3A_1579 = arith.constant 0 : i32
    %dma_start3A_1580 = arith.constant 0 : i32
    %dma_start3A_1581 = tpu.memref_slice %arg9[%dma_start3A_1580] : memref<32128xf32, #tpu.memory_space<vmem>> -> memref<32000xf32, #tpu.memory_space<vmem>>
    %dma_start3A_1582 = arith.constant 0 : i32
    %dma_start3A_1583 = tpu.memref_slice %arg5[%dma_start3A_1579, %add3A_1578, %dma_start3A_1582] : memref<1x2048x32000xf32, #tpu.memory_space<hbm>> -> memref<1x1x32000xf32, #tpu.memory_space<hbm>>
    %dma_start3A_1584 = tpu.memref_squeeze %dma_start3A_1583 : memref<1x1x32000xf32, #tpu.memory_space<hbm>> -> memref<32000xf32, #tpu.memory_space<hbm>>
    %dma_start3A_1585 = arith.constant 0 : i32
    %dma_start3A_1586 = tpu.memref_slice %arg5[%dma_start3A_1579, %add3A_1578, %dma_start3A_1585] : memref<1x2048x32000xf32, #tpu.memory_space<hbm>> -> memref<1x1x32000xf32, #tpu.memory_space<hbm>>
    %dma_start3A_1587 = tpu.memref_squeeze %dma_start3A_1586 : memref<1x1x32000xf32, #tpu.memory_space<hbm>> -> memref<32000xf32, #tpu.memory_space<hbm>>
    %dma_start3A_1588 = arith.constant 0 : i32
    %dma_start3A_1589 = tpu.memref_slice %arg9[%dma_start3A_1588] : memref<32128xf32, #tpu.memory_space<vmem>> -> memref<32000xf32, #tpu.memory_space<vmem>>
    tpu.enqueue_dma source(%dma_start3A_1589 : memref<32000xf32, #tpu.memory_space<vmem>>) target(%dma_start3A_1587 : memref<32000xf32, #tpu.memory_space<hbm>>) target_semaphore(%arg12 : memref<!tpu.dma_semaphore, #tpu.memory_space<semaphore_mem>>)
    %dma_wait3A_1590 = arith.constant 0 : i32
    %dma_wait3A_1591 = arith.constant 0 : i32
    %dma_wait3A_1592 = tpu.memref_slice %arg10[%dma_wait3A_1591] : memref<32128xf32, #tpu.memory_space<vmem>> -> memref<32000xf32, #tpu.memory_space<vmem>>
    %dma_wait3A_1593 = arith.constant 0 : i32
    %dma_wait3A_1594 = tpu.memref_slice %arg5[%dma_wait3A_1590, %add3A_1500, %dma_wait3A_1593] : memref<1x2048x32000xf32, #tpu.memory_space<hbm>> -> memref<1x1x32000xf32, #tpu.memory_space<hbm>>
    %dma_wait3A_1595 = tpu.memref_squeeze %dma_wait3A_1594 : memref<1x1x32000xf32, #tpu.memory_space<hbm>> -> memref<32000xf32, #tpu.memory_space<hbm>>
    %dma_wait3A_1596 = arith.constant 0 : i32
    %dma_wait3A_1597 = tpu.memref_slice %arg5[%dma_wait3A_1590, %add3A_1500, %dma_wait3A_1596] : memref<1x2048x32000xf32, #tpu.memory_space<hbm>> -> memref<1x1x32000xf32, #tpu.memory_space<hbm>>
    %dma_wait3A_1598 = tpu.memref_squeeze %dma_wait3A_1597 : memref<1x1x32000xf32, #tpu.memory_space<hbm>> -> memref<32000xf32, #tpu.memory_space<hbm>>
    %dma_wait3A_1599 = arith.constant 0 : i32
    %dma_wait3A_1600 = tpu.memref_slice %arg10[%dma_wait3A_1599] : memref<32128xf32, #tpu.memory_space<vmem>> -> memref<32000xf32, #tpu.memory_space<vmem>>
    tpu.wait_dma2 semaphore(%arg13 : memref<!tpu.dma_semaphore, #tpu.memory_space<semaphore_mem>>) src(%dma_wait3A_1600 : memref<32000xf32, #tpu.memory_space<vmem>>) dst(%dma_wait3A_1598 : memref<32000xf32, #tpu.memory_space<hbm>>)
    %broadcast_in_dim3A_1601 = arith.constant 37 : i32
    %broadcast_in_dim3A_1602 = vector.broadcast %broadcast_in_dim3A_1601 : i32 to vector<16xi32>
    %add3A_1603 = vector.broadcast %mul3A_36 : i32 to vector<16xi32>
    %add3A_1604 = arith.addi %broadcast_in_dim3A_1602, %add3A_1603 : vector<16xi32>
    %gather3A_1605 = tpu.vector_load_idx %arg6[%iota3A, %add3A_1604] : memref<16x128xi32, #tpu.memory_space<vmem>>[vector<16xi32>, vector<16xi32>], vector<16xi32>,
    tpu.vector_store_idx %arg10[%gather3A_1605], %broadcast_in_dim3A_48 : memref<32128xf32, #tpu.memory_space<vmem>>[vector<16xi32>], vector<16xf32>,
    %broadcast_in_dim3A_1606 = arith.constant 40 : i32
    %broadcast_in_dim3A_1607 = vector.broadcast %broadcast_in_dim3A_1606 : i32 to vector<16xi32>
    %add3A_1608 = vector.broadcast %mul3A_36 : i32 to vector<16xi32>
    %add3A_1609 = arith.addi %broadcast_in_dim3A_1607, %add3A_1608 : vector<16xi32>
    %gather3A_1610 = tpu.vector_load_idx %arg6[%iota3A, %add3A_1609] : memref<16x128xi32, #tpu.memory_space<vmem>>[vector<16xi32>, vector<16xi32>], vector<16xi32>,
    %gather3A_1611 = tpu.vector_load_idx %arg7[%iota3A, %add3A_1609] : memref<16x128xf32, #tpu.memory_space<vmem>>[vector<16xi32>, vector<16xi32>], vector<16xf32>,
    %broadcast_in_dim3A_1612 = arith.constant 40 : i32
    %broadcast_in_dim3A_1613 = vector.broadcast %broadcast_in_dim3A_1612 : i32 to vector<16xi32>
    %gather3A_1614 = tpu.vector_load_idx %arg8[%broadcast_in_dim3A_1613, %broadcast_in_dim3A_50] : memref<64x128xf32, #tpu.memory_space<vmem>>[vector<16xi32>, vector<16xi32>], vector<16xf32>,
    %mul3A_1615 = arith.mulf %gather3A_1611, %gather3A_1614 : vector<16xf32>
    tpu.vector_store_idx %arg10[%gather3A_1610], %mul3A_1615 : memref<32128xf32, #tpu.memory_space<vmem>>[vector<16xi32>], vector<16xf32>,
    %add3A_1616 = arith.constant 40 : i32
    %add3A_1617 = arith.addi %mul3A_2, %add3A_1616 : i32
    %dma_start3A_1618 = arith.constant 0 : i32
    %dma_start3A_1619 = arith.constant 0 : i32
    %dma_start3A_1620 = tpu.memref_slice %arg10[%dma_start3A_1619] : memref<32128xf32, #tpu.memory_space<vmem>> -> memref<32000xf32, #tpu.memory_space<vmem>>
    %dma_start3A_1621 = arith.constant 0 : i32
    %dma_start3A_1622 = tpu.memref_slice %arg5[%dma_start3A_1618, %add3A_1617, %dma_start3A_1621] : memref<1x2048x32000xf32, #tpu.memory_space<hbm>> -> memref<1x1x32000xf32, #tpu.memory_space<hbm>>
    %dma_start3A_1623 = tpu.memref_squeeze %dma_start3A_1622 : memref<1x1x32000xf32, #tpu.memory_space<hbm>> -> memref<32000xf32, #tpu.memory_space<hbm>>
    %dma_start3A_1624 = arith.constant 0 : i32
    %dma_start3A_1625 = tpu.memref_slice %arg5[%dma_start3A_1618, %add3A_1617, %dma_start3A_1624] : memref<1x2048x32000xf32, #tpu.memory_space<hbm>> -> memref<1x1x32000xf32, #tpu.memory_space<hbm>>
    %dma_start3A_1626 = tpu.memref_squeeze %dma_start3A_1625 : memref<1x1x32000xf32, #tpu.memory_space<hbm>> -> memref<32000xf32, #tpu.memory_space<hbm>>
    %dma_start3A_1627 = arith.constant 0 : i32
    %dma_start3A_1628 = tpu.memref_slice %arg10[%dma_start3A_1627] : memref<32128xf32, #tpu.memory_space<vmem>> -> memref<32000xf32, #tpu.memory_space<vmem>>
    tpu.enqueue_dma source(%dma_start3A_1628 : memref<32000xf32, #tpu.memory_space<vmem>>) target(%dma_start3A_1626 : memref<32000xf32, #tpu.memory_space<hbm>>) target_semaphore(%arg13 : memref<!tpu.dma_semaphore, #tpu.memory_space<semaphore_mem>>)
    %dma_wait3A_1629 = arith.constant 0 : i32
    %dma_wait3A_1630 = arith.constant 0 : i32
    %dma_wait3A_1631 = tpu.memref_slice %arg11[%dma_wait3A_1630] : memref<32128xf32, #tpu.memory_space<vmem>> -> memref<32000xf32, #tpu.memory_space<vmem>>
    %dma_wait3A_1632 = arith.constant 0 : i32
    %dma_wait3A_1633 = tpu.memref_slice %arg5[%dma_wait3A_1629, %add3A_1539, %dma_wait3A_1632] : memref<1x2048x32000xf32, #tpu.memory_space<hbm>> -> memref<1x1x32000xf32, #tpu.memory_space<hbm>>
    %dma_wait3A_1634 = tpu.memref_squeeze %dma_wait3A_1633 : memref<1x1x32000xf32, #tpu.memory_space<hbm>> -> memref<32000xf32, #tpu.memory_space<hbm>>
    %dma_wait3A_1635 = arith.constant 0 : i32
    %dma_wait3A_1636 = tpu.memref_slice %arg5[%dma_wait3A_1629, %add3A_1539, %dma_wait3A_1635] : memref<1x2048x32000xf32, #tpu.memory_space<hbm>> -> memref<1x1x32000xf32, #tpu.memory_space<hbm>>
    %dma_wait3A_1637 = tpu.memref_squeeze %dma_wait3A_1636 : memref<1x1x32000xf32, #tpu.memory_space<hbm>> -> memref<32000xf32, #tpu.memory_space<hbm>>
    %dma_wait3A_1638 = arith.constant 0 : i32
    %dma_wait3A_1639 = tpu.memref_slice %arg11[%dma_wait3A_1638] : memref<32128xf32, #tpu.memory_space<vmem>> -> memref<32000xf32, #tpu.memory_space<vmem>>
    tpu.wait_dma2 semaphore(%arg14 : memref<!tpu.dma_semaphore, #tpu.memory_space<semaphore_mem>>) src(%dma_wait3A_1639 : memref<32000xf32, #tpu.memory_space<vmem>>) dst(%dma_wait3A_1637 : memref<32000xf32, #tpu.memory_space<hbm>>)
    %broadcast_in_dim3A_1640 = arith.constant 38 : i32
    %broadcast_in_dim3A_1641 = vector.broadcast %broadcast_in_dim3A_1640 : i32 to vector<16xi32>
    %add3A_1642 = vector.broadcast %mul3A_36 : i32 to vector<16xi32>
    %add3A_1643 = arith.addi %broadcast_in_dim3A_1641, %add3A_1642 : vector<16xi32>
    %gather3A_1644 = tpu.vector_load_idx %arg6[%iota3A, %add3A_1643] : memref<16x128xi32, #tpu.memory_space<vmem>>[vector<16xi32>, vector<16xi32>], vector<16xi32>,
    tpu.vector_store_idx %arg11[%gather3A_1644], %broadcast_in_dim3A_48 : memref<32128xf32, #tpu.memory_space<vmem>>[vector<16xi32>], vector<16xf32>,
    %broadcast_in_dim3A_1645 = arith.constant 41 : i32
    %broadcast_in_dim3A_1646 = vector.broadcast %broadcast_in_dim3A_1645 : i32 to vector<16xi32>
    %add3A_1647 = vector.broadcast %mul3A_36 : i32 to vector<16xi32>
    %add3A_1648 = arith.addi %broadcast_in_dim3A_1646, %add3A_1647 : vector<16xi32>
    %gather3A_1649 = tpu.vector_load_idx %arg6[%iota3A, %add3A_1648] : memref<16x128xi32, #tpu.memory_space<vmem>>[vector<16xi32>, vector<16xi32>], vector<16xi32>,
    %gather3A_1650 = tpu.vector_load_idx %arg7[%iota3A, %add3A_1648] : memref<16x128xf32, #tpu.memory_space<vmem>>[vector<16xi32>, vector<16xi32>], vector<16xf32>,
    %broadcast_in_dim3A_1651 = arith.constant 41 : i32
    %broadcast_in_dim3A_1652 = vector.broadcast %broadcast_in_dim3A_1651 : i32 to vector<16xi32>
    %gather3A_1653 = tpu.vector_load_idx %arg8[%broadcast_in_dim3A_1652, %broadcast_in_dim3A_50] : memref<64x128xf32, #tpu.memory_space<vmem>>[vector<16xi32>, vector<16xi32>], vector<16xf32>,
    %mul3A_1654 = arith.mulf %gather3A_1650, %gather3A_1653 : vector<16xf32>
    tpu.vector_store_idx %arg11[%gather3A_1649], %mul3A_1654 : memref<32128xf32, #tpu.memory_space<vmem>>[vector<16xi32>], vector<16xf32>,
    %add3A_1655 = arith.constant 41 : i32
    %add3A_1656 = arith.addi %mul3A_2, %add3A_1655 : i32
    %dma_start3A_1657 = arith.constant 0 : i32
    %dma_start3A_1658 = arith.constant 0 : i32
    %dma_start3A_1659 = tpu.memref_slice %arg11[%dma_start3A_1658] : memref<32128xf32, #tpu.memory_space<vmem>> -> memref<32000xf32, #tpu.memory_space<vmem>>
    %dma_start3A_1660 = arith.constant 0 : i32
    %dma_start3A_1661 = tpu.memref_slice %arg5[%dma_start3A_1657, %add3A_1656, %dma_start3A_1660] : memref<1x2048x32000xf32, #tpu.memory_space<hbm>> -> memref<1x1x32000xf32, #tpu.memory_space<hbm>>
    %dma_start3A_1662 = tpu.memref_squeeze %dma_start3A_1661 : memref<1x1x32000xf32, #tpu.memory_space<hbm>> -> memref<32000xf32, #tpu.memory_space<hbm>>
    %dma_start3A_1663 = arith.constant 0 : i32
    %dma_start3A_1664 = tpu.memref_slice %arg5[%dma_start3A_1657, %add3A_1656, %dma_start3A_1663] : memref<1x2048x32000xf32, #tpu.memory_space<hbm>> -> memref<1x1x32000xf32, #tpu.memory_space<hbm>>
    %dma_start3A_1665 = tpu.memref_squeeze %dma_start3A_1664 : memref<1x1x32000xf32, #tpu.memory_space<hbm>> -> memref<32000xf32, #tpu.memory_space<hbm>>
    %dma_start3A_1666 = arith.constant 0 : i32
    %dma_start3A_1667 = tpu.memref_slice %arg11[%dma_start3A_1666] : memref<32128xf32, #tpu.memory_space<vmem>> -> memref<32000xf32, #tpu.memory_space<vmem>>
    tpu.enqueue_dma source(%dma_start3A_1667 : memref<32000xf32, #tpu.memory_space<vmem>>) target(%dma_start3A_1665 : memref<32000xf32, #tpu.memory_space<hbm>>) target_semaphore(%arg14 : memref<!tpu.dma_semaphore, #tpu.memory_space<semaphore_mem>>)
    %dma_wait3A_1668 = arith.constant 0 : i32
    %dma_wait3A_1669 = arith.constant 0 : i32
    %dma_wait3A_1670 = tpu.memref_slice %arg9[%dma_wait3A_1669] : memref<32128xf32, #tpu.memory_space<vmem>> -> memref<32000xf32, #tpu.memory_space<vmem>>
    %dma_wait3A_1671 = arith.constant 0 : i32
    %dma_wait3A_1672 = tpu.memref_slice %arg5[%dma_wait3A_1668, %add3A_1578, %dma_wait3A_1671] : memref<1x2048x32000xf32, #tpu.memory_space<hbm>> -> memref<1x1x32000xf32, #tpu.memory_space<hbm>>
    %dma_wait3A_1673 = tpu.memref_squeeze %dma_wait3A_1672 : memref<1x1x32000xf32, #tpu.memory_space<hbm>> -> memref<32000xf32, #tpu.memory_space<hbm>>
    %dma_wait3A_1674 = arith.constant 0 : i32
    %dma_wait3A_1675 = tpu.memref_slice %arg5[%dma_wait3A_1668, %add3A_1578, %dma_wait3A_1674] : memref<1x2048x32000xf32, #tpu.memory_space<hbm>> -> memref<1x1x32000xf32, #tpu.memory_space<hbm>>
    %dma_wait3A_1676 = tpu.memref_squeeze %dma_wait3A_1675 : memref<1x1x32000xf32, #tpu.memory_space<hbm>> -> memref<32000xf32, #tpu.memory_space<hbm>>
    %dma_wait3A_1677 = arith.constant 0 : i32
    %dma_wait3A_1678 = tpu.memref_slice %arg9[%dma_wait3A_1677] : memref<32128xf32, #tpu.memory_space<vmem>> -> memref<32000xf32, #tpu.memory_space<vmem>>
    tpu.wait_dma2 semaphore(%arg12 : memref<!tpu.dma_semaphore, #tpu.memory_space<semaphore_mem>>) src(%dma_wait3A_1678 : memref<32000xf32, #tpu.memory_space<vmem>>) dst(%dma_wait3A_1676 : memref<32000xf32, #tpu.memory_space<hbm>>)
    %broadcast_in_dim3A_1679 = arith.constant 39 : i32
    %broadcast_in_dim3A_1680 = vector.broadcast %broadcast_in_dim3A_1679 : i32 to vector<16xi32>
    %add3A_1681 = vector.broadcast %mul3A_36 : i32 to vector<16xi32>
    %add3A_1682 = arith.addi %broadcast_in_dim3A_1680, %add3A_1681 : vector<16xi32>
    %gather3A_1683 = tpu.vector_load_idx %arg6[%iota3A, %add3A_1682] : memref<16x128xi32, #tpu.memory_space<vmem>>[vector<16xi32>, vector<16xi32>], vector<16xi32>,
    tpu.vector_store_idx %arg9[%gather3A_1683], %broadcast_in_dim3A_48 : memref<32128xf32, #tpu.memory_space<vmem>>[vector<16xi32>], vector<16xf32>,
    %broadcast_in_dim3A_1684 = arith.constant 42 : i32
    %broadcast_in_dim3A_1685 = vector.broadcast %broadcast_in_dim3A_1684 : i32 to vector<16xi32>
    %add3A_1686 = vector.broadcast %mul3A_36 : i32 to vector<16xi32>
    %add3A_1687 = arith.addi %broadcast_in_dim3A_1685, %add3A_1686 : vector<16xi32>
    %gather3A_1688 = tpu.vector_load_idx %arg6[%iota3A, %add3A_1687] : memref<16x128xi32, #tpu.memory_space<vmem>>[vector<16xi32>, vector<16xi32>], vector<16xi32>,
    %gather3A_1689 = tpu.vector_load_idx %arg7[%iota3A, %add3A_1687] : memref<16x128xf32, #tpu.memory_space<vmem>>[vector<16xi32>, vector<16xi32>], vector<16xf32>,
    %broadcast_in_dim3A_1690 = arith.constant 42 : i32
    %broadcast_in_dim3A_1691 = vector.broadcast %broadcast_in_dim3A_1690 : i32 to vector<16xi32>
    %gather3A_1692 = tpu.vector_load_idx %arg8[%broadcast_in_dim3A_1691, %broadcast_in_dim3A_50] : memref<64x128xf32, #tpu.memory_space<vmem>>[vector<16xi32>, vector<16xi32>], vector<16xf32>,
    %mul3A_1693 = arith.mulf %gather3A_1689, %gather3A_1692 : vector<16xf32>
    tpu.vector_store_idx %arg9[%gather3A_1688], %mul3A_1693 : memref<32128xf32, #tpu.memory_space<vmem>>[vector<16xi32>], vector<16xf32>,
    %add3A_1694 = arith.constant 42 : i32
    %add3A_1695 = arith.addi %mul3A_2, %add3A_1694 : i32
    %dma_start3A_1696 = arith.constant 0 : i32
    %dma_start3A_1697 = arith.constant 0 : i32
    %dma_start3A_1698 = tpu.memref_slice %arg9[%dma_start3A_1697] : memref<32128xf32, #tpu.memory_space<vmem>> -> memref<32000xf32, #tpu.memory_space<vmem>>
    %dma_start3A_1699 = arith.constant 0 : i32
    %dma_start3A_1700 = tpu.memref_slice %arg5[%dma_start3A_1696, %add3A_1695, %dma_start3A_1699] : memref<1x2048x32000xf32, #tpu.memory_space<hbm>> -> memref<1x1x32000xf32, #tpu.memory_space<hbm>>
    %dma_start3A_1701 = tpu.memref_squeeze %dma_start3A_1700 : memref<1x1x32000xf32, #tpu.memory_space<hbm>> -> memref<32000xf32, #tpu.memory_space<hbm>>
    %dma_start3A_1702 = arith.constant 0 : i32
    %dma_start3A_1703 = tpu.memref_slice %arg5[%dma_start3A_1696, %add3A_1695, %dma_start3A_1702] : memref<1x2048x32000xf32, #tpu.memory_space<hbm>> -> memref<1x1x32000xf32, #tpu.memory_space<hbm>>
    %dma_start3A_1704 = tpu.memref_squeeze %dma_start3A_1703 : memref<1x1x32000xf32, #tpu.memory_space<hbm>> -> memref<32000xf32, #tpu.memory_space<hbm>>
    %dma_start3A_1705 = arith.constant 0 : i32
    %dma_start3A_1706 = tpu.memref_slice %arg9[%dma_start3A_1705] : memref<32128xf32, #tpu.memory_space<vmem>> -> memref<32000xf32, #tpu.memory_space<vmem>>
    tpu.enqueue_dma source(%dma_start3A_1706 : memref<32000xf32, #tpu.memory_space<vmem>>) target(%dma_start3A_1704 : memref<32000xf32, #tpu.memory_space<hbm>>) target_semaphore(%arg12 : memref<!tpu.dma_semaphore, #tpu.memory_space<semaphore_mem>>)
    %dma_wait3A_1707 = arith.constant 0 : i32
    %dma_wait3A_1708 = arith.constant 0 : i32
    %dma_wait3A_1709 = tpu.memref_slice %arg10[%dma_wait3A_1708] : memref<32128xf32, #tpu.memory_space<vmem>> -> memref<32000xf32, #tpu.memory_space<vmem>>
    %dma_wait3A_1710 = arith.constant 0 : i32
    %dma_wait3A_1711 = tpu.memref_slice %arg5[%dma_wait3A_1707, %add3A_1617, %dma_wait3A_1710] : memref<1x2048x32000xf32, #tpu.memory_space<hbm>> -> memref<1x1x32000xf32, #tpu.memory_space<hbm>>
    %dma_wait3A_1712 = tpu.memref_squeeze %dma_wait3A_1711 : memref<1x1x32000xf32, #tpu.memory_space<hbm>> -> memref<32000xf32, #tpu.memory_space<hbm>>
    %dma_wait3A_1713 = arith.constant 0 : i32
    %dma_wait3A_1714 = tpu.memref_slice %arg5[%dma_wait3A_1707, %add3A_1617, %dma_wait3A_1713] : memref<1x2048x32000xf32, #tpu.memory_space<hbm>> -> memref<1x1x32000xf32, #tpu.memory_space<hbm>>
    %dma_wait3A_1715 = tpu.memref_squeeze %dma_wait3A_1714 : memref<1x1x32000xf32, #tpu.memory_space<hbm>> -> memref<32000xf32, #tpu.memory_space<hbm>>
    %dma_wait3A_1716 = arith.constant 0 : i32
    %dma_wait3A_1717 = tpu.memref_slice %arg10[%dma_wait3A_1716] : memref<32128xf32, #tpu.memory_space<vmem>> -> memref<32000xf32, #tpu.memory_space<vmem>>
    tpu.wait_dma2 semaphore(%arg13 : memref<!tpu.dma_semaphore, #tpu.memory_space<semaphore_mem>>) src(%dma_wait3A_1717 : memref<32000xf32, #tpu.memory_space<vmem>>) dst(%dma_wait3A_1715 : memref<32000xf32, #tpu.memory_space<hbm>>)
    %broadcast_in_dim3A_1718 = arith.constant 40 : i32
    %broadcast_in_dim3A_1719 = vector.broadcast %broadcast_in_dim3A_1718 : i32 to vector<16xi32>
    %add3A_1720 = vector.broadcast %mul3A_36 : i32 to vector<16xi32>
    %add3A_1721 = arith.addi %broadcast_in_dim3A_1719, %add3A_1720 : vector<16xi32>
    %gather3A_1722 = tpu.vector_load_idx %arg6[%iota3A, %add3A_1721] : memref<16x128xi32, #tpu.memory_space<vmem>>[vector<16xi32>, vector<16xi32>], vector<16xi32>,
    tpu.vector_store_idx %arg10[%gather3A_1722], %broadcast_in_dim3A_48 : memref<32128xf32, #tpu.memory_space<vmem>>[vector<16xi32>], vector<16xf32>,
    %broadcast_in_dim3A_1723 = arith.constant 43 : i32
    %broadcast_in_dim3A_1724 = vector.broadcast %broadcast_in_dim3A_1723 : i32 to vector<16xi32>
    %add3A_1725 = vector.broadcast %mul3A_36 : i32 to vector<16xi32>
    %add3A_1726 = arith.addi %broadcast_in_dim3A_1724, %add3A_1725 : vector<16xi32>
    %gather3A_1727 = tpu.vector_load_idx %arg6[%iota3A, %add3A_1726] : memref<16x128xi32, #tpu.memory_space<vmem>>[vector<16xi32>, vector<16xi32>], vector<16xi32>,
    %gather3A_1728 = tpu.vector_load_idx %arg7[%iota3A, %add3A_1726] : memref<16x128xf32, #tpu.memory_space<vmem>>[vector<16xi32>, vector<16xi32>], vector<16xf32>,
    %broadcast_in_dim3A_1729 = arith.constant 43 : i32
    %broadcast_in_dim3A_1730 = vector.broadcast %broadcast_in_dim3A_1729 : i32 to vector<16xi32>
    %gather3A_1731 = tpu.vector_load_idx %arg8[%broadcast_in_dim3A_1730, %broadcast_in_dim3A_50] : memref<64x128xf32, #tpu.memory_space<vmem>>[vector<16xi32>, vector<16xi32>], vector<16xf32>,
    %mul3A_1732 = arith.mulf %gather3A_1728, %gather3A_1731 : vector<16xf32>
    tpu.vector_store_idx %arg10[%gather3A_1727], %mul3A_1732 : memref<32128xf32, #tpu.memory_space<vmem>>[vector<16xi32>], vector<16xf32>,
    %add3A_1733 = arith.constant 43 : i32
    %add3A_1734 = arith.addi %mul3A_2, %add3A_1733 : i32
    %dma_start3A_1735 = arith.constant 0 : i32
    %dma_start3A_1736 = arith.constant 0 : i32
    %dma_start3A_1737 = tpu.memref_slice %arg10[%dma_start3A_1736] : memref<32128xf32, #tpu.memory_space<vmem>> -> memref<32000xf32, #tpu.memory_space<vmem>>
    %dma_start3A_1738 = arith.constant 0 : i32
    %dma_start3A_1739 = tpu.memref_slice %arg5[%dma_start3A_1735, %add3A_1734, %dma_start3A_1738] : memref<1x2048x32000xf32, #tpu.memory_space<hbm>> -> memref<1x1x32000xf32, #tpu.memory_space<hbm>>
    %dma_start3A_1740 = tpu.memref_squeeze %dma_start3A_1739 : memref<1x1x32000xf32, #tpu.memory_space<hbm>> -> memref<32000xf32, #tpu.memory_space<hbm>>
    %dma_start3A_1741 = arith.constant 0 : i32
    %dma_start3A_1742 = tpu.memref_slice %arg5[%dma_start3A_1735, %add3A_1734, %dma_start3A_1741] : memref<1x2048x32000xf32, #tpu.memory_space<hbm>> -> memref<1x1x32000xf32, #tpu.memory_space<hbm>>
    %dma_start3A_1743 = tpu.memref_squeeze %dma_start3A_1742 : memref<1x1x32000xf32, #tpu.memory_space<hbm>> -> memref<32000xf32, #tpu.memory_space<hbm>>
    %dma_start3A_1744 = arith.constant 0 : i32
    %dma_start3A_1745 = tpu.memref_slice %arg10[%dma_start3A_1744] : memref<32128xf32, #tpu.memory_space<vmem>> -> memref<32000xf32, #tpu.memory_space<vmem>>
    tpu.enqueue_dma source(%dma_start3A_1745 : memref<32000xf32, #tpu.memory_space<vmem>>) target(%dma_start3A_1743 : memref<32000xf32, #tpu.memory_space<hbm>>) target_semaphore(%arg13 : memref<!tpu.dma_semaphore, #tpu.memory_space<semaphore_mem>>)
    %dma_wait3A_1746 = arith.constant 0 : i32
    %dma_wait3A_1747 = arith.constant 0 : i32
    %dma_wait3A_1748 = tpu.memref_slice %arg11[%dma_wait3A_1747] : memref<32128xf32, #tpu.memory_space<vmem>> -> memref<32000xf32, #tpu.memory_space<vmem>>
    %dma_wait3A_1749 = arith.constant 0 : i32
    %dma_wait3A_1750 = tpu.memref_slice %arg5[%dma_wait3A_1746, %add3A_1656, %dma_wait3A_1749] : memref<1x2048x32000xf32, #tpu.memory_space<hbm>> -> memref<1x1x32000xf32, #tpu.memory_space<hbm>>
    %dma_wait3A_1751 = tpu.memref_squeeze %dma_wait3A_1750 : memref<1x1x32000xf32, #tpu.memory_space<hbm>> -> memref<32000xf32, #tpu.memory_space<hbm>>
    %dma_wait3A_1752 = arith.constant 0 : i32
    %dma_wait3A_1753 = tpu.memref_slice %arg5[%dma_wait3A_1746, %add3A_1656, %dma_wait3A_1752] : memref<1x2048x32000xf32, #tpu.memory_space<hbm>> -> memref<1x1x32000xf32, #tpu.memory_space<hbm>>
    %dma_wait3A_1754 = tpu.memref_squeeze %dma_wait3A_1753 : memref<1x1x32000xf32, #tpu.memory_space<hbm>> -> memref<32000xf32, #tpu.memory_space<hbm>>
    %dma_wait3A_1755 = arith.constant 0 : i32
    %dma_wait3A_1756 = tpu.memref_slice %arg11[%dma_wait3A_1755] : memref<32128xf32, #tpu.memory_space<vmem>> -> memref<32000xf32, #tpu.memory_space<vmem>>
    tpu.wait_dma2 semaphore(%arg14 : memref<!tpu.dma_semaphore, #tpu.memory_space<semaphore_mem>>) src(%dma_wait3A_1756 : memref<32000xf32, #tpu.memory_space<vmem>>) dst(%dma_wait3A_1754 : memref<32000xf32, #tpu.memory_space<hbm>>)
    %broadcast_in_dim3A_1757 = arith.constant 41 : i32
    %broadcast_in_dim3A_1758 = vector.broadcast %broadcast_in_dim3A_1757 : i32 to vector<16xi32>
    %add3A_1759 = vector.broadcast %mul3A_36 : i32 to vector<16xi32>
    %add3A_1760 = arith.addi %broadcast_in_dim3A_1758, %add3A_1759 : vector<16xi32>
    %gather3A_1761 = tpu.vector_load_idx %arg6[%iota3A, %add3A_1760] : memref<16x128xi32, #tpu.memory_space<vmem>>[vector<16xi32>, vector<16xi32>], vector<16xi32>,
    tpu.vector_store_idx %arg11[%gather3A_1761], %broadcast_in_dim3A_48 : memref<32128xf32, #tpu.memory_space<vmem>>[vector<16xi32>], vector<16xf32>,
    %broadcast_in_dim3A_1762 = arith.constant 44 : i32
    %broadcast_in_dim3A_1763 = vector.broadcast %broadcast_in_dim3A_1762 : i32 to vector<16xi32>
    %add3A_1764 = vector.broadcast %mul3A_36 : i32 to vector<16xi32>
    %add3A_1765 = arith.addi %broadcast_in_dim3A_1763, %add3A_1764 : vector<16xi32>
    %gather3A_1766 = tpu.vector_load_idx %arg6[%iota3A, %add3A_1765] : memref<16x128xi32, #tpu.memory_space<vmem>>[vector<16xi32>, vector<16xi32>], vector<16xi32>,
    %gather3A_1767 = tpu.vector_load_idx %arg7[%iota3A, %add3A_1765] : memref<16x128xf32, #tpu.memory_space<vmem>>[vector<16xi32>, vector<16xi32>], vector<16xf32>,
    %broadcast_in_dim3A_1768 = arith.constant 44 : i32
    %broadcast_in_dim3A_1769 = vector.broadcast %broadcast_in_dim3A_1768 : i32 to vector<16xi32>
    %gather3A_1770 = tpu.vector_load_idx %arg8[%broadcast_in_dim3A_1769, %broadcast_in_dim3A_50] : memref<64x128xf32, #tpu.memory_space<vmem>>[vector<16xi32>, vector<16xi32>], vector<16xf32>,
    %mul3A_1771 = arith.mulf %gather3A_1767, %gather3A_1770 : vector<16xf32>
    tpu.vector_store_idx %arg11[%gather3A_1766], %mul3A_1771 : memref<32128xf32, #tpu.memory_space<vmem>>[vector<16xi32>], vector<16xf32>,
    %add3A_1772 = arith.constant 44 : i32
    %add3A_1773 = arith.addi %mul3A_2, %add3A_1772 : i32
    %dma_start3A_1774 = arith.constant 0 : i32
    %dma_start3A_1775 = arith.constant 0 : i32
    %dma_start3A_1776 = tpu.memref_slice %arg11[%dma_start3A_1775] : memref<32128xf32, #tpu.memory_space<vmem>> -> memref<32000xf32, #tpu.memory_space<vmem>>
    %dma_start3A_1777 = arith.constant 0 : i32
    %dma_start3A_1778 = tpu.memref_slice %arg5[%dma_start3A_1774, %add3A_1773, %dma_start3A_1777] : memref<1x2048x32000xf32, #tpu.memory_space<hbm>> -> memref<1x1x32000xf32, #tpu.memory_space<hbm>>
    %dma_start3A_1779 = tpu.memref_squeeze %dma_start3A_1778 : memref<1x1x32000xf32, #tpu.memory_space<hbm>> -> memref<32000xf32, #tpu.memory_space<hbm>>
    %dma_start3A_1780 = arith.constant 0 : i32
    %dma_start3A_1781 = tpu.memref_slice %arg5[%dma_start3A_1774, %add3A_1773, %dma_start3A_1780] : memref<1x2048x32000xf32, #tpu.memory_space<hbm>> -> memref<1x1x32000xf32, #tpu.memory_space<hbm>>
    %dma_start3A_1782 = tpu.memref_squeeze %dma_start3A_1781 : memref<1x1x32000xf32, #tpu.memory_space<hbm>> -> memref<32000xf32, #tpu.memory_space<hbm>>
    %dma_start3A_1783 = arith.constant 0 : i32
    %dma_start3A_1784 = tpu.memref_slice %arg11[%dma_start3A_1783] : memref<32128xf32, #tpu.memory_space<vmem>> -> memref<32000xf32, #tpu.memory_space<vmem>>
    tpu.enqueue_dma source(%dma_start3A_1784 : memref<32000xf32, #tpu.memory_space<vmem>>) target(%dma_start3A_1782 : memref<32000xf32, #tpu.memory_space<hbm>>) target_semaphore(%arg14 : memref<!tpu.dma_semaphore, #tpu.memory_space<semaphore_mem>>)
    %dma_wait3A_1785 = arith.constant 0 : i32
    %dma_wait3A_1786 = arith.constant 0 : i32
    %dma_wait3A_1787 = tpu.memref_slice %arg9[%dma_wait3A_1786] : memref<32128xf32, #tpu.memory_space<vmem>> -> memref<32000xf32, #tpu.memory_space<vmem>>
    %dma_wait3A_1788 = arith.constant 0 : i32
    %dma_wait3A_1789 = tpu.memref_slice %arg5[%dma_wait3A_1785, %add3A_1695, %dma_wait3A_1788] : memref<1x2048x32000xf32, #tpu.memory_space<hbm>> -> memref<1x1x32000xf32, #tpu.memory_space<hbm>>
    %dma_wait3A_1790 = tpu.memref_squeeze %dma_wait3A_1789 : memref<1x1x32000xf32, #tpu.memory_space<hbm>> -> memref<32000xf32, #tpu.memory_space<hbm>>
    %dma_wait3A_1791 = arith.constant 0 : i32
    %dma_wait3A_1792 = tpu.memref_slice %arg5[%dma_wait3A_1785, %add3A_1695, %dma_wait3A_1791] : memref<1x2048x32000xf32, #tpu.memory_space<hbm>> -> memref<1x1x32000xf32, #tpu.memory_space<hbm>>
    %dma_wait3A_1793 = tpu.memref_squeeze %dma_wait3A_1792 : memref<1x1x32000xf32, #tpu.memory_space<hbm>> -> memref<32000xf32, #tpu.memory_space<hbm>>
    %dma_wait3A_1794 = arith.constant 0 : i32
    %dma_wait3A_1795 = tpu.memref_slice %arg9[%dma_wait3A_1794] : memref<32128xf32, #tpu.memory_space<vmem>> -> memref<32000xf32, #tpu.memory_space<vmem>>
    tpu.wait_dma2 semaphore(%arg12 : memref<!tpu.dma_semaphore, #tpu.memory_space<semaphore_mem>>) src(%dma_wait3A_1795 : memref<32000xf32, #tpu.memory_space<vmem>>) dst(%dma_wait3A_1793 : memref<32000xf32, #tpu.memory_space<hbm>>)
    %broadcast_in_dim3A_1796 = arith.constant 42 : i32
    %broadcast_in_dim3A_1797 = vector.broadcast %broadcast_in_dim3A_1796 : i32 to vector<16xi32>
    %add3A_1798 = vector.broadcast %mul3A_36 : i32 to vector<16xi32>
    %add3A_1799 = arith.addi %broadcast_in_dim3A_1797, %add3A_1798 : vector<16xi32>
    %gather3A_1800 = tpu.vector_load_idx %arg6[%iota3A, %add3A_1799] : memref<16x128xi32, #tpu.memory_space<vmem>>[vector<16xi32>, vector<16xi32>], vector<16xi32>,
    tpu.vector_store_idx %arg9[%gather3A_1800], %broadcast_in_dim3A_48 : memref<32128xf32, #tpu.memory_space<vmem>>[vector<16xi32>], vector<16xf32>,
    %broadcast_in_dim3A_1801 = arith.constant 45 : i32
    %broadcast_in_dim3A_1802 = vector.broadcast %broadcast_in_dim3A_1801 : i32 to vector<16xi32>
    %add3A_1803 = vector.broadcast %mul3A_36 : i32 to vector<16xi32>
    %add3A_1804 = arith.addi %broadcast_in_dim3A_1802, %add3A_1803 : vector<16xi32>
    %gather3A_1805 = tpu.vector_load_idx %arg6[%iota3A, %add3A_1804] : memref<16x128xi32, #tpu.memory_space<vmem>>[vector<16xi32>, vector<16xi32>], vector<16xi32>,
    %gather3A_1806 = tpu.vector_load_idx %arg7[%iota3A, %add3A_1804] : memref<16x128xf32, #tpu.memory_space<vmem>>[vector<16xi32>, vector<16xi32>], vector<16xf32>,
    %broadcast_in_dim3A_1807 = arith.constant 45 : i32
    %broadcast_in_dim3A_1808 = vector.broadcast %broadcast_in_dim3A_1807 : i32 to vector<16xi32>
    %gather3A_1809 = tpu.vector_load_idx %arg8[%broadcast_in_dim3A_1808, %broadcast_in_dim3A_50] : memref<64x128xf32, #tpu.memory_space<vmem>>[vector<16xi32>, vector<16xi32>], vector<16xf32>,
    %mul3A_1810 = arith.mulf %gather3A_1806, %gather3A_1809 : vector<16xf32>
    tpu.vector_store_idx %arg9[%gather3A_1805], %mul3A_1810 : memref<32128xf32, #tpu.memory_space<vmem>>[vector<16xi32>], vector<16xf32>,
    %add3A_1811 = arith.constant 45 : i32
    %add3A_1812 = arith.addi %mul3A_2, %add3A_1811 : i32
    %dma_start3A_1813 = arith.constant 0 : i32
    %dma_start3A_1814 = arith.constant 0 : i32
    %dma_start3A_1815 = tpu.memref_slice %arg9[%dma_start3A_1814] : memref<32128xf32, #tpu.memory_space<vmem>> -> memref<32000xf32, #tpu.memory_space<vmem>>
    %dma_start3A_1816 = arith.constant 0 : i32
    %dma_start3A_1817 = tpu.memref_slice %arg5[%dma_start3A_1813, %add3A_1812, %dma_start3A_1816] : memref<1x2048x32000xf32, #tpu.memory_space<hbm>> -> memref<1x1x32000xf32, #tpu.memory_space<hbm>>
    %dma_start3A_1818 = tpu.memref_squeeze %dma_start3A_1817 : memref<1x1x32000xf32, #tpu.memory_space<hbm>> -> memref<32000xf32, #tpu.memory_space<hbm>>
    %dma_start3A_1819 = arith.constant 0 : i32
    %dma_start3A_1820 = tpu.memref_slice %arg5[%dma_start3A_1813, %add3A_1812, %dma_start3A_1819] : memref<1x2048x32000xf32, #tpu.memory_space<hbm>> -> memref<1x1x32000xf32, #tpu.memory_space<hbm>>
    %dma_start3A_1821 = tpu.memref_squeeze %dma_start3A_1820 : memref<1x1x32000xf32, #tpu.memory_space<hbm>> -> memref<32000xf32, #tpu.memory_space<hbm>>
    %dma_start3A_1822 = arith.constant 0 : i32
    %dma_start3A_1823 = tpu.memref_slice %arg9[%dma_start3A_1822] : memref<32128xf32, #tpu.memory_space<vmem>> -> memref<32000xf32, #tpu.memory_space<vmem>>
    tpu.enqueue_dma source(%dma_start3A_1823 : memref<32000xf32, #tpu.memory_space<vmem>>) target(%dma_start3A_1821 : memref<32000xf32, #tpu.memory_space<hbm>>) target_semaphore(%arg12 : memref<!tpu.dma_semaphore, #tpu.memory_space<semaphore_mem>>)
    %dma_wait3A_1824 = arith.constant 0 : i32
    %dma_wait3A_1825 = arith.constant 0 : i32
    %dma_wait3A_1826 = tpu.memref_slice %arg10[%dma_wait3A_1825] : memref<32128xf32, #tpu.memory_space<vmem>> -> memref<32000xf32, #tpu.memory_space<vmem>>
    %dma_wait3A_1827 = arith.constant 0 : i32
    %dma_wait3A_1828 = tpu.memref_slice %arg5[%dma_wait3A_1824, %add3A_1734, %dma_wait3A_1827] : memref<1x2048x32000xf32, #tpu.memory_space<hbm>> -> memref<1x1x32000xf32, #tpu.memory_space<hbm>>
    %dma_wait3A_1829 = tpu.memref_squeeze %dma_wait3A_1828 : memref<1x1x32000xf32, #tpu.memory_space<hbm>> -> memref<32000xf32, #tpu.memory_space<hbm>>
    %dma_wait3A_1830 = arith.constant 0 : i32
    %dma_wait3A_1831 = tpu.memref_slice %arg5[%dma_wait3A_1824, %add3A_1734, %dma_wait3A_1830] : memref<1x2048x32000xf32, #tpu.memory_space<hbm>> -> memref<1x1x32000xf32, #tpu.memory_space<hbm>>
    %dma_wait3A_1832 = tpu.memref_squeeze %dma_wait3A_1831 : memref<1x1x32000xf32, #tpu.memory_space<hbm>> -> memref<32000xf32, #tpu.memory_space<hbm>>
    %dma_wait3A_1833 = arith.constant 0 : i32
    %dma_wait3A_1834 = tpu.memref_slice %arg10[%dma_wait3A_1833] : memref<32128xf32, #tpu.memory_space<vmem>> -> memref<32000xf32, #tpu.memory_space<vmem>>
    tpu.wait_dma2 semaphore(%arg13 : memref<!tpu.dma_semaphore, #tpu.memory_space<semaphore_mem>>) src(%dma_wait3A_1834 : memref<32000xf32, #tpu.memory_space<vmem>>) dst(%dma_wait3A_1832 : memref<32000xf32, #tpu.memory_space<hbm>>)
    %broadcast_in_dim3A_1835 = arith.constant 43 : i32
    %broadcast_in_dim3A_1836 = vector.broadcast %broadcast_in_dim3A_1835 : i32 to vector<16xi32>
    %add3A_1837 = vector.broadcast %mul3A_36 : i32 to vector<16xi32>
    %add3A_1838 = arith.addi %broadcast_in_dim3A_1836, %add3A_1837 : vector<16xi32>
    %gather3A_1839 = tpu.vector_load_idx %arg6[%iota3A, %add3A_1838] : memref<16x128xi32, #tpu.memory_space<vmem>>[vector<16xi32>, vector<16xi32>], vector<16xi32>,
    tpu.vector_store_idx %arg10[%gather3A_1839], %broadcast_in_dim3A_48 : memref<32128xf32, #tpu.memory_space<vmem>>[vector<16xi32>], vector<16xf32>,
    %broadcast_in_dim3A_1840 = arith.constant 46 : i32
    %broadcast_in_dim3A_1841 = vector.broadcast %broadcast_in_dim3A_1840 : i32 to vector<16xi32>
    %add3A_1842 = vector.broadcast %mul3A_36 : i32 to vector<16xi32>
    %add3A_1843 = arith.addi %broadcast_in_dim3A_1841, %add3A_1842 : vector<16xi32>
    %gather3A_1844 = tpu.vector_load_idx %arg6[%iota3A, %add3A_1843] : memref<16x128xi32, #tpu.memory_space<vmem>>[vector<16xi32>, vector<16xi32>], vector<16xi32>,
    %gather3A_1845 = tpu.vector_load_idx %arg7[%iota3A, %add3A_1843] : memref<16x128xf32, #tpu.memory_space<vmem>>[vector<16xi32>, vector<16xi32>], vector<16xf32>,
    %broadcast_in_dim3A_1846 = arith.constant 46 : i32
    %broadcast_in_dim3A_1847 = vector.broadcast %broadcast_in_dim3A_1846 : i32 to vector<16xi32>
    %gather3A_1848 = tpu.vector_load_idx %arg8[%broadcast_in_dim3A_1847, %broadcast_in_dim3A_50] : memref<64x128xf32, #tpu.memory_space<vmem>>[vector<16xi32>, vector<16xi32>], vector<16xf32>,
    %mul3A_1849 = arith.mulf %gather3A_1845, %gather3A_1848 : vector<16xf32>
    tpu.vector_store_idx %arg10[%gather3A_1844], %mul3A_1849 : memref<32128xf32, #tpu.memory_space<vmem>>[vector<16xi32>], vector<16xf32>,
    %add3A_1850 = arith.constant 46 : i32
    %add3A_1851 = arith.addi %mul3A_2, %add3A_1850 : i32
    %dma_start3A_1852 = arith.constant 0 : i32
    %dma_start3A_1853 = arith.constant 0 : i32
    %dma_start3A_1854 = tpu.memref_slice %arg10[%dma_start3A_1853] : memref<32128xf32, #tpu.memory_space<vmem>> -> memref<32000xf32, #tpu.memory_space<vmem>>
    %dma_start3A_1855 = arith.constant 0 : i32
    %dma_start3A_1856 = tpu.memref_slice %arg5[%dma_start3A_1852, %add3A_1851, %dma_start3A_1855] : memref<1x2048x32000xf32, #tpu.memory_space<hbm>> -> memref<1x1x32000xf32, #tpu.memory_space<hbm>>
    %dma_start3A_1857 = tpu.memref_squeeze %dma_start3A_1856 : memref<1x1x32000xf32, #tpu.memory_space<hbm>> -> memref<32000xf32, #tpu.memory_space<hbm>>
    %dma_start3A_1858 = arith.constant 0 : i32
    %dma_start3A_1859 = tpu.memref_slice %arg5[%dma_start3A_1852, %add3A_1851, %dma_start3A_1858] : memref<1x2048x32000xf32, #tpu.memory_space<hbm>> -> memref<1x1x32000xf32, #tpu.memory_space<hbm>>
    %dma_start3A_1860 = tpu.memref_squeeze %dma_start3A_1859 : memref<1x1x32000xf32, #tpu.memory_space<hbm>> -> memref<32000xf32, #tpu.memory_space<hbm>>
    %dma_start3A_1861 = arith.constant 0 : i32
    %dma_start3A_1862 = tpu.memref_slice %arg10[%dma_start3A_1861] : memref<32128xf32, #tpu.memory_space<vmem>> -> memref<32000xf32, #tpu.memory_space<vmem>>
    tpu.enqueue_dma source(%dma_start3A_1862 : memref<32000xf32, #tpu.memory_space<vmem>>) target(%dma_start3A_1860 : memref<32000xf32, #tpu.memory_space<hbm>>) target_semaphore(%arg13 : memref<!tpu.dma_semaphore, #tpu.memory_space<semaphore_mem>>)
    %dma_wait3A_1863 = arith.constant 0 : i32
    %dma_wait3A_1864 = arith.constant 0 : i32
    %dma_wait3A_1865 = tpu.memref_slice %arg11[%dma_wait3A_1864] : memref<32128xf32, #tpu.memory_space<vmem>> -> memref<32000xf32, #tpu.memory_space<vmem>>
    %dma_wait3A_1866 = arith.constant 0 : i32
    %dma_wait3A_1867 = tpu.memref_slice %arg5[%dma_wait3A_1863, %add3A_1773, %dma_wait3A_1866] : memref<1x2048x32000xf32, #tpu.memory_space<hbm>> -> memref<1x1x32000xf32, #tpu.memory_space<hbm>>
    %dma_wait3A_1868 = tpu.memref_squeeze %dma_wait3A_1867 : memref<1x1x32000xf32, #tpu.memory_space<hbm>> -> memref<32000xf32, #tpu.memory_space<hbm>>
    %dma_wait3A_1869 = arith.constant 0 : i32
    %dma_wait3A_1870 = tpu.memref_slice %arg5[%dma_wait3A_1863, %add3A_1773, %dma_wait3A_1869] : memref<1x2048x32000xf32, #tpu.memory_space<hbm>> -> memref<1x1x32000xf32, #tpu.memory_space<hbm>>
    %dma_wait3A_1871 = tpu.memref_squeeze %dma_wait3A_1870 : memref<1x1x32000xf32, #tpu.memory_space<hbm>> -> memref<32000xf32, #tpu.memory_space<hbm>>
    %dma_wait3A_1872 = arith.constant 0 : i32
    %dma_wait3A_1873 = tpu.memref_slice %arg11[%dma_wait3A_1872] : memref<32128xf32, #tpu.memory_space<vmem>> -> memref<32000xf32, #tpu.memory_space<vmem>>
    tpu.wait_dma2 semaphore(%arg14 : memref<!tpu.dma_semaphore, #tpu.memory_space<semaphore_mem>>) src(%dma_wait3A_1873 : memref<32000xf32, #tpu.memory_space<vmem>>) dst(%dma_wait3A_1871 : memref<32000xf32, #tpu.memory_space<hbm>>)
    %broadcast_in_dim3A_1874 = arith.constant 44 : i32
    %broadcast_in_dim3A_1875 = vector.broadcast %broadcast_in_dim3A_1874 : i32 to vector<16xi32>
    %add3A_1876 = vector.broadcast %mul3A_36 : i32 to vector<16xi32>
    %add3A_1877 = arith.addi %broadcast_in_dim3A_1875, %add3A_1876 : vector<16xi32>
    %gather3A_1878 = tpu.vector_load_idx %arg6[%iota3A, %add3A_1877] : memref<16x128xi32, #tpu.memory_space<vmem>>[vector<16xi32>, vector<16xi32>], vector<16xi32>,
    tpu.vector_store_idx %arg11[%gather3A_1878], %broadcast_in_dim3A_48 : memref<32128xf32, #tpu.memory_space<vmem>>[vector<16xi32>], vector<16xf32>,
    %broadcast_in_dim3A_1879 = arith.constant 47 : i32
    %broadcast_in_dim3A_1880 = vector.broadcast %broadcast_in_dim3A_1879 : i32 to vector<16xi32>
    %add3A_1881 = vector.broadcast %mul3A_36 : i32 to vector<16xi32>
    %add3A_1882 = arith.addi %broadcast_in_dim3A_1880, %add3A_1881 : vector<16xi32>
    %gather3A_1883 = tpu.vector_load_idx %arg6[%iota3A, %add3A_1882] : memref<16x128xi32, #tpu.memory_space<vmem>>[vector<16xi32>, vector<16xi32>], vector<16xi32>,
    %gather3A_1884 = tpu.vector_load_idx %arg7[%iota3A, %add3A_1882] : memref<16x128xf32, #tpu.memory_space<vmem>>[vector<16xi32>, vector<16xi32>], vector<16xf32>,
    %broadcast_in_dim3A_1885 = arith.constant 47 : i32
    %broadcast_in_dim3A_1886 = vector.broadcast %broadcast_in_dim3A_1885 : i32 to vector<16xi32>
    %gather3A_1887 = tpu.vector_load_idx %arg8[%broadcast_in_dim3A_1886, %broadcast_in_dim3A_50] : memref<64x128xf32, #tpu.memory_space<vmem>>[vector<16xi32>, vector<16xi32>], vector<16xf32>,
    %mul3A_1888 = arith.mulf %gather3A_1884, %gather3A_1887 : vector<16xf32>
    tpu.vector_store_idx %arg11[%gather3A_1883], %mul3A_1888 : memref<32128xf32, #tpu.memory_space<vmem>>[vector<16xi32>], vector<16xf32>,
    %add3A_1889 = arith.constant 47 : i32
    %add3A_1890 = arith.addi %mul3A_2, %add3A_1889 : i32
    %dma_start3A_1891 = arith.constant 0 : i32
    %dma_start3A_1892 = arith.constant 0 : i32
    %dma_start3A_1893 = tpu.memref_slice %arg11[%dma_start3A_1892] : memref<32128xf32, #tpu.memory_space<vmem>> -> memref<32000xf32, #tpu.memory_space<vmem>>
    %dma_start3A_1894 = arith.constant 0 : i32
    %dma_start3A_1895 = tpu.memref_slice %arg5[%dma_start3A_1891, %add3A_1890, %dma_start3A_1894] : memref<1x2048x32000xf32, #tpu.memory_space<hbm>> -> memref<1x1x32000xf32, #tpu.memory_space<hbm>>
    %dma_start3A_1896 = tpu.memref_squeeze %dma_start3A_1895 : memref<1x1x32000xf32, #tpu.memory_space<hbm>> -> memref<32000xf32, #tpu.memory_space<hbm>>
    %dma_start3A_1897 = arith.constant 0 : i32
    %dma_start3A_1898 = tpu.memref_slice %arg5[%dma_start3A_1891, %add3A_1890, %dma_start3A_1897] : memref<1x2048x32000xf32, #tpu.memory_space<hbm>> -> memref<1x1x32000xf32, #tpu.memory_space<hbm>>
    %dma_start3A_1899 = tpu.memref_squeeze %dma_start3A_1898 : memref<1x1x32000xf32, #tpu.memory_space<hbm>> -> memref<32000xf32, #tpu.memory_space<hbm>>
    %dma_start3A_1900 = arith.constant 0 : i32
    %dma_start3A_1901 = tpu.memref_slice %arg11[%dma_start3A_1900] : memref<32128xf32, #tpu.memory_space<vmem>> -> memref<32000xf32, #tpu.memory_space<vmem>>
    tpu.enqueue_dma source(%dma_start3A_1901 : memref<32000xf32, #tpu.memory_space<vmem>>) target(%dma_start3A_1899 : memref<32000xf32, #tpu.memory_space<hbm>>) target_semaphore(%arg14 : memref<!tpu.dma_semaphore, #tpu.memory_space<semaphore_mem>>)
    %dma_wait3A_1902 = arith.constant 0 : i32
    %dma_wait3A_1903 = arith.constant 0 : i32
    %dma_wait3A_1904 = tpu.memref_slice %arg9[%dma_wait3A_1903] : memref<32128xf32, #tpu.memory_space<vmem>> -> memref<32000xf32, #tpu.memory_space<vmem>>
    %dma_wait3A_1905 = arith.constant 0 : i32
    %dma_wait3A_1906 = tpu.memref_slice %arg5[%dma_wait3A_1902, %add3A_1812, %dma_wait3A_1905] : memref<1x2048x32000xf32, #tpu.memory_space<hbm>> -> memref<1x1x32000xf32, #tpu.memory_space<hbm>>
    %dma_wait3A_1907 = tpu.memref_squeeze %dma_wait3A_1906 : memref<1x1x32000xf32, #tpu.memory_space<hbm>> -> memref<32000xf32, #tpu.memory_space<hbm>>
    %dma_wait3A_1908 = arith.constant 0 : i32
    %dma_wait3A_1909 = tpu.memref_slice %arg5[%dma_wait3A_1902, %add3A_1812, %dma_wait3A_1908] : memref<1x2048x32000xf32, #tpu.memory_space<hbm>> -> memref<1x1x32000xf32, #tpu.memory_space<hbm>>
    %dma_wait3A_1910 = tpu.memref_squeeze %dma_wait3A_1909 : memref<1x1x32000xf32, #tpu.memory_space<hbm>> -> memref<32000xf32, #tpu.memory_space<hbm>>
    %dma_wait3A_1911 = arith.constant 0 : i32
    %dma_wait3A_1912 = tpu.memref_slice %arg9[%dma_wait3A_1911] : memref<32128xf32, #tpu.memory_space<vmem>> -> memref<32000xf32, #tpu.memory_space<vmem>>
    tpu.wait_dma2 semaphore(%arg12 : memref<!tpu.dma_semaphore, #tpu.memory_space<semaphore_mem>>) src(%dma_wait3A_1912 : memref<32000xf32, #tpu.memory_space<vmem>>) dst(%dma_wait3A_1910 : memref<32000xf32, #tpu.memory_space<hbm>>)
    %broadcast_in_dim3A_1913 = arith.constant 45 : i32
    %broadcast_in_dim3A_1914 = vector.broadcast %broadcast_in_dim3A_1913 : i32 to vector<16xi32>
    %add3A_1915 = vector.broadcast %mul3A_36 : i32 to vector<16xi32>
    %add3A_1916 = arith.addi %broadcast_in_dim3A_1914, %add3A_1915 : vector<16xi32>
    %gather3A_1917 = tpu.vector_load_idx %arg6[%iota3A, %add3A_1916] : memref<16x128xi32, #tpu.memory_space<vmem>>[vector<16xi32>, vector<16xi32>], vector<16xi32>,
    tpu.vector_store_idx %arg9[%gather3A_1917], %broadcast_in_dim3A_48 : memref<32128xf32, #tpu.memory_space<vmem>>[vector<16xi32>], vector<16xf32>,
    %broadcast_in_dim3A_1918 = arith.constant 48 : i32
    %broadcast_in_dim3A_1919 = vector.broadcast %broadcast_in_dim3A_1918 : i32 to vector<16xi32>
    %add3A_1920 = vector.broadcast %mul3A_36 : i32 to vector<16xi32>
    %add3A_1921 = arith.addi %broadcast_in_dim3A_1919, %add3A_1920 : vector<16xi32>
    %gather3A_1922 = tpu.vector_load_idx %arg6[%iota3A, %add3A_1921] : memref<16x128xi32, #tpu.memory_space<vmem>>[vector<16xi32>, vector<16xi32>], vector<16xi32>,
    %gather3A_1923 = tpu.vector_load_idx %arg7[%iota3A, %add3A_1921] : memref<16x128xf32, #tpu.memory_space<vmem>>[vector<16xi32>, vector<16xi32>], vector<16xf32>,
    %broadcast_in_dim3A_1924 = arith.constant 48 : i32
    %broadcast_in_dim3A_1925 = vector.broadcast %broadcast_in_dim3A_1924 : i32 to vector<16xi32>
    %gather3A_1926 = tpu.vector_load_idx %arg8[%broadcast_in_dim3A_1925, %broadcast_in_dim3A_50] : memref<64x128xf32, #tpu.memory_space<vmem>>[vector<16xi32>, vector<16xi32>], vector<16xf32>,
    %mul3A_1927 = arith.mulf %gather3A_1923, %gather3A_1926 : vector<16xf32>
    tpu.vector_store_idx %arg9[%gather3A_1922], %mul3A_1927 : memref<32128xf32, #tpu.memory_space<vmem>>[vector<16xi32>], vector<16xf32>,
    %add3A_1928 = arith.constant 48 : i32
    %add3A_1929 = arith.addi %mul3A_2, %add3A_1928 : i32
    %dma_start3A_1930 = arith.constant 0 : i32
    %dma_start3A_1931 = arith.constant 0 : i32
    %dma_start3A_1932 = tpu.memref_slice %arg9[%dma_start3A_1931] : memref<32128xf32, #tpu.memory_space<vmem>> -> memref<32000xf32, #tpu.memory_space<vmem>>
    %dma_start3A_1933 = arith.constant 0 : i32
    %dma_start3A_1934 = tpu.memref_slice %arg5[%dma_start3A_1930, %add3A_1929, %dma_start3A_1933] : memref<1x2048x32000xf32, #tpu.memory_space<hbm>> -> memref<1x1x32000xf32, #tpu.memory_space<hbm>>
    %dma_start3A_1935 = tpu.memref_squeeze %dma_start3A_1934 : memref<1x1x32000xf32, #tpu.memory_space<hbm>> -> memref<32000xf32, #tpu.memory_space<hbm>>
    %dma_start3A_1936 = arith.constant 0 : i32
    %dma_start3A_1937 = tpu.memref_slice %arg5[%dma_start3A_1930, %add3A_1929, %dma_start3A_1936] : memref<1x2048x32000xf32, #tpu.memory_space<hbm>> -> memref<1x1x32000xf32, #tpu.memory_space<hbm>>
    %dma_start3A_1938 = tpu.memref_squeeze %dma_start3A_1937 : memref<1x1x32000xf32, #tpu.memory_space<hbm>> -> memref<32000xf32, #tpu.memory_space<hbm>>
    %dma_start3A_1939 = arith.constant 0 : i32
    %dma_start3A_1940 = tpu.memref_slice %arg9[%dma_start3A_1939] : memref<32128xf32, #tpu.memory_space<vmem>> -> memref<32000xf32, #tpu.memory_space<vmem>>
    tpu.enqueue_dma source(%dma_start3A_1940 : memref<32000xf32, #tpu.memory_space<vmem>>) target(%dma_start3A_1938 : memref<32000xf32, #tpu.memory_space<hbm>>) target_semaphore(%arg12 : memref<!tpu.dma_semaphore, #tpu.memory_space<semaphore_mem>>)
    %dma_wait3A_1941 = arith.constant 0 : i32
    %dma_wait3A_1942 = arith.constant 0 : i32
    %dma_wait3A_1943 = tpu.memref_slice %arg10[%dma_wait3A_1942] : memref<32128xf32, #tpu.memory_space<vmem>> -> memref<32000xf32, #tpu.memory_space<vmem>>
    %dma_wait3A_1944 = arith.constant 0 : i32
    %dma_wait3A_1945 = tpu.memref_slice %arg5[%dma_wait3A_1941, %add3A_1851, %dma_wait3A_1944] : memref<1x2048x32000xf32, #tpu.memory_space<hbm>> -> memref<1x1x32000xf32, #tpu.memory_space<hbm>>
    %dma_wait3A_1946 = tpu.memref_squeeze %dma_wait3A_1945 : memref<1x1x32000xf32, #tpu.memory_space<hbm>> -> memref<32000xf32, #tpu.memory_space<hbm>>
    %dma_wait3A_1947 = arith.constant 0 : i32
    %dma_wait3A_1948 = tpu.memref_slice %arg5[%dma_wait3A_1941, %add3A_1851, %dma_wait3A_1947] : memref<1x2048x32000xf32, #tpu.memory_space<hbm>> -> memref<1x1x32000xf32, #tpu.memory_space<hbm>>
    %dma_wait3A_1949 = tpu.memref_squeeze %dma_wait3A_1948 : memref<1x1x32000xf32, #tpu.memory_space<hbm>> -> memref<32000xf32, #tpu.memory_space<hbm>>
    %dma_wait3A_1950 = arith.constant 0 : i32
    %dma_wait3A_1951 = tpu.memref_slice %arg10[%dma_wait3A_1950] : memref<32128xf32, #tpu.memory_space<vmem>> -> memref<32000xf32, #tpu.memory_space<vmem>>
    tpu.wait_dma2 semaphore(%arg13 : memref<!tpu.dma_semaphore, #tpu.memory_space<semaphore_mem>>) src(%dma_wait3A_1951 : memref<32000xf32, #tpu.memory_space<vmem>>) dst(%dma_wait3A_1949 : memref<32000xf32, #tpu.memory_space<hbm>>)
    %broadcast_in_dim3A_1952 = arith.constant 46 : i32
    %broadcast_in_dim3A_1953 = vector.broadcast %broadcast_in_dim3A_1952 : i32 to vector<16xi32>
    %add3A_1954 = vector.broadcast %mul3A_36 : i32 to vector<16xi32>
    %add3A_1955 = arith.addi %broadcast_in_dim3A_1953, %add3A_1954 : vector<16xi32>
    %gather3A_1956 = tpu.vector_load_idx %arg6[%iota3A, %add3A_1955] : memref<16x128xi32, #tpu.memory_space<vmem>>[vector<16xi32>, vector<16xi32>], vector<16xi32>,
    tpu.vector_store_idx %arg10[%gather3A_1956], %broadcast_in_dim3A_48 : memref<32128xf32, #tpu.memory_space<vmem>>[vector<16xi32>], vector<16xf32>,
    %broadcast_in_dim3A_1957 = arith.constant 49 : i32
    %broadcast_in_dim3A_1958 = vector.broadcast %broadcast_in_dim3A_1957 : i32 to vector<16xi32>
    %add3A_1959 = vector.broadcast %mul3A_36 : i32 to vector<16xi32>
    %add3A_1960 = arith.addi %broadcast_in_dim3A_1958, %add3A_1959 : vector<16xi32>
    %gather3A_1961 = tpu.vector_load_idx %arg6[%iota3A, %add3A_1960] : memref<16x128xi32, #tpu.memory_space<vmem>>[vector<16xi32>, vector<16xi32>], vector<16xi32>,
    %gather3A_1962 = tpu.vector_load_idx %arg7[%iota3A, %add3A_1960] : memref<16x128xf32, #tpu.memory_space<vmem>>[vector<16xi32>, vector<16xi32>], vector<16xf32>,
    %broadcast_in_dim3A_1963 = arith.constant 49 : i32
    %broadcast_in_dim3A_1964 = vector.broadcast %broadcast_in_dim3A_1963 : i32 to vector<16xi32>
    %gather3A_1965 = tpu.vector_load_idx %arg8[%broadcast_in_dim3A_1964, %broadcast_in_dim3A_50] : memref<64x128xf32, #tpu.memory_space<vmem>>[vector<16xi32>, vector<16xi32>], vector<16xf32>,
    %mul3A_1966 = arith.mulf %gather3A_1962, %gather3A_1965 : vector<16xf32>
    tpu.vector_store_idx %arg10[%gather3A_1961], %mul3A_1966 : memref<32128xf32, #tpu.memory_space<vmem>>[vector<16xi32>], vector<16xf32>,
    %add3A_1967 = arith.constant 49 : i32
    %add3A_1968 = arith.addi %mul3A_2, %add3A_1967 : i32
    %dma_start3A_1969 = arith.constant 0 : i32
    %dma_start3A_1970 = arith.constant 0 : i32
    %dma_start3A_1971 = tpu.memref_slice %arg10[%dma_start3A_1970] : memref<32128xf32, #tpu.memory_space<vmem>> -> memref<32000xf32, #tpu.memory_space<vmem>>
    %dma_start3A_1972 = arith.constant 0 : i32
    %dma_start3A_1973 = tpu.memref_slice %arg5[%dma_start3A_1969, %add3A_1968, %dma_start3A_1972] : memref<1x2048x32000xf32, #tpu.memory_space<hbm>> -> memref<1x1x32000xf32, #tpu.memory_space<hbm>>
    %dma_start3A_1974 = tpu.memref_squeeze %dma_start3A_1973 : memref<1x1x32000xf32, #tpu.memory_space<hbm>> -> memref<32000xf32, #tpu.memory_space<hbm>>
    %dma_start3A_1975 = arith.constant 0 : i32
    %dma_start3A_1976 = tpu.memref_slice %arg5[%dma_start3A_1969, %add3A_1968, %dma_start3A_1975] : memref<1x2048x32000xf32, #tpu.memory_space<hbm>> -> memref<1x1x32000xf32, #tpu.memory_space<hbm>>
    %dma_start3A_1977 = tpu.memref_squeeze %dma_start3A_1976 : memref<1x1x32000xf32, #tpu.memory_space<hbm>> -> memref<32000xf32, #tpu.memory_space<hbm>>
    %dma_start3A_1978 = arith.constant 0 : i32
    %dma_start3A_1979 = tpu.memref_slice %arg10[%dma_start3A_1978] : memref<32128xf32, #tpu.memory_space<vmem>> -> memref<32000xf32, #tpu.memory_space<vmem>>
    tpu.enqueue_dma source(%dma_start3A_1979 : memref<32000xf32, #tpu.memory_space<vmem>>) target(%dma_start3A_1977 : memref<32000xf32, #tpu.memory_space<hbm>>) target_semaphore(%arg13 : memref<!tpu.dma_semaphore, #tpu.memory_space<semaphore_mem>>)
    %dma_wait3A_1980 = arith.constant 0 : i32
    %dma_wait3A_1981 = arith.constant 0 : i32
    %dma_wait3A_1982 = tpu.memref_slice %arg11[%dma_wait3A_1981] : memref<32128xf32, #tpu.memory_space<vmem>> -> memref<32000xf32, #tpu.memory_space<vmem>>
    %dma_wait3A_1983 = arith.constant 0 : i32
    %dma_wait3A_1984 = tpu.memref_slice %arg5[%dma_wait3A_1980, %add3A_1890, %dma_wait3A_1983] : memref<1x2048x32000xf32, #tpu.memory_space<hbm>> -> memref<1x1x32000xf32, #tpu.memory_space<hbm>>
    %dma_wait3A_1985 = tpu.memref_squeeze %dma_wait3A_1984 : memref<1x1x32000xf32, #tpu.memory_space<hbm>> -> memref<32000xf32, #tpu.memory_space<hbm>>
    %dma_wait3A_1986 = arith.constant 0 : i32
    %dma_wait3A_1987 = tpu.memref_slice %arg5[%dma_wait3A_1980, %add3A_1890, %dma_wait3A_1986] : memref<1x2048x32000xf32, #tpu.memory_space<hbm>> -> memref<1x1x32000xf32, #tpu.memory_space<hbm>>
    %dma_wait3A_1988 = tpu.memref_squeeze %dma_wait3A_1987 : memref<1x1x32000xf32, #tpu.memory_space<hbm>> -> memref<32000xf32, #tpu.memory_space<hbm>>
    %dma_wait3A_1989 = arith.constant 0 : i32
    %dma_wait3A_1990 = tpu.memref_slice %arg11[%dma_wait3A_1989] : memref<32128xf32, #tpu.memory_space<vmem>> -> memref<32000xf32, #tpu.memory_space<vmem>>
    tpu.wait_dma2 semaphore(%arg14 : memref<!tpu.dma_semaphore, #tpu.memory_space<semaphore_mem>>) src(%dma_wait3A_1990 : memref<32000xf32, #tpu.memory_space<vmem>>) dst(%dma_wait3A_1988 : memref<32000xf32, #tpu.memory_space<hbm>>)
    %broadcast_in_dim3A_1991 = arith.constant 47 : i32
    %broadcast_in_dim3A_1992 = vector.broadcast %broadcast_in_dim3A_1991 : i32 to vector<16xi32>
    %add3A_1993 = vector.broadcast %mul3A_36 : i32 to vector<16xi32>
    %add3A_1994 = arith.addi %broadcast_in_dim3A_1992, %add3A_1993 : vector<16xi32>
    %gather3A_1995 = tpu.vector_load_idx %arg6[%iota3A, %add3A_1994] : memref<16x128xi32, #tpu.memory_space<vmem>>[vector<16xi32>, vector<16xi32>], vector<16xi32>,
    tpu.vector_store_idx %arg11[%gather3A_1995], %broadcast_in_dim3A_48 : memref<32128xf32, #tpu.memory_space<vmem>>[vector<16xi32>], vector<16xf32>,
    %broadcast_in_dim3A_1996 = arith.constant 50 : i32
    %broadcast_in_dim3A_1997 = vector.broadcast %broadcast_in_dim3A_1996 : i32 to vector<16xi32>
    %add3A_1998 = vector.broadcast %mul3A_36 : i32 to vector<16xi32>
    %add3A_1999 = arith.addi %broadcast_in_dim3A_1997, %add3A_1998 : vector<16xi32>
    %gather3A_2000 = tpu.vector_load_idx %arg6[%iota3A, %add3A_1999] : memref<16x128xi32, #tpu.memory_space<vmem>>[vector<16xi32>, vector<16xi32>], vector<16xi32>,
    %gather3A_2001 = tpu.vector_load_idx %arg7[%iota3A, %add3A_1999] : memref<16x128xf32, #tpu.memory_space<vmem>>[vector<16xi32>, vector<16xi32>], vector<16xf32>,
    %broadcast_in_dim3A_2002 = arith.constant 50 : i32
    %broadcast_in_dim3A_2003 = vector.broadcast %broadcast_in_dim3A_2002 : i32 to vector<16xi32>
    %gather3A_2004 = tpu.vector_load_idx %arg8[%broadcast_in_dim3A_2003, %broadcast_in_dim3A_50] : memref<64x128xf32, #tpu.memory_space<vmem>>[vector<16xi32>, vector<16xi32>], vector<16xf32>,
    %mul3A_2005 = arith.mulf %gather3A_2001, %gather3A_2004 : vector<16xf32>
    tpu.vector_store_idx %arg11[%gather3A_2000], %mul3A_2005 : memref<32128xf32, #tpu.memory_space<vmem>>[vector<16xi32>], vector<16xf32>,
    %add3A_2006 = arith.constant 50 : i32
    %add3A_2007 = arith.addi %mul3A_2, %add3A_2006 : i32
    %dma_start3A_2008 = arith.constant 0 : i32
    %dma_start3A_2009 = arith.constant 0 : i32
    %dma_start3A_2010 = tpu.memref_slice %arg11[%dma_start3A_2009] : memref<32128xf32, #tpu.memory_space<vmem>> -> memref<32000xf32, #tpu.memory_space<vmem>>
    %dma_start3A_2011 = arith.constant 0 : i32
    %dma_start3A_2012 = tpu.memref_slice %arg5[%dma_start3A_2008, %add3A_2007, %dma_start3A_2011] : memref<1x2048x32000xf32, #tpu.memory_space<hbm>> -> memref<1x1x32000xf32, #tpu.memory_space<hbm>>
    %dma_start3A_2013 = tpu.memref_squeeze %dma_start3A_2012 : memref<1x1x32000xf32, #tpu.memory_space<hbm>> -> memref<32000xf32, #tpu.memory_space<hbm>>
    %dma_start3A_2014 = arith.constant 0 : i32
    %dma_start3A_2015 = tpu.memref_slice %arg5[%dma_start3A_2008, %add3A_2007, %dma_start3A_2014] : memref<1x2048x32000xf32, #tpu.memory_space<hbm>> -> memref<1x1x32000xf32, #tpu.memory_space<hbm>>
    %dma_start3A_2016 = tpu.memref_squeeze %dma_start3A_2015 : memref<1x1x32000xf32, #tpu.memory_space<hbm>> -> memref<32000xf32, #tpu.memory_space<hbm>>
    %dma_start3A_2017 = arith.constant 0 : i32
    %dma_start3A_2018 = tpu.memref_slice %arg11[%dma_start3A_2017] : memref<32128xf32, #tpu.memory_space<vmem>> -> memref<32000xf32, #tpu.memory_space<vmem>>
    tpu.enqueue_dma source(%dma_start3A_2018 : memref<32000xf32, #tpu.memory_space<vmem>>) target(%dma_start3A_2016 : memref<32000xf32, #tpu.memory_space<hbm>>) target_semaphore(%arg14 : memref<!tpu.dma_semaphore, #tpu.memory_space<semaphore_mem>>)
    %dma_wait3A_2019 = arith.constant 0 : i32
    %dma_wait3A_2020 = arith.constant 0 : i32
    %dma_wait3A_2021 = tpu.memref_slice %arg9[%dma_wait3A_2020] : memref<32128xf32, #tpu.memory_space<vmem>> -> memref<32000xf32, #tpu.memory_space<vmem>>
    %dma_wait3A_2022 = arith.constant 0 : i32
    %dma_wait3A_2023 = tpu.memref_slice %arg5[%dma_wait3A_2019, %add3A_1929, %dma_wait3A_2022] : memref<1x2048x32000xf32, #tpu.memory_space<hbm>> -> memref<1x1x32000xf32, #tpu.memory_space<hbm>>
    %dma_wait3A_2024 = tpu.memref_squeeze %dma_wait3A_2023 : memref<1x1x32000xf32, #tpu.memory_space<hbm>> -> memref<32000xf32, #tpu.memory_space<hbm>>
    %dma_wait3A_2025 = arith.constant 0 : i32
    %dma_wait3A_2026 = tpu.memref_slice %arg5[%dma_wait3A_2019, %add3A_1929, %dma_wait3A_2025] : memref<1x2048x32000xf32, #tpu.memory_space<hbm>> -> memref<1x1x32000xf32, #tpu.memory_space<hbm>>
    %dma_wait3A_2027 = tpu.memref_squeeze %dma_wait3A_2026 : memref<1x1x32000xf32, #tpu.memory_space<hbm>> -> memref<32000xf32, #tpu.memory_space<hbm>>
    %dma_wait3A_2028 = arith.constant 0 : i32
    %dma_wait3A_2029 = tpu.memref_slice %arg9[%dma_wait3A_2028] : memref<32128xf32, #tpu.memory_space<vmem>> -> memref<32000xf32, #tpu.memory_space<vmem>>
    tpu.wait_dma2 semaphore(%arg12 : memref<!tpu.dma_semaphore, #tpu.memory_space<semaphore_mem>>) src(%dma_wait3A_2029 : memref<32000xf32, #tpu.memory_space<vmem>>) dst(%dma_wait3A_2027 : memref<32000xf32, #tpu.memory_space<hbm>>)
    %broadcast_in_dim3A_2030 = arith.constant 48 : i32
    %broadcast_in_dim3A_2031 = vector.broadcast %broadcast_in_dim3A_2030 : i32 to vector<16xi32>
    %add3A_2032 = vector.broadcast %mul3A_36 : i32 to vector<16xi32>
    %add3A_2033 = arith.addi %broadcast_in_dim3A_2031, %add3A_2032 : vector<16xi32>
    %gather3A_2034 = tpu.vector_load_idx %arg6[%iota3A, %add3A_2033] : memref<16x128xi32, #tpu.memory_space<vmem>>[vector<16xi32>, vector<16xi32>], vector<16xi32>,
    tpu.vector_store_idx %arg9[%gather3A_2034], %broadcast_in_dim3A_48 : memref<32128xf32, #tpu.memory_space<vmem>>[vector<16xi32>], vector<16xf32>,
    %broadcast_in_dim3A_2035 = arith.constant 51 : i32
    %broadcast_in_dim3A_2036 = vector.broadcast %broadcast_in_dim3A_2035 : i32 to vector<16xi32>
    %add3A_2037 = vector.broadcast %mul3A_36 : i32 to vector<16xi32>
    %add3A_2038 = arith.addi %broadcast_in_dim3A_2036, %add3A_2037 : vector<16xi32>
    %gather3A_2039 = tpu.vector_load_idx %arg6[%iota3A, %add3A_2038] : memref<16x128xi32, #tpu.memory_space<vmem>>[vector<16xi32>, vector<16xi32>], vector<16xi32>,
    %gather3A_2040 = tpu.vector_load_idx %arg7[%iota3A, %add3A_2038] : memref<16x128xf32, #tpu.memory_space<vmem>>[vector<16xi32>, vector<16xi32>], vector<16xf32>,
    %broadcast_in_dim3A_2041 = arith.constant 51 : i32
    %broadcast_in_dim3A_2042 = vector.broadcast %broadcast_in_dim3A_2041 : i32 to vector<16xi32>
    %gather3A_2043 = tpu.vector_load_idx %arg8[%broadcast_in_dim3A_2042, %broadcast_in_dim3A_50] : memref<64x128xf32, #tpu.memory_space<vmem>>[vector<16xi32>, vector<16xi32>], vector<16xf32>,
    %mul3A_2044 = arith.mulf %gather3A_2040, %gather3A_2043 : vector<16xf32>
    tpu.vector_store_idx %arg9[%gather3A_2039], %mul3A_2044 : memref<32128xf32, #tpu.memory_space<vmem>>[vector<16xi32>], vector<16xf32>,
    %add3A_2045 = arith.constant 51 : i32
    %add3A_2046 = arith.addi %mul3A_2, %add3A_2045 : i32
    %dma_start3A_2047 = arith.constant 0 : i32
    %dma_start3A_2048 = arith.constant 0 : i32
    %dma_start3A_2049 = tpu.memref_slice %arg9[%dma_start3A_2048] : memref<32128xf32, #tpu.memory_space<vmem>> -> memref<32000xf32, #tpu.memory_space<vmem>>
    %dma_start3A_2050 = arith.constant 0 : i32
    %dma_start3A_2051 = tpu.memref_slice %arg5[%dma_start3A_2047, %add3A_2046, %dma_start3A_2050] : memref<1x2048x32000xf32, #tpu.memory_space<hbm>> -> memref<1x1x32000xf32, #tpu.memory_space<hbm>>
    %dma_start3A_2052 = tpu.memref_squeeze %dma_start3A_2051 : memref<1x1x32000xf32, #tpu.memory_space<hbm>> -> memref<32000xf32, #tpu.memory_space<hbm>>
    %dma_start3A_2053 = arith.constant 0 : i32
    %dma_start3A_2054 = tpu.memref_slice %arg5[%dma_start3A_2047, %add3A_2046, %dma_start3A_2053] : memref<1x2048x32000xf32, #tpu.memory_space<hbm>> -> memref<1x1x32000xf32, #tpu.memory_space<hbm>>
    %dma_start3A_2055 = tpu.memref_squeeze %dma_start3A_2054 : memref<1x1x32000xf32, #tpu.memory_space<hbm>> -> memref<32000xf32, #tpu.memory_space<hbm>>
    %dma_start3A_2056 = arith.constant 0 : i32
    %dma_start3A_2057 = tpu.memref_slice %arg9[%dma_start3A_2056] : memref<32128xf32, #tpu.memory_space<vmem>> -> memref<32000xf32, #tpu.memory_space<vmem>>
    tpu.enqueue_dma source(%dma_start3A_2057 : memref<32000xf32, #tpu.memory_space<vmem>>) target(%dma_start3A_2055 : memref<32000xf32, #tpu.memory_space<hbm>>) target_semaphore(%arg12 : memref<!tpu.dma_semaphore, #tpu.memory_space<semaphore_mem>>)
    %dma_wait3A_2058 = arith.constant 0 : i32
    %dma_wait3A_2059 = arith.constant 0 : i32
    %dma_wait3A_2060 = tpu.memref_slice %arg10[%dma_wait3A_2059] : memref<32128xf32, #tpu.memory_space<vmem>> -> memref<32000xf32, #tpu.memory_space<vmem>>
    %dma_wait3A_2061 = arith.constant 0 : i32
    %dma_wait3A_2062 = tpu.memref_slice %arg5[%dma_wait3A_2058, %add3A_1968, %dma_wait3A_2061] : memref<1x2048x32000xf32, #tpu.memory_space<hbm>> -> memref<1x1x32000xf32, #tpu.memory_space<hbm>>
    %dma_wait3A_2063 = tpu.memref_squeeze %dma_wait3A_2062 : memref<1x1x32000xf32, #tpu.memory_space<hbm>> -> memref<32000xf32, #tpu.memory_space<hbm>>
    %dma_wait3A_2064 = arith.constant 0 : i32
    %dma_wait3A_2065 = tpu.memref_slice %arg5[%dma_wait3A_2058, %add3A_1968, %dma_wait3A_2064] : memref<1x2048x32000xf32, #tpu.memory_space<hbm>> -> memref<1x1x32000xf32, #tpu.memory_space<hbm>>
    %dma_wait3A_2066 = tpu.memref_squeeze %dma_wait3A_2065 : memref<1x1x32000xf32, #tpu.memory_space<hbm>> -> memref<32000xf32, #tpu.memory_space<hbm>>
    %dma_wait3A_2067 = arith.constant 0 : i32
    %dma_wait3A_2068 = tpu.memref_slice %arg10[%dma_wait3A_2067] : memref<32128xf32, #tpu.memory_space<vmem>> -> memref<32000xf32, #tpu.memory_space<vmem>>
    tpu.wait_dma2 semaphore(%arg13 : memref<!tpu.dma_semaphore, #tpu.memory_space<semaphore_mem>>) src(%dma_wait3A_2068 : memref<32000xf32, #tpu.memory_space<vmem>>) dst(%dma_wait3A_2066 : memref<32000xf32, #tpu.memory_space<hbm>>)
    %broadcast_in_dim3A_2069 = arith.constant 49 : i32
    %broadcast_in_dim3A_2070 = vector.broadcast %broadcast_in_dim3A_2069 : i32 to vector<16xi32>
    %add3A_2071 = vector.broadcast %mul3A_36 : i32 to vector<16xi32>
    %add3A_2072 = arith.addi %broadcast_in_dim3A_2070, %add3A_2071 : vector<16xi32>
    %gather3A_2073 = tpu.vector_load_idx %arg6[%iota3A, %add3A_2072] : memref<16x128xi32, #tpu.memory_space<vmem>>[vector<16xi32>, vector<16xi32>], vector<16xi32>,
    tpu.vector_store_idx %arg10[%gather3A_2073], %broadcast_in_dim3A_48 : memref<32128xf32, #tpu.memory_space<vmem>>[vector<16xi32>], vector<16xf32>,
    %broadcast_in_dim3A_2074 = arith.constant 52 : i32
    %broadcast_in_dim3A_2075 = vector.broadcast %broadcast_in_dim3A_2074 : i32 to vector<16xi32>
    %add3A_2076 = vector.broadcast %mul3A_36 : i32 to vector<16xi32>
    %add3A_2077 = arith.addi %broadcast_in_dim3A_2075, %add3A_2076 : vector<16xi32>
    %gather3A_2078 = tpu.vector_load_idx %arg6[%iota3A, %add3A_2077] : memref<16x128xi32, #tpu.memory_space<vmem>>[vector<16xi32>, vector<16xi32>], vector<16xi32>,
    %gather3A_2079 = tpu.vector_load_idx %arg7[%iota3A, %add3A_2077] : memref<16x128xf32, #tpu.memory_space<vmem>>[vector<16xi32>, vector<16xi32>], vector<16xf32>,
    %broadcast_in_dim3A_2080 = arith.constant 52 : i32
    %broadcast_in_dim3A_2081 = vector.broadcast %broadcast_in_dim3A_2080 : i32 to vector<16xi32>
    %gather3A_2082 = tpu.vector_load_idx %arg8[%broadcast_in_dim3A_2081, %broadcast_in_dim3A_50] : memref<64x128xf32, #tpu.memory_space<vmem>>[vector<16xi32>, vector<16xi32>], vector<16xf32>,
    %mul3A_2083 = arith.mulf %gather3A_2079, %gather3A_2082 : vector<16xf32>
    tpu.vector_store_idx %arg10[%gather3A_2078], %mul3A_2083 : memref<32128xf32, #tpu.memory_space<vmem>>[vector<16xi32>], vector<16xf32>,
    %add3A_2084 = arith.constant 52 : i32
    %add3A_2085 = arith.addi %mul3A_2, %add3A_2084 : i32
    %dma_start3A_2086 = arith.constant 0 : i32
    %dma_start3A_2087 = arith.constant 0 : i32
    %dma_start3A_2088 = tpu.memref_slice %arg10[%dma_start3A_2087] : memref<32128xf32, #tpu.memory_space<vmem>> -> memref<32000xf32, #tpu.memory_space<vmem>>
    %dma_start3A_2089 = arith.constant 0 : i32
    %dma_start3A_2090 = tpu.memref_slice %arg5[%dma_start3A_2086, %add3A_2085, %dma_start3A_2089] : memref<1x2048x32000xf32, #tpu.memory_space<hbm>> -> memref<1x1x32000xf32, #tpu.memory_space<hbm>>
    %dma_start3A_2091 = tpu.memref_squeeze %dma_start3A_2090 : memref<1x1x32000xf32, #tpu.memory_space<hbm>> -> memref<32000xf32, #tpu.memory_space<hbm>>
    %dma_start3A_2092 = arith.constant 0 : i32
    %dma_start3A_2093 = tpu.memref_slice %arg5[%dma_start3A_2086, %add3A_2085, %dma_start3A_2092] : memref<1x2048x32000xf32, #tpu.memory_space<hbm>> -> memref<1x1x32000xf32, #tpu.memory_space<hbm>>
    %dma_start3A_2094 = tpu.memref_squeeze %dma_start3A_2093 : memref<1x1x32000xf32, #tpu.memory_space<hbm>> -> memref<32000xf32, #tpu.memory_space<hbm>>
    %dma_start3A_2095 = arith.constant 0 : i32
    %dma_start3A_2096 = tpu.memref_slice %arg10[%dma_start3A_2095] : memref<32128xf32, #tpu.memory_space<vmem>> -> memref<32000xf32, #tpu.memory_space<vmem>>
    tpu.enqueue_dma source(%dma_start3A_2096 : memref<32000xf32, #tpu.memory_space<vmem>>) target(%dma_start3A_2094 : memref<32000xf32, #tpu.memory_space<hbm>>) target_semaphore(%arg13 : memref<!tpu.dma_semaphore, #tpu.memory_space<semaphore_mem>>)
    %dma_wait3A_2097 = arith.constant 0 : i32
    %dma_wait3A_2098 = arith.constant 0 : i32
    %dma_wait3A_2099 = tpu.memref_slice %arg11[%dma_wait3A_2098] : memref<32128xf32, #tpu.memory_space<vmem>> -> memref<32000xf32, #tpu.memory_space<vmem>>
    %dma_wait3A_2100 = arith.constant 0 : i32
    %dma_wait3A_2101 = tpu.memref_slice %arg5[%dma_wait3A_2097, %add3A_2007, %dma_wait3A_2100] : memref<1x2048x32000xf32, #tpu.memory_space<hbm>> -> memref<1x1x32000xf32, #tpu.memory_space<hbm>>
    %dma_wait3A_2102 = tpu.memref_squeeze %dma_wait3A_2101 : memref<1x1x32000xf32, #tpu.memory_space<hbm>> -> memref<32000xf32, #tpu.memory_space<hbm>>
    %dma_wait3A_2103 = arith.constant 0 : i32
    %dma_wait3A_2104 = tpu.memref_slice %arg5[%dma_wait3A_2097, %add3A_2007, %dma_wait3A_2103] : memref<1x2048x32000xf32, #tpu.memory_space<hbm>> -> memref<1x1x32000xf32, #tpu.memory_space<hbm>>
    %dma_wait3A_2105 = tpu.memref_squeeze %dma_wait3A_2104 : memref<1x1x32000xf32, #tpu.memory_space<hbm>> -> memref<32000xf32, #tpu.memory_space<hbm>>
    %dma_wait3A_2106 = arith.constant 0 : i32
    %dma_wait3A_2107 = tpu.memref_slice %arg11[%dma_wait3A_2106] : memref<32128xf32, #tpu.memory_space<vmem>> -> memref<32000xf32, #tpu.memory_space<vmem>>
    tpu.wait_dma2 semaphore(%arg14 : memref<!tpu.dma_semaphore, #tpu.memory_space<semaphore_mem>>) src(%dma_wait3A_2107 : memref<32000xf32, #tpu.memory_space<vmem>>) dst(%dma_wait3A_2105 : memref<32000xf32, #tpu.memory_space<hbm>>)
    %broadcast_in_dim3A_2108 = arith.constant 50 : i32
    %broadcast_in_dim3A_2109 = vector.broadcast %broadcast_in_dim3A_2108 : i32 to vector<16xi32>
    %add3A_2110 = vector.broadcast %mul3A_36 : i32 to vector<16xi32>
    %add3A_2111 = arith.addi %broadcast_in_dim3A_2109, %add3A_2110 : vector<16xi32>
    %gather3A_2112 = tpu.vector_load_idx %arg6[%iota3A, %add3A_2111] : memref<16x128xi32, #tpu.memory_space<vmem>>[vector<16xi32>, vector<16xi32>], vector<16xi32>,
    tpu.vector_store_idx %arg11[%gather3A_2112], %broadcast_in_dim3A_48 : memref<32128xf32, #tpu.memory_space<vmem>>[vector<16xi32>], vector<16xf32>,
    %broadcast_in_dim3A_2113 = arith.constant 53 : i32
    %broadcast_in_dim3A_2114 = vector.broadcast %broadcast_in_dim3A_2113 : i32 to vector<16xi32>
    %add3A_2115 = vector.broadcast %mul3A_36 : i32 to vector<16xi32>
    %add3A_2116 = arith.addi %broadcast_in_dim3A_2114, %add3A_2115 : vector<16xi32>
    %gather3A_2117 = tpu.vector_load_idx %arg6[%iota3A, %add3A_2116] : memref<16x128xi32, #tpu.memory_space<vmem>>[vector<16xi32>, vector<16xi32>], vector<16xi32>,
    %gather3A_2118 = tpu.vector_load_idx %arg7[%iota3A, %add3A_2116] : memref<16x128xf32, #tpu.memory_space<vmem>>[vector<16xi32>, vector<16xi32>], vector<16xf32>,
    %broadcast_in_dim3A_2119 = arith.constant 53 : i32
    %broadcast_in_dim3A_2120 = vector.broadcast %broadcast_in_dim3A_2119 : i32 to vector<16xi32>
    %gather3A_2121 = tpu.vector_load_idx %arg8[%broadcast_in_dim3A_2120, %broadcast_in_dim3A_50] : memref<64x128xf32, #tpu.memory_space<vmem>>[vector<16xi32>, vector<16xi32>], vector<16xf32>,
    %mul3A_2122 = arith.mulf %gather3A_2118, %gather3A_2121 : vector<16xf32>
    tpu.vector_store_idx %arg11[%gather3A_2117], %mul3A_2122 : memref<32128xf32, #tpu.memory_space<vmem>>[vector<16xi32>], vector<16xf32>,
    %add3A_2123 = arith.constant 53 : i32
    %add3A_2124 = arith.addi %mul3A_2, %add3A_2123 : i32
    %dma_start3A_2125 = arith.constant 0 : i32
    %dma_start3A_2126 = arith.constant 0 : i32
    %dma_start3A_2127 = tpu.memref_slice %arg11[%dma_start3A_2126] : memref<32128xf32, #tpu.memory_space<vmem>> -> memref<32000xf32, #tpu.memory_space<vmem>>
    %dma_start3A_2128 = arith.constant 0 : i32
    %dma_start3A_2129 = tpu.memref_slice %arg5[%dma_start3A_2125, %add3A_2124, %dma_start3A_2128] : memref<1x2048x32000xf32, #tpu.memory_space<hbm>> -> memref<1x1x32000xf32, #tpu.memory_space<hbm>>
    %dma_start3A_2130 = tpu.memref_squeeze %dma_start3A_2129 : memref<1x1x32000xf32, #tpu.memory_space<hbm>> -> memref<32000xf32, #tpu.memory_space<hbm>>
    %dma_start3A_2131 = arith.constant 0 : i32
    %dma_start3A_2132 = tpu.memref_slice %arg5[%dma_start3A_2125, %add3A_2124, %dma_start3A_2131] : memref<1x2048x32000xf32, #tpu.memory_space<hbm>> -> memref<1x1x32000xf32, #tpu.memory_space<hbm>>
    %dma_start3A_2133 = tpu.memref_squeeze %dma_start3A_2132 : memref<1x1x32000xf32, #tpu.memory_space<hbm>> -> memref<32000xf32, #tpu.memory_space<hbm>>
    %dma_start3A_2134 = arith.constant 0 : i32
    %dma_start3A_2135 = tpu.memref_slice %arg11[%dma_start3A_2134] : memref<32128xf32, #tpu.memory_space<vmem>> -> memref<32000xf32, #tpu.memory_space<vmem>>
    tpu.enqueue_dma source(%dma_start3A_2135 : memref<32000xf32, #tpu.memory_space<vmem>>) target(%dma_start3A_2133 : memref<32000xf32, #tpu.memory_space<hbm>>) target_semaphore(%arg14 : memref<!tpu.dma_semaphore, #tpu.memory_space<semaphore_mem>>)
    %dma_wait3A_2136 = arith.constant 0 : i32
    %dma_wait3A_2137 = arith.constant 0 : i32
    %dma_wait3A_2138 = tpu.memref_slice %arg9[%dma_wait3A_2137] : memref<32128xf32, #tpu.memory_space<vmem>> -> memref<32000xf32, #tpu.memory_space<vmem>>
    %dma_wait3A_2139 = arith.constant 0 : i32
    %dma_wait3A_2140 = tpu.memref_slice %arg5[%dma_wait3A_2136, %add3A_2046, %dma_wait3A_2139] : memref<1x2048x32000xf32, #tpu.memory_space<hbm>> -> memref<1x1x32000xf32, #tpu.memory_space<hbm>>
    %dma_wait3A_2141 = tpu.memref_squeeze %dma_wait3A_2140 : memref<1x1x32000xf32, #tpu.memory_space<hbm>> -> memref<32000xf32, #tpu.memory_space<hbm>>
    %dma_wait3A_2142 = arith.constant 0 : i32
    %dma_wait3A_2143 = tpu.memref_slice %arg5[%dma_wait3A_2136, %add3A_2046, %dma_wait3A_2142] : memref<1x2048x32000xf32, #tpu.memory_space<hbm>> -> memref<1x1x32000xf32, #tpu.memory_space<hbm>>
    %dma_wait3A_2144 = tpu.memref_squeeze %dma_wait3A_2143 : memref<1x1x32000xf32, #tpu.memory_space<hbm>> -> memref<32000xf32, #tpu.memory_space<hbm>>
    %dma_wait3A_2145 = arith.constant 0 : i32
    %dma_wait3A_2146 = tpu.memref_slice %arg9[%dma_wait3A_2145] : memref<32128xf32, #tpu.memory_space<vmem>> -> memref<32000xf32, #tpu.memory_space<vmem>>
    tpu.wait_dma2 semaphore(%arg12 : memref<!tpu.dma_semaphore, #tpu.memory_space<semaphore_mem>>) src(%dma_wait3A_2146 : memref<32000xf32, #tpu.memory_space<vmem>>) dst(%dma_wait3A_2144 : memref<32000xf32, #tpu.memory_space<hbm>>)
    %broadcast_in_dim3A_2147 = arith.constant 51 : i32
    %broadcast_in_dim3A_2148 = vector.broadcast %broadcast_in_dim3A_2147 : i32 to vector<16xi32>
    %add3A_2149 = vector.broadcast %mul3A_36 : i32 to vector<16xi32>
    %add3A_2150 = arith.addi %broadcast_in_dim3A_2148, %add3A_2149 : vector<16xi32>
    %gather3A_2151 = tpu.vector_load_idx %arg6[%iota3A, %add3A_2150] : memref<16x128xi32, #tpu.memory_space<vmem>>[vector<16xi32>, vector<16xi32>], vector<16xi32>,
    tpu.vector_store_idx %arg9[%gather3A_2151], %broadcast_in_dim3A_48 : memref<32128xf32, #tpu.memory_space<vmem>>[vector<16xi32>], vector<16xf32>,
    %broadcast_in_dim3A_2152 = arith.constant 54 : i32
    %broadcast_in_dim3A_2153 = vector.broadcast %broadcast_in_dim3A_2152 : i32 to vector<16xi32>
    %add3A_2154 = vector.broadcast %mul3A_36 : i32 to vector<16xi32>
    %add3A_2155 = arith.addi %broadcast_in_dim3A_2153, %add3A_2154 : vector<16xi32>
    %gather3A_2156 = tpu.vector_load_idx %arg6[%iota3A, %add3A_2155] : memref<16x128xi32, #tpu.memory_space<vmem>>[vector<16xi32>, vector<16xi32>], vector<16xi32>,
    %gather3A_2157 = tpu.vector_load_idx %arg7[%iota3A, %add3A_2155] : memref<16x128xf32, #tpu.memory_space<vmem>>[vector<16xi32>, vector<16xi32>], vector<16xf32>,
    %broadcast_in_dim3A_2158 = arith.constant 54 : i32
    %broadcast_in_dim3A_2159 = vector.broadcast %broadcast_in_dim3A_2158 : i32 to vector<16xi32>
    %gather3A_2160 = tpu.vector_load_idx %arg8[%broadcast_in_dim3A_2159, %broadcast_in_dim3A_50] : memref<64x128xf32, #tpu.memory_space<vmem>>[vector<16xi32>, vector<16xi32>], vector<16xf32>,
    %mul3A_2161 = arith.mulf %gather3A_2157, %gather3A_2160 : vector<16xf32>
    tpu.vector_store_idx %arg9[%gather3A_2156], %mul3A_2161 : memref<32128xf32, #tpu.memory_space<vmem>>[vector<16xi32>], vector<16xf32>,
    %add3A_2162 = arith.constant 54 : i32
    %add3A_2163 = arith.addi %mul3A_2, %add3A_2162 : i32
    %dma_start3A_2164 = arith.constant 0 : i32
    %dma_start3A_2165 = arith.constant 0 : i32
    %dma_start3A_2166 = tpu.memref_slice %arg9[%dma_start3A_2165] : memref<32128xf32, #tpu.memory_space<vmem>> -> memref<32000xf32, #tpu.memory_space<vmem>>
    %dma_start3A_2167 = arith.constant 0 : i32
    %dma_start3A_2168 = tpu.memref_slice %arg5[%dma_start3A_2164, %add3A_2163, %dma_start3A_2167] : memref<1x2048x32000xf32, #tpu.memory_space<hbm>> -> memref<1x1x32000xf32, #tpu.memory_space<hbm>>
    %dma_start3A_2169 = tpu.memref_squeeze %dma_start3A_2168 : memref<1x1x32000xf32, #tpu.memory_space<hbm>> -> memref<32000xf32, #tpu.memory_space<hbm>>
    %dma_start3A_2170 = arith.constant 0 : i32
    %dma_start3A_2171 = tpu.memref_slice %arg5[%dma_start3A_2164, %add3A_2163, %dma_start3A_2170] : memref<1x2048x32000xf32, #tpu.memory_space<hbm>> -> memref<1x1x32000xf32, #tpu.memory_space<hbm>>
    %dma_start3A_2172 = tpu.memref_squeeze %dma_start3A_2171 : memref<1x1x32000xf32, #tpu.memory_space<hbm>> -> memref<32000xf32, #tpu.memory_space<hbm>>
    %dma_start3A_2173 = arith.constant 0 : i32
    %dma_start3A_2174 = tpu.memref_slice %arg9[%dma_start3A_2173] : memref<32128xf32, #tpu.memory_space<vmem>> -> memref<32000xf32, #tpu.memory_space<vmem>>
    tpu.enqueue_dma source(%dma_start3A_2174 : memref<32000xf32, #tpu.memory_space<vmem>>) target(%dma_start3A_2172 : memref<32000xf32, #tpu.memory_space<hbm>>) target_semaphore(%arg12 : memref<!tpu.dma_semaphore, #tpu.memory_space<semaphore_mem>>)
    %dma_wait3A_2175 = arith.constant 0 : i32
    %dma_wait3A_2176 = arith.constant 0 : i32
    %dma_wait3A_2177 = tpu.memref_slice %arg10[%dma_wait3A_2176] : memref<32128xf32, #tpu.memory_space<vmem>> -> memref<32000xf32, #tpu.memory_space<vmem>>
    %dma_wait3A_2178 = arith.constant 0 : i32
    %dma_wait3A_2179 = tpu.memref_slice %arg5[%dma_wait3A_2175, %add3A_2085, %dma_wait3A_2178] : memref<1x2048x32000xf32, #tpu.memory_space<hbm>> -> memref<1x1x32000xf32, #tpu.memory_space<hbm>>
    %dma_wait3A_2180 = tpu.memref_squeeze %dma_wait3A_2179 : memref<1x1x32000xf32, #tpu.memory_space<hbm>> -> memref<32000xf32, #tpu.memory_space<hbm>>
    %dma_wait3A_2181 = arith.constant 0 : i32
    %dma_wait3A_2182 = tpu.memref_slice %arg5[%dma_wait3A_2175, %add3A_2085, %dma_wait3A_2181] : memref<1x2048x32000xf32, #tpu.memory_space<hbm>> -> memref<1x1x32000xf32, #tpu.memory_space<hbm>>
    %dma_wait3A_2183 = tpu.memref_squeeze %dma_wait3A_2182 : memref<1x1x32000xf32, #tpu.memory_space<hbm>> -> memref<32000xf32, #tpu.memory_space<hbm>>
    %dma_wait3A_2184 = arith.constant 0 : i32
    %dma_wait3A_2185 = tpu.memref_slice %arg10[%dma_wait3A_2184] : memref<32128xf32, #tpu.memory_space<vmem>> -> memref<32000xf32, #tpu.memory_space<vmem>>
    tpu.wait_dma2 semaphore(%arg13 : memref<!tpu.dma_semaphore, #tpu.memory_space<semaphore_mem>>) src(%dma_wait3A_2185 : memref<32000xf32, #tpu.memory_space<vmem>>) dst(%dma_wait3A_2183 : memref<32000xf32, #tpu.memory_space<hbm>>)
    %broadcast_in_dim3A_2186 = arith.constant 52 : i32
    %broadcast_in_dim3A_2187 = vector.broadcast %broadcast_in_dim3A_2186 : i32 to vector<16xi32>
    %add3A_2188 = vector.broadcast %mul3A_36 : i32 to vector<16xi32>
    %add3A_2189 = arith.addi %broadcast_in_dim3A_2187, %add3A_2188 : vector<16xi32>
    %gather3A_2190 = tpu.vector_load_idx %arg6[%iota3A, %add3A_2189] : memref<16x128xi32, #tpu.memory_space<vmem>>[vector<16xi32>, vector<16xi32>], vector<16xi32>,
    tpu.vector_store_idx %arg10[%gather3A_2190], %broadcast_in_dim3A_48 : memref<32128xf32, #tpu.memory_space<vmem>>[vector<16xi32>], vector<16xf32>,
    %broadcast_in_dim3A_2191 = arith.constant 55 : i32
    %broadcast_in_dim3A_2192 = vector.broadcast %broadcast_in_dim3A_2191 : i32 to vector<16xi32>
    %add3A_2193 = vector.broadcast %mul3A_36 : i32 to vector<16xi32>
    %add3A_2194 = arith.addi %broadcast_in_dim3A_2192, %add3A_2193 : vector<16xi32>
    %gather3A_2195 = tpu.vector_load_idx %arg6[%iota3A, %add3A_2194] : memref<16x128xi32, #tpu.memory_space<vmem>>[vector<16xi32>, vector<16xi32>], vector<16xi32>,
    %gather3A_2196 = tpu.vector_load_idx %arg7[%iota3A, %add3A_2194] : memref<16x128xf32, #tpu.memory_space<vmem>>[vector<16xi32>, vector<16xi32>], vector<16xf32>,
    %broadcast_in_dim3A_2197 = arith.constant 55 : i32
    %broadcast_in_dim3A_2198 = vector.broadcast %broadcast_in_dim3A_2197 : i32 to vector<16xi32>
    %gather3A_2199 = tpu.vector_load_idx %arg8[%broadcast_in_dim3A_2198, %broadcast_in_dim3A_50] : memref<64x128xf32, #tpu.memory_space<vmem>>[vector<16xi32>, vector<16xi32>], vector<16xf32>,
    %mul3A_2200 = arith.mulf %gather3A_2196, %gather3A_2199 : vector<16xf32>
    tpu.vector_store_idx %arg10[%gather3A_2195], %mul3A_2200 : memref<32128xf32, #tpu.memory_space<vmem>>[vector<16xi32>], vector<16xf32>,
    %add3A_2201 = arith.constant 55 : i32
    %add3A_2202 = arith.addi %mul3A_2, %add3A_2201 : i32
    %dma_start3A_2203 = arith.constant 0 : i32
    %dma_start3A_2204 = arith.constant 0 : i32
    %dma_start3A_2205 = tpu.memref_slice %arg10[%dma_start3A_2204] : memref<32128xf32, #tpu.memory_space<vmem>> -> memref<32000xf32, #tpu.memory_space<vmem>>
    %dma_start3A_2206 = arith.constant 0 : i32
    %dma_start3A_2207 = tpu.memref_slice %arg5[%dma_start3A_2203, %add3A_2202, %dma_start3A_2206] : memref<1x2048x32000xf32, #tpu.memory_space<hbm>> -> memref<1x1x32000xf32, #tpu.memory_space<hbm>>
    %dma_start3A_2208 = tpu.memref_squeeze %dma_start3A_2207 : memref<1x1x32000xf32, #tpu.memory_space<hbm>> -> memref<32000xf32, #tpu.memory_space<hbm>>
    %dma_start3A_2209 = arith.constant 0 : i32
    %dma_start3A_2210 = tpu.memref_slice %arg5[%dma_start3A_2203, %add3A_2202, %dma_start3A_2209] : memref<1x2048x32000xf32, #tpu.memory_space<hbm>> -> memref<1x1x32000xf32, #tpu.memory_space<hbm>>
    %dma_start3A_2211 = tpu.memref_squeeze %dma_start3A_2210 : memref<1x1x32000xf32, #tpu.memory_space<hbm>> -> memref<32000xf32, #tpu.memory_space<hbm>>
    %dma_start3A_2212 = arith.constant 0 : i32
    %dma_start3A_2213 = tpu.memref_slice %arg10[%dma_start3A_2212] : memref<32128xf32, #tpu.memory_space<vmem>> -> memref<32000xf32, #tpu.memory_space<vmem>>
    tpu.enqueue_dma source(%dma_start3A_2213 : memref<32000xf32, #tpu.memory_space<vmem>>) target(%dma_start3A_2211 : memref<32000xf32, #tpu.memory_space<hbm>>) target_semaphore(%arg13 : memref<!tpu.dma_semaphore, #tpu.memory_space<semaphore_mem>>)
    %dma_wait3A_2214 = arith.constant 0 : i32
    %dma_wait3A_2215 = arith.constant 0 : i32
    %dma_wait3A_2216 = tpu.memref_slice %arg11[%dma_wait3A_2215] : memref<32128xf32, #tpu.memory_space<vmem>> -> memref<32000xf32, #tpu.memory_space<vmem>>
    %dma_wait3A_2217 = arith.constant 0 : i32
    %dma_wait3A_2218 = tpu.memref_slice %arg5[%dma_wait3A_2214, %add3A_2124, %dma_wait3A_2217] : memref<1x2048x32000xf32, #tpu.memory_space<hbm>> -> memref<1x1x32000xf32, #tpu.memory_space<hbm>>
    %dma_wait3A_2219 = tpu.memref_squeeze %dma_wait3A_2218 : memref<1x1x32000xf32, #tpu.memory_space<hbm>> -> memref<32000xf32, #tpu.memory_space<hbm>>
    %dma_wait3A_2220 = arith.constant 0 : i32
    %dma_wait3A_2221 = tpu.memref_slice %arg5[%dma_wait3A_2214, %add3A_2124, %dma_wait3A_2220] : memref<1x2048x32000xf32, #tpu.memory_space<hbm>> -> memref<1x1x32000xf32, #tpu.memory_space<hbm>>
    %dma_wait3A_2222 = tpu.memref_squeeze %dma_wait3A_2221 : memref<1x1x32000xf32, #tpu.memory_space<hbm>> -> memref<32000xf32, #tpu.memory_space<hbm>>
    %dma_wait3A_2223 = arith.constant 0 : i32
    %dma_wait3A_2224 = tpu.memref_slice %arg11[%dma_wait3A_2223] : memref<32128xf32, #tpu.memory_space<vmem>> -> memref<32000xf32, #tpu.memory_space<vmem>>
    tpu.wait_dma2 semaphore(%arg14 : memref<!tpu.dma_semaphore, #tpu.memory_space<semaphore_mem>>) src(%dma_wait3A_2224 : memref<32000xf32, #tpu.memory_space<vmem>>) dst(%dma_wait3A_2222 : memref<32000xf32, #tpu.memory_space<hbm>>)
    %broadcast_in_dim3A_2225 = arith.constant 53 : i32
    %broadcast_in_dim3A_2226 = vector.broadcast %broadcast_in_dim3A_2225 : i32 to vector<16xi32>
    %add3A_2227 = vector.broadcast %mul3A_36 : i32 to vector<16xi32>
    %add3A_2228 = arith.addi %broadcast_in_dim3A_2226, %add3A_2227 : vector<16xi32>
    %gather3A_2229 = tpu.vector_load_idx %arg6[%iota3A, %add3A_2228] : memref<16x128xi32, #tpu.memory_space<vmem>>[vector<16xi32>, vector<16xi32>], vector<16xi32>,
    tpu.vector_store_idx %arg11[%gather3A_2229], %broadcast_in_dim3A_48 : memref<32128xf32, #tpu.memory_space<vmem>>[vector<16xi32>], vector<16xf32>,
    %broadcast_in_dim3A_2230 = arith.constant 56 : i32
    %broadcast_in_dim3A_2231 = vector.broadcast %broadcast_in_dim3A_2230 : i32 to vector<16xi32>
    %add3A_2232 = vector.broadcast %mul3A_36 : i32 to vector<16xi32>
    %add3A_2233 = arith.addi %broadcast_in_dim3A_2231, %add3A_2232 : vector<16xi32>
    %gather3A_2234 = tpu.vector_load_idx %arg6[%iota3A, %add3A_2233] : memref<16x128xi32, #tpu.memory_space<vmem>>[vector<16xi32>, vector<16xi32>], vector<16xi32>,
    %gather3A_2235 = tpu.vector_load_idx %arg7[%iota3A, %add3A_2233] : memref<16x128xf32, #tpu.memory_space<vmem>>[vector<16xi32>, vector<16xi32>], vector<16xf32>,
    %broadcast_in_dim3A_2236 = arith.constant 56 : i32
    %broadcast_in_dim3A_2237 = vector.broadcast %broadcast_in_dim3A_2236 : i32 to vector<16xi32>
    %gather3A_2238 = tpu.vector_load_idx %arg8[%broadcast_in_dim3A_2237, %broadcast_in_dim3A_50] : memref<64x128xf32, #tpu.memory_space<vmem>>[vector<16xi32>, vector<16xi32>], vector<16xf32>,
    %mul3A_2239 = arith.mulf %gather3A_2235, %gather3A_2238 : vector<16xf32>
    tpu.vector_store_idx %arg11[%gather3A_2234], %mul3A_2239 : memref<32128xf32, #tpu.memory_space<vmem>>[vector<16xi32>], vector<16xf32>,
    %add3A_2240 = arith.constant 56 : i32
    %add3A_2241 = arith.addi %mul3A_2, %add3A_2240 : i32
    %dma_start3A_2242 = arith.constant 0 : i32
    %dma_start3A_2243 = arith.constant 0 : i32
    %dma_start3A_2244 = tpu.memref_slice %arg11[%dma_start3A_2243] : memref<32128xf32, #tpu.memory_space<vmem>> -> memref<32000xf32, #tpu.memory_space<vmem>>
    %dma_start3A_2245 = arith.constant 0 : i32
    %dma_start3A_2246 = tpu.memref_slice %arg5[%dma_start3A_2242, %add3A_2241, %dma_start3A_2245] : memref<1x2048x32000xf32, #tpu.memory_space<hbm>> -> memref<1x1x32000xf32, #tpu.memory_space<hbm>>
    %dma_start3A_2247 = tpu.memref_squeeze %dma_start3A_2246 : memref<1x1x32000xf32, #tpu.memory_space<hbm>> -> memref<32000xf32, #tpu.memory_space<hbm>>
    %dma_start3A_2248 = arith.constant 0 : i32
    %dma_start3A_2249 = tpu.memref_slice %arg5[%dma_start3A_2242, %add3A_2241, %dma_start3A_2248] : memref<1x2048x32000xf32, #tpu.memory_space<hbm>> -> memref<1x1x32000xf32, #tpu.memory_space<hbm>>
    %dma_start3A_2250 = tpu.memref_squeeze %dma_start3A_2249 : memref<1x1x32000xf32, #tpu.memory_space<hbm>> -> memref<32000xf32, #tpu.memory_space<hbm>>
    %dma_start3A_2251 = arith.constant 0 : i32
    %dma_start3A_2252 = tpu.memref_slice %arg11[%dma_start3A_2251] : memref<32128xf32, #tpu.memory_space<vmem>> -> memref<32000xf32, #tpu.memory_space<vmem>>
    tpu.enqueue_dma source(%dma_start3A_2252 : memref<32000xf32, #tpu.memory_space<vmem>>) target(%dma_start3A_2250 : memref<32000xf32, #tpu.memory_space<hbm>>) target_semaphore(%arg14 : memref<!tpu.dma_semaphore, #tpu.memory_space<semaphore_mem>>)
    %dma_wait3A_2253 = arith.constant 0 : i32
    %dma_wait3A_2254 = arith.constant 0 : i32
    %dma_wait3A_2255 = tpu.memref_slice %arg9[%dma_wait3A_2254] : memref<32128xf32, #tpu.memory_space<vmem>> -> memref<32000xf32, #tpu.memory_space<vmem>>
    %dma_wait3A_2256 = arith.constant 0 : i32
    %dma_wait3A_2257 = tpu.memref_slice %arg5[%dma_wait3A_2253, %add3A_2163, %dma_wait3A_2256] : memref<1x2048x32000xf32, #tpu.memory_space<hbm>> -> memref<1x1x32000xf32, #tpu.memory_space<hbm>>
    %dma_wait3A_2258 = tpu.memref_squeeze %dma_wait3A_2257 : memref<1x1x32000xf32, #tpu.memory_space<hbm>> -> memref<32000xf32, #tpu.memory_space<hbm>>
    %dma_wait3A_2259 = arith.constant 0 : i32
    %dma_wait3A_2260 = tpu.memref_slice %arg5[%dma_wait3A_2253, %add3A_2163, %dma_wait3A_2259] : memref<1x2048x32000xf32, #tpu.memory_space<hbm>> -> memref<1x1x32000xf32, #tpu.memory_space<hbm>>
    %dma_wait3A_2261 = tpu.memref_squeeze %dma_wait3A_2260 : memref<1x1x32000xf32, #tpu.memory_space<hbm>> -> memref<32000xf32, #tpu.memory_space<hbm>>
    %dma_wait3A_2262 = arith.constant 0 : i32
    %dma_wait3A_2263 = tpu.memref_slice %arg9[%dma_wait3A_2262] : memref<32128xf32, #tpu.memory_space<vmem>> -> memref<32000xf32, #tpu.memory_space<vmem>>
    tpu.wait_dma2 semaphore(%arg12 : memref<!tpu.dma_semaphore, #tpu.memory_space<semaphore_mem>>) src(%dma_wait3A_2263 : memref<32000xf32, #tpu.memory_space<vmem>>) dst(%dma_wait3A_2261 : memref<32000xf32, #tpu.memory_space<hbm>>)
    %broadcast_in_dim3A_2264 = arith.constant 54 : i32
    %broadcast_in_dim3A_2265 = vector.broadcast %broadcast_in_dim3A_2264 : i32 to vector<16xi32>
    %add3A_2266 = vector.broadcast %mul3A_36 : i32 to vector<16xi32>
    %add3A_2267 = arith.addi %broadcast_in_dim3A_2265, %add3A_2266 : vector<16xi32>
    %gather3A_2268 = tpu.vector_load_idx %arg6[%iota3A, %add3A_2267] : memref<16x128xi32, #tpu.memory_space<vmem>>[vector<16xi32>, vector<16xi32>], vector<16xi32>,
    tpu.vector_store_idx %arg9[%gather3A_2268], %broadcast_in_dim3A_48 : memref<32128xf32, #tpu.memory_space<vmem>>[vector<16xi32>], vector<16xf32>,
    %broadcast_in_dim3A_2269 = arith.constant 57 : i32
    %broadcast_in_dim3A_2270 = vector.broadcast %broadcast_in_dim3A_2269 : i32 to vector<16xi32>
    %add3A_2271 = vector.broadcast %mul3A_36 : i32 to vector<16xi32>
    %add3A_2272 = arith.addi %broadcast_in_dim3A_2270, %add3A_2271 : vector<16xi32>
    %gather3A_2273 = tpu.vector_load_idx %arg6[%iota3A, %add3A_2272] : memref<16x128xi32, #tpu.memory_space<vmem>>[vector<16xi32>, vector<16xi32>], vector<16xi32>,
    %gather3A_2274 = tpu.vector_load_idx %arg7[%iota3A, %add3A_2272] : memref<16x128xf32, #tpu.memory_space<vmem>>[vector<16xi32>, vector<16xi32>], vector<16xf32>,
    %broadcast_in_dim3A_2275 = arith.constant 57 : i32
    %broadcast_in_dim3A_2276 = vector.broadcast %broadcast_in_dim3A_2275 : i32 to vector<16xi32>
    %gather3A_2277 = tpu.vector_load_idx %arg8[%broadcast_in_dim3A_2276, %broadcast_in_dim3A_50] : memref<64x128xf32, #tpu.memory_space<vmem>>[vector<16xi32>, vector<16xi32>], vector<16xf32>,
    %mul3A_2278 = arith.mulf %gather3A_2274, %gather3A_2277 : vector<16xf32>
    tpu.vector_store_idx %arg9[%gather3A_2273], %mul3A_2278 : memref<32128xf32, #tpu.memory_space<vmem>>[vector<16xi32>], vector<16xf32>,
    %add3A_2279 = arith.constant 57 : i32
    %add3A_2280 = arith.addi %mul3A_2, %add3A_2279 : i32
    %dma_start3A_2281 = arith.constant 0 : i32
    %dma_start3A_2282 = arith.constant 0 : i32
    %dma_start3A_2283 = tpu.memref_slice %arg9[%dma_start3A_2282] : memref<32128xf32, #tpu.memory_space<vmem>> -> memref<32000xf32, #tpu.memory_space<vmem>>
    %dma_start3A_2284 = arith.constant 0 : i32
    %dma_start3A_2285 = tpu.memref_slice %arg5[%dma_start3A_2281, %add3A_2280, %dma_start3A_2284] : memref<1x2048x32000xf32, #tpu.memory_space<hbm>> -> memref<1x1x32000xf32, #tpu.memory_space<hbm>>
    %dma_start3A_2286 = tpu.memref_squeeze %dma_start3A_2285 : memref<1x1x32000xf32, #tpu.memory_space<hbm>> -> memref<32000xf32, #tpu.memory_space<hbm>>
    %dma_start3A_2287 = arith.constant 0 : i32
    %dma_start3A_2288 = tpu.memref_slice %arg5[%dma_start3A_2281, %add3A_2280, %dma_start3A_2287] : memref<1x2048x32000xf32, #tpu.memory_space<hbm>> -> memref<1x1x32000xf32, #tpu.memory_space<hbm>>
    %dma_start3A_2289 = tpu.memref_squeeze %dma_start3A_2288 : memref<1x1x32000xf32, #tpu.memory_space<hbm>> -> memref<32000xf32, #tpu.memory_space<hbm>>
    %dma_start3A_2290 = arith.constant 0 : i32
    %dma_start3A_2291 = tpu.memref_slice %arg9[%dma_start3A_2290] : memref<32128xf32, #tpu.memory_space<vmem>> -> memref<32000xf32, #tpu.memory_space<vmem>>
    tpu.enqueue_dma source(%dma_start3A_2291 : memref<32000xf32, #tpu.memory_space<vmem>>) target(%dma_start3A_2289 : memref<32000xf32, #tpu.memory_space<hbm>>) target_semaphore(%arg12 : memref<!tpu.dma_semaphore, #tpu.memory_space<semaphore_mem>>)
    %dma_wait3A_2292 = arith.constant 0 : i32
    %dma_wait3A_2293 = arith.constant 0 : i32
    %dma_wait3A_2294 = tpu.memref_slice %arg10[%dma_wait3A_2293] : memref<32128xf32, #tpu.memory_space<vmem>> -> memref<32000xf32, #tpu.memory_space<vmem>>
    %dma_wait3A_2295 = arith.constant 0 : i32
    %dma_wait3A_2296 = tpu.memref_slice %arg5[%dma_wait3A_2292, %add3A_2202, %dma_wait3A_2295] : memref<1x2048x32000xf32, #tpu.memory_space<hbm>> -> memref<1x1x32000xf32, #tpu.memory_space<hbm>>
    %dma_wait3A_2297 = tpu.memref_squeeze %dma_wait3A_2296 : memref<1x1x32000xf32, #tpu.memory_space<hbm>> -> memref<32000xf32, #tpu.memory_space<hbm>>
    %dma_wait3A_2298 = arith.constant 0 : i32
    %dma_wait3A_2299 = tpu.memref_slice %arg5[%dma_wait3A_2292, %add3A_2202, %dma_wait3A_2298] : memref<1x2048x32000xf32, #tpu.memory_space<hbm>> -> memref<1x1x32000xf32, #tpu.memory_space<hbm>>
    %dma_wait3A_2300 = tpu.memref_squeeze %dma_wait3A_2299 : memref<1x1x32000xf32, #tpu.memory_space<hbm>> -> memref<32000xf32, #tpu.memory_space<hbm>>
    %dma_wait3A_2301 = arith.constant 0 : i32
    %dma_wait3A_2302 = tpu.memref_slice %arg10[%dma_wait3A_2301] : memref<32128xf32, #tpu.memory_space<vmem>> -> memref<32000xf32, #tpu.memory_space<vmem>>
    tpu.wait_dma2 semaphore(%arg13 : memref<!tpu.dma_semaphore, #tpu.memory_space<semaphore_mem>>) src(%dma_wait3A_2302 : memref<32000xf32, #tpu.memory_space<vmem>>) dst(%dma_wait3A_2300 : memref<32000xf32, #tpu.memory_space<hbm>>)
    %broadcast_in_dim3A_2303 = arith.constant 55 : i32
    %broadcast_in_dim3A_2304 = vector.broadcast %broadcast_in_dim3A_2303 : i32 to vector<16xi32>
    %add3A_2305 = vector.broadcast %mul3A_36 : i32 to vector<16xi32>
    %add3A_2306 = arith.addi %broadcast_in_dim3A_2304, %add3A_2305 : vector<16xi32>
    %gather3A_2307 = tpu.vector_load_idx %arg6[%iota3A, %add3A_2306] : memref<16x128xi32, #tpu.memory_space<vmem>>[vector<16xi32>, vector<16xi32>], vector<16xi32>,
    tpu.vector_store_idx %arg10[%gather3A_2307], %broadcast_in_dim3A_48 : memref<32128xf32, #tpu.memory_space<vmem>>[vector<16xi32>], vector<16xf32>,
    %broadcast_in_dim3A_2308 = arith.constant 58 : i32
    %broadcast_in_dim3A_2309 = vector.broadcast %broadcast_in_dim3A_2308 : i32 to vector<16xi32>
    %add3A_2310 = vector.broadcast %mul3A_36 : i32 to vector<16xi32>
    %add3A_2311 = arith.addi %broadcast_in_dim3A_2309, %add3A_2310 : vector<16xi32>
    %gather3A_2312 = tpu.vector_load_idx %arg6[%iota3A, %add3A_2311] : memref<16x128xi32, #tpu.memory_space<vmem>>[vector<16xi32>, vector<16xi32>], vector<16xi32>,
    %gather3A_2313 = tpu.vector_load_idx %arg7[%iota3A, %add3A_2311] : memref<16x128xf32, #tpu.memory_space<vmem>>[vector<16xi32>, vector<16xi32>], vector<16xf32>,
    %broadcast_in_dim3A_2314 = arith.constant 58 : i32
    %broadcast_in_dim3A_2315 = vector.broadcast %broadcast_in_dim3A_2314 : i32 to vector<16xi32>
    %gather3A_2316 = tpu.vector_load_idx %arg8[%broadcast_in_dim3A_2315, %broadcast_in_dim3A_50] : memref<64x128xf32, #tpu.memory_space<vmem>>[vector<16xi32>, vector<16xi32>], vector<16xf32>,
    %mul3A_2317 = arith.mulf %gather3A_2313, %gather3A_2316 : vector<16xf32>
    tpu.vector_store_idx %arg10[%gather3A_2312], %mul3A_2317 : memref<32128xf32, #tpu.memory_space<vmem>>[vector<16xi32>], vector<16xf32>,
    %add3A_2318 = arith.constant 58 : i32
    %add3A_2319 = arith.addi %mul3A_2, %add3A_2318 : i32
    %dma_start3A_2320 = arith.constant 0 : i32
    %dma_start3A_2321 = arith.constant 0 : i32
    %dma_start3A_2322 = tpu.memref_slice %arg10[%dma_start3A_2321] : memref<32128xf32, #tpu.memory_space<vmem>> -> memref<32000xf32, #tpu.memory_space<vmem>>
    %dma_start3A_2323 = arith.constant 0 : i32
    %dma_start3A_2324 = tpu.memref_slice %arg5[%dma_start3A_2320, %add3A_2319, %dma_start3A_2323] : memref<1x2048x32000xf32, #tpu.memory_space<hbm>> -> memref<1x1x32000xf32, #tpu.memory_space<hbm>>
    %dma_start3A_2325 = tpu.memref_squeeze %dma_start3A_2324 : memref<1x1x32000xf32, #tpu.memory_space<hbm>> -> memref<32000xf32, #tpu.memory_space<hbm>>
    %dma_start3A_2326 = arith.constant 0 : i32
    %dma_start3A_2327 = tpu.memref_slice %arg5[%dma_start3A_2320, %add3A_2319, %dma_start3A_2326] : memref<1x2048x32000xf32, #tpu.memory_space<hbm>> -> memref<1x1x32000xf32, #tpu.memory_space<hbm>>
    %dma_start3A_2328 = tpu.memref_squeeze %dma_start3A_2327 : memref<1x1x32000xf32, #tpu.memory_space<hbm>> -> memref<32000xf32, #tpu.memory_space<hbm>>
    %dma_start3A_2329 = arith.constant 0 : i32
    %dma_start3A_2330 = tpu.memref_slice %arg10[%dma_start3A_2329] : memref<32128xf32, #tpu.memory_space<vmem>> -> memref<32000xf32, #tpu.memory_space<vmem>>
    tpu.enqueue_dma source(%dma_start3A_2330 : memref<32000xf32, #tpu.memory_space<vmem>>) target(%dma_start3A_2328 : memref<32000xf32, #tpu.memory_space<hbm>>) target_semaphore(%arg13 : memref<!tpu.dma_semaphore, #tpu.memory_space<semaphore_mem>>)
    %dma_wait3A_2331 = arith.constant 0 : i32
    %dma_wait3A_2332 = arith.constant 0 : i32
    %dma_wait3A_2333 = tpu.memref_slice %arg11[%dma_wait3A_2332] : memref<32128xf32, #tpu.memory_space<vmem>> -> memref<32000xf32, #tpu.memory_space<vmem>>
    %dma_wait3A_2334 = arith.constant 0 : i32
    %dma_wait3A_2335 = tpu.memref_slice %arg5[%dma_wait3A_2331, %add3A_2241, %dma_wait3A_2334] : memref<1x2048x32000xf32, #tpu.memory_space<hbm>> -> memref<1x1x32000xf32, #tpu.memory_space<hbm>>
    %dma_wait3A_2336 = tpu.memref_squeeze %dma_wait3A_2335 : memref<1x1x32000xf32, #tpu.memory_space<hbm>> -> memref<32000xf32, #tpu.memory_space<hbm>>
    %dma_wait3A_2337 = arith.constant 0 : i32
    %dma_wait3A_2338 = tpu.memref_slice %arg5[%dma_wait3A_2331, %add3A_2241, %dma_wait3A_2337] : memref<1x2048x32000xf32, #tpu.memory_space<hbm>> -> memref<1x1x32000xf32, #tpu.memory_space<hbm>>
    %dma_wait3A_2339 = tpu.memref_squeeze %dma_wait3A_2338 : memref<1x1x32000xf32, #tpu.memory_space<hbm>> -> memref<32000xf32, #tpu.memory_space<hbm>>
    %dma_wait3A_2340 = arith.constant 0 : i32
    %dma_wait3A_2341 = tpu.memref_slice %arg11[%dma_wait3A_2340] : memref<32128xf32, #tpu.memory_space<vmem>> -> memref<32000xf32, #tpu.memory_space<vmem>>
    tpu.wait_dma2 semaphore(%arg14 : memref<!tpu.dma_semaphore, #tpu.memory_space<semaphore_mem>>) src(%dma_wait3A_2341 : memref<32000xf32, #tpu.memory_space<vmem>>) dst(%dma_wait3A_2339 : memref<32000xf32, #tpu.memory_space<hbm>>)
    %broadcast_in_dim3A_2342 = arith.constant 56 : i32
    %broadcast_in_dim3A_2343 = vector.broadcast %broadcast_in_dim3A_2342 : i32 to vector<16xi32>
    %add3A_2344 = vector.broadcast %mul3A_36 : i32 to vector<16xi32>
    %add3A_2345 = arith.addi %broadcast_in_dim3A_2343, %add3A_2344 : vector<16xi32>
    %gather3A_2346 = tpu.vector_load_idx %arg6[%iota3A, %add3A_2345] : memref<16x128xi32, #tpu.memory_space<vmem>>[vector<16xi32>, vector<16xi32>], vector<16xi32>,
    tpu.vector_store_idx %arg11[%gather3A_2346], %broadcast_in_dim3A_48 : memref<32128xf32, #tpu.memory_space<vmem>>[vector<16xi32>], vector<16xf32>,
    %broadcast_in_dim3A_2347 = arith.constant 59 : i32
    %broadcast_in_dim3A_2348 = vector.broadcast %broadcast_in_dim3A_2347 : i32 to vector<16xi32>
    %add3A_2349 = vector.broadcast %mul3A_36 : i32 to vector<16xi32>
    %add3A_2350 = arith.addi %broadcast_in_dim3A_2348, %add3A_2349 : vector<16xi32>
    %gather3A_2351 = tpu.vector_load_idx %arg6[%iota3A, %add3A_2350] : memref<16x128xi32, #tpu.memory_space<vmem>>[vector<16xi32>, vector<16xi32>], vector<16xi32>,
    %gather3A_2352 = tpu.vector_load_idx %arg7[%iota3A, %add3A_2350] : memref<16x128xf32, #tpu.memory_space<vmem>>[vector<16xi32>, vector<16xi32>], vector<16xf32>,
    %broadcast_in_dim3A_2353 = arith.constant 59 : i32
    %broadcast_in_dim3A_2354 = vector.broadcast %broadcast_in_dim3A_2353 : i32 to vector<16xi32>
    %gather3A_2355 = tpu.vector_load_idx %arg8[%broadcast_in_dim3A_2354, %broadcast_in_dim3A_50] : memref<64x128xf32, #tpu.memory_space<vmem>>[vector<16xi32>, vector<16xi32>], vector<16xf32>,
    %mul3A_2356 = arith.mulf %gather3A_2352, %gather3A_2355 : vector<16xf32>
    tpu.vector_store_idx %arg11[%gather3A_2351], %mul3A_2356 : memref<32128xf32, #tpu.memory_space<vmem>>[vector<16xi32>], vector<16xf32>,
    %add3A_2357 = arith.constant 59 : i32
    %add3A_2358 = arith.addi %mul3A_2, %add3A_2357 : i32
    %dma_start3A_2359 = arith.constant 0 : i32
    %dma_start3A_2360 = arith.constant 0 : i32
    %dma_start3A_2361 = tpu.memref_slice %arg11[%dma_start3A_2360] : memref<32128xf32, #tpu.memory_space<vmem>> -> memref<32000xf32, #tpu.memory_space<vmem>>
    %dma_start3A_2362 = arith.constant 0 : i32
    %dma_start3A_2363 = tpu.memref_slice %arg5[%dma_start3A_2359, %add3A_2358, %dma_start3A_2362] : memref<1x2048x32000xf32, #tpu.memory_space<hbm>> -> memref<1x1x32000xf32, #tpu.memory_space<hbm>>
    %dma_start3A_2364 = tpu.memref_squeeze %dma_start3A_2363 : memref<1x1x32000xf32, #tpu.memory_space<hbm>> -> memref<32000xf32, #tpu.memory_space<hbm>>
    %dma_start3A_2365 = arith.constant 0 : i32
    %dma_start3A_2366 = tpu.memref_slice %arg5[%dma_start3A_2359, %add3A_2358, %dma_start3A_2365] : memref<1x2048x32000xf32, #tpu.memory_space<hbm>> -> memref<1x1x32000xf32, #tpu.memory_space<hbm>>
    %dma_start3A_2367 = tpu.memref_squeeze %dma_start3A_2366 : memref<1x1x32000xf32, #tpu.memory_space<hbm>> -> memref<32000xf32, #tpu.memory_space<hbm>>
    %dma_start3A_2368 = arith.constant 0 : i32
    %dma_start3A_2369 = tpu.memref_slice %arg11[%dma_start3A_2368] : memref<32128xf32, #tpu.memory_space<vmem>> -> memref<32000xf32, #tpu.memory_space<vmem>>
    tpu.enqueue_dma source(%dma_start3A_2369 : memref<32000xf32, #tpu.memory_space<vmem>>) target(%dma_start3A_2367 : memref<32000xf32, #tpu.memory_space<hbm>>) target_semaphore(%arg14 : memref<!tpu.dma_semaphore, #tpu.memory_space<semaphore_mem>>)
    %dma_wait3A_2370 = arith.constant 0 : i32
    %dma_wait3A_2371 = arith.constant 0 : i32
    %dma_wait3A_2372 = tpu.memref_slice %arg9[%dma_wait3A_2371] : memref<32128xf32, #tpu.memory_space<vmem>> -> memref<32000xf32, #tpu.memory_space<vmem>>
    %dma_wait3A_2373 = arith.constant 0 : i32
    %dma_wait3A_2374 = tpu.memref_slice %arg5[%dma_wait3A_2370, %add3A_2280, %dma_wait3A_2373] : memref<1x2048x32000xf32, #tpu.memory_space<hbm>> -> memref<1x1x32000xf32, #tpu.memory_space<hbm>>
    %dma_wait3A_2375 = tpu.memref_squeeze %dma_wait3A_2374 : memref<1x1x32000xf32, #tpu.memory_space<hbm>> -> memref<32000xf32, #tpu.memory_space<hbm>>
    %dma_wait3A_2376 = arith.constant 0 : i32
    %dma_wait3A_2377 = tpu.memref_slice %arg5[%dma_wait3A_2370, %add3A_2280, %dma_wait3A_2376] : memref<1x2048x32000xf32, #tpu.memory_space<hbm>> -> memref<1x1x32000xf32, #tpu.memory_space<hbm>>
    %dma_wait3A_2378 = tpu.memref_squeeze %dma_wait3A_2377 : memref<1x1x32000xf32, #tpu.memory_space<hbm>> -> memref<32000xf32, #tpu.memory_space<hbm>>
    %dma_wait3A_2379 = arith.constant 0 : i32
    %dma_wait3A_2380 = tpu.memref_slice %arg9[%dma_wait3A_2379] : memref<32128xf32, #tpu.memory_space<vmem>> -> memref<32000xf32, #tpu.memory_space<vmem>>
    tpu.wait_dma2 semaphore(%arg12 : memref<!tpu.dma_semaphore, #tpu.memory_space<semaphore_mem>>) src(%dma_wait3A_2380 : memref<32000xf32, #tpu.memory_space<vmem>>) dst(%dma_wait3A_2378 : memref<32000xf32, #tpu.memory_space<hbm>>)
    %broadcast_in_dim3A_2381 = arith.constant 57 : i32
    %broadcast_in_dim3A_2382 = vector.broadcast %broadcast_in_dim3A_2381 : i32 to vector<16xi32>
    %add3A_2383 = vector.broadcast %mul3A_36 : i32 to vector<16xi32>
    %add3A_2384 = arith.addi %broadcast_in_dim3A_2382, %add3A_2383 : vector<16xi32>
    %gather3A_2385 = tpu.vector_load_idx %arg6[%iota3A, %add3A_2384] : memref<16x128xi32, #tpu.memory_space<vmem>>[vector<16xi32>, vector<16xi32>], vector<16xi32>,
    tpu.vector_store_idx %arg9[%gather3A_2385], %broadcast_in_dim3A_48 : memref<32128xf32, #tpu.memory_space<vmem>>[vector<16xi32>], vector<16xf32>,
    %broadcast_in_dim3A_2386 = arith.constant 60 : i32
    %broadcast_in_dim3A_2387 = vector.broadcast %broadcast_in_dim3A_2386 : i32 to vector<16xi32>
    %add3A_2388 = vector.broadcast %mul3A_36 : i32 to vector<16xi32>
    %add3A_2389 = arith.addi %broadcast_in_dim3A_2387, %add3A_2388 : vector<16xi32>
    %gather3A_2390 = tpu.vector_load_idx %arg6[%iota3A, %add3A_2389] : memref<16x128xi32, #tpu.memory_space<vmem>>[vector<16xi32>, vector<16xi32>], vector<16xi32>,
    %gather3A_2391 = tpu.vector_load_idx %arg7[%iota3A, %add3A_2389] : memref<16x128xf32, #tpu.memory_space<vmem>>[vector<16xi32>, vector<16xi32>], vector<16xf32>,
    %broadcast_in_dim3A_2392 = arith.constant 60 : i32
    %broadcast_in_dim3A_2393 = vector.broadcast %broadcast_in_dim3A_2392 : i32 to vector<16xi32>
    %gather3A_2394 = tpu.vector_load_idx %arg8[%broadcast_in_dim3A_2393, %broadcast_in_dim3A_50] : memref<64x128xf32, #tpu.memory_space<vmem>>[vector<16xi32>, vector<16xi32>], vector<16xf32>,
    %mul3A_2395 = arith.mulf %gather3A_2391, %gather3A_2394 : vector<16xf32>
    tpu.vector_store_idx %arg9[%gather3A_2390], %mul3A_2395 : memref<32128xf32, #tpu.memory_space<vmem>>[vector<16xi32>], vector<16xf32>,
    %add3A_2396 = arith.constant 60 : i32
    %add3A_2397 = arith.addi %mul3A_2, %add3A_2396 : i32
    %dma_start3A_2398 = arith.constant 0 : i32
    %dma_start3A_2399 = arith.constant 0 : i32
    %dma_start3A_2400 = tpu.memref_slice %arg9[%dma_start3A_2399] : memref<32128xf32, #tpu.memory_space<vmem>> -> memref<32000xf32, #tpu.memory_space<vmem>>
    %dma_start3A_2401 = arith.constant 0 : i32
    %dma_start3A_2402 = tpu.memref_slice %arg5[%dma_start3A_2398, %add3A_2397, %dma_start3A_2401] : memref<1x2048x32000xf32, #tpu.memory_space<hbm>> -> memref<1x1x32000xf32, #tpu.memory_space<hbm>>
    %dma_start3A_2403 = tpu.memref_squeeze %dma_start3A_2402 : memref<1x1x32000xf32, #tpu.memory_space<hbm>> -> memref<32000xf32, #tpu.memory_space<hbm>>
    %dma_start3A_2404 = arith.constant 0 : i32
    %dma_start3A_2405 = tpu.memref_slice %arg5[%dma_start3A_2398, %add3A_2397, %dma_start3A_2404] : memref<1x2048x32000xf32, #tpu.memory_space<hbm>> -> memref<1x1x32000xf32, #tpu.memory_space<hbm>>
    %dma_start3A_2406 = tpu.memref_squeeze %dma_start3A_2405 : memref<1x1x32000xf32, #tpu.memory_space<hbm>> -> memref<32000xf32, #tpu.memory_space<hbm>>
    %dma_start3A_2407 = arith.constant 0 : i32
    %dma_start3A_2408 = tpu.memref_slice %arg9[%dma_start3A_2407] : memref<32128xf32, #tpu.memory_space<vmem>> -> memref<32000xf32, #tpu.memory_space<vmem>>
    tpu.enqueue_dma source(%dma_start3A_2408 : memref<32000xf32, #tpu.memory_space<vmem>>) target(%dma_start3A_2406 : memref<32000xf32, #tpu.memory_space<hbm>>) target_semaphore(%arg12 : memref<!tpu.dma_semaphore, #tpu.memory_space<semaphore_mem>>)
    %dma_wait3A_2409 = arith.constant 0 : i32
    %dma_wait3A_2410 = arith.constant 0 : i32
    %dma_wait3A_2411 = tpu.memref_slice %arg10[%dma_wait3A_2410] : memref<32128xf32, #tpu.memory_space<vmem>> -> memref<32000xf32, #tpu.memory_space<vmem>>
    %dma_wait3A_2412 = arith.constant 0 : i32
    %dma_wait3A_2413 = tpu.memref_slice %arg5[%dma_wait3A_2409, %add3A_2319, %dma_wait3A_2412] : memref<1x2048x32000xf32, #tpu.memory_space<hbm>> -> memref<1x1x32000xf32, #tpu.memory_space<hbm>>
    %dma_wait3A_2414 = tpu.memref_squeeze %dma_wait3A_2413 : memref<1x1x32000xf32, #tpu.memory_space<hbm>> -> memref<32000xf32, #tpu.memory_space<hbm>>
    %dma_wait3A_2415 = arith.constant 0 : i32
    %dma_wait3A_2416 = tpu.memref_slice %arg5[%dma_wait3A_2409, %add3A_2319, %dma_wait3A_2415] : memref<1x2048x32000xf32, #tpu.memory_space<hbm>> -> memref<1x1x32000xf32, #tpu.memory_space<hbm>>
    %dma_wait3A_2417 = tpu.memref_squeeze %dma_wait3A_2416 : memref<1x1x32000xf32, #tpu.memory_space<hbm>> -> memref<32000xf32, #tpu.memory_space<hbm>>
    %dma_wait3A_2418 = arith.constant 0 : i32
    %dma_wait3A_2419 = tpu.memref_slice %arg10[%dma_wait3A_2418] : memref<32128xf32, #tpu.memory_space<vmem>> -> memref<32000xf32, #tpu.memory_space<vmem>>
    tpu.wait_dma2 semaphore(%arg13 : memref<!tpu.dma_semaphore, #tpu.memory_space<semaphore_mem>>) src(%dma_wait3A_2419 : memref<32000xf32, #tpu.memory_space<vmem>>) dst(%dma_wait3A_2417 : memref<32000xf32, #tpu.memory_space<hbm>>)
    %broadcast_in_dim3A_2420 = arith.constant 58 : i32
    %broadcast_in_dim3A_2421 = vector.broadcast %broadcast_in_dim3A_2420 : i32 to vector<16xi32>
    %add3A_2422 = vector.broadcast %mul3A_36 : i32 to vector<16xi32>
    %add3A_2423 = arith.addi %broadcast_in_dim3A_2421, %add3A_2422 : vector<16xi32>
    %gather3A_2424 = tpu.vector_load_idx %arg6[%iota3A, %add3A_2423] : memref<16x128xi32, #tpu.memory_space<vmem>>[vector<16xi32>, vector<16xi32>], vector<16xi32>,
    tpu.vector_store_idx %arg10[%gather3A_2424], %broadcast_in_dim3A_48 : memref<32128xf32, #tpu.memory_space<vmem>>[vector<16xi32>], vector<16xf32>,
    %broadcast_in_dim3A_2425 = arith.constant 61 : i32
    %broadcast_in_dim3A_2426 = vector.broadcast %broadcast_in_dim3A_2425 : i32 to vector<16xi32>
    %add3A_2427 = vector.broadcast %mul3A_36 : i32 to vector<16xi32>
    %add3A_2428 = arith.addi %broadcast_in_dim3A_2426, %add3A_2427 : vector<16xi32>
    %gather3A_2429 = tpu.vector_load_idx %arg6[%iota3A, %add3A_2428] : memref<16x128xi32, #tpu.memory_space<vmem>>[vector<16xi32>, vector<16xi32>], vector<16xi32>,
    %gather3A_2430 = tpu.vector_load_idx %arg7[%iota3A, %add3A_2428] : memref<16x128xf32, #tpu.memory_space<vmem>>[vector<16xi32>, vector<16xi32>], vector<16xf32>,
    %broadcast_in_dim3A_2431 = arith.constant 61 : i32
    %broadcast_in_dim3A_2432 = vector.broadcast %broadcast_in_dim3A_2431 : i32 to vector<16xi32>
    %gather3A_2433 = tpu.vector_load_idx %arg8[%broadcast_in_dim3A_2432, %broadcast_in_dim3A_50] : memref<64x128xf32, #tpu.memory_space<vmem>>[vector<16xi32>, vector<16xi32>], vector<16xf32>,
    %mul3A_2434 = arith.mulf %gather3A_2430, %gather3A_2433 : vector<16xf32>
    tpu.vector_store_idx %arg10[%gather3A_2429], %mul3A_2434 : memref<32128xf32, #tpu.memory_space<vmem>>[vector<16xi32>], vector<16xf32>,
    %add3A_2435 = arith.constant 61 : i32
    %add3A_2436 = arith.addi %mul3A_2, %add3A_2435 : i32
    %dma_start3A_2437 = arith.constant 0 : i32
    %dma_start3A_2438 = arith.constant 0 : i32
    %dma_start3A_2439 = tpu.memref_slice %arg10[%dma_start3A_2438] : memref<32128xf32, #tpu.memory_space<vmem>> -> memref<32000xf32, #tpu.memory_space<vmem>>
    %dma_start3A_2440 = arith.constant 0 : i32
    %dma_start3A_2441 = tpu.memref_slice %arg5[%dma_start3A_2437, %add3A_2436, %dma_start3A_2440] : memref<1x2048x32000xf32, #tpu.memory_space<hbm>> -> memref<1x1x32000xf32, #tpu.memory_space<hbm>>
    %dma_start3A_2442 = tpu.memref_squeeze %dma_start3A_2441 : memref<1x1x32000xf32, #tpu.memory_space<hbm>> -> memref<32000xf32, #tpu.memory_space<hbm>>
    %dma_start3A_2443 = arith.constant 0 : i32
    %dma_start3A_2444 = tpu.memref_slice %arg5[%dma_start3A_2437, %add3A_2436, %dma_start3A_2443] : memref<1x2048x32000xf32, #tpu.memory_space<hbm>> -> memref<1x1x32000xf32, #tpu.memory_space<hbm>>
    %dma_start3A_2445 = tpu.memref_squeeze %dma_start3A_2444 : memref<1x1x32000xf32, #tpu.memory_space<hbm>> -> memref<32000xf32, #tpu.memory_space<hbm>>
    %dma_start3A_2446 = arith.constant 0 : i32
    %dma_start3A_2447 = tpu.memref_slice %arg10[%dma_start3A_2446] : memref<32128xf32, #tpu.memory_space<vmem>> -> memref<32000xf32, #tpu.memory_space<vmem>>
    tpu.enqueue_dma source(%dma_start3A_2447 : memref<32000xf32, #tpu.memory_space<vmem>>) target(%dma_start3A_2445 : memref<32000xf32, #tpu.memory_space<hbm>>) target_semaphore(%arg13 : memref<!tpu.dma_semaphore, #tpu.memory_space<semaphore_mem>>)
    %dma_wait3A_2448 = arith.constant 0 : i32
    %dma_wait3A_2449 = arith.constant 0 : i32
    %dma_wait3A_2450 = tpu.memref_slice %arg11[%dma_wait3A_2449] : memref<32128xf32, #tpu.memory_space<vmem>> -> memref<32000xf32, #tpu.memory_space<vmem>>
    %dma_wait3A_2451 = arith.constant 0 : i32
    %dma_wait3A_2452 = tpu.memref_slice %arg5[%dma_wait3A_2448, %add3A_2358, %dma_wait3A_2451] : memref<1x2048x32000xf32, #tpu.memory_space<hbm>> -> memref<1x1x32000xf32, #tpu.memory_space<hbm>>
    %dma_wait3A_2453 = tpu.memref_squeeze %dma_wait3A_2452 : memref<1x1x32000xf32, #tpu.memory_space<hbm>> -> memref<32000xf32, #tpu.memory_space<hbm>>
    %dma_wait3A_2454 = arith.constant 0 : i32
    %dma_wait3A_2455 = tpu.memref_slice %arg5[%dma_wait3A_2448, %add3A_2358, %dma_wait3A_2454] : memref<1x2048x32000xf32, #tpu.memory_space<hbm>> -> memref<1x1x32000xf32, #tpu.memory_space<hbm>>
    %dma_wait3A_2456 = tpu.memref_squeeze %dma_wait3A_2455 : memref<1x1x32000xf32, #tpu.memory_space<hbm>> -> memref<32000xf32, #tpu.memory_space<hbm>>
    %dma_wait3A_2457 = arith.constant 0 : i32
    %dma_wait3A_2458 = tpu.memref_slice %arg11[%dma_wait3A_2457] : memref<32128xf32, #tpu.memory_space<vmem>> -> memref<32000xf32, #tpu.memory_space<vmem>>
    tpu.wait_dma2 semaphore(%arg14 : memref<!tpu.dma_semaphore, #tpu.memory_space<semaphore_mem>>) src(%dma_wait3A_2458 : memref<32000xf32, #tpu.memory_space<vmem>>) dst(%dma_wait3A_2456 : memref<32000xf32, #tpu.memory_space<hbm>>)
    %broadcast_in_dim3A_2459 = arith.constant 59 : i32
    %broadcast_in_dim3A_2460 = vector.broadcast %broadcast_in_dim3A_2459 : i32 to vector<16xi32>
    %add3A_2461 = vector.broadcast %mul3A_36 : i32 to vector<16xi32>
    %add3A_2462 = arith.addi %broadcast_in_dim3A_2460, %add3A_2461 : vector<16xi32>
    %gather3A_2463 = tpu.vector_load_idx %arg6[%iota3A, %add3A_2462] : memref<16x128xi32, #tpu.memory_space<vmem>>[vector<16xi32>, vector<16xi32>], vector<16xi32>,
    tpu.vector_store_idx %arg11[%gather3A_2463], %broadcast_in_dim3A_48 : memref<32128xf32, #tpu.memory_space<vmem>>[vector<16xi32>], vector<16xf32>,
    %broadcast_in_dim3A_2464 = arith.constant 62 : i32
    %broadcast_in_dim3A_2465 = vector.broadcast %broadcast_in_dim3A_2464 : i32 to vector<16xi32>
    %add3A_2466 = vector.broadcast %mul3A_36 : i32 to vector<16xi32>
    %add3A_2467 = arith.addi %broadcast_in_dim3A_2465, %add3A_2466 : vector<16xi32>
    %gather3A_2468 = tpu.vector_load_idx %arg6[%iota3A, %add3A_2467] : memref<16x128xi32, #tpu.memory_space<vmem>>[vector<16xi32>, vector<16xi32>], vector<16xi32>,
    %gather3A_2469 = tpu.vector_load_idx %arg7[%iota3A, %add3A_2467] : memref<16x128xf32, #tpu.memory_space<vmem>>[vector<16xi32>, vector<16xi32>], vector<16xf32>,
    %broadcast_in_dim3A_2470 = arith.constant 62 : i32
    %broadcast_in_dim3A_2471 = vector.broadcast %broadcast_in_dim3A_2470 : i32 to vector<16xi32>
    %gather3A_2472 = tpu.vector_load_idx %arg8[%broadcast_in_dim3A_2471, %broadcast_in_dim3A_50] : memref<64x128xf32, #tpu.memory_space<vmem>>[vector<16xi32>, vector<16xi32>], vector<16xf32>,
    %mul3A_2473 = arith.mulf %gather3A_2469, %gather3A_2472 : vector<16xf32>
    tpu.vector_store_idx %arg11[%gather3A_2468], %mul3A_2473 : memref<32128xf32, #tpu.memory_space<vmem>>[vector<16xi32>], vector<16xf32>,
    %add3A_2474 = arith.constant 62 : i32
    %add3A_2475 = arith.addi %mul3A_2, %add3A_2474 : i32
    %dma_start3A_2476 = arith.constant 0 : i32
    %dma_start3A_2477 = arith.constant 0 : i32
    %dma_start3A_2478 = tpu.memref_slice %arg11[%dma_start3A_2477] : memref<32128xf32, #tpu.memory_space<vmem>> -> memref<32000xf32, #tpu.memory_space<vmem>>
    %dma_start3A_2479 = arith.constant 0 : i32
    %dma_start3A_2480 = tpu.memref_slice %arg5[%dma_start3A_2476, %add3A_2475, %dma_start3A_2479] : memref<1x2048x32000xf32, #tpu.memory_space<hbm>> -> memref<1x1x32000xf32, #tpu.memory_space<hbm>>
    %dma_start3A_2481 = tpu.memref_squeeze %dma_start3A_2480 : memref<1x1x32000xf32, #tpu.memory_space<hbm>> -> memref<32000xf32, #tpu.memory_space<hbm>>
    %dma_start3A_2482 = arith.constant 0 : i32
    %dma_start3A_2483 = tpu.memref_slice %arg5[%dma_start3A_2476, %add3A_2475, %dma_start3A_2482] : memref<1x2048x32000xf32, #tpu.memory_space<hbm>> -> memref<1x1x32000xf32, #tpu.memory_space<hbm>>
    %dma_start3A_2484 = tpu.memref_squeeze %dma_start3A_2483 : memref<1x1x32000xf32, #tpu.memory_space<hbm>> -> memref<32000xf32, #tpu.memory_space<hbm>>
    %dma_start3A_2485 = arith.constant 0 : i32
    %dma_start3A_2486 = tpu.memref_slice %arg11[%dma_start3A_2485] : memref<32128xf32, #tpu.memory_space<vmem>> -> memref<32000xf32, #tpu.memory_space<vmem>>
    tpu.enqueue_dma source(%dma_start3A_2486 : memref<32000xf32, #tpu.memory_space<vmem>>) target(%dma_start3A_2484 : memref<32000xf32, #tpu.memory_space<hbm>>) target_semaphore(%arg14 : memref<!tpu.dma_semaphore, #tpu.memory_space<semaphore_mem>>)
    %dma_wait3A_2487 = arith.constant 0 : i32
    %dma_wait3A_2488 = arith.constant 0 : i32
    %dma_wait3A_2489 = tpu.memref_slice %arg9[%dma_wait3A_2488] : memref<32128xf32, #tpu.memory_space<vmem>> -> memref<32000xf32, #tpu.memory_space<vmem>>
    %dma_wait3A_2490 = arith.constant 0 : i32
    %dma_wait3A_2491 = tpu.memref_slice %arg5[%dma_wait3A_2487, %add3A_2397, %dma_wait3A_2490] : memref<1x2048x32000xf32, #tpu.memory_space<hbm>> -> memref<1x1x32000xf32, #tpu.memory_space<hbm>>
    %dma_wait3A_2492 = tpu.memref_squeeze %dma_wait3A_2491 : memref<1x1x32000xf32, #tpu.memory_space<hbm>> -> memref<32000xf32, #tpu.memory_space<hbm>>
    %dma_wait3A_2493 = arith.constant 0 : i32
    %dma_wait3A_2494 = tpu.memref_slice %arg5[%dma_wait3A_2487, %add3A_2397, %dma_wait3A_2493] : memref<1x2048x32000xf32, #tpu.memory_space<hbm>> -> memref<1x1x32000xf32, #tpu.memory_space<hbm>>
    %dma_wait3A_2495 = tpu.memref_squeeze %dma_wait3A_2494 : memref<1x1x32000xf32, #tpu.memory_space<hbm>> -> memref<32000xf32, #tpu.memory_space<hbm>>
    %dma_wait3A_2496 = arith.constant 0 : i32
    %dma_wait3A_2497 = tpu.memref_slice %arg9[%dma_wait3A_2496] : memref<32128xf32, #tpu.memory_space<vmem>> -> memref<32000xf32, #tpu.memory_space<vmem>>
    tpu.wait_dma2 semaphore(%arg12 : memref<!tpu.dma_semaphore, #tpu.memory_space<semaphore_mem>>) src(%dma_wait3A_2497 : memref<32000xf32, #tpu.memory_space<vmem>>) dst(%dma_wait3A_2495 : memref<32000xf32, #tpu.memory_space<hbm>>)
    %broadcast_in_dim3A_2498 = arith.constant 60 : i32
    %broadcast_in_dim3A_2499 = vector.broadcast %broadcast_in_dim3A_2498 : i32 to vector<16xi32>
    %add3A_2500 = vector.broadcast %mul3A_36 : i32 to vector<16xi32>
    %add3A_2501 = arith.addi %broadcast_in_dim3A_2499, %add3A_2500 : vector<16xi32>
    %gather3A_2502 = tpu.vector_load_idx %arg6[%iota3A, %add3A_2501] : memref<16x128xi32, #tpu.memory_space<vmem>>[vector<16xi32>, vector<16xi32>], vector<16xi32>,
    tpu.vector_store_idx %arg9[%gather3A_2502], %broadcast_in_dim3A_48 : memref<32128xf32, #tpu.memory_space<vmem>>[vector<16xi32>], vector<16xf32>,
    %broadcast_in_dim3A_2503 = arith.constant 63 : i32
    %broadcast_in_dim3A_2504 = vector.broadcast %broadcast_in_dim3A_2503 : i32 to vector<16xi32>
    %add3A_2505 = vector.broadcast %mul3A_36 : i32 to vector<16xi32>
    %add3A_2506 = arith.addi %broadcast_in_dim3A_2504, %add3A_2505 : vector<16xi32>
    %gather3A_2507 = tpu.vector_load_idx %arg6[%iota3A, %add3A_2506] : memref<16x128xi32, #tpu.memory_space<vmem>>[vector<16xi32>, vector<16xi32>], vector<16xi32>,
    %gather3A_2508 = tpu.vector_load_idx %arg7[%iota3A, %add3A_2506] : memref<16x128xf32, #tpu.memory_space<vmem>>[vector<16xi32>, vector<16xi32>], vector<16xf32>,
    %broadcast_in_dim3A_2509 = arith.constant 63 : i32
    %broadcast_in_dim3A_2510 = vector.broadcast %broadcast_in_dim3A_2509 : i32 to vector<16xi32>
    %gather3A_2511 = tpu.vector_load_idx %arg8[%broadcast_in_dim3A_2510, %broadcast_in_dim3A_50] : memref<64x128xf32, #tpu.memory_space<vmem>>[vector<16xi32>, vector<16xi32>], vector<16xf32>,
    %mul3A_2512 = arith.mulf %gather3A_2508, %gather3A_2511 : vector<16xf32>
    tpu.vector_store_idx %arg9[%gather3A_2507], %mul3A_2512 : memref<32128xf32, #tpu.memory_space<vmem>>[vector<16xi32>], vector<16xf32>,
    %add3A_2513 = arith.constant 63 : i32
    %add3A_2514 = arith.addi %mul3A_2, %add3A_2513 : i32
    %dma_start3A_2515 = arith.constant 0 : i32
    %dma_start3A_2516 = arith.constant 0 : i32
    %dma_start3A_2517 = tpu.memref_slice %arg9[%dma_start3A_2516] : memref<32128xf32, #tpu.memory_space<vmem>> -> memref<32000xf32, #tpu.memory_space<vmem>>
    %dma_start3A_2518 = arith.constant 0 : i32
    %dma_start3A_2519 = tpu.memref_slice %arg5[%dma_start3A_2515, %add3A_2514, %dma_start3A_2518] : memref<1x2048x32000xf32, #tpu.memory_space<hbm>> -> memref<1x1x32000xf32, #tpu.memory_space<hbm>>
    %dma_start3A_2520 = tpu.memref_squeeze %dma_start3A_2519 : memref<1x1x32000xf32, #tpu.memory_space<hbm>> -> memref<32000xf32, #tpu.memory_space<hbm>>
    %dma_start3A_2521 = arith.constant 0 : i32
    %dma_start3A_2522 = tpu.memref_slice %arg5[%dma_start3A_2515, %add3A_2514, %dma_start3A_2521] : memref<1x2048x32000xf32, #tpu.memory_space<hbm>> -> memref<1x1x32000xf32, #tpu.memory_space<hbm>>
    %dma_start3A_2523 = tpu.memref_squeeze %dma_start3A_2522 : memref<1x1x32000xf32, #tpu.memory_space<hbm>> -> memref<32000xf32, #tpu.memory_space<hbm>>
    %dma_start3A_2524 = arith.constant 0 : i32
    %dma_start3A_2525 = tpu.memref_slice %arg9[%dma_start3A_2524] : memref<32128xf32, #tpu.memory_space<vmem>> -> memref<32000xf32, #tpu.memory_space<vmem>>
    tpu.enqueue_dma source(%dma_start3A_2525 : memref<32000xf32, #tpu.memory_space<vmem>>) target(%dma_start3A_2523 : memref<32000xf32, #tpu.memory_space<hbm>>) target_semaphore(%arg12 : memref<!tpu.dma_semaphore, #tpu.memory_space<semaphore_mem>>)
    %dma_wait3A_2526 = arith.constant 0 : i32
    %dma_wait3A_2527 = arith.constant 0 : i32
    %dma_wait3A_2528 = tpu.memref_slice %arg9[%dma_wait3A_2527] : memref<32128xf32, #tpu.memory_space<vmem>> -> memref<32000xf32, #tpu.memory_space<vmem>>
    %dma_wait3A_2529 = arith.constant 0 : i32
    %dma_wait3A_2530 = tpu.memref_slice %arg5[%dma_wait3A_2526, %add3A_2514, %dma_wait3A_2529] : memref<1x2048x32000xf32, #tpu.memory_space<hbm>> -> memref<1x1x32000xf32, #tpu.memory_space<hbm>>
    %dma_wait3A_2531 = tpu.memref_squeeze %dma_wait3A_2530 : memref<1x1x32000xf32, #tpu.memory_space<hbm>> -> memref<32000xf32, #tpu.memory_space<hbm>>
    %dma_wait3A_2532 = arith.constant 0 : i32
    %dma_wait3A_2533 = tpu.memref_slice %arg5[%dma_wait3A_2526, %add3A_2514, %dma_wait3A_2532] : memref<1x2048x32000xf32, #tpu.memory_space<hbm>> -> memref<1x1x32000xf32, #tpu.memory_space<hbm>>
    %dma_wait3A_2534 = tpu.memref_squeeze %dma_wait3A_2533 : memref<1x1x32000xf32, #tpu.memory_space<hbm>> -> memref<32000xf32, #tpu.memory_space<hbm>>
    %dma_wait3A_2535 = arith.constant 0 : i32
    %dma_wait3A_2536 = tpu.memref_slice %arg9[%dma_wait3A_2535] : memref<32128xf32, #tpu.memory_space<vmem>> -> memref<32000xf32, #tpu.memory_space<vmem>>
    tpu.wait_dma2 semaphore(%arg12 : memref<!tpu.dma_semaphore, #tpu.memory_space<semaphore_mem>>) src(%dma_wait3A_2536 : memref<32000xf32, #tpu.memory_space<vmem>>) dst(%dma_wait3A_2534 : memref<32000xf32, #tpu.memory_space<hbm>>)
    %dma_wait3A_2537 = arith.constant 0 : i32
    %dma_wait3A_2538 = arith.constant 0 : i32
    %dma_wait3A_2539 = tpu.memref_slice %arg10[%dma_wait3A_2538] : memref<32128xf32, #tpu.memory_space<vmem>> -> memref<32000xf32, #tpu.memory_space<vmem>>
    %dma_wait3A_2540 = arith.constant 0 : i32
    %dma_wait3A_2541 = tpu.memref_slice %arg5[%dma_wait3A_2537, %add3A_2436, %dma_wait3A_2540] : memref<1x2048x32000xf32, #tpu.memory_space<hbm>> -> memref<1x1x32000xf32, #tpu.memory_space<hbm>>
    %dma_wait3A_2542 = tpu.memref_squeeze %dma_wait3A_2541 : memref<1x1x32000xf32, #tpu.memory_space<hbm>> -> memref<32000xf32, #tpu.memory_space<hbm>>
    %dma_wait3A_2543 = arith.constant 0 : i32
    %dma_wait3A_2544 = tpu.memref_slice %arg5[%dma_wait3A_2537, %add3A_2436, %dma_wait3A_2543] : memref<1x2048x32000xf32, #tpu.memory_space<hbm>> -> memref<1x1x32000xf32, #tpu.memory_space<hbm>>
    %dma_wait3A_2545 = tpu.memref_squeeze %dma_wait3A_2544 : memref<1x1x32000xf32, #tpu.memory_space<hbm>> -> memref<32000xf32, #tpu.memory_space<hbm>>
    %dma_wait3A_2546 = arith.constant 0 : i32
    %dma_wait3A_2547 = tpu.memref_slice %arg10[%dma_wait3A_2546] : memref<32128xf32, #tpu.memory_space<vmem>> -> memref<32000xf32, #tpu.memory_space<vmem>>
    tpu.wait_dma2 semaphore(%arg13 : memref<!tpu.dma_semaphore, #tpu.memory_space<semaphore_mem>>) src(%dma_wait3A_2547 : memref<32000xf32, #tpu.memory_space<vmem>>) dst(%dma_wait3A_2545 : memref<32000xf32, #tpu.memory_space<hbm>>)
    %dma_wait3A_2548 = arith.constant 0 : i32
    %dma_wait3A_2549 = arith.constant 0 : i32
    %dma_wait3A_2550 = tpu.memref_slice %arg11[%dma_wait3A_2549] : memref<32128xf32, #tpu.memory_space<vmem>> -> memref<32000xf32, #tpu.memory_space<vmem>>
    %dma_wait3A_2551 = arith.constant 0 : i32
    %dma_wait3A_2552 = tpu.memref_slice %arg5[%dma_wait3A_2548, %add3A_2475, %dma_wait3A_2551] : memref<1x2048x32000xf32, #tpu.memory_space<hbm>> -> memref<1x1x32000xf32, #tpu.memory_space<hbm>>
    %dma_wait3A_2553 = tpu.memref_squeeze %dma_wait3A_2552 : memref<1x1x32000xf32, #tpu.memory_space<hbm>> -> memref<32000xf32, #tpu.memory_space<hbm>>
    %dma_wait3A_2554 = arith.constant 0 : i32
    %dma_wait3A_2555 = tpu.memref_slice %arg5[%dma_wait3A_2548, %add3A_2475, %dma_wait3A_2554] : memref<1x2048x32000xf32, #tpu.memory_space<hbm>> -> memref<1x1x32000xf32, #tpu.memory_space<hbm>>
    %dma_wait3A_2556 = tpu.memref_squeeze %dma_wait3A_2555 : memref<1x1x32000xf32, #tpu.memory_space<hbm>> -> memref<32000xf32, #tpu.memory_space<hbm>>
    %dma_wait3A_2557 = arith.constant 0 : i32
    %dma_wait3A_2558 = tpu.memref_slice %arg11[%dma_wait3A_2557] : memref<32128xf32, #tpu.memory_space<vmem>> -> memref<32000xf32, #tpu.memory_space<vmem>>
    tpu.wait_dma2 semaphore(%arg14 : memref<!tpu.dma_semaphore, #tpu.memory_space<semaphore_mem>>) src(%dma_wait3A_2558 : memref<32000xf32, #tpu.memory_space<vmem>>) dst(%dma_wait3A_2556 : memref<32000xf32, #tpu.memory_space<hbm>>)
    return
  }
}

module attributes {stable_mosaic.version = 14 : i64} {
  func.func @_prep_kernel(%arg0: memref<1x2048xi32, #tpu.memory_space<vmem>>, %arg1: memref<1x8xf32, #tpu.memory_space<vmem>>, %arg2: memref<1x1xf32, #tpu.memory_space<vmem>>, %arg3: memref<1x2048x1024xf32, #tpu.memory_space<vmem>>, %arg4: memref<1024x128xf32, #tpu.memory_space<vmem>>, %arg5: memref<1x1xf32, #tpu.memory_space<vmem>>, %arg6: memref<16x2048xi32, #tpu.memory_space<vmem>>, %arg7: memref<16x2048xf32, #tpu.memory_space<vmem>>, %arg8: memref<2048x128xf32, #tpu.memory_space<vmem>>) attributes {dimension_semantics = [], scalar_prefetch = 0 : i64, scratch_operands = 0 : i64, tpu.core_type = #tpu.core_type<tc>} {
    %get3A = arith.constant 0 : index
    %get3A_0 = arith.constant 0 : index
    %get3A_1 = arith.constant 0 : index
    %get3A_2 = vector.load %arg3[%get3A, %get3A_0, %get3A_1] : memref<1x2048x1024xf32, #tpu.memory_space<vmem>>, vector<1x2048x1024xf32>
    %squeeze3A = vector.shape_cast %get3A_2 : vector<1x2048x1024xf32> to vector<2048x1024xf32>
    %get3A_3 = arith.constant 0 : index
    %get3A_4 = arith.constant 0 : index
    %get3A_5 = vector.load %arg4[%get3A_3, %get3A_4] : memref<1024x128xf32, #tpu.memory_space<vmem>>, vector<1024x128xf32>
    %dot_general3A = arith.constant dense<0.000000e+00> : vector<2048x128xf32>
    %dot_general3A_6 = tpu.matmul %squeeze3A, %get3A_5, %dot_general3A {dimension_numbers = #tpu.dot_dimension_numbers<[1], [0], [0], [1], [0, 0, 1, 1], [], []>, transpose_lhs_hint = false} : vector<2048x1024xf32>, vector<1024x128xf32>, vector<2048x128xf32> -> vector<2048x128xf32>
    %get3A_7 = arith.constant 0 : index
    %get3A_8 = arith.constant 0 : index
    %get3A_9 = vector.load %arg5[%get3A_7, %get3A_8] : memref<1x1xf32, #tpu.memory_space<vmem>>, vector<1x1xf32>
    %squeeze3A_10 = vector.extract %get3A_9[0, 0] : f32 from vector<1x1xf32>
    %add3A = vector.broadcast %squeeze3A_10 : f32 to vector<2048x128xf32>
    %add3A_11 = arith.addf %dot_general3A_6, %add3A : vector<2048x128xf32>
    %logistic3A = arith.negf %add3A_11 : vector<2048x128xf32>
    %logistic3A_12 = math.exp %logistic3A : vector<2048x128xf32>
    %logistic3A_13 = arith.constant 1.000000e+00 : f32
    %logistic3A_14 = vector.broadcast %logistic3A_13 : f32 to vector<2048x128xf32>
    %logistic3A_15 = arith.addf %logistic3A_14, %logistic3A_12 : vector<2048x128xf32>
    %logistic3A_16 = arith.divf %logistic3A_14, %logistic3A_15 : vector<2048x128xf32>
    %slice3A = vector.extract_strided_slice %logistic3A_16 {offsets = [0, 0], sizes = [2048, 1], strides = [1, 1]} : vector<2048x128xf32> to vector<2048x1xf32>
    %broadcast_in_dim3A = vector.shape_cast %slice3A : vector<2048x1xf32> to vector<2048x1xf32>
    %broadcast_in_dim3A_17 = vector.broadcast %broadcast_in_dim3A : vector<2048x1xf32> to vector<2048x128xf32>
    %swap3A = arith.constant 0 : index
    %swap3A_18 = arith.constant 0 : index
    %swap3A_19 = vector.load %arg8[%swap3A, %swap3A_18] : memref<2048x128xf32, #tpu.memory_space<vmem>>, vector<2048x128xf32>
    tpu.vector_store %arg8[%swap3A, %swap3A_18], %broadcast_in_dim3A_17 {strides = array<i32>} : memref<2048x128xf32, #tpu.memory_space<vmem>>, vector<2048x128xf32>,
    %get3A_20 = arith.constant 0 : index
    %get3A_21 = arith.constant 0 : index
    %get3A_22 = vector.load %arg1[%get3A_20, %get3A_21] : memref<1x8xf32, #tpu.memory_space<vmem>>, vector<1x8xf32>
    %reduce_max3A = arith.constant dense<0xFF800000> : vector<1xf32>
    %reduce_max3A_23 = vector.multi_reduction <maximumf>, %get3A_22, %reduce_max3A [1] : vector<1x8xf32> to vector<1xf32>
    %max3A = arith.constant 0xFF800000 : f32
    %max3A_24 = vector.broadcast %max3A : f32 to vector<1xf32>
    %max3A_25 = arith.maximumf %max3A_24, %reduce_max3A_23 : vector<1xf32>
    %broadcast_in_dim3A_26 = vector.shape_cast %max3A_25 : vector<1xf32> to vector<1x1xf32>
    %sub3A = vector.broadcast %broadcast_in_dim3A_26 : vector<1x1xf32> to vector<1x8xf32>
    %sub3A_27 = arith.subf %get3A_22, %sub3A : vector<1x8xf32>
    %exp3A = math.exp %sub3A_27 : vector<1x8xf32>
    %reduce_sum3A = arith.constant dense<0.000000e+00> : vector<1xf32>
    %reduce_sum3A_28 = vector.multi_reduction <add>, %exp3A, %reduce_sum3A [1] : vector<1x8xf32> to vector<1xf32>
    %broadcast_in_dim3A_29 = vector.shape_cast %reduce_sum3A_28 : vector<1xf32> to vector<1x1xf32>
    %div3A = vector.broadcast %broadcast_in_dim3A_29 : vector<1x1xf32> to vector<1x8xf32>
    %div3A_30 = arith.divf %exp3A, %div3A : vector<1x8xf32>
    %get3A_31 = arith.constant 0 : index
    %get3A_32 = arith.constant 0 : index
    %get3A_33 = vector.load %arg2[%get3A_31, %get3A_32] : memref<1x1xf32, #tpu.memory_space<vmem>>, vector<1x1xf32>
    %squeeze3A_34 = vector.extract %get3A_33[0, 0] : f32 from vector<1x1xf32>
    %mul3A = vector.broadcast %squeeze3A_34 : f32 to vector<1x8xf32>
    %mul3A_35 = arith.mulf %div3A_30, %mul3A : vector<1x8xf32>
    %get3A_36 = arith.constant 0 : index
    %get3A_37 = arith.constant 0 : index
    %get3A_38 = vector.load %arg0[%get3A_36, %get3A_37] : memref<1x2048xi32, #tpu.memory_space<vmem>>, vector<1x2048xi32>
    %broadcast_in_dim3A_39 = arith.constant -1 : i32
    %broadcast_in_dim3A_40 = vector.broadcast %broadcast_in_dim3A_39 : i32 to vector<1x1xi32>
    %slice3A_41 = vector.extract_strided_slice %get3A_38 {offsets = [0, 0], sizes = [1, 2047], strides = [1, 1]} : vector<1x2048xi32> to vector<1x2047xi32>
    %concatenate3A = tpu.concatenate %broadcast_in_dim3A_40, %slice3A_41 in 1 : vector<1x1xi32>, vector<1x2047xi32> -> vector<1x2048xi32>
    %broadcast_in_dim3A_42 = arith.constant -1 : i32
    %broadcast_in_dim3A_43 = vector.broadcast %broadcast_in_dim3A_42 : i32 to vector<1x2xi32>
    %slice3A_44 = vector.extract_strided_slice %get3A_38 {offsets = [0, 0], sizes = [1, 2046], strides = [1, 1]} : vector<1x2048xi32> to vector<1x2046xi32>
    %concatenate3A_45 = tpu.concatenate %broadcast_in_dim3A_43, %slice3A_44 in 1 : vector<1x2xi32>, vector<1x2046xi32> -> vector<1x2048xi32>
    %broadcast_in_dim3A_46 = arith.constant -1 : i32
    %broadcast_in_dim3A_47 = vector.broadcast %broadcast_in_dim3A_46 : i32 to vector<1x3xi32>
    %slice3A_48 = vector.extract_strided_slice %get3A_38 {offsets = [0, 0], sizes = [1, 2045], strides = [1, 1]} : vector<1x2048xi32> to vector<1x2045xi32>
    %concatenate3A_49 = tpu.concatenate %broadcast_in_dim3A_47, %slice3A_48 in 1 : vector<1x3xi32>, vector<1x2045xi32> -> vector<1x2048xi32>
    %broadcast_in_dim3A_50 = arith.constant -1 : i32
    %broadcast_in_dim3A_51 = vector.broadcast %broadcast_in_dim3A_50 : i32 to vector<1x4xi32>
    %slice3A_52 = vector.extract_strided_slice %get3A_38 {offsets = [0, 0], sizes = [1, 2044], strides = [1, 1]} : vector<1x2048xi32> to vector<1x2044xi32>
    %concatenate3A_53 = tpu.concatenate %broadcast_in_dim3A_51, %slice3A_52 in 1 : vector<1x4xi32>, vector<1x2044xi32> -> vector<1x2048xi32>
    %broadcast_in_dim3A_54 = arith.constant -1 : i32
    %broadcast_in_dim3A_55 = vector.broadcast %broadcast_in_dim3A_54 : i32 to vector<1x5xi32>
    %slice3A_56 = vector.extract_strided_slice %get3A_38 {offsets = [0, 0], sizes = [1, 2043], strides = [1, 1]} : vector<1x2048xi32> to vector<1x2043xi32>
    %concatenate3A_57 = tpu.concatenate %broadcast_in_dim3A_55, %slice3A_56 in 1 : vector<1x5xi32>, vector<1x2043xi32> -> vector<1x2048xi32>
    %broadcast_in_dim3A_58 = arith.constant -1 : i32
    %broadcast_in_dim3A_59 = vector.broadcast %broadcast_in_dim3A_58 : i32 to vector<1x6xi32>
    %slice3A_60 = vector.extract_strided_slice %get3A_38 {offsets = [0, 0], sizes = [1, 2042], strides = [1, 1]} : vector<1x2048xi32> to vector<1x2042xi32>
    %concatenate3A_61 = tpu.concatenate %broadcast_in_dim3A_59, %slice3A_60 in 1 : vector<1x6xi32>, vector<1x2042xi32> -> vector<1x2048xi32>
    %broadcast_in_dim3A_62 = arith.constant -1 : i32
    %broadcast_in_dim3A_63 = vector.broadcast %broadcast_in_dim3A_62 : i32 to vector<1x7xi32>
    %slice3A_64 = vector.extract_strided_slice %get3A_38 {offsets = [0, 0], sizes = [1, 2041], strides = [1, 1]} : vector<1x2048xi32> to vector<1x2041xi32>
    %concatenate3A_65 = tpu.concatenate %broadcast_in_dim3A_63, %slice3A_64 in 1 : vector<1x7xi32>, vector<1x2041xi32> -> vector<1x2048xi32>
    %concatenate3A_66 = tpu.concatenate %get3A_38, %concatenate3A, %concatenate3A_45, %concatenate3A_49, %concatenate3A_53, %concatenate3A_57, %concatenate3A_61, %concatenate3A_65 in 0 : vector<1x2048xi32>, vector<1x2048xi32>, vector<1x2048xi32>, vector<1x2048xi32>, vector<1x2048xi32>, vector<1x2048xi32>, vector<1x2048xi32>, vector<1x2048xi32> -> vector<8x2048xi32>
    %broadcast_in_dim3A_67 = arith.constant 0.000000e+00 : f32
    %broadcast_in_dim3A_68 = vector.broadcast %broadcast_in_dim3A_67 : f32 to vector<8x2048xf32>
    %broadcast_in_dim3A_69 = arith.constant false
    %broadcast_in_dim3A_70 = vector.broadcast %broadcast_in_dim3A_69 : i1 to vector<8x2048xi1>
    %iota3A = tpu.iota {dimensions = array<i32: 0>} : vector<8x2048xi32>
    %slice3A_71 = vector.extract_strided_slice %concatenate3A_66 {offsets = [0, 0], sizes = [1, 2048], strides = [1, 1]} : vector<8x2048xi32> to vector<1x2048xi32>
    %eq3A = vector.broadcast %slice3A_71 : vector<1x2048xi32> to vector<8x2048xi32>
    %eq3A_72 = arith.cmpi eq, %concatenate3A_66, %eq3A : vector<8x2048xi32>
    %slice3A_73 = vector.extract_strided_slice %mul3A_35 {offsets = [0, 0], sizes = [1, 1], strides = [1, 1]} : vector<1x8xf32> to vector<1x1xf32>
    %squeeze3A_74 = vector.extract %slice3A_73[0, 0] : f32 from vector<1x1xf32>
    %jit3A = arith.constant 0.000000e+00 : f32
    %broadcast_in_dim3A_75 = vector.broadcast %squeeze3A_74 : f32 to vector<8x2048xf32>
    %broadcast_in_dim3A_76 = vector.broadcast %jit3A : f32 to vector<8x2048xf32>
    %select_n3A = arith.select %eq3A_72, %broadcast_in_dim3A_75, %broadcast_in_dim3A_76 : vector<8x2048xi1>, vector<8x2048xf32>
    %add3A_77 = arith.addf %broadcast_in_dim3A_68, %select_n3A : vector<8x2048xf32>
    %gt3A = arith.constant 0 : i32
    %gt3A_78 = vector.broadcast %gt3A : i32 to vector<8x2048xi32>
    %gt3A_79 = arith.cmpi sgt, %iota3A, %gt3A_78 : vector<8x2048xi32>
    %and3A = arith.andi %eq3A_72, %gt3A_79 : vector<8x2048xi1>
    %or3A = arith.ori %broadcast_in_dim3A_70, %and3A : vector<8x2048xi1>
    %slice3A_80 = vector.extract_strided_slice %concatenate3A_66 {offsets = [1, 0], sizes = [1, 2048], strides = [1, 1]} : vector<8x2048xi32> to vector<1x2048xi32>
    %eq3A_81 = vector.broadcast %slice3A_80 : vector<1x2048xi32> to vector<8x2048xi32>
    %eq3A_82 = arith.cmpi eq, %concatenate3A_66, %eq3A_81 : vector<8x2048xi32>
    %slice3A_83 = vector.extract_strided_slice %mul3A_35 {offsets = [0, 1], sizes = [1, 1], strides = [1, 1]} : vector<1x8xf32> to vector<1x1xf32>
    %squeeze3A_84 = vector.extract %slice3A_83[0, 0] : f32 from vector<1x1xf32>
    %jit3A_85 = arith.constant 0.000000e+00 : f32
    %broadcast_in_dim3A_86 = vector.broadcast %squeeze3A_84 : f32 to vector<8x2048xf32>
    %broadcast_in_dim3A_87 = vector.broadcast %jit3A_85 : f32 to vector<8x2048xf32>
    %select_n3A_88 = arith.select %eq3A_82, %broadcast_in_dim3A_86, %broadcast_in_dim3A_87 : vector<8x2048xi1>, vector<8x2048xf32>
    %add3A_89 = arith.addf %add3A_77, %select_n3A_88 : vector<8x2048xf32>
    %gt3A_90 = arith.constant 1 : i32
    %gt3A_91 = vector.broadcast %gt3A_90 : i32 to vector<8x2048xi32>
    %gt3A_92 = arith.cmpi sgt, %iota3A, %gt3A_91 : vector<8x2048xi32>
    %and3A_93 = arith.andi %eq3A_82, %gt3A_92 : vector<8x2048xi1>
    %or3A_94 = arith.ori %or3A, %and3A_93 : vector<8x2048xi1>
    %slice3A_95 = vector.extract_strided_slice %concatenate3A_66 {offsets = [2, 0], sizes = [1, 2048], strides = [1, 1]} : vector<8x2048xi32> to vector<1x2048xi32>
    %eq3A_96 = vector.broadcast %slice3A_95 : vector<1x2048xi32> to vector<8x2048xi32>
    %eq3A_97 = arith.cmpi eq, %concatenate3A_66, %eq3A_96 : vector<8x2048xi32>
    %slice3A_98 = vector.extract_strided_slice %mul3A_35 {offsets = [0, 2], sizes = [1, 1], strides = [1, 1]} : vector<1x8xf32> to vector<1x1xf32>
    %squeeze3A_99 = vector.extract %slice3A_98[0, 0] : f32 from vector<1x1xf32>
    %jit3A_100 = arith.constant 0.000000e+00 : f32
    %broadcast_in_dim3A_101 = vector.broadcast %squeeze3A_99 : f32 to vector<8x2048xf32>
    %broadcast_in_dim3A_102 = vector.broadcast %jit3A_100 : f32 to vector<8x2048xf32>
    %select_n3A_103 = arith.select %eq3A_97, %broadcast_in_dim3A_101, %broadcast_in_dim3A_102 : vector<8x2048xi1>, vector<8x2048xf32>
    %add3A_104 = arith.addf %add3A_89, %select_n3A_103 : vector<8x2048xf32>
    %gt3A_105 = arith.constant 2 : i32
    %gt3A_106 = vector.broadcast %gt3A_105 : i32 to vector<8x2048xi32>
    %gt3A_107 = arith.cmpi sgt, %iota3A, %gt3A_106 : vector<8x2048xi32>
    %and3A_108 = arith.andi %eq3A_97, %gt3A_107 : vector<8x2048xi1>
    %or3A_109 = arith.ori %or3A_94, %and3A_108 : vector<8x2048xi1>
    %slice3A_110 = vector.extract_strided_slice %concatenate3A_66 {offsets = [3, 0], sizes = [1, 2048], strides = [1, 1]} : vector<8x2048xi32> to vector<1x2048xi32>
    %eq3A_111 = vector.broadcast %slice3A_110 : vector<1x2048xi32> to vector<8x2048xi32>
    %eq3A_112 = arith.cmpi eq, %concatenate3A_66, %eq3A_111 : vector<8x2048xi32>
    %slice3A_113 = vector.extract_strided_slice %mul3A_35 {offsets = [0, 3], sizes = [1, 1], strides = [1, 1]} : vector<1x8xf32> to vector<1x1xf32>
    %squeeze3A_114 = vector.extract %slice3A_113[0, 0] : f32 from vector<1x1xf32>
    %jit3A_115 = arith.constant 0.000000e+00 : f32
    %broadcast_in_dim3A_116 = vector.broadcast %squeeze3A_114 : f32 to vector<8x2048xf32>
    %broadcast_in_dim3A_117 = vector.broadcast %jit3A_115 : f32 to vector<8x2048xf32>
    %select_n3A_118 = arith.select %eq3A_112, %broadcast_in_dim3A_116, %broadcast_in_dim3A_117 : vector<8x2048xi1>, vector<8x2048xf32>
    %add3A_119 = arith.addf %add3A_104, %select_n3A_118 : vector<8x2048xf32>
    %gt3A_120 = arith.constant 3 : i32
    %gt3A_121 = vector.broadcast %gt3A_120 : i32 to vector<8x2048xi32>
    %gt3A_122 = arith.cmpi sgt, %iota3A, %gt3A_121 : vector<8x2048xi32>
    %and3A_123 = arith.andi %eq3A_112, %gt3A_122 : vector<8x2048xi1>
    %or3A_124 = arith.ori %or3A_109, %and3A_123 : vector<8x2048xi1>
    %slice3A_125 = vector.extract_strided_slice %concatenate3A_66 {offsets = [4, 0], sizes = [1, 2048], strides = [1, 1]} : vector<8x2048xi32> to vector<1x2048xi32>
    %eq3A_126 = vector.broadcast %slice3A_125 : vector<1x2048xi32> to vector<8x2048xi32>
    %eq3A_127 = arith.cmpi eq, %concatenate3A_66, %eq3A_126 : vector<8x2048xi32>
    %slice3A_128 = vector.extract_strided_slice %mul3A_35 {offsets = [0, 4], sizes = [1, 1], strides = [1, 1]} : vector<1x8xf32> to vector<1x1xf32>
    %squeeze3A_129 = vector.extract %slice3A_128[0, 0] : f32 from vector<1x1xf32>
    %jit3A_130 = arith.constant 0.000000e+00 : f32
    %broadcast_in_dim3A_131 = vector.broadcast %squeeze3A_129 : f32 to vector<8x2048xf32>
    %broadcast_in_dim3A_132 = vector.broadcast %jit3A_130 : f32 to vector<8x2048xf32>
    %select_n3A_133 = arith.select %eq3A_127, %broadcast_in_dim3A_131, %broadcast_in_dim3A_132 : vector<8x2048xi1>, vector<8x2048xf32>
    %add3A_134 = arith.addf %add3A_119, %select_n3A_133 : vector<8x2048xf32>
    %gt3A_135 = arith.constant 4 : i32
    %gt3A_136 = vector.broadcast %gt3A_135 : i32 to vector<8x2048xi32>
    %gt3A_137 = arith.cmpi sgt, %iota3A, %gt3A_136 : vector<8x2048xi32>
    %and3A_138 = arith.andi %eq3A_127, %gt3A_137 : vector<8x2048xi1>
    %or3A_139 = arith.ori %or3A_124, %and3A_138 : vector<8x2048xi1>
    %slice3A_140 = vector.extract_strided_slice %concatenate3A_66 {offsets = [5, 0], sizes = [1, 2048], strides = [1, 1]} : vector<8x2048xi32> to vector<1x2048xi32>
    %eq3A_141 = vector.broadcast %slice3A_140 : vector<1x2048xi32> to vector<8x2048xi32>
    %eq3A_142 = arith.cmpi eq, %concatenate3A_66, %eq3A_141 : vector<8x2048xi32>
    %slice3A_143 = vector.extract_strided_slice %mul3A_35 {offsets = [0, 5], sizes = [1, 1], strides = [1, 1]} : vector<1x8xf32> to vector<1x1xf32>
    %squeeze3A_144 = vector.extract %slice3A_143[0, 0] : f32 from vector<1x1xf32>
    %jit3A_145 = arith.constant 0.000000e+00 : f32
    %broadcast_in_dim3A_146 = vector.broadcast %squeeze3A_144 : f32 to vector<8x2048xf32>
    %broadcast_in_dim3A_147 = vector.broadcast %jit3A_145 : f32 to vector<8x2048xf32>
    %select_n3A_148 = arith.select %eq3A_142, %broadcast_in_dim3A_146, %broadcast_in_dim3A_147 : vector<8x2048xi1>, vector<8x2048xf32>
    %add3A_149 = arith.addf %add3A_134, %select_n3A_148 : vector<8x2048xf32>
    %gt3A_150 = arith.constant 5 : i32
    %gt3A_151 = vector.broadcast %gt3A_150 : i32 to vector<8x2048xi32>
    %gt3A_152 = arith.cmpi sgt, %iota3A, %gt3A_151 : vector<8x2048xi32>
    %and3A_153 = arith.andi %eq3A_142, %gt3A_152 : vector<8x2048xi1>
    %or3A_154 = arith.ori %or3A_139, %and3A_153 : vector<8x2048xi1>
    %slice3A_155 = vector.extract_strided_slice %concatenate3A_66 {offsets = [6, 0], sizes = [1, 2048], strides = [1, 1]} : vector<8x2048xi32> to vector<1x2048xi32>
    %eq3A_156 = vector.broadcast %slice3A_155 : vector<1x2048xi32> to vector<8x2048xi32>
    %eq3A_157 = arith.cmpi eq, %concatenate3A_66, %eq3A_156 : vector<8x2048xi32>
    %slice3A_158 = vector.extract_strided_slice %mul3A_35 {offsets = [0, 6], sizes = [1, 1], strides = [1, 1]} : vector<1x8xf32> to vector<1x1xf32>
    %squeeze3A_159 = vector.extract %slice3A_158[0, 0] : f32 from vector<1x1xf32>
    %jit3A_160 = arith.constant 0.000000e+00 : f32
    %broadcast_in_dim3A_161 = vector.broadcast %squeeze3A_159 : f32 to vector<8x2048xf32>
    %broadcast_in_dim3A_162 = vector.broadcast %jit3A_160 : f32 to vector<8x2048xf32>
    %select_n3A_163 = arith.select %eq3A_157, %broadcast_in_dim3A_161, %broadcast_in_dim3A_162 : vector<8x2048xi1>, vector<8x2048xf32>
    %add3A_164 = arith.addf %add3A_149, %select_n3A_163 : vector<8x2048xf32>
    %gt3A_165 = arith.constant 6 : i32
    %gt3A_166 = vector.broadcast %gt3A_165 : i32 to vector<8x2048xi32>
    %gt3A_167 = arith.cmpi sgt, %iota3A, %gt3A_166 : vector<8x2048xi32>
    %and3A_168 = arith.andi %eq3A_157, %gt3A_167 : vector<8x2048xi1>
    %or3A_169 = arith.ori %or3A_154, %and3A_168 : vector<8x2048xi1>
    %slice3A_170 = vector.extract_strided_slice %concatenate3A_66 {offsets = [7, 0], sizes = [1, 2048], strides = [1, 1]} : vector<8x2048xi32> to vector<1x2048xi32>
    %eq3A_171 = vector.broadcast %slice3A_170 : vector<1x2048xi32> to vector<8x2048xi32>
    %eq3A_172 = arith.cmpi eq, %concatenate3A_66, %eq3A_171 : vector<8x2048xi32>
    %slice3A_173 = vector.extract_strided_slice %mul3A_35 {offsets = [0, 7], sizes = [1, 1], strides = [1, 1]} : vector<1x8xf32> to vector<1x1xf32>
    %squeeze3A_174 = vector.extract %slice3A_173[0, 0] : f32 from vector<1x1xf32>
    %jit3A_175 = arith.constant 0.000000e+00 : f32
    %broadcast_in_dim3A_176 = vector.broadcast %squeeze3A_174 : f32 to vector<8x2048xf32>
    %broadcast_in_dim3A_177 = vector.broadcast %jit3A_175 : f32 to vector<8x2048xf32>
    %select_n3A_178 = arith.select %eq3A_172, %broadcast_in_dim3A_176, %broadcast_in_dim3A_177 : vector<8x2048xi1>, vector<8x2048xf32>
    %add3A_179 = arith.addf %add3A_164, %select_n3A_178 : vector<8x2048xf32>
    %ge3A = arith.constant 0 : i32
    %ge3A_180 = vector.broadcast %ge3A : i32 to vector<8x2048xi32>
    %ge3A_181 = arith.cmpi sge, %concatenate3A_66, %ge3A_180 : vector<8x2048xi32>
    %not3A = arith.constant dense<true> : vector<8x2048xi1>
    %not3A_182 = arith.xori %or3A_169, %not3A : vector<8x2048xi1>
    %and3A_183 = arith.andi %ge3A_181, %not3A_182 : vector<8x2048xi1>
    %add3A_184 = arith.constant 32000 : i32
    %add3A_185 = vector.broadcast %add3A_184 : i32 to vector<8x2048xi32>
    %add3A_186 = arith.addi %add3A_185, %iota3A : vector<8x2048xi32>
    %select_n3A_187 = arith.select %and3A_183, %concatenate3A_66, %add3A_186 : vector<8x2048xi1>, vector<8x2048xi32>
    %jit3A_188 = arith.constant 0.000000e+00 : f32
    %broadcast_in_dim3A_189 = vector.broadcast %jit3A_188 : f32 to vector<8x2048xf32>
    %select_n3A_190 = arith.select %and3A_183, %add3A_179, %broadcast_in_dim3A_189 : vector<8x2048xi1>, vector<8x2048xf32>
    %iota3A_191 = tpu.iota {dimensions = array<i32: 0>} : vector<8x2048xi32>
    %add3A_192 = arith.constant 32008 : i32
    %add3A_193 = vector.broadcast %add3A_192 : i32 to vector<8x2048xi32>
    %add3A_194 = arith.addi %add3A_193, %iota3A_191 : vector<8x2048xi32>
    %concatenate3A_195 = tpu.concatenate %select_n3A_187, %add3A_194 in 0 : vector<8x2048xi32>, vector<8x2048xi32> -> vector<16x2048xi32>
    %swap3A_196 = arith.constant 0 : index
    %swap3A_197 = arith.constant 0 : index
    %swap3A_198 = vector.load %arg6[%swap3A_196, %swap3A_197] : memref<16x2048xi32, #tpu.memory_space<vmem>>, vector<16x2048xi32>
    tpu.vector_store %arg6[%swap3A_196, %swap3A_197], %concatenate3A_195 {strides = array<i32>} : memref<16x2048xi32, #tpu.memory_space<vmem>>, vector<16x2048xi32>,
    %broadcast_in_dim3A_199 = arith.constant 0.000000e+00 : f32
    %broadcast_in_dim3A_200 = vector.broadcast %broadcast_in_dim3A_199 : f32 to vector<8x2048xf32>
    %concatenate3A_201 = tpu.concatenate %select_n3A_190, %broadcast_in_dim3A_200 in 0 : vector<8x2048xf32>, vector<8x2048xf32> -> vector<16x2048xf32>
    %swap3A_202 = arith.constant 0 : index
    %swap3A_203 = arith.constant 0 : index
    %swap3A_204 = vector.load %arg7[%swap3A_202, %swap3A_203] : memref<16x2048xf32, #tpu.memory_space<vmem>>, vector<16x2048xf32>
    tpu.vector_store %arg7[%swap3A_202, %swap3A_203], %concatenate3A_201 {strides = array<i32>} : memref<16x2048xf32, #tpu.memory_space<vmem>>, vector<16x2048xf32>,
    return
  }
}

</mosaic_0001>

<sc_bundles>
// kernel: kernel.4.cloned.1.call-start
scs
__scs_entry_jumppad:
0x0: {  	(pc) =	sbr.rel $0x88, $3  }
0x1: {  	(tag) =	ssettag $0x0;
	lr =	simm.s32 $0x1  }
0x2: {  	[smem:$0x3F9B] =	sst lr;
	_ =	strace $0xD0000000  }
0x3: {  	_ = 	snop  }
0x4: {  	_ = 	snop  }
0x5: {  	_ = 	snop  }
0x6: {  	_ = 	snop  }
0x7: {  	_ = 	snop  }
__scs_overlays_trampoline_lowered:
0x8: {  	[smem:$0x3FAA] =	sst s0  }
0x9: {  	[smem:$0x3FAB] =	sst s1  }
0xa: {  	[smem:$0x3FAC] =	sst s2  }
0xb: {  	[smem:$0x3FAD] =	sst s3  }
0xc: {  	[smem:$0x3FAE] =	sst s4  }
0xd: {  	[smem:$0x3FAF] =	sst s5  }
0xe: {  	[smem:$0x3FB0] =	sst s6  }
0xf: {  	[smem:$0x3FB1] =	sst s7  }
0x10: {  	[smem:$0x3FB2] =	sst s8  }
0x11: {  	[smem:$0x3FB3] =	sst s9;
	s0 =	simm.s32 @!p0 $0x0  }
0x12: {  	s1 =	sld [smem:$0x3F99];
	s0 =	simm.s32 @p0 $0x1  }
0x13: {  	[smem:$0x3FB4] =	sst s0;
	s0 =	simm.s32 @!p1 $0x0  }
0x14: {  	s2 =	sld [smem:$0x3F98];
	s0 =	simm.s32 @p1 $0x1  }
0x15: {  	[smem:$0x3FB5] =	sst s0;
	s0 =	simm.s32 @!p2 $0x0  }
0x16: {  	s3 =	sld [smem:$0x3FDB];
	s0 =	simm.s32 @p2 $0x1  }
0x17: {  	s4 =	simm.s32 $0x1BF5;
	[smem:$0x3FB7] =	sst s0  }
0x18: {  	s0 =	sld [smem:$0x3F9A];
	_ =	swait.ge [sflag:s4], $0x0  }
0x19: {  	s7 =	sld [smem:$0x3F9B]  }
0x1a: {  	s8 =	sadd.s32 $0xFFFFE003, lr  }
0x1b: {  	s9 =	sadd.s32 $0xFFFFFEF7, lr;
	s5 =	simm.s32 $0xFFFFFFFF;
	p2 =	slt.u32 s8, $0xFFFFF086  }
0x1c: {  	p1 =	slt.u32 s9, $0xF7A;
	s5 =	simm.s32 @!p2 $0x0  }
0x1d: {  	s5 =	simm.s32 @p1 $0x1;
	p0 =	seq.s32 s7, s2  }
0x1e: {  	s7 =	smul.u32 @!p0 $0xF7A, s2;
	p2 =	seq.s32 @!p0 s5, $0x0  }
0x1f: {  	s9 =	smul.u32 $0xF7A, s1;
	s8 =	simm.s32 @!p0 $0x1BF5;
	p2 =	por !p2, p0  }
0x20: {  	[sflag:s8] =	ssyncset.s32 @!p0 $0xFFFFF086;
	s6 =	sadd.s32 @!p0 s3, s7;
	s7 =	simm.s32 @!p0 $0x108  }
0x21: {  	s3 =	sadd.s32 s3, s9;
	s6 =	sadd.s32 @!p0 $0x88, s6;
	s7 =	simm.s32 @p2 $0x1082  }
0x22: {  	[simem:s7], [sflag:s8] =	dma.local @!p0 [hbm:s6], $0xF7A  }
0x23: {  	s9 =	sor.u32 $0xD0000000, s2;
	s6 =	simm.s32 $0x108;
	_ =	swait.ge @!p0 [sflag:s8], $0x0  }
0x24: {  	s3 =	sadd.s32 $0x88, s3;
	s6 =	simm.s32 @!p1 $0x1082;
	[sflag:s4] =	ssyncset.s32 $0xFFFFF086  }
0x25: {  	[simem:s6], [sflag:s4] =	dma.local [hbm:s3], $0xF7A  }
0x26: {  	[smem:$0x3F9B] =	sst s1;
	(tag) =	ssettag s2;
	_ =	strace s9  }
0x27: {  	s1 =	sld [smem:$0x3FAB]  }
0x28: {  	s2 =	sld [smem:$0x3FAC]  }
0x29: {  	s4 =	sld [smem:$0x3FAE]  }
0x2a: {  	p0 =	seq.s32 s5, $0x0;
	s5 =	sld [smem:$0x3FAF]  }
0x2b: {  	s6 =	sld [smem:$0x3FB0]  }
0x2c: {  	s7 =	sld [smem:$0x3FB1]  }
0x2d: {  	s3 =	simm.s32 $0x108;
	s8 =	sld [smem:$0x3FB2]  }
0x2e: {  	s3 =	simm.s32 @!p0 $0x1082;
	s9 =	sld [smem:$0x3FB3]  }
0x2f: {  	lr =	sadd.s32 s0, s3;
	s0 =	sld [smem:$0x3FAA]  }
0x30: {  	s3 =	sld [smem:$0x3FAD]  }
0x31: {  	[smem:$0x3FB6] =	sst s10  }
0x32: {  	s10 =	sld [smem:$0x3FB4];
	_ =	sdelay $0x3  }
0x33: {  	p0 =	seq.s32 s10, $0x1;
	s10 =	sld [smem:$0x3FB6];
	_ =	sdelay $0x3  }
0x34: {  	[smem:$0x3FB6] =	sst s10  }
0x35: {  	s10 =	sld [smem:$0x3FB5];
	_ =	sdelay $0x3  }
0x36: {  	p1 =	seq.s32 s10, $0x1;
	s10 =	sld [smem:$0x3FB6];
	_ =	sdelay $0x3  }
0x37: {  	[smem:$0x3FB6] =	sst s10  }
0x38: {  	s10 =	sld [smem:$0x3FB7]  }
0x39: {  	_ = 	snop;
	(pc) =	sbr.ind lr, $3  }
0x3a: {  	_ = 	snop  }
0x3b: {  	_ = 	snop  }
0x3c: {  	p2 =	seq.s32 s10, $0x1;
	s10 =	sld [smem:$0x3FB6]  }
0x3d: {  	_ =	shalt  }
0x3e: {  	_ =	shalt  }
0x3f: {  	_ =	shalt  }
0x40: {  	_ =	shalt  }
0x41: {  	_ =	shalt  }
0x42: {  	_ =	shalt  }
0x43: {  	_ =	shalt  }
0x44: {  	_ =	shalt  }
0x45: {  	_ =	shalt  }
0x46: {  	_ =	shalt  }
0x47: {  	_ =	shalt  }
0x48: {  	_ =	shalt  }
0x49: {  	_ =	shalt  }
0x4a: {  	_ =	shalt  }
0x4b: {  	_ =	shalt  }
0x4c: {  	_ =	shalt  }
0x4d: {  	_ =	shalt  }
0x4e: {  	_ =	shalt  }
0x4f: {  	_ =	shalt  }
0x50: {  	_ =	shalt  }
0x51: {  	_ =	shalt  }
0x52: {  	_ =	shalt  }
0x53: {  	_ =	shalt  }
0x54: {  	_ =	shalt  }
0x55: {  	_ =	shalt  }
0x56: {  	_ =	shalt  }
0x57: {  	_ =	shalt  }
0x58: {  	_ =	shalt  }
0x59: {  	_ =	shalt  }
0x5a: {  	_ =	shalt  }
0x5b: {  	_ =	shalt  }
0x5c: {  	_ =	shalt  }
0x5d: {  	_ =	shalt  }
0x5e: {  	_ =	shalt  }
0x5f: {  	_ =	shalt  }
0x60: {  	_ =	shalt  }
0x61: {  	_ =	shalt  }
0x62: {  	_ =	shalt  }
0x63: {  	_ =	shalt  }
0x64: {  	_ =	shalt  }
0x65: {  	_ =	shalt  }
0x66: {  	_ =	shalt  }
0x67: {  	_ =	shalt  }
0x68: {  	_ =	shalt  }
0x69: {  	_ =	shalt  }
0x6a: {  	_ =	shalt  }
0x6b: {  	_ =	shalt  }
0x6c: {  	_ =	shalt  }
0x6d: {  	_ =	shalt  }
0x6e: {  	_ =	shalt  }
0x6f: {  	_ =	shalt  }
0x70: {  	_ =	shalt  }
0x71: {  	_ =	shalt  }
0x72: {  	_ =	shalt  }
0x73: {  	_ =	shalt  }
0x74: {  	_ =	shalt  }
0x75: {  	_ =	shalt  }
0x76: {  	_ =	shalt  }
0x77: {  	_ =	shalt  }
0x78: {  	_ =	shalt  }
0x79: {  	_ =	shalt  }
0x7a: {  	_ =	shalt  }
0x7b: {  	_ =	shalt  }
0x7c: {  	_ =	shalt  }
0x7d: {  	_ =	shalt  }
0x7e: {  	_ =	shalt  }
0x7f: {  	_ =	shalt  }
0x80: {  	_ =	shalt  }
0x81: {  	_ =	shalt  }
0x82: {  	_ =	shalt  }
0x83: {  	_ =	shalt  }
0x84: {  	_ =	shalt  }
0x85: {  	_ =	shalt  }
0x86: {  	_ =	shalt  }
0x87: {  	_ =	shalt  }
.Lfunc_end0:
.L_simem_size_0:
called_computation_lowered:
.L_overlay_start_0:
0x88: {  	s2 =	sld [smem:$0x3FD9]  }
0x89: {  	s3 =	sld [smem:$0x3FFE];
	_ =	sdelay $0x1  }
0x8a: {  	s1 =	srdreg.scid  }
0x8b: {  	s0 =	sand.u32 $0x1, s1  }
0x8c: {  	s17 =	sshll.u32 s0, $0xA;
	s2 =	sadd.s32 s3, s2  }
0x8d: {  	s2 =	sadd.s32 s2, s17  }
0x8e: {  	[smem:$0x3FC2] =	sst s2  }
0x8f: {  	_ = 	snop  }
0x90: {  	s2 =	sld [smem:$0x3FD0];
	(tm) =	ssettm $0x1  }
0x91: {  	s18 =	sld [smem:$0x3FFB];
	_ =	sdelay $0x3  }
0x92: {  	_ =	strace s18  }
0x93: {  	s3 =	sld [smem:$0x3FFC];
	_ =	sdelay $0x3  }
0x94: {  	_ =	strace s3  }
0x95: {  	s3 =	sld [smem:$0x3FFD];
	_ =	sdelay $0x3  }
0x96: {  	_ =	strace s3  }
0x97: {  	_ =	strace $0x8FFFFFFF  }
0x98: {  	s19 =	sld [smem:$0x3FDB];
	_ =	sdelay $0x1  }
0x99: {  	s4 =	simm.s32 $_scs_section_size  }
0x9a: {  	s5 =	simm.s32 $_size__tile_overlayer_lowered;
	s6 =	simm.s32 $_tile_overlayer_lowered  }
0x9b: {  	s22 =	simm.s32 $0x1BFF;
	s21 =	sshll.u32 s6, $0x1;
	s3 =	sadd.s32 s4, s19  }
0x9c: {  	s7 =	simm.s32 $0x0;
	s20 =	sshll.u32 s5, $0x1;
	s5 =	sadd.s32 s21, s3  }
0x9d: {  	[timem:s7], [sflag:s22] =	dma.local [hbm:s5], s20  }
0x9e: {  	_ =	swait.ge [sflag:s22], s20  }
0x9f: {  	s4 =	ssub.s32 $0x0, s20;
	[sflag:s22] =	ssyncset.done $0x0  }
0xa0: {  	[sflag:s22] =	ssyncadd.s32 s4;
	_ =	sdelay $0x1  }
0xa1: {  	s23 =	simm.s32 $0x1B8B  }
0xa2: {  	_ =	swait.ge [sflag:s23], $0x1  }
0xa3: {  	[sflag:s23] =	ssyncset.done $0x0  }
0xa4: {  	s25 =	simm.s32 $0x1B8E;
	s24 =	sld [smem:$0x3FFE];
	[sflag:s23] =	ssyncadd.s32 $0xFFFFFFFF  }
0xa5: {  	s26 =	simm.s32 $execute0_lowered;
	[smem:$0x3FD2] =	sst s25  }
0xa6: {  	s5 =	sshll.u32 s26, $0x1;
	_ =	strace $0x80000046;
	[dreg:$0x1] =	wrdreg $0xFFFFFFFF  }
0xa7: {  	s28 =	simm.s32 $_size_execute0_lowered;
	s3 =	sadd.s32 s3, s5;
	[dreg:$0x0] =	wrdreg $0x0  }
0xa8: {  	s5 =	sshll.u32 s28, $0x1;
	[dreg:$0x2] =	wrdreg s3  }
0xa9: {  	[dreg:$0x3] =	wrdreg s5  }
0xaa: {  	[dreg:$0x4] =	wrdreg $0xC0  }
0xab: {  	_ =	task [dreg:s7], $0x5FFFF  }
0xac: {  	[dreg:$0x1] =	wrdreg $0xFFFFFFFF  }
0xad: {  	[dreg:$0x0] =	wrdreg $0x60  }
0xae: {  	[dreg:$0x2] =	wrdreg s24  }
0xaf: {  	[dreg:$0x3] =	wrdreg s2  }
0xb0: {  	[dreg:$0x4] =	wrdreg $0x9  }
0xb1: {  	_ =	task.clear_ibuf [dreg:s7], $0x5FFFF;
	_ =	strace $0x90000046  }
0xb2: {  	s29 =	simm.s32 $0x9;
	_ =	strace $0x80000048  }
0xb3: {  	_ =	swait.ge [sflag:s29], $0x1  }
0xb4: {  	[sflag:s29] =	ssyncadd.s32 $0xFFFFFFFF  }
0xb5: {  	_ =	strace $0x90000048  }
0xb6: {  	_ =	sfence  }
0xb7: {  	s30 =	sld [smem:$0x0];
	_ =	sdelay $0x2  }
0xb8: {  	s31 =	sshll.u32 s1, $0xD;
	s1 =	sshrl.u32 s1, $0x2  }
0xb9: {  	s3 =	sand.u32 $0x4000, s31;
	s1 =	sadd.s32 s1, s30  }
0xba: {  	s0 =	sor.u32 s3, s0;
	s1 =	sshll.u32 s1, $0x11  }
0xbb: {  	s0 =	sor.u32 s1, s0  }
0xbc: {  	s0 =	sadd.s32 $0x8F2B, s0  }
0xbd: {  	[sflag:s0] =	ssyncadd.remote.s32 $0x1  }
0xbe: {  	_ =	sfence.sel $0xFFFF  }
0xbf: {  	[dreg:$0x0] =	wrdreg $0xFFFFFFFF;
	(pc) =	sbr.abs _section_cstart, $3  }
0xc0: {  	[dreg:$0x1] =	wrdreg $0xFFFFFFFF  }
0xc1: {  	_ =	task.clear_ibuf [dreg:s7], $0x2FFFF;
	_ =	strace $0x9FFFFFFF  }
0xc2: {  	(tm) =	ssettm $0x7FFFFFFF  }
0xc3: {  	_ =	shalt  }
tec
execute0_lowered:
.L_overlay_start_1:
0x0: {  	(tag) =	ssettag $0x1  }
0x1: {  	s0 =	srdreg.scid;
	v0 =	vlaneseq.u32  }
0x2: {  	s1 =	sand.u32 $0x1, s0;
	v61 =	vmul.u32 $0x80, v0  }
0x3: {  	s0 =	sshll.u32 s1, $0x6  }
0x4: {  	v0 =	vor.u32 s0, v61  }
0x5: {  	v1 =	vor.u32 $0x1, v61;
	v2 =	vor.u32 $0x2, v61;
	v3 =	vor.u32 $0x3, v61  }
0x6: {  	s7 =	stileid.u32;
	v4 =	vor.u32 $0x4, v61;
	v5 =	vor.u32 $0x5, v61;
	v6 =	vor.u32 $0x6, v61  }
0x7: {  	s2 =	sshll.u32 s7, $0x1;
	v7 =	vor.u32 $0x7, v61;
	v8 =	vor.u32 $0x8, v61;
	v9 =	vor.u32 $0x9, v61  }
0x8: {  	s3 =	sor.u32 s1, s2;
	v10 =	vor.u32 $0xA, v61;
	v11 =	vor.u32 $0xB, v61;
	v12 =	vor.u32 $0xC, v61  }
0x9: {  	s4 =	rddreg [dreg:$0x0];
	v13 =	vor.u32 $0xD, v61;
	v14 =	vor.u32 $0xE, v61;
	v15 =	vor.u32 $0xF, v61;
	s9 =	smul.u32 $0x1F4000, s3  }
0xa: {  	s6 =	rddreg [dreg:$0x1];
	v16 =	vor.u32 $0x10, v61;
	v17 =	vor.u32 $0x11, v61;
	v18 =	vor.u32 $0x12, v61  }
0xb: {  	s2 =	simm.s32 $0x0;
	v19 =	vor.u32 $0x13, v61;
	v20 =	vor.u32 $0x14, v61;
	v21 =	vor.u32 $0x15, v61;
	p0 =	seq.s32 s3, $0x0;
	s21 =	sshrl.u32 s9, $0x3  }
0xc: {  	v22 =	vor.u32 $0x16, v61;
	v23 =	vor.u32 $0x17, v61;
	v24 =	vor.u32 $0x18, v61;
	s18 =	sshll.u32 s3, $0xA;
	s20 =	smul.u32 $0x3E800, s3;
	s3 =	sadd.s32 s6, s21  }
0xd: {  	v25 =	vor.u32 $0x19, v61;
	v26 =	vor.u32 $0x1A, v61;
	v27 =	vor.u32 $0x1B, v61;
	[smem:$0x7FF] =	sst s2;
	[tilespmem:$0x1FFC0] =	vst v0;
	s23 =	sadd.s32 $0x7D00, s3  }
0xe: {  	v28 =	vor.u32 $0x1C, v61;
	v29 =	vor.u32 $0x1D, v61;
	v30 =	vor.u32 $0x1E, v61;
	_ =	strace $0x80000047;
	s24 =	sadd.s32 $0x7D10, s3;
	[dreg:$0x6] =	wrdreg s23  }
0xf: {  	v31 =	vor.u32 $0x1F, v61;
	v32 =	vor.u32 $0x20, v61;
	v33 =	vor.u32 $0x21, v61;
	s25 =	sadd.s32 $0x7D20, s3;
	[dreg:$0x7] =	wrdreg s24  }
0x10: {  	v34 =	vor.u32 $0x22, v61;
	v35 =	vor.u32 $0x23, v61;
	v36 =	vor.u32 $0x24, v61;
	s26 =	sadd.s32 $0x7D30, s3;
	[dreg:$0x8] =	wrdreg s25  }
0x11: {  	v37 =	vor.u32 $0x25, v61;
	v38 =	vor.u32 $0x26, v61;
	v39 =	vor.u32 $0x27, v61;
	s28 =	sadd.s32 $0x7D40, s3;
	[dreg:$0x9] =	wrdreg s26  }
0x12: {  	v40 =	vor.u32 $0x28, v61;
	v41 =	vor.u32 $0x29, v61;
	v42 =	vor.u32 $0x2A, v61;
	s9 =	sadd.s32 $0xFA00, s3;
	[dreg:$0xa] =	wrdreg s28  }
0x13: {  	v43 =	vor.u32 $0x2B, v61;
	v44 =	vor.u32 $0x2C, v61;
	v45 =	vor.u32 $0x2D, v61;
	s10 =	sadd.s32 $0xFA10, s3;
	[dreg:$0xe] =	wrdreg s9  }
0x14: {  	v46 =	vor.u32 $0x2E, v61;
	v47 =	vor.u32 $0x2F, v61;
	v48 =	vor.u32 $0x30, v61;
	s11 =	sadd.s32 $0xFA20, s3;
	[dreg:$0xf] =	wrdreg s10  }
0x15: {  	s5 =	simm.s32 $0x1;
	v49 =	vor.u32 $0x31, v61;
	v50 =	vor.u32 $0x32, v61;
	v51 =	vor.u32 $0x33, v61;
	s12 =	sadd.s32 $0xFA30, s3;
	[dreg:$0x10] =	wrdreg s11  }
0x16: {  	p1 =	seq.s32 s1, $0x1;
	v52 =	vor.u32 $0x34, v61;
	v53 =	vor.u32 $0x35, v61;
	v54 =	vor.u32 $0x36, v61;
	s13 =	sadd.s32 $0xFA40, s3;
	[dreg:$0x11] =	wrdreg s12  }
0x17: {  	v55 =	vor.u32 $0x37, v61;
	v56 =	vor.u32 $0x38, v61;
	v57 =	vor.u32 $0x39, v61;
	p0 =	por !p0, !p1;
	s14 =	sadd.s32 $0xFA50, s3;
	[dreg:$0x12] =	wrdreg s13  }
0x18: {  	v58 =	vor.u32 $0x3A, v61;
	v59 =	vor.u32 $0x3B, v61;
	v60 =	vor.u32 $0x3C, v61;
	p0 =	por !p0, !p0;
	s15 =	sadd.s32 $0xFA60, s3;
	[dreg:$0x13] =	wrdreg s14  }
0x19: {  	v62 =	vor.u32 $0x3D, v61;
	v1 =	vor.u32 s0, v1;
	v2 =	vor.u32 s0, v2;
	s5 =	simm.s32 @!p0 $0x0;
	s16 =	sadd.s32 $0xFA70, s3;
	[dreg:$0x14] =	wrdreg s15  }
0x1a: {  	v3 =	vor.u32 s0, v3;
	v4 =	vor.u32 s0, v4;
	v5 =	vor.u32 s0, v5;
	s5 =	ssub.s32 s7, s5;
	s17 =	sadd.s32 $0x17700, s3;
	[dreg:$0x15] =	wrdreg s16  }
0x1b: {  	v6 =	vor.u32 s0, v6;
	v7 =	vor.u32 s0, v7;
	v8 =	vor.u32 s0, v8;
	s7 =	sadd.s32 s18, s4;
	s18 =	sadd.s32 $0x17710, s3;
	[dreg:$0x16] =	wrdreg s17  }
0x1c: {  	v9 =	vor.u32 s0, v9;
	v10 =	vor.u32 s0, v10;
	v11 =	vor.u32 s0, v11;
	s6 =	sadd.s32 s6, s20;
	s20 =	sadd.s32 $0x17730, s3;
	[dreg:$0x17] =	wrdreg s18  }
0x1d: {  	v12 =	vor.u32 s0, v12;
	v13 =	vor.u32 s0, v13;
	v14 =	vor.u32 s0, v14;
	s21 =	sadd.s32 $0x17740, s3;
	[dreg:$0x19] =	wrdreg s20  }
0x1e: {  	v15 =	vor.u32 s0, v15;
	v16 =	vor.u32 s0, v16;
	v17 =	vor.u32 s0, v17;
	s22 =	sadd.s32 $0x1200, s7;
	[dreg:$0x1a] =	wrdreg s21  }
0x1f: {  	v18 =	vor.u32 s0, v18;
	v19 =	vor.u32 s0, v19;
	v20 =	vor.u32 s0, v20;
	s7 =	sadd.s32 $0x7D60, s3;
	[dreg:$0x5] =	wrdreg s22  }
0x20: {  	v21 =	vor.u32 s0, v21;
	v22 =	vor.u32 s0, v22;
	v23 =	vor.u32 s0, v23;
	s23 =	sadd.s32 $0x17760, s3;
	[dreg:$0xc] =	wrdreg s7  }
0x21: {  	v24 =	vor.u32 s0, v24;
	v25 =	vor.u32 s0, v25;
	v26 =	vor.u32 s0, v26;
	s24 =	sadd.s32 $0x17770, s3;
	[dreg:$0x1c] =	wrdreg s23  }
0x22: {  	v27 =	vor.u32 s0, v27;
	v28 =	vor.u32 s0, v28;
	v29 =	vor.u32 s0, v29;
	s25 =	sadd.s32 $0x1F400, s3;
	[dreg:$0x1d] =	wrdreg s24  }
0x23: {  	v30 =	vor.u32 s0, v30;
	v31 =	vor.u32 s0, v31;
	v32 =	vor.u32 s0, v32;
	s26 =	sadd.s32 $0x1F410, s3;
	[dreg:$0x1e] =	wrdreg s25  }
0x24: {  	v33 =	vor.u32 s0, v33;
	v34 =	vor.u32 s0, v34;
	v35 =	vor.u32 s0, v35;
	s28 =	sadd.s32 $0x1F420, s3;
	[dreg:$0x1f] =	wrdreg s26  }
0x25: {  	v36 =	vor.u32 s0, v36;
	v37 =	vor.u32 s0, v37;
	v38 =	vor.u32 s0, v38;
	s9 =	sadd.s32 $0x1F470, s3;
	[smem:$0x7E6] =	sst s28  }
0x26: {  	v39 =	vor.u32 s0, v39;
	v40 =	vor.u32 s0, v40;
	v41 =	vor.u32 s0, v41;
	s10 =	sadd.s32 $0x27100, s3;
	[smem:$0x7EB] =	sst s9  }
0x27: {  	v42 =	vor.u32 s0, v42;
	v43 =	vor.u32 s0, v43;
	v44 =	vor.u32 s0, v44;
	s11 =	sadd.s32 $0x27110, s3;
	[smem:$0x7EC] =	sst s10  }
0x28: {  	v45 =	vor.u32 s0, v45;
	v46 =	vor.u32 s0, v46;
	v47 =	vor.u32 s0, v47;
	s12 =	sadd.s32 $0x27120, s3;
	[smem:$0x7ED] =	sst s11  }
0x29: {  	s1 =	ssub.s32 $0x2, s1;
	v48 =	vor.u32 s0, v48;
	v49 =	vor.u32 s0, v49;
	v50 =	vor.u32 s0, v50;
	s13 =	sadd.s32 $0x27130, s3;
	[smem:$0x7EE] =	sst s12  }
0x2a: {  	s8 =	sshrl.u32 s1, $0x1;
	v51 =	vor.u32 s0, v51;
	v52 =	vor.u32 s0, v52;
	v53 =	vor.u32 s0, v53;
	s14 =	sadd.s32 $0x27140, s3;
	[smem:$0x7EF] =	sst s13  }
0x2b: {  	v54 =	vor.u32 s0, v54;
	v55 =	vor.u32 s0, v55;
	v56 =	vor.u32 s0, v56;
	s29 =	sadd.s32 $0x36B20, s3;
	s15 =	sadd.s32 $0x27150, s3;
	[smem:$0x7F0] =	sst s14  }
0x2c: {  	v57 =	vor.u32 s0, v57;
	v0 =	vor.u32 s0, v62;
	v62 =	vor.u32 $0x3E, v61;
	s30 =	sadd.s32 $0x36B30, s3;
	s16 =	sadd.s32 $0x27160, s3;
	[smem:$0x7F1] =	sst s15  }
0x2d: {  	v58 =	vor.u32 s0, v58;
	v61 =	vor.u32 $0x3F, v61;
	[tilespmem:$0x1FFD0] =	vst v0;
	v0 =	vor.u32 s0, v62;
	s31 =	sadd.s32 $0x36B40, s3;
	s17 =	sadd.s32 $0x27170, s3;
	[smem:$0x7F2] =	sst s16  }
0x2e: {  	v59 =	vor.u32 s0, v59;
	v60 =	vor.u32 s0, v60;
	[tilespmem:$0x1FFE0] =	vst v0;
	v0 =	vor.u32 s0, v61;
	s0 =	sadd.s32 $0x36B60, s3;
	s18 =	sadd.s32 $0x2EE00, s3;
	[smem:$0x7F3] =	sst s17  }
0x2f: {  	s5 =	sshll.u32 s5, $0x7;
	s20 =	sadd.s32 $0x2EE20, s3;
	[smem:$0x7F4] =	sst s18  }
0x30: {  	s21 =	sadd.s32 $0x2EE30, s3;
	s5 =	sand.u32 $0x1FFFFF80, s5;
	[smem:$0x7F6] =	sst s20  }
0x31: {  	s22 =	sadd.s32 $0x17750, s3;
	s7 =	sadd.s32 $0x1F450, s3;
	[smem:$0x7F7] =	sst s21  }
0x32: {  	s23 =	sadd.s32 $0x2EE50, s3;
	s24 =	sadd.s32 $0x2EE60, s3;
	s25 =	sadd.s32 $0x2EE70, s3  }
0x33: {  	s26 =	sadd.s32 $0x36B00, s3;
	s28 =	sadd.s32 $0x36B10, s3;
	s9 =	sadd.s32 $0x30, s6  }
0x34: {  	s10 =	sadd.s32 $0x40, s6;
	s11 =	sadd.s32 $0x50, s6;
	[dreg:$0x1b] =	wrdreg s22  }
0x35: {  	s12 =	sadd.s32 $0x60, s6;
	s13 =	sadd.s32 $0x70, s6;
	[smem:$0x7E9] =	sst s7  }
0x36: {  	s14 =	simm.s32 $0x400;
	s15 =	simm.s32 $0x4000;
	[smem:$0x7F9] =	sst s23  }
0x37: {  	s16 =	simm.s32 $0x800;
	s17 =	simm.s32 $0x1000;
	[smem:$0x7FA] =	sst s24  }
0x38: {  	s18 =	simm.s32 $0x4;
	s20 =	simm.s32 $0x80;
	[smem:$0x7FB] =	sst s25  }
0x39: {  	s21 =	simm.s32 $0xAD80;
	s5 =	sadd.s32 s5, s4;
	[smem:$0x7FC] =	sst s26  }
0x3a: {  	s4 =	ssub.s32 s1, s8;
	s8 =	sadd.s32 $0x7D70, s3;
	[smem:$0x7FD] =	sst s28  }
0x3b: {  	s1 =	sadd.s32 $0x1F430, s3;
	s22 =	sadd.s32 $0x2EE40, s3;
	[dreg:$0xd] =	wrdreg s8  }
0x3c: {  	s7 =	sadd.s32 $0x10, s6;
	s23 =	simm.s32 $0x2;
	[smem:$0x7E7] =	sst s1  }
0x3d: {  	s24 =	simm.s32 $0x3;
	s19 =	sadd.s32 $0x9200, s5;
	[smem:$0x7F8] =	sst s22  }
0x3e: {  	s25 =	simm.s32 $0x0;
	s5 =	sadd.s32 $0xA200, s5;
	[dreg:$0x3] =	wrdreg s19  }
0x3f: {  	s8 =	sadd.s32 $0x1F460, s3;
	s1 =	sadd.s32 $0x36B50, s3;
	[dreg:$0x4] =	wrdreg s5  }
0x40: {  	s4 =	smax.u32 s4, $0x1;
	s5 =	sadd.s32 $0x7D50, s3;
	[smem:$0x7EA] =	sst s8  }
0x41: {  	s22 =	simm.s32 $0x12B00;
	s19 =	sadd.s32 $0x17720, s3;
	[dreg:$0xb] =	wrdreg s5  }
0x42: {  	s8 =	sadd.s32 $0x20, s6;
	[dreg:$0x18] =	wrdreg s19;
	s5 =	sadd.s32 $0x1F440, s3  }
0x43: {  	s19 =	sadd.s32 $0x2EE10, s3;
	s3 =	sadd.s32 $0x36B70, s3;
	[smem:$0x7E8] =	sst s5  }
0x44: {  	v61 =	vimm.f32 $0.0e+00;
	[tilespmem:$0x1FFF0] =	vst v0;
	[smem:$0x7F5] =	sst s19;
	s5 =	simm.s32 $0x1;
	s19 =	simm.s32 $0x3000  }
.LBB2_1:
0x45: {  	s26 =	rddreg [dreg:$0x3]  }
0x46: {  	[tilespmem:s2], [sflag:$0x4] =	stream.strided.gather [hbm4b:s26+s14], $0x800, s15, s14, $0x38;
	[tilespmem:$0x1A880] =	vst v63  }
0x47: {  	s26 =	rddreg [dreg:$0x4]  }
0x48: {  	[tilespmem:s16], [sflag:$0x4] =	stream.strided.gather [hbm4b:s26+s14], $0x800, s15, s14, $0x38;
	[tilespmem:$0x1A880] =	vst v63  }
0x49: {  	s26 =	rddreg [dreg:$0x5]  }
0x4a: {  	[tilespmem:s17], [sflag:$0x4] =	stream.linear.gather [hbm4b:s26+s2], $0x2000, $0x38;
	[tilespmem:$0x1A880] =	vst v63  }
0x4b: {  	s28 =	simm.s32 $0x200;
	s26 =	simm.s32 $0x0  }
.LBB2_2:
0x4c: {  	p0 =	sne.s32 s28, $0x1F200;
	[tilespmem:s26+$0x3070] =	vst v61  }
0x4d: {  	[tilespmem:s26+$0x3000] =	vst v61  }
0x4e: {  	[tilespmem:s26+$0x3010] =	vst v61  }
.Ltmp0:
0x4f: {  	[tilespmem:s26+$0x3020] =	vst v61;
	(pc) =	sbr.rel @p0 .LBB2_2-.Ltmp0, $4  }
0x50: {  	[tilespmem:s26+$0x3030] =	vst v61  }
0x51: {  	[tilespmem:s26+$0x3040] =	vst v61  }
0x52: {  	[tilespmem:s26+$0x3050] =	vst v61  }
0x53: {  	[tilespmem:s26+$0x3060] =	vst v61;
	s26 =	sshra.s32 s28, $0x2;
	s28 =	sadd.s32 $0x200, s28  }
0x54: {  	[tilespmem:s26+$0x3070] =	vst v61  }
0x55: {  	[tilespmem:s26+$0x3000] =	vst v61  }
0x56: {  	[tilespmem:s26+$0x3010] =	vst v61  }
0x57: {  	[tilespmem:s26+$0x3020] =	vst v61  }
0x58: {  	[tilespmem:s26+$0x3030] =	vst v61  }
0x59: {  	[tilespmem:s26+$0x3040] =	vst v61  }
0x5a: {  	[tilespmem:s26+$0x3050] =	vst v61  }
0x5b: {  	[tilespmem:s26+$0x3060] =	vst v61  }
0x5c: {  	_ =	swait.ge [sflag:s18], $0x800  }
0x5d: {  	[sflag:s18] =	ssyncset.done $0x0  }
0x5e: {  	[sflag:s18] =	ssyncadd.s32 $0xFFFFF800  }
0x5f: {  	_ =	swait.ge [sflag:s18], $0x800  }
0x60: {  	[sflag:s18] =	ssyncset.done $0x0  }
0x61: {  	[sflag:s18] =	ssyncadd.s32 $0xFFFFF800  }
0x62: {  	_ =	swait.ge [sflag:s18], $0x2000  }
0x63: {  	v0 =	vld [tilespmem:$0x1FFC0];
	_ =	sdelay $0x5  }
0x64: {  	[sflag:s18] =	ssyncset.done $0x0  }
0x65: {  	s26 =	simm.s32 $0x0;
	[sflag:s18] =	ssyncadd.s32 $0xFFFFE000  }
0x66: {  	v62 =	vld.idx.msk [tilespmem:v0+s26+$0x0], $0xffff  }
0x67: {  	v63 =	vld.idx.msk [tilespmem:v0+s16+$0x0], $0xffff  }
0x68: {  	v0 =	vld.msk [tilespmem:s17+$0x0], $0xffff;
	_ =	sdelay $0x4  }
0x69: {  	v0 =	vmul.f32 v0, v63;
	_ =	sdelay $0x1  }
0x6a: {  	s28 =	simm.s32 $0x200;
	s26 =	simm.s32 $0x0;
	[tilespmem:v62+s19+$0x0] =	vst.idx.msk $0xffff, v0  }
0x6b: {  	[hbm4b:s6+s20] =	stream.strided.scatter [tilespmem:s19], [sflag:$0x1], $0x7D00, s14, s20, $0x38;
	[tilespmem:$0x1A880] =	vst v63  }
.LBB2_4:
0x6c: {  	p0 =	sne.s32 s28, $0x1F200;
	[tilespmem:s26+$0xADF0] =	vst v61  }
0x6d: {  	[tilespmem:s26+$0xAD80] =	vst v61  }
0x6e: {  	[tilespmem:s26+$0xAD90] =	vst v61  }
.Ltmp1:
0x6f: {  	[tilespmem:s26+$0xADA0] =	vst v61;
	(pc) =	sbr.rel @p0 .LBB2_4-.Ltmp1, $4  }
0x70: {  	[tilespmem:s26+$0xADB0] =	vst v61  }
0x71: {  	[tilespmem:s26+$0xADC0] =	vst v61  }
0x72: {  	[tilespmem:s26+$0xADD0] =	vst v61  }
0x73: {  	[tilespmem:s26+$0xADE0] =	vst v61;
	s26 =	sshra.s32 s28, $0x2;
	s28 =	sadd.s32 $0x200, s28  }
0x74: {  	[tilespmem:s26+$0xADF0] =	vst v61  }
0x75: {  	[tilespmem:s26+$0xAD80] =	vst v61  }
0x76: {  	[tilespmem:s26+$0xAD90] =	vst v61  }
0x77: {  	[tilespmem:s26+$0xADA0] =	vst v61  }
0x78: {  	[tilespmem:s26+$0xADB0] =	vst v61  }
0x79: {  	[tilespmem:s26+$0xADC0] =	vst v61;
	v63 =	vimm.s32 $0x80  }
0x7a: {  	[tilespmem:s26+$0xADD0] =	vst v61  }
0x7b: {  	[tilespmem:s26+$0xADE0] =	vst v61;
	s26 =	simm.s32 $0x0  }
0x7c: {  	v0 =	vld.idx.msk [tilespmem:v1+s26+$0x0], $0xffff  }
0x7d: {  	v62 =	vld.idx.msk [tilespmem:v1+s16+$0x0], $0xffff  }
0x7e: {  	v63 =	vld.idx.msk [tilespmem:v63+s17+$0x0], $0xffff;
	_ =	sdelay $0x4  }
0x7f: {  	v62 =	vmul.f32 v63, v62;
	_ =	sdelay $0x1  }
0x80: {  	s28 =	simm.s32 $0x200;
	s26 =	simm.s32 $0x0;
	[tilespmem:v0+s21+$0x0] =	vst.idx.msk $0xffff, v62  }
0x81: {  	[hbm4b:s7+s20] =	stream.strided.scatter [tilespmem:s21], [sflag:$0x2], $0x7D00, s14, s20, $0x38;
	[tilespmem:$0x1A880] =	vst v63  }
.LBB2_6:
0x82: {  	p0 =	sne.s32 s28, $0x1F200;
	[tilespmem:s26+$0x12B70] =	vst v61  }
0x83: {  	[tilespmem:s26+$0x12B00] =	vst v61  }
0x84: {  	[tilespmem:s26+$0x12B10] =	vst v61  }
.Ltmp2:
0x85: {  	[tilespmem:s26+$0x12B20] =	vst v61;
	(pc) =	sbr.rel @p0 .LBB2_6-.Ltmp2, $4  }
0x86: {  	[tilespmem:s26+$0x12B30] =	vst v61  }
0x87: {  	[tilespmem:s26+$0x12B40] =	vst v61  }
0x88: {  	[tilespmem:s26+$0x12B50] =	vst v61  }
0x89: {  	[tilespmem:s26+$0x12B60] =	vst v61;
	s26 =	sshra.s32 s28, $0x2;
	s28 =	sadd.s32 $0x200, s28  }
0x8a: {  	[tilespmem:s26+$0x12B70] =	vst v61  }
0x8b: {  	[tilespmem:s26+$0x12B00] =	vst v61  }
0x8c: {  	[tilespmem:s26+$0x12B10] =	vst v61  }
0x8d: {  	[tilespmem:s26+$0x12B20] =	vst v61  }
0x8e: {  	[tilespmem:s26+$0x12B30] =	vst v61  }
0x8f: {  	[tilespmem:s26+$0x12B40] =	vst v61;
	v63 =	vimm.s32 $0x100  }
0x90: {  	[tilespmem:s26+$0x12B50] =	vst v61  }
0x91: {  	[tilespmem:s26+$0x12B60] =	vst v61  }
0x92: {  	v0 =	vld.idx.msk [tilespmem:v2+s2+$0x0], $0xffff  }
0x93: {  	v62 =	vld.idx.msk [tilespmem:v2+s16+$0x0], $0xffff  }
0x94: {  	v63 =	vld.idx.msk [tilespmem:v63+s17+$0x0], $0xffff;
	_ =	sdelay $0x4  }
0x95: {  	v62 =	vmul.f32 v63, v62;
	_ =	sdelay $0x1  }
0x96: {  	[tilespmem:v0+s22+$0x0] =	vst.idx.msk $0xffff, v62  }
0x97: {  	[hbm4b:s8+s20] =	stream.strided.scatter [tilespmem:s22], [sflag:$0x3], $0x7D00, s14, s20, $0x38;
	[tilespmem:$0x1A880] =	vst v63  }
0x98: {  	_ =	swait.ge [sflag:s5], $0x7D00  }
0x99: {  	v0 =	vld [tilespmem:$0x1FFC0];
	_ =	sdelay $0x5  }
0x9a: {  	[sflag:s5] =	ssyncset.done $0x0  }
0x9b: {  	[sflag:s5] =	ssyncadd.s32 $0xFFFF8300  }
0x9c: {  	v0 =	vld.idx.msk [tilespmem:v0+s2+$0x0], $0xffff;
	_ =	sdelay $0x5  }
0x9d: {  	v63 =	vimm.s32 $0x180;
	_ =	sdelay $0x1  }
0x9e: {  	[tilespmem:v0+s19+$0x0] =	vst.idx.msk $0xffff, v61  }
0x9f: {  	v0 =	vld.idx.msk [tilespmem:v3+s2+$0x0], $0xffff  }
0xa0: {  	v62 =	vld.idx.msk [tilespmem:v3+s16+$0x0], $0xffff  }
0xa1: {  	v63 =	vld.idx.msk [tilespmem:v63+s17+$0x0], $0xffff;
	_ =	sdelay $0x4  }
0xa2: {  	v62 =	vmul.f32 v63, v62;
	_ =	sdelay $0x1  }
0xa3: {  	[tilespmem:v0+s19+$0x0] =	vst.idx.msk $0xffff, v62  }
0xa4: {  	[hbm4b:s9+s20] =	stream.strided.scatter [tilespmem:s19], [sflag:$0x1], $0x7D00, s14, s20, $0x38;
	[tilespmem:$0x1A880] =	vst v63  }
0xa5: {  	_ =	swait.ge [sflag:s23], $0x7D00  }
0xa6: {  	[sflag:s23] =	ssyncset.done $0x0  }
0xa7: {  	[sflag:s23] =	ssyncadd.s32 $0xFFFF8300  }
0xa8: {  	v0 =	vld.idx.msk [tilespmem:v1+s2+$0x0], $0xffff;
	_ =	sdelay $0x5  }
0xa9: {  	v63 =	vimm.s32 $0x200;
	_ =	sdelay $0x1  }
0xaa: {  	[tilespmem:v0+s21+$0x0] =	vst.idx.msk $0xffff, v61  }
0xab: {  	v0 =	vld.idx.msk [tilespmem:v4+s2+$0x0], $0xffff  }
0xac: {  	v62 =	vld.idx.msk [tilespmem:v4+s16+$0x0], $0xffff  }
0xad: {  	v63 =	vld.idx.msk [tilespmem:v63+s17+$0x0], $0xffff;
	_ =	sdelay $0x4  }
0xae: {  	v62 =	vmul.f32 v63, v62;
	_ =	sdelay $0x1  }
0xaf: {  	[tilespmem:v0+s21+$0x0] =	vst.idx.msk $0xffff, v62  }
0xb0: {  	[hbm4b:s10+s20] =	stream.strided.scatter [tilespmem:s21], [sflag:$0x2], $0x7D00, s14, s20, $0x38;
	[tilespmem:$0x1A880] =	vst v63  }
0xb1: {  	_ =	swait.ge [sflag:s24], $0x7D00  }
0xb2: {  	[sflag:s24] =	ssyncset.done $0x0  }
0xb3: {  	[sflag:s24] =	ssyncadd.s32 $0xFFFF8300  }
0xb4: {  	v0 =	vld.idx.msk [tilespmem:v2+s2+$0x0], $0xffff;
	_ =	sdelay $0x5  }
0xb5: {  	v63 =	vimm.s32 $0x280;
	_ =	sdelay $0x1  }
0xb6: {  	[tilespmem:v0+s22+$0x0] =	vst.idx.msk $0xffff, v61  }
0xb7: {  	v0 =	vld.idx.msk [tilespmem:v5+s2+$0x0], $0xffff  }
0xb8: {  	v62 =	vld.idx.msk [tilespmem:v5+s16+$0x0], $0xffff  }
0xb9: {  	v63 =	vld.idx.msk [tilespmem:v63+s17+$0x0], $0xffff;
	_ =	sdelay $0x4  }
0xba: {  	v62 =	vmul.f32 v63, v62;
	_ =	sdelay $0x1  }
0xbb: {  	[tilespmem:v0+s22+$0x0] =	vst.idx.msk $0xffff, v62  }
0xbc: {  	[hbm4b:s11+s20] =	stream.strided.scatter [tilespmem:s22], [sflag:$0x3], $0x7D00, s14, s20, $0x38;
	[tilespmem:$0x1A880] =	vst v63  }
0xbd: {  	_ =	swait.ge [sflag:s5], $0x7D00  }
0xbe: {  	[sflag:s5] =	ssyncset.done $0x0  }
0xbf: {  	[sflag:s5] =	ssyncadd.s32 $0xFFFF8300  }
0xc0: {  	v0 =	vld.idx.msk [tilespmem:v3+s2+$0x0], $0xffff;
	_ =	sdelay $0x5  }
0xc1: {  	v63 =	vimm.s32 $0x300;
	_ =	sdelay $0x1  }
0xc2: {  	[tilespmem:v0+s19+$0x0] =	vst.idx.msk $0xffff, v61  }
0xc3: {  	v0 =	vld.idx.msk [tilespmem:v6+s2+$0x0], $0xffff  }
0xc4: {  	v62 =	vld.idx.msk [tilespmem:v6+s16+$0x0], $0xffff  }
0xc5: {  	v63 =	vld.idx.msk [tilespmem:v63+s17+$0x0], $0xffff;
	_ =	sdelay $0x4  }
0xc6: {  	v62 =	vmul.f32 v63, v62;
	_ =	sdelay $0x1  }
0xc7: {  	[tilespmem:v0+s19+$0x0] =	vst.idx.msk $0xffff, v62  }
0xc8: {  	[hbm4b:s12+s20] =	stream.strided.scatter [tilespmem:s19], [sflag:$0x1], $0x7D00, s14, s20, $0x38;
	[tilespmem:$0x1A880] =	vst v63  }
0xc9: {  	_ =	swait.ge [sflag:s23], $0x7D00  }
0xca: {  	[sflag:s23] =	ssyncset.done $0x0  }
0xcb: {  	[sflag:s23] =	ssyncadd.s32 $0xFFFF8300  }
0xcc: {  	v0 =	vld.idx.msk [tilespmem:v4+s2+$0x0], $0xffff;
	_ =	sdelay $0x5  }
0xcd: {  	v63 =	vimm.s32 $0x380;
	_ =	sdelay $0x1  }
0xce: {  	[tilespmem:v0+s21+$0x0] =	vst.idx.msk $0xffff, v61  }
0xcf: {  	v0 =	vld.idx.msk [tilespmem:v7+s2+$0x0], $0xffff  }
0xd0: {  	v62 =	vld.idx.msk [tilespmem:v7+s16+$0x0], $0xffff  }
0xd1: {  	v63 =	vld.idx.msk [tilespmem:v63+s17+$0x0], $0xffff;
	_ =	sdelay $0x4  }
0xd2: {  	v62 =	vmul.f32 v63, v62;
	_ =	sdelay $0x1  }
0xd3: {  	[tilespmem:v0+s21+$0x0] =	vst.idx.msk $0xffff, v62  }
0xd4: {  	[hbm4b:s13+s20] =	stream.strided.scatter [tilespmem:s21], [sflag:$0x2], $0x7D00, s14, s20, $0x38;
	[tilespmem:$0x1A880] =	vst v63  }
0xd5: {  	_ =	swait.ge [sflag:s24], $0x7D00  }
0xd6: {  	[sflag:s24] =	ssyncset.done $0x0  }
0xd7: {  	[sflag:s24] =	ssyncadd.s32 $0xFFFF8300  }
0xd8: {  	v0 =	vld.idx.msk [tilespmem:v5+s2+$0x0], $0xffff;
	_ =	sdelay $0x5  }
0xd9: {  	v63 =	vimm.s32 $0x400;
	_ =	sdelay $0x1  }
0xda: {  	[tilespmem:v0+s22+$0x0] =	vst.idx.msk $0xffff, v61  }
0xdb: {  	v0 =	vld.idx.msk [tilespmem:v8+s2+$0x0], $0xffff  }
0xdc: {  	v62 =	vld.idx.msk [tilespmem:v8+s16+$0x0], $0xffff  }
0xdd: {  	v63 =	vld.idx.msk [tilespmem:v63+s17+$0x0], $0xffff;
	_ =	sdelay $0x4  }
0xde: {  	v62 =	vmul.f32 v63, v62;
	_ =	sdelay $0x1  }
0xdf: {  	s28 =	rddreg [dreg:$0x6];
	[tilespmem:v0+s22+$0x0] =	vst.idx.msk $0xffff, v62  }
0xe0: {  	[hbm4b:s28+s20] =	stream.strided.scatter [tilespmem:s22], [sflag:$0x3], $0x7D00, s14, s20, $0x38;
	[tilespmem:$0x1A880] =	vst v63  }
0xe1: {  	_ =	swait.ge [sflag:s5], $0x7D00  }
0xe2: {  	[sflag:s5] =	ssyncset.done $0x0  }
0xe3: {  	[sflag:s5] =	ssyncadd.s32 $0xFFFF8300  }
0xe4: {  	v0 =	vld.idx.msk [tilespmem:v6+s2+$0x0], $0xffff;
	_ =	sdelay $0x5  }
0xe5: {  	v63 =	vimm.s32 $0x480;
	_ =	sdelay $0x1  }
0xe6: {  	[tilespmem:v0+s19+$0x0] =	vst.idx.msk $0xffff, v61  }
0xe7: {  	v0 =	vld.idx.msk [tilespmem:v9+s2+$0x0], $0xffff  }
0xe8: {  	v62 =	vld.idx.msk [tilespmem:v9+s16+$0x0], $0xffff  }
0xe9: {  	v63 =	vld.idx.msk [tilespmem:v63+s17+$0x0], $0xffff;
	_ =	sdelay $0x4  }
0xea: {  	v62 =	vmul.f32 v63, v62;
	_ =	sdelay $0x1  }
0xeb: {  	s28 =	rddreg [dreg:$0x7];
	[tilespmem:v0+s19+$0x0] =	vst.idx.msk $0xffff, v62  }
0xec: {  	[hbm4b:s28+s20] =	stream.strided.scatter [tilespmem:s19], [sflag:$0x1], $0x7D00, s14, s20, $0x38;
	[tilespmem:$0x1A880] =	vst v63  }
0xed: {  	_ =	swait.ge [sflag:s23], $0x7D00  }
0xee: {  	[sflag:s23] =	ssyncset.done $0x0  }
0xef: {  	[sflag:s23] =	ssyncadd.s32 $0xFFFF8300  }
0xf0: {  	v0 =	vld.idx.msk [tilespmem:v7+s2+$0x0], $0xffff;
	_ =	sdelay $0x5  }
0xf1: {  	v63 =	vimm.s32 $0x500;
	_ =	sdelay $0x1  }
0xf2: {  	[tilespmem:v0+s21+$0x0] =	vst.idx.msk $0xffff, v61  }
0xf3: {  	v0 =	vld.idx.msk [tilespmem:v10+s2+$0x0], $0xffff  }
0xf4: {  	v62 =	vld.idx.msk [tilespmem:v10+s16+$0x0], $0xffff  }
0xf5: {  	v63 =	vld.idx.msk [tilespmem:v63+s17+$0x0], $0xffff;
	_ =	sdelay $0x4  }
0xf6: {  	v62 =	vmul.f32 v63, v62;
	_ =	sdelay $0x1  }
0xf7: {  	s28 =	rddreg [dreg:$0x8];
	[tilespmem:v0+s21+$0x0] =	vst.idx.msk $0xffff, v62  }
0xf8: {  	[hbm4b:s28+s20] =	stream.strided.scatter [tilespmem:s21], [sflag:$0x2], $0x7D00, s14, s20, $0x38;
	[tilespmem:$0x1A880] =	vst v63  }
0xf9: {  	_ =	swait.ge [sflag:s24], $0x7D00  }
0xfa: {  	[sflag:s24] =	ssyncset.done $0x0  }
0xfb: {  	[sflag:s24] =	ssyncadd.s32 $0xFFFF8300  }
0xfc: {  	v0 =	vld.idx.msk [tilespmem:v8+s2+$0x0], $0xffff;
	_ =	sdelay $0x5  }
0xfd: {  	v63 =	vimm.s32 $0x580;
	_ =	sdelay $0x1  }
0xfe: {  	[tilespmem:v0+s22+$0x0] =	vst.idx.msk $0xffff, v61  }
0xff: {  	v0 =	vld.idx.msk [tilespmem:v11+s2+$0x0], $0xffff  }
0x100: {  	v62 =	vld.idx.msk [tilespmem:v11+s16+$0x0], $0xffff  }
0x101: {  	v63 =	vld.idx.msk [tilespmem:v63+s17+$0x0], $0xffff;
	_ =	sdelay $0x4  }
0x102: {  	v62 =	vmul.f32 v63, v62;
	_ =	sdelay $0x1  }
0x103: {  	s28 =	rddreg [dreg:$0x9];
	[tilespmem:v0+s22+$0x0] =	vst.idx.msk $0xffff, v62  }
0x104: {  	[hbm4b:s28+s20] =	stream.strided.scatter [tilespmem:s22], [sflag:$0x3], $0x7D00, s14, s20, $0x38;
	[tilespmem:$0x1A880] =	vst v63  }
0x105: {  	_ =	swait.ge [sflag:s5], $0x7D00  }
0x106: {  	[sflag:s5] =	ssyncset.done $0x0  }
0x107: {  	[sflag:s5] =	ssyncadd.s32 $0xFFFF8300  }
0x108: {  	v0 =	vld.idx.msk [tilespmem:v9+s2+$0x0], $0xffff;
	_ =	sdelay $0x5  }
0x109: {  	v63 =	vimm.s32 $0x600;
	_ =	sdelay $0x1  }
0x10a: {  	[tilespmem:v0+s19+$0x0] =	vst.idx.msk $0xffff, v61  }
0x10b: {  	v0 =	vld.idx.msk [tilespmem:v12+s2+$0x0], $0xffff  }
0x10c: {  	v62 =	vld.idx.msk [tilespmem:v12+s16+$0x0], $0xffff  }
0x10d: {  	v63 =	vld.idx.msk [tilespmem:v63+s17+$0x0], $0xffff;
	_ =	sdelay $0x4  }
0x10e: {  	v62 =	vmul.f32 v63, v62;
	_ =	sdelay $0x1  }
0x10f: {  	s28 =	rddreg [dreg:$0xa];
	[tilespmem:v0+s19+$0x0] =	vst.idx.msk $0xffff, v62  }
0x110: {  	[hbm4b:s28+s20] =	stream.strided.scatter [tilespmem:s19], [sflag:$0x1], $0x7D00, s14, s20, $0x38;
	[tilespmem:$0x1A880] =	vst v63  }
0x111: {  	_ =	swait.ge [sflag:s23], $0x7D00  }
0x112: {  	[sflag:s23] =	ssyncset.done $0x0  }
0x113: {  	[sflag:s23] =	ssyncadd.s32 $0xFFFF8300  }
0x114: {  	v0 =	vld.idx.msk [tilespmem:v10+s2+$0x0], $0xffff;
	_ =	sdelay $0x5  }
0x115: {  	v63 =	vimm.s32 $0x680;
	_ =	sdelay $0x1  }
0x116: {  	[tilespmem:v0+s21+$0x0] =	vst.idx.msk $0xffff, v61  }
0x117: {  	v0 =	vld.idx.msk [tilespmem:v13+s2+$0x0], $0xffff  }
0x118: {  	v62 =	vld.idx.msk [tilespmem:v13+s16+$0x0], $0xffff  }
0x119: {  	v63 =	vld.idx.msk [tilespmem:v63+s17+$0x0], $0xffff;
	_ =	sdelay $0x4  }
0x11a: {  	v62 =	vmul.f32 v63, v62;
	_ =	sdelay $0x1  }
0x11b: {  	s28 =	rddreg [dreg:$0xb];
	[tilespmem:v0+s21+$0x0] =	vst.idx.msk $0xffff, v62  }
0x11c: {  	[hbm4b:s28+s20] =	stream.strided.scatter [tilespmem:s21], [sflag:$0x2], $0x7D00, s14, s20, $0x38;
	[tilespmem:$0x1A880] =	vst v63  }
0x11d: {  	_ =	swait.ge [sflag:s24], $0x7D00  }
0x11e: {  	[sflag:s24] =	ssyncset.done $0x0  }
0x11f: {  	[sflag:s24] =	ssyncadd.s32 $0xFFFF8300  }
0x120: {  	v0 =	vld.idx.msk [tilespmem:v11+s2+$0x0], $0xffff;
	_ =	sdelay $0x5  }
0x121: {  	v63 =	vimm.s32 $0x700;
	_ =	sdelay $0x1  }
0x122: {  	[tilespmem:v0+s22+$0x0] =	vst.idx.msk $0xffff, v61  }
0x123: {  	v0 =	vld.idx.msk [tilespmem:v14+s2+$0x0], $0xffff  }
0x124: {  	v62 =	vld.idx.msk [tilespmem:v14+s16+$0x0], $0xffff  }
0x125: {  	v63 =	vld.idx.msk [tilespmem:v63+s17+$0x0], $0xffff;
	_ =	sdelay $0x4  }
0x126: {  	v62 =	vmul.f32 v63, v62;
	_ =	sdelay $0x1  }
0x127: {  	s28 =	rddreg [dreg:$0xc];
	[tilespmem:v0+s22+$0x0] =	vst.idx.msk $0xffff, v62  }
0x128: {  	[hbm4b:s28+s20] =	stream.strided.scatter [tilespmem:s22], [sflag:$0x3], $0x7D00, s14, s20, $0x38;
	[tilespmem:$0x1A880] =	vst v63  }
0x129: {  	_ =	swait.ge [sflag:s5], $0x7D00  }
0x12a: {  	[sflag:s5] =	ssyncset.done $0x0  }
0x12b: {  	[sflag:s5] =	ssyncadd.s32 $0xFFFF8300  }
0x12c: {  	v0 =	vld.idx.msk [tilespmem:v12+s2+$0x0], $0xffff;
	_ =	sdelay $0x5  }
0x12d: {  	v63 =	vimm.s32 $0x780;
	_ =	sdelay $0x1  }
0x12e: {  	[tilespmem:v0+s19+$0x0] =	vst.idx.msk $0xffff, v61  }
0x12f: {  	v0 =	vld.idx.msk [tilespmem:v15+s2+$0x0], $0xffff  }
0x130: {  	v62 =	vld.idx.msk [tilespmem:v15+s16+$0x0], $0xffff  }
0x131: {  	v63 =	vld.idx.msk [tilespmem:v63+s17+$0x0], $0xffff;
	_ =	sdelay $0x4  }
0x132: {  	v62 =	vmul.f32 v63, v62;
	_ =	sdelay $0x1  }
0x133: {  	s28 =	rddreg [dreg:$0xd];
	[tilespmem:v0+s19+$0x0] =	vst.idx.msk $0xffff, v62  }
0x134: {  	[hbm4b:s28+s20] =	stream.strided.scatter [tilespmem:s19], [sflag:$0x1], $0x7D00, s14, s20, $0x38;
	[tilespmem:$0x1A880] =	vst v63  }
0x135: {  	_ =	swait.ge [sflag:s23], $0x7D00  }
0x136: {  	[sflag:s23] =	ssyncset.done $0x0  }
0x137: {  	[sflag:s23] =	ssyncadd.s32 $0xFFFF8300  }
0x138: {  	v0 =	vld.idx.msk [tilespmem:v13+s2+$0x0], $0xffff;
	_ =	sdelay $0x5  }
0x139: {  	v63 =	vimm.s32 $0x800;
	_ =	sdelay $0x1  }
0x13a: {  	[tilespmem:v0+s21+$0x0] =	vst.idx.msk $0xffff, v61  }
0x13b: {  	v0 =	vld.idx.msk [tilespmem:v16+s2+$0x0], $0xffff  }
0x13c: {  	v62 =	vld.idx.msk [tilespmem:v16+s16+$0x0], $0xffff  }
0x13d: {  	v63 =	vld.idx.msk [tilespmem:v63+s17+$0x0], $0xffff;
	_ =	sdelay $0x4  }
0x13e: {  	v62 =	vmul.f32 v63, v62;
	_ =	sdelay $0x1  }
0x13f: {  	s28 =	rddreg [dreg:$0xe];
	[tilespmem:v0+s21+$0x0] =	vst.idx.msk $0xffff, v62  }
0x140: {  	[hbm4b:s28+s20] =	stream.strided.scatter [tilespmem:s21], [sflag:$0x2], $0x7D00, s14, s20, $0x38;
	[tilespmem:$0x1A880] =	vst v63  }
0x141: {  	_ =	swait.ge [sflag:s24], $0x7D00  }
0x142: {  	[sflag:s24] =	ssyncset.done $0x0  }
0x143: {  	[sflag:s24] =	ssyncadd.s32 $0xFFFF8300  }
0x144: {  	v0 =	vld.idx.msk [tilespmem:v14+s2+$0x0], $0xffff;
	_ =	sdelay $0x5  }
0x145: {  	v63 =	vimm.s32 $0x880;
	_ =	sdelay $0x1  }
0x146: {  	[tilespmem:v0+s22+$0x0] =	vst.idx.msk $0xffff, v61  }
0x147: {  	v0 =	vld.idx.msk [tilespmem:v17+s2+$0x0], $0xffff  }
0x148: {  	v62 =	vld.idx.msk [tilespmem:v17+s16+$0x0], $0xffff  }
0x149: {  	v63 =	vld.idx.msk [tilespmem:v63+s17+$0x0], $0xffff;
	_ =	sdelay $0x4  }
0x14a: {  	v62 =	vmul.f32 v63, v62;
	_ =	sdelay $0x1  }
0x14b: {  	s28 =	rddreg [dreg:$0xf];
	[tilespmem:v0+s22+$0x0] =	vst.idx.msk $0xffff, v62  }
0x14c: {  	[hbm4b:s28+s20] =	stream.strided.scatter [tilespmem:s22], [sflag:$0x3], $0x7D00, s14, s20, $0x38;
	[tilespmem:$0x1A880] =	vst v63  }
0x14d: {  	_ =	swait.ge [sflag:s5], $0x7D00  }
0x14e: {  	[sflag:s5] =	ssyncset.done $0x0  }
0x14f: {  	[sflag:s5] =	ssyncadd.s32 $0xFFFF8300  }
0x150: {  	v0 =	vld.idx.msk [tilespmem:v15+s2+$0x0], $0xffff;
	_ =	sdelay $0x5  }
0x151: {  	v63 =	vimm.s32 $0x900;
	_ =	sdelay $0x1  }
0x152: {  	[tilespmem:v0+s19+$0x0] =	vst.idx.msk $0xffff, v61  }
0x153: {  	v0 =	vld.idx.msk [tilespmem:v18+s2+$0x0], $0xffff  }
0x154: {  	v62 =	vld.idx.msk [tilespmem:v18+s16+$0x0], $0xffff  }
0x155: {  	v63 =	vld.idx.msk [tilespmem:v63+s17+$0x0], $0xffff;
	_ =	sdelay $0x4  }
0x156: {  	v62 =	vmul.f32 v63, v62;
	_ =	sdelay $0x1  }
0x157: {  	s28 =	rddreg [dreg:$0x10];
	[tilespmem:v0+s19+$0x0] =	vst.idx.msk $0xffff, v62  }
0x158: {  	[hbm4b:s28+s20] =	stream.strided.scatter [tilespmem:s19], [sflag:$0x1], $0x7D00, s14, s20, $0x38;
	[tilespmem:$0x1A880] =	vst v63  }
0x159: {  	_ =	swait.ge [sflag:s23], $0x7D00  }
0x15a: {  	[sflag:s23] =	ssyncset.done $0x0  }
0x15b: {  	[sflag:s23] =	ssyncadd.s32 $0xFFFF8300  }
0x15c: {  	v0 =	vld.idx.msk [tilespmem:v16+s2+$0x0], $0xffff;
	_ =	sdelay $0x5  }
0x15d: {  	v63 =	vimm.s32 $0x980;
	_ =	sdelay $0x1  }
0x15e: {  	[tilespmem:v0+s21+$0x0] =	vst.idx.msk $0xffff, v61  }
0x15f: {  	v0 =	vld.idx.msk [tilespmem:v19+s2+$0x0], $0xffff  }
0x160: {  	v62 =	vld.idx.msk [tilespmem:v19+s16+$0x0], $0xffff  }
0x161: {  	v63 =	vld.idx.msk [tilespmem:v63+s17+$0x0], $0xffff;
	_ =	sdelay $0x4  }
0x162: {  	v62 =	vmul.f32 v63, v62;
	_ =	sdelay $0x1  }
0x163: {  	s28 =	rddreg [dreg:$0x11];
	[tilespmem:v0+s21+$0x0] =	vst.idx.msk $0xffff, v62  }
0x164: {  	[hbm4b:s28+s20] =	stream.strided.scatter [tilespmem:s21], [sflag:$0x2], $0x7D00, s14, s20, $0x38;
	[tilespmem:$0x1A880] =	vst v63  }
0x165: {  	_ =	swait.ge [sflag:s24], $0x7D00  }
0x166: {  	[sflag:s24] =	ssyncset.done $0x0  }
0x167: {  	[sflag:s24] =	ssyncadd.s32 $0xFFFF8300  }
0x168: {  	v0 =	vld.idx.msk [tilespmem:v17+s2+$0x0], $0xffff;
	_ =	sdelay $0x5  }
0x169: {  	v63 =	vimm.s32 $0xA00;
	_ =	sdelay $0x1  }
0x16a: {  	[tilespmem:v0+s22+$0x0] =	vst.idx.msk $0xffff, v61  }
0x16b: {  	v0 =	vld.idx.msk [tilespmem:v20+s2+$0x0], $0xffff  }
0x16c: {  	v62 =	vld.idx.msk [tilespmem:v20+s16+$0x0], $0xffff  }
0x16d: {  	v63 =	vld.idx.msk [tilespmem:v63+s17+$0x0], $0xffff;
	_ =	sdelay $0x4  }
0x16e: {  	v62 =	vmul.f32 v63, v62;
	_ =	sdelay $0x1  }
0x16f: {  	s28 =	rddreg [dreg:$0x12];
	[tilespmem:v0+s22+$0x0] =	vst.idx.msk $0xffff, v62  }
0x170: {  	[hbm4b:s28+s20] =	stream.strided.scatter [tilespmem:s22], [sflag:$0x3], $0x7D00, s14, s20, $0x38;
	[tilespmem:$0x1A880] =	vst v63  }
0x171: {  	_ =	swait.ge [sflag:s5], $0x7D00  }
0x172: {  	[sflag:s5] =	ssyncset.done $0x0  }
0x173: {  	[sflag:s5] =	ssyncadd.s32 $0xFFFF8300  }
0x174: {  	v0 =	vld.idx.msk [tilespmem:v18+s2+$0x0], $0xffff;
	_ =	sdelay $0x5  }
0x175: {  	v63 =	vimm.s32 $0xA80;
	_ =	sdelay $0x1  }
0x176: {  	[tilespmem:v0+s19+$0x0] =	vst.idx.msk $0xffff, v61  }
0x177: {  	v0 =	vld.idx.msk [tilespmem:v21+s2+$0x0], $0xffff  }
0x178: {  	v62 =	vld.idx.msk [tilespmem:v21+s16+$0x0], $0xffff  }
0x179: {  	v63 =	vld.idx.msk [tilespmem:v63+s17+$0x0], $0xffff;
	_ =	sdelay $0x4  }
0x17a: {  	v62 =	vmul.f32 v63, v62;
	_ =	sdelay $0x1  }
0x17b: {  	s28 =	rddreg [dreg:$0x13];
	[tilespmem:v0+s19+$0x0] =	vst.idx.msk $0xffff, v62  }
0x17c: {  	[hbm4b:s28+s20] =	stream.strided.scatter [tilespmem:s19], [sflag:$0x1], $0x7D00, s14, s20, $0x38;
	[tilespmem:$0x1A880] =	vst v63  }
0x17d: {  	_ =	swait.ge [sflag:s23], $0x7D00  }
0x17e: {  	[sflag:s23] =	ssyncset.done $0x0  }
0x17f: {  	[sflag:s23] =	ssyncadd.s32 $0xFFFF8300  }
0x180: {  	v0 =	vld.idx.msk [tilespmem:v19+s2+$0x0], $0xffff;
	_ =	sdelay $0x5  }
0x181: {  	v63 =	vimm.s32 $0xB00;
	_ =	sdelay $0x1  }
0x182: {  	[tilespmem:v0+s21+$0x0] =	vst.idx.msk $0xffff, v61  }
0x183: {  	v0 =	vld.idx.msk [tilespmem:v22+s2+$0x0], $0xffff  }
0x184: {  	v62 =	vld.idx.msk [tilespmem:v22+s16+$0x0], $0xffff  }
0x185: {  	v63 =	vld.idx.msk [tilespmem:v63+s17+$0x0], $0xffff;
	_ =	sdelay $0x4  }
0x186: {  	v62 =	vmul.f32 v63, v62;
	_ =	sdelay $0x1  }
0x187: {  	s28 =	rddreg [dreg:$0x14];
	[tilespmem:v0+s21+$0x0] =	vst.idx.msk $0xffff, v62  }
0x188: {  	[hbm4b:s28+s20] =	stream.strided.scatter [tilespmem:s21], [sflag:$0x2], $0x7D00, s14, s20, $0x38;
	[tilespmem:$0x1A880] =	vst v63  }
0x189: {  	_ =	swait.ge [sflag:s24], $0x7D00  }
0x18a: {  	[sflag:s24] =	ssyncset.done $0x0  }
0x18b: {  	[sflag:s24] =	ssyncadd.s32 $0xFFFF8300  }
0x18c: {  	v0 =	vld.idx.msk [tilespmem:v20+s2+$0x0], $0xffff;
	_ =	sdelay $0x5  }
0x18d: {  	v63 =	vimm.s32 $0xB80;
	_ =	sdelay $0x1  }
0x18e: {  	[tilespmem:v0+s22+$0x0] =	vst.idx.msk $0xffff, v61  }
0x18f: {  	v0 =	vld.idx.msk [tilespmem:v23+s2+$0x0], $0xffff  }
0x190: {  	v62 =	vld.idx.msk [tilespmem:v23+s16+$0x0], $0xffff  }
0x191: {  	v63 =	vld.idx.msk [tilespmem:v63+s17+$0x0], $0xffff;
	_ =	sdelay $0x4  }
0x192: {  	v62 =	vmul.f32 v63, v62;
	_ =	sdelay $0x1  }
0x193: {  	s28 =	rddreg [dreg:$0x15];
	[tilespmem:v0+s22+$0x0] =	vst.idx.msk $0xffff, v62  }
0x194: {  	[hbm4b:s28+s20] =	stream.strided.scatter [tilespmem:s22], [sflag:$0x3], $0x7D00, s14, s20, $0x38;
	[tilespmem:$0x1A880] =	vst v63  }
0x195: {  	_ =	swait.ge [sflag:s5], $0x7D00  }
0x196: {  	[sflag:s5] =	ssyncset.done $0x0  }
0x197: {  	[sflag:s5] =	ssyncadd.s32 $0xFFFF8300  }
0x198: {  	v0 =	vld.idx.msk [tilespmem:v21+s2+$0x0], $0xffff;
	_ =	sdelay $0x5  }
0x199: {  	v63 =	vimm.s32 $0xC00;
	_ =	sdelay $0x1  }
0x19a: {  	[tilespmem:v0+s19+$0x0] =	vst.idx.msk $0xffff, v61  }
0x19b: {  	v0 =	vld.idx.msk [tilespmem:v24+s2+$0x0], $0xffff  }
0x19c: {  	v62 =	vld.idx.msk [tilespmem:v24+s16+$0x0], $0xffff  }
0x19d: {  	v63 =	vld.idx.msk [tilespmem:v63+s17+$0x0], $0xffff;
	_ =	sdelay $0x4  }
0x19e: {  	v62 =	vmul.f32 v63, v62;
	_ =	sdelay $0x1  }
0x19f: {  	s28 =	rddreg [dreg:$0x16];
	[tilespmem:v0+s19+$0x0] =	vst.idx.msk $0xffff, v62  }
0x1a0: {  	[hbm4b:s28+s20] =	stream.strided.scatter [tilespmem:s19], [sflag:$0x1], $0x7D00, s14, s20, $0x38;
	[tilespmem:$0x1A880] =	vst v63  }
0x1a1: {  	_ =	swait.ge [sflag:s23], $0x7D00  }
0x1a2: {  	[sflag:s23] =	ssyncset.done $0x0  }
0x1a3: {  	[sflag:s23] =	ssyncadd.s32 $0xFFFF8300  }
0x1a4: {  	v0 =	vld.idx.msk [tilespmem:v22+s2+$0x0], $0xffff;
	_ =	sdelay $0x5  }
0x1a5: {  	v63 =	vimm.s32 $0xC80;
	_ =	sdelay $0x1  }
0x1a6: {  	[tilespmem:v0+s21+$0x0] =	vst.idx.msk $0xffff, v61  }
0x1a7: {  	v0 =	vld.idx.msk [tilespmem:v25+s2+$0x0], $0xffff  }
0x1a8: {  	v62 =	vld.idx.msk [tilespmem:v25+s16+$0x0], $0xffff  }
0x1a9: {  	v63 =	vld.idx.msk [tilespmem:v63+s17+$0x0], $0xffff;
	_ =	sdelay $0x4  }
0x1aa: {  	v62 =	vmul.f32 v63, v62;
	_ =	sdelay $0x1  }
0x1ab: {  	s28 =	rddreg [dreg:$0x17];
	[tilespmem:v0+s21+$0x0] =	vst.idx.msk $0xffff, v62  }
0x1ac: {  	[hbm4b:s28+s20] =	stream.strided.scatter [tilespmem:s21], [sflag:$0x2], $0x7D00, s14, s20, $0x38;
	[tilespmem:$0x1A880] =	vst v63  }
0x1ad: {  	_ =	swait.ge [sflag:s24], $0x7D00  }
0x1ae: {  	[sflag:s24] =	ssyncset.done $0x0  }
0x1af: {  	[sflag:s24] =	ssyncadd.s32 $0xFFFF8300  }
0x1b0: {  	v0 =	vld.idx.msk [tilespmem:v23+s2+$0x0], $0xffff;
	_ =	sdelay $0x5  }
0x1b1: {  	v63 =	vimm.s32 $0xD00;
	_ =	sdelay $0x1  }
0x1b2: {  	[tilespmem:v0+s22+$0x0] =	vst.idx.msk $0xffff, v61  }
0x1b3: {  	v0 =	vld.idx.msk [tilespmem:v26+s2+$0x0], $0xffff  }
0x1b4: {  	v62 =	vld.idx.msk [tilespmem:v26+s16+$0x0], $0xffff  }
0x1b5: {  	v63 =	vld.idx.msk [tilespmem:v63+s17+$0x0], $0xffff;
	_ =	sdelay $0x4  }
0x1b6: {  	v62 =	vmul.f32 v63, v62;
	_ =	sdelay $0x1  }
0x1b7: {  	s28 =	rddreg [dreg:$0x18];
	[tilespmem:v0+s22+$0x0] =	vst.idx.msk $0xffff, v62  }
0x1b8: {  	[hbm4b:s28+s20] =	stream.strided.scatter [tilespmem:s22], [sflag:$0x3], $0x7D00, s14, s20, $0x38;
	[tilespmem:$0x1A880] =	vst v63  }
0x1b9: {  	_ =	swait.ge [sflag:s5], $0x7D00  }
0x1ba: {  	[sflag:s5] =	ssyncset.done $0x0  }
0x1bb: {  	[sflag:s5] =	ssyncadd.s32 $0xFFFF8300  }
0x1bc: {  	v0 =	vld.idx.msk [tilespmem:v24+s2+$0x0], $0xffff;
	_ =	sdelay $0x5  }
0x1bd: {  	v63 =	vimm.s32 $0xD80;
	_ =	sdelay $0x1  }
0x1be: {  	[tilespmem:v0+s19+$0x0] =	vst.idx.msk $0xffff, v61  }
0x1bf: {  	v0 =	vld.idx.msk [tilespmem:v27+s2+$0x0], $0xffff  }
0x1c0: {  	v62 =	vld.idx.msk [tilespmem:v27+s16+$0x0], $0xffff  }
0x1c1: {  	v63 =	vld.idx.msk [tilespmem:v63+s17+$0x0], $0xffff;
	_ =	sdelay $0x4  }
0x1c2: {  	v62 =	vmul.f32 v63, v62;
	_ =	sdelay $0x1  }
0x1c3: {  	s28 =	rddreg [dreg:$0x19];
	[tilespmem:v0+s19+$0x0] =	vst.idx.msk $0xffff, v62  }
0x1c4: {  	[hbm4b:s28+s20] =	stream.strided.scatter [tilespmem:s19], [sflag:$0x1], $0x7D00, s14, s20, $0x38;
	[tilespmem:$0x1A880] =	vst v63  }
0x1c5: {  	_ =	swait.ge [sflag:s23], $0x7D00  }
0x1c6: {  	[sflag:s23] =	ssyncset.done $0x0  }
0x1c7: {  	[sflag:s23] =	ssyncadd.s32 $0xFFFF8300  }
0x1c8: {  	v0 =	vld.idx.msk [tilespmem:v25+s2+$0x0], $0xffff;
	_ =	sdelay $0x5  }
0x1c9: {  	v63 =	vimm.s32 $0xE00;
	_ =	sdelay $0x1  }
0x1ca: {  	[tilespmem:v0+s21+$0x0] =	vst.idx.msk $0xffff, v61  }
0x1cb: {  	v0 =	vld.idx.msk [tilespmem:v28+s2+$0x0], $0xffff  }
0x1cc: {  	v62 =	vld.idx.msk [tilespmem:v28+s16+$0x0], $0xffff  }
0x1cd: {  	v63 =	vld.idx.msk [tilespmem:v63+s17+$0x0], $0xffff;
	_ =	sdelay $0x4  }
0x1ce: {  	v62 =	vmul.f32 v63, v62;
	_ =	sdelay $0x1  }
0x1cf: {  	s28 =	rddreg [dreg:$0x1a];
	[tilespmem:v0+s21+$0x0] =	vst.idx.msk $0xffff, v62  }
0x1d0: {  	[hbm4b:s28+s20] =	stream.strided.scatter [tilespmem:s21], [sflag:$0x2], $0x7D00, s14, s20, $0x38;
	[tilespmem:$0x1A880] =	vst v63  }
0x1d1: {  	_ =	swait.ge [sflag:s24], $0x7D00  }
0x1d2: {  	[sflag:s24] =	ssyncset.done $0x0  }
0x1d3: {  	[sflag:s24] =	ssyncadd.s32 $0xFFFF8300  }
0x1d4: {  	v0 =	vld.idx.msk [tilespmem:v26+s2+$0x0], $0xffff;
	_ =	sdelay $0x5  }
0x1d5: {  	v63 =	vimm.s32 $0xE80;
	_ =	sdelay $0x1  }
0x1d6: {  	[tilespmem:v0+s22+$0x0] =	vst.idx.msk $0xffff, v61  }
0x1d7: {  	v0 =	vld.idx.msk [tilespmem:v29+s2+$0x0], $0xffff  }
0x1d8: {  	v62 =	vld.idx.msk [tilespmem:v29+s16+$0x0], $0xffff  }
0x1d9: {  	v63 =	vld.idx.msk [tilespmem:v63+s17+$0x0], $0xffff;
	_ =	sdelay $0x4  }
0x1da: {  	v62 =	vmul.f32 v63, v62;
	_ =	sdelay $0x1  }
0x1db: {  	s28 =	rddreg [dreg:$0x1b];
	[tilespmem:v0+s22+$0x0] =	vst.idx.msk $0xffff, v62  }
0x1dc: {  	[hbm4b:s28+s20] =	stream.strided.scatter [tilespmem:s22], [sflag:$0x3], $0x7D00, s14, s20, $0x38;
	[tilespmem:$0x1A880] =	vst v63  }
0x1dd: {  	_ =	swait.ge [sflag:s5], $0x7D00  }
0x1de: {  	[sflag:s5] =	ssyncset.done $0x0  }
0x1df: {  	[sflag:s5] =	ssyncadd.s32 $0xFFFF8300  }
0x1e0: {  	v0 =	vld.idx.msk [tilespmem:v27+s2+$0x0], $0xffff;
	_ =	sdelay $0x5  }
0x1e1: {  	v63 =	vimm.s32 $0xF00;
	_ =	sdelay $0x1  }
0x1e2: {  	[tilespmem:v0+s19+$0x0] =	vst.idx.msk $0xffff, v61  }
0x1e3: {  	v0 =	vld.idx.msk [tilespmem:v30+s2+$0x0], $0xffff  }
0x1e4: {  	v62 =	vld.idx.msk [tilespmem:v30+s16+$0x0], $0xffff  }
0x1e5: {  	v63 =	vld.idx.msk [tilespmem:v63+s17+$0x0], $0xffff;
	_ =	sdelay $0x4  }
0x1e6: {  	v62 =	vmul.f32 v63, v62;
	_ =	sdelay $0x1  }
0x1e7: {  	s28 =	rddreg [dreg:$0x1c];
	[tilespmem:v0+s19+$0x0] =	vst.idx.msk $0xffff, v62  }
0x1e8: {  	[hbm4b:s28+s20] =	stream.strided.scatter [tilespmem:s19], [sflag:$0x1], $0x7D00, s14, s20, $0x38;
	[tilespmem:$0x1A880] =	vst v63  }
0x1e9: {  	_ =	swait.ge [sflag:s23], $0x7D00  }
0x1ea: {  	[sflag:s23] =	ssyncset.done $0x0  }
0x1eb: {  	[sflag:s23] =	ssyncadd.s32 $0xFFFF8300  }
0x1ec: {  	v0 =	vld.idx.msk [tilespmem:v28+s2+$0x0], $0xffff;
	_ =	sdelay $0x5  }
0x1ed: {  	v63 =	vimm.s32 $0xF80;
	_ =	sdelay $0x1  }
0x1ee: {  	[tilespmem:v0+s21+$0x0] =	vst.idx.msk $0xffff, v61  }
0x1ef: {  	v0 =	vld.idx.msk [tilespmem:v31+s2+$0x0], $0xffff  }
0x1f0: {  	v62 =	vld.idx.msk [tilespmem:v31+s16+$0x0], $0xffff  }
0x1f1: {  	v63 =	vld.idx.msk [tilespmem:v63+s17+$0x0], $0xffff;
	_ =	sdelay $0x4  }
0x1f2: {  	v62 =	vmul.f32 v63, v62;
	_ =	sdelay $0x1  }
0x1f3: {  	s28 =	rddreg [dreg:$0x1d];
	[tilespmem:v0+s21+$0x0] =	vst.idx.msk $0xffff, v62  }
0x1f4: {  	[hbm4b:s28+s20] =	stream.strided.scatter [tilespmem:s21], [sflag:$0x2], $0x7D00, s14, s20, $0x38;
	[tilespmem:$0x1A880] =	vst v63  }
0x1f5: {  	_ =	swait.ge [sflag:s24], $0x7D00  }
0x1f6: {  	[sflag:s24] =	ssyncset.done $0x0  }
0x1f7: {  	[sflag:s24] =	ssyncadd.s32 $0xFFFF8300  }
0x1f8: {  	v0 =	vld.idx.msk [tilespmem:v29+s2+$0x0], $0xffff;
	_ =	sdelay $0x5  }
0x1f9: {  	v63 =	vimm.s32 $0x1000;
	_ =	sdelay $0x1  }
0x1fa: {  	[tilespmem:v0+s22+$0x0] =	vst.idx.msk $0xffff, v61  }
0x1fb: {  	v0 =	vld.idx.msk [tilespmem:v32+s2+$0x0], $0xffff  }
0x1fc: {  	v62 =	vld.idx.msk [tilespmem:v32+s16+$0x0], $0xffff  }
0x1fd: {  	v63 =	vld.idx.msk [tilespmem:v63+s17+$0x0], $0xffff;
	_ =	sdelay $0x4  }
0x1fe: {  	v62 =	vmul.f32 v63, v62;
	_ =	sdelay $0x1  }
0x1ff: {  	s28 =	rddreg [dreg:$0x1e];
	[tilespmem:v0+s22+$0x0] =	vst.idx.msk $0xffff, v62  }
0x200: {  	[hbm4b:s28+s20] =	stream.strided.scatter [tilespmem:s22], [sflag:$0x3], $0x7D00, s14, s20, $0x38;
	[tilespmem:$0x1A880] =	vst v63  }
0x201: {  	_ =	swait.ge [sflag:s5], $0x7D00  }
0x202: {  	[sflag:s5] =	ssyncset.done $0x0  }
0x203: {  	[sflag:s5] =	ssyncadd.s32 $0xFFFF8300  }
0x204: {  	v0 =	vld.idx.msk [tilespmem:v30+s2+$0x0], $0xffff;
	_ =	sdelay $0x5  }
0x205: {  	v63 =	vimm.s32 $0x1080;
	_ =	sdelay $0x1  }
0x206: {  	[tilespmem:v0+s19+$0x0] =	vst.idx.msk $0xffff, v61  }
0x207: {  	v0 =	vld.idx.msk [tilespmem:v33+s2+$0x0], $0xffff  }
0x208: {  	v62 =	vld.idx.msk [tilespmem:v33+s16+$0x0], $0xffff  }
0x209: {  	v63 =	vld.idx.msk [tilespmem:v63+s17+$0x0], $0xffff;
	_ =	sdelay $0x4  }
0x20a: {  	v62 =	vmul.f32 v63, v62;
	_ =	sdelay $0x1  }
0x20b: {  	s28 =	rddreg [dreg:$0x1f];
	[tilespmem:v0+s19+$0x0] =	vst.idx.msk $0xffff, v62  }
0x20c: {  	[hbm4b:s28+s20] =	stream.strided.scatter [tilespmem:s19], [sflag:$0x1], $0x7D00, s14, s20, $0x38;
	[tilespmem:$0x1A880] =	vst v63  }
0x20d: {  	_ =	swait.ge [sflag:s23], $0x7D00  }
0x20e: {  	[sflag:s23] =	ssyncset.done $0x0  }
0x20f: {  	[sflag:s23] =	ssyncadd.s32 $0xFFFF8300  }
0x210: {  	v0 =	vld.idx.msk [tilespmem:v31+s2+$0x0], $0xffff;
	_ =	sdelay $0x5  }
0x211: {  	v63 =	vimm.s32 $0x1100;
	_ =	sdelay $0x1  }
0x212: {  	[tilespmem:v0+s21+$0x0] =	vst.idx.msk $0xffff, v61  }
0x213: {  	v0 =	vld.idx.msk [tilespmem:v34+s2+$0x0], $0xffff  }
0x214: {  	v62 =	vld.idx.msk [tilespmem:v34+s16+$0x0], $0xffff  }
0x215: {  	v63 =	vld.idx.msk [tilespmem:v63+s17+$0x0], $0xffff;
	_ =	sdelay $0x4  }
0x216: {  	s28 =	sld [smem:$0x7E6];
	v62 =	vmul.f32 v63, v62;
	_ =	sdelay $0x1  }
0x217: {  	[tilespmem:v0+s21+$0x0] =	vst.idx.msk $0xffff, v62  }
0x218: {  	[hbm4b:s28+s20] =	stream.strided.scatter [tilespmem:s21], [sflag:$0x2], $0x7D00, s14, s20, $0x38;
	[tilespmem:$0x1A880] =	vst v63  }
0x219: {  	_ =	swait.ge [sflag:s24], $0x7D00  }
0x21a: {  	[sflag:s24] =	ssyncset.done $0x0  }
0x21b: {  	[sflag:s24] =	ssyncadd.s32 $0xFFFF8300  }
0x21c: {  	v0 =	vld.idx.msk [tilespmem:v32+s2+$0x0], $0xffff;
	_ =	sdelay $0x5  }
0x21d: {  	v63 =	vimm.s32 $0x1180;
	_ =	sdelay $0x1  }
0x21e: {  	[tilespmem:v0+s22+$0x0] =	vst.idx.msk $0xffff, v61  }
0x21f: {  	v0 =	vld.idx.msk [tilespmem:v35+s2+$0x0], $0xffff  }
0x220: {  	v62 =	vld.idx.msk [tilespmem:v35+s16+$0x0], $0xffff  }
0x221: {  	v63 =	vld.idx.msk [tilespmem:v63+s17+$0x0], $0xffff;
	_ =	sdelay $0x4  }
0x222: {  	s28 =	sld [smem:$0x7E7];
	v62 =	vmul.f32 v63, v62;
	_ =	sdelay $0x1  }
0x223: {  	[tilespmem:v0+s22+$0x0] =	vst.idx.msk $0xffff, v62  }
0x224: {  	[hbm4b:s28+s20] =	stream.strided.scatter [tilespmem:s22], [sflag:$0x3], $0x7D00, s14, s20, $0x38;
	[tilespmem:$0x1A880] =	vst v63  }
0x225: {  	_ =	swait.ge [sflag:s5], $0x7D00  }
0x226: {  	[sflag:s5] =	ssyncset.done $0x0  }
0x227: {  	[sflag:s5] =	ssyncadd.s32 $0xFFFF8300  }
0x228: {  	v0 =	vld.idx.msk [tilespmem:v33+s2+$0x0], $0xffff;
	_ =	sdelay $0x5  }
0x229: {  	v63 =	vimm.s32 $0x1200;
	_ =	sdelay $0x1  }
0x22a: {  	[tilespmem:v0+s19+$0x0] =	vst.idx.msk $0xffff, v61  }
0x22b: {  	v0 =	vld.idx.msk [tilespmem:v36+s2+$0x0], $0xffff  }
0x22c: {  	v62 =	vld.idx.msk [tilespmem:v36+s16+$0x0], $0xffff  }
0x22d: {  	v63 =	vld.idx.msk [tilespmem:v63+s17+$0x0], $0xffff;
	_ =	sdelay $0x4  }
0x22e: {  	s28 =	sld [smem:$0x7E8];
	v62 =	vmul.f32 v63, v62;
	_ =	sdelay $0x1  }
0x22f: {  	[tilespmem:v0+s19+$0x0] =	vst.idx.msk $0xffff, v62  }
0x230: {  	[hbm4b:s28+s20] =	stream.strided.scatter [tilespmem:s19], [sflag:$0x1], $0x7D00, s14, s20, $0x38;
	[tilespmem:$0x1A880] =	vst v63  }
0x231: {  	_ =	swait.ge [sflag:s23], $0x7D00  }
0x232: {  	[sflag:s23] =	ssyncset.done $0x0  }
0x233: {  	[sflag:s23] =	ssyncadd.s32 $0xFFFF8300  }
0x234: {  	v0 =	vld.idx.msk [tilespmem:v34+s2+$0x0], $0xffff;
	_ =	sdelay $0x5  }
0x235: {  	v63 =	vimm.s32 $0x1280;
	_ =	sdelay $0x1  }
0x236: {  	[tilespmem:v0+s21+$0x0] =	vst.idx.msk $0xffff, v61  }
0x237: {  	v0 =	vld.idx.msk [tilespmem:v37+s2+$0x0], $0xffff  }
0x238: {  	v62 =	vld.idx.msk [tilespmem:v37+s16+$0x0], $0xffff  }
0x239: {  	v63 =	vld.idx.msk [tilespmem:v63+s17+$0x0], $0xffff;
	_ =	sdelay $0x4  }
0x23a: {  	s28 =	sld [smem:$0x7E9];
	v62 =	vmul.f32 v63, v62;
	_ =	sdelay $0x1  }
0x23b: {  	[tilespmem:v0+s21+$0x0] =	vst.idx.msk $0xffff, v62  }
0x23c: {  	[hbm4b:s28+s20] =	stream.strided.scatter [tilespmem:s21], [sflag:$0x2], $0x7D00, s14, s20, $0x38;
	[tilespmem:$0x1A880] =	vst v63  }
0x23d: {  	_ =	swait.ge [sflag:s24], $0x7D00  }
0x23e: {  	[sflag:s24] =	ssyncset.done $0x0  }
0x23f: {  	[sflag:s24] =	ssyncadd.s32 $0xFFFF8300  }
0x240: {  	v0 =	vld.idx.msk [tilespmem:v35+s2+$0x0], $0xffff;
	_ =	sdelay $0x5  }
0x241: {  	v63 =	vimm.s32 $0x1300;
	_ =	sdelay $0x1  }
0x242: {  	[tilespmem:v0+s22+$0x0] =	vst.idx.msk $0xffff, v61  }
0x243: {  	v0 =	vld.idx.msk [tilespmem:v38+s2+$0x0], $0xffff  }
0x244: {  	v62 =	vld.idx.msk [tilespmem:v38+s16+$0x0], $0xffff  }
0x245: {  	v63 =	vld.idx.msk [tilespmem:v63+s17+$0x0], $0xffff;
	_ =	sdelay $0x4  }
0x246: {  	s28 =	sld [smem:$0x7EA];
	v62 =	vmul.f32 v63, v62;
	_ =	sdelay $0x1  }
0x247: {  	[tilespmem:v0+s22+$0x0] =	vst.idx.msk $0xffff, v62  }
0x248: {  	[hbm4b:s28+s20] =	stream.strided.scatter [tilespmem:s22], [sflag:$0x3], $0x7D00, s14, s20, $0x38;
	[tilespmem:$0x1A880] =	vst v63  }
0x249: {  	_ =	swait.ge [sflag:s5], $0x7D00  }
0x24a: {  	[sflag:s5] =	ssyncset.done $0x0  }
0x24b: {  	[sflag:s5] =	ssyncadd.s32 $0xFFFF8300  }
0x24c: {  	v0 =	vld.idx.msk [tilespmem:v36+s2+$0x0], $0xffff;
	_ =	sdelay $0x5  }
0x24d: {  	v63 =	vimm.s32 $0x1380;
	_ =	sdelay $0x1  }
0x24e: {  	[tilespmem:v0+s19+$0x0] =	vst.idx.msk $0xffff, v61  }
0x24f: {  	v0 =	vld.idx.msk [tilespmem:v39+s2+$0x0], $0xffff  }
0x250: {  	v62 =	vld.idx.msk [tilespmem:v39+s16+$0x0], $0xffff  }
0x251: {  	v63 =	vld.idx.msk [tilespmem:v63+s17+$0x0], $0xffff;
	_ =	sdelay $0x4  }
0x252: {  	s28 =	sld [smem:$0x7EB];
	v62 =	vmul.f32 v63, v62;
	_ =	sdelay $0x1  }
0x253: {  	[tilespmem:v0+s19+$0x0] =	vst.idx.msk $0xffff, v62  }
0x254: {  	[hbm4b:s28+s20] =	stream.strided.scatter [tilespmem:s19], [sflag:$0x1], $0x7D00, s14, s20, $0x38;
	[tilespmem:$0x1A880] =	vst v63  }
0x255: {  	_ =	swait.ge [sflag:s23], $0x7D00  }
0x256: {  	[sflag:s23] =	ssyncset.done $0x0  }
0x257: {  	[sflag:s23] =	ssyncadd.s32 $0xFFFF8300  }
0x258: {  	v0 =	vld.idx.msk [tilespmem:v37+s2+$0x0], $0xffff;
	_ =	sdelay $0x5  }
0x259: {  	v63 =	vimm.s32 $0x1400;
	_ =	sdelay $0x1  }
0x25a: {  	[tilespmem:v0+s21+$0x0] =	vst.idx.msk $0xffff, v61  }
0x25b: {  	v0 =	vld.idx.msk [tilespmem:v40+s2+$0x0], $0xffff  }
0x25c: {  	v62 =	vld.idx.msk [tilespmem:v40+s16+$0x0], $0xffff  }
0x25d: {  	v63 =	vld.idx.msk [tilespmem:v63+s17+$0x0], $0xffff;
	_ =	sdelay $0x4  }
0x25e: {  	s28 =	sld [smem:$0x7EC];
	v62 =	vmul.f32 v63, v62;
	_ =	sdelay $0x1  }
0x25f: {  	[tilespmem:v0+s21+$0x0] =	vst.idx.msk $0xffff, v62  }
0x260: {  	[hbm4b:s28+s20] =	stream.strided.scatter [tilespmem:s21], [sflag:$0x2], $0x7D00, s14, s20, $0x38;
	[tilespmem:$0x1A880] =	vst v63  }
0x261: {  	_ =	swait.ge [sflag:s24], $0x7D00  }
0x262: {  	[sflag:s24] =	ssyncset.done $0x0  }
0x263: {  	[sflag:s24] =	ssyncadd.s32 $0xFFFF8300  }
0x264: {  	v0 =	vld.idx.msk [tilespmem:v38+s2+$0x0], $0xffff;
	_ =	sdelay $0x5  }
0x265: {  	v63 =	vimm.s32 $0x1480;
	_ =	sdelay $0x1  }
0x266: {  	[tilespmem:v0+s22+$0x0] =	vst.idx.msk $0xffff, v61  }
0x267: {  	v0 =	vld.idx.msk [tilespmem:v41+s2+$0x0], $0xffff  }
0x268: {  	v62 =	vld.idx.msk [tilespmem:v41+s16+$0x0], $0xffff  }
0x269: {  	v63 =	vld.idx.msk [tilespmem:v63+s17+$0x0], $0xffff;
	_ =	sdelay $0x4  }
0x26a: {  	s28 =	sld [smem:$0x7ED];
	v62 =	vmul.f32 v63, v62;
	_ =	sdelay $0x1  }
0x26b: {  	[tilespmem:v0+s22+$0x0] =	vst.idx.msk $0xffff, v62  }
0x26c: {  	[hbm4b:s28+s20] =	stream.strided.scatter [tilespmem:s22], [sflag:$0x3], $0x7D00, s14, s20, $0x38;
	[tilespmem:$0x1A880] =	vst v63  }
0x26d: {  	_ =	swait.ge [sflag:s5], $0x7D00  }
0x26e: {  	[sflag:s5] =	ssyncset.done $0x0  }
0x26f: {  	[sflag:s5] =	ssyncadd.s32 $0xFFFF8300  }
0x270: {  	v0 =	vld.idx.msk [tilespmem:v39+s2+$0x0], $0xffff;
	_ =	sdelay $0x5  }
0x271: {  	v63 =	vimm.s32 $0x1500;
	_ =	sdelay $0x1  }
0x272: {  	[tilespmem:v0+s19+$0x0] =	vst.idx.msk $0xffff, v61  }
0x273: {  	v0 =	vld.idx.msk [tilespmem:v42+s2+$0x0], $0xffff  }
0x274: {  	v62 =	vld.idx.msk [tilespmem:v42+s16+$0x0], $0xffff  }
0x275: {  	v63 =	vld.idx.msk [tilespmem:v63+s17+$0x0], $0xffff;
	_ =	sdelay $0x4  }
0x276: {  	s28 =	sld [smem:$0x7EE];
	v62 =	vmul.f32 v63, v62;
	_ =	sdelay $0x1  }
0x277: {  	[tilespmem:v0+s19+$0x0] =	vst.idx.msk $0xffff, v62  }
0x278: {  	[hbm4b:s28+s20] =	stream.strided.scatter [tilespmem:s19], [sflag:$0x1], $0x7D00, s14, s20, $0x38;
	[tilespmem:$0x1A880] =	vst v63  }
0x279: {  	_ =	swait.ge [sflag:s23], $0x7D00  }
0x27a: {  	[sflag:s23] =	ssyncset.done $0x0  }
0x27b: {  	[sflag:s23] =	ssyncadd.s32 $0xFFFF8300  }
0x27c: {  	v0 =	vld.idx.msk [tilespmem:v40+s2+$0x0], $0xffff;
	_ =	sdelay $0x5  }
0x27d: {  	v63 =	vimm.s32 $0x1580;
	_ =	sdelay $0x1  }
0x27e: {  	[tilespmem:v0+s21+$0x0] =	vst.idx.msk $0xffff, v61  }
0x27f: {  	v0 =	vld.idx.msk [tilespmem:v43+s2+$0x0], $0xffff  }
0x280: {  	v62 =	vld.idx.msk [tilespmem:v43+s16+$0x0], $0xffff  }
0x281: {  	v63 =	vld.idx.msk [tilespmem:v63+s17+$0x0], $0xffff;
	_ =	sdelay $0x4  }
0x282: {  	s28 =	sld [smem:$0x7EF];
	v62 =	vmul.f32 v63, v62;
	_ =	sdelay $0x1  }
0x283: {  	[tilespmem:v0+s21+$0x0] =	vst.idx.msk $0xffff, v62  }
0x284: {  	[hbm4b:s28+s20] =	stream.strided.scatter [tilespmem:s21], [sflag:$0x2], $0x7D00, s14, s20, $0x38;
	[tilespmem:$0x1A880] =	vst v63  }
0x285: {  	_ =	swait.ge [sflag:s24], $0x7D00  }
0x286: {  	[sflag:s24] =	ssyncset.done $0x0  }
0x287: {  	[sflag:s24] =	ssyncadd.s32 $0xFFFF8300  }
0x288: {  	v0 =	vld.idx.msk [tilespmem:v41+s2+$0x0], $0xffff;
	_ =	sdelay $0x5  }
0x289: {  	v63 =	vimm.s32 $0x1600;
	_ =	sdelay $0x1  }
0x28a: {  	[tilespmem:v0+s22+$0x0] =	vst.idx.msk $0xffff, v61  }
0x28b: {  	v0 =	vld.idx.msk [tilespmem:v44+s2+$0x0], $0xffff  }
0x28c: {  	v62 =	vld.idx.msk [tilespmem:v44+s16+$0x0], $0xffff  }
0x28d: {  	v63 =	vld.idx.msk [tilespmem:v63+s17+$0x0], $0xffff;
	_ =	sdelay $0x4  }
0x28e: {  	s28 =	sld [smem:$0x7F0];
	v62 =	vmul.f32 v63, v62;
	_ =	sdelay $0x1  }
0x28f: {  	[tilespmem:v0+s22+$0x0] =	vst.idx.msk $0xffff, v62  }
0x290: {  	[hbm4b:s28+s20] =	stream.strided.scatter [tilespmem:s22], [sflag:$0x3], $0x7D00, s14, s20, $0x38;
	[tilespmem:$0x1A880] =	vst v63  }
0x291: {  	_ =	swait.ge [sflag:s5], $0x7D00  }
0x292: {  	[sflag:s5] =	ssyncset.done $0x0  }
0x293: {  	[sflag:s5] =	ssyncadd.s32 $0xFFFF8300  }
0x294: {  	v0 =	vld.idx.msk [tilespmem:v42+s2+$0x0], $0xffff;
	_ =	sdelay $0x5  }
0x295: {  	v63 =	vimm.s32 $0x1680;
	_ =	sdelay $0x1  }
0x296: {  	[tilespmem:v0+s19+$0x0] =	vst.idx.msk $0xffff, v61  }
0x297: {  	v0 =	vld.idx.msk [tilespmem:v45+s2+$0x0], $0xffff  }
0x298: {  	v62 =	vld.idx.msk [tilespmem:v45+s16+$0x0], $0xffff  }
0x299: {  	v63 =	vld.idx.msk [tilespmem:v63+s17+$0x0], $0xffff;
	_ =	sdelay $0x4  }
0x29a: {  	s28 =	sld [smem:$0x7F1];
	v62 =	vmul.f32 v63, v62;
	_ =	sdelay $0x1  }
0x29b: {  	[tilespmem:v0+s19+$0x0] =	vst.idx.msk $0xffff, v62  }
0x29c: {  	[hbm4b:s28+s20] =	stream.strided.scatter [tilespmem:s19], [sflag:$0x1], $0x7D00, s14, s20, $0x38;
	[tilespmem:$0x1A880] =	vst v63  }
0x29d: {  	_ =	swait.ge [sflag:s23], $0x7D00  }
0x29e: {  	[sflag:s23] =	ssyncset.done $0x0  }
0x29f: {  	[sflag:s23] =	ssyncadd.s32 $0xFFFF8300  }
0x2a0: {  	v0 =	vld.idx.msk [tilespmem:v43+s2+$0x0], $0xffff;
	_ =	sdelay $0x5  }
0x2a1: {  	v63 =	vimm.s32 $0x1700;
	_ =	sdelay $0x1  }
0x2a2: {  	[tilespmem:v0+s21+$0x0] =	vst.idx.msk $0xffff, v61  }
0x2a3: {  	v0 =	vld.idx.msk [tilespmem:v46+s2+$0x0], $0xffff  }
0x2a4: {  	v62 =	vld.idx.msk [tilespmem:v46+s16+$0x0], $0xffff  }
0x2a5: {  	v63 =	vld.idx.msk [tilespmem:v63+s17+$0x0], $0xffff;
	_ =	sdelay $0x4  }
0x2a6: {  	s28 =	sld [smem:$0x7F2];
	v62 =	vmul.f32 v63, v62;
	_ =	sdelay $0x1  }
0x2a7: {  	[tilespmem:v0+s21+$0x0] =	vst.idx.msk $0xffff, v62  }
0x2a8: {  	[hbm4b:s28+s20] =	stream.strided.scatter [tilespmem:s21], [sflag:$0x2], $0x7D00, s14, s20, $0x38;
	[tilespmem:$0x1A880] =	vst v63  }
0x2a9: {  	_ =	swait.ge [sflag:s24], $0x7D00  }
0x2aa: {  	[sflag:s24] =	ssyncset.done $0x0  }
0x2ab: {  	[sflag:s24] =	ssyncadd.s32 $0xFFFF8300  }
0x2ac: {  	v0 =	vld.idx.msk [tilespmem:v44+s2+$0x0], $0xffff;
	_ =	sdelay $0x5  }
0x2ad: {  	v63 =	vimm.s32 $0x1780;
	_ =	sdelay $0x1  }
0x2ae: {  	[tilespmem:v0+s22+$0x0] =	vst.idx.msk $0xffff, v61  }
0x2af: {  	v0 =	vld.idx.msk [tilespmem:v47+s2+$0x0], $0xffff  }
0x2b0: {  	v62 =	vld.idx.msk [tilespmem:v47+s16+$0x0], $0xffff  }
0x2b1: {  	v63 =	vld.idx.msk [tilespmem:v63+s17+$0x0], $0xffff;
	_ =	sdelay $0x4  }
0x2b2: {  	s28 =	sld [smem:$0x7F3];
	v62 =	vmul.f32 v63, v62;
	_ =	sdelay $0x1  }
0x2b3: {  	[tilespmem:v0+s22+$0x0] =	vst.idx.msk $0xffff, v62  }
0x2b4: {  	[hbm4b:s28+s20] =	stream.strided.scatter [tilespmem:s22], [sflag:$0x3], $0x7D00, s14, s20, $0x38;
	[tilespmem:$0x1A880] =	vst v63  }
0x2b5: {  	_ =	swait.ge [sflag:s5], $0x7D00  }
0x2b6: {  	[sflag:s5] =	ssyncset.done $0x0  }
0x2b7: {  	[sflag:s5] =	ssyncadd.s32 $0xFFFF8300  }
0x2b8: {  	v0 =	vld.idx.msk [tilespmem:v45+s2+$0x0], $0xffff;
	_ =	sdelay $0x5  }
0x2b9: {  	v63 =	vimm.s32 $0x1800;
	_ =	sdelay $0x1  }
0x2ba: {  	[tilespmem:v0+s19+$0x0] =	vst.idx.msk $0xffff, v61  }
0x2bb: {  	v0 =	vld.idx.msk [tilespmem:v48+s2+$0x0], $0xffff  }
0x2bc: {  	v62 =	vld.idx.msk [tilespmem:v48+s16+$0x0], $0xffff  }
0x2bd: {  	v63 =	vld.idx.msk [tilespmem:v63+s17+$0x0], $0xffff;
	_ =	sdelay $0x4  }
0x2be: {  	s28 =	sld [smem:$0x7F4];
	v62 =	vmul.f32 v63, v62;
	_ =	sdelay $0x1  }
0x2bf: {  	[tilespmem:v0+s19+$0x0] =	vst.idx.msk $0xffff, v62  }
0x2c0: {  	[hbm4b:s28+s20] =	stream.strided.scatter [tilespmem:s19], [sflag:$0x1], $0x7D00, s14, s20, $0x38;
	[tilespmem:$0x1A880] =	vst v63  }
0x2c1: {  	_ =	swait.ge [sflag:s23], $0x7D00  }
0x2c2: {  	[sflag:s23] =	ssyncset.done $0x0  }
0x2c3: {  	[sflag:s23] =	ssyncadd.s32 $0xFFFF8300  }
0x2c4: {  	v0 =	vld.idx.msk [tilespmem:v46+s2+$0x0], $0xffff;
	_ =	sdelay $0x5  }
0x2c5: {  	v63 =	vimm.s32 $0x1880;
	_ =	sdelay $0x1  }
0x2c6: {  	[tilespmem:v0+s21+$0x0] =	vst.idx.msk $0xffff, v61  }
0x2c7: {  	v0 =	vld.idx.msk [tilespmem:v49+s2+$0x0], $0xffff  }
0x2c8: {  	v62 =	vld.idx.msk [tilespmem:v49+s16+$0x0], $0xffff  }
0x2c9: {  	v63 =	vld.idx.msk [tilespmem:v63+s17+$0x0], $0xffff;
	_ =	sdelay $0x4  }
0x2ca: {  	s28 =	sld [smem:$0x7F5];
	v62 =	vmul.f32 v63, v62;
	_ =	sdelay $0x1  }
0x2cb: {  	[tilespmem:v0+s21+$0x0] =	vst.idx.msk $0xffff, v62  }
0x2cc: {  	[hbm4b:s28+s20] =	stream.strided.scatter [tilespmem:s21], [sflag:$0x2], $0x7D00, s14, s20, $0x38;
	[tilespmem:$0x1A880] =	vst v63  }
0x2cd: {  	_ =	swait.ge [sflag:s24], $0x7D00  }
0x2ce: {  	[sflag:s24] =	ssyncset.done $0x0  }
0x2cf: {  	[sflag:s24] =	ssyncadd.s32 $0xFFFF8300  }
0x2d0: {  	v0 =	vld.idx.msk [tilespmem:v47+s2+$0x0], $0xffff;
	_ =	sdelay $0x5  }
0x2d1: {  	v63 =	vimm.s32 $0x1900;
	_ =	sdelay $0x1  }
0x2d2: {  	[tilespmem:v0+s22+$0x0] =	vst.idx.msk $0xffff, v61  }
0x2d3: {  	v0 =	vld.idx.msk [tilespmem:v50+s2+$0x0], $0xffff  }
0x2d4: {  	v62 =	vld.idx.msk [tilespmem:v50+s16+$0x0], $0xffff  }
0x2d5: {  	v63 =	vld.idx.msk [tilespmem:v63+s17+$0x0], $0xffff;
	_ =	sdelay $0x4  }
0x2d6: {  	s28 =	sld [smem:$0x7F6];
	v62 =	vmul.f32 v63, v62;
	_ =	sdelay $0x1  }
0x2d7: {  	[tilespmem:v0+s22+$0x0] =	vst.idx.msk $0xffff, v62  }
0x2d8: {  	[hbm4b:s28+s20] =	stream.strided.scatter [tilespmem:s22], [sflag:$0x3], $0x7D00, s14, s20, $0x38;
	[tilespmem:$0x1A880] =	vst v63  }
0x2d9: {  	_ =	swait.ge [sflag:s5], $0x7D00  }
0x2da: {  	[sflag:s5] =	ssyncset.done $0x0  }
0x2db: {  	[sflag:s5] =	ssyncadd.s32 $0xFFFF8300  }
0x2dc: {  	v0 =	vld.idx.msk [tilespmem:v48+s2+$0x0], $0xffff;
	_ =	sdelay $0x5  }
0x2dd: {  	v63 =	vimm.s32 $0x1980;
	_ =	sdelay $0x1  }
0x2de: {  	[tilespmem:v0+s19+$0x0] =	vst.idx.msk $0xffff, v61  }
0x2df: {  	v0 =	vld.idx.msk [tilespmem:v51+s2+$0x0], $0xffff  }
0x2e0: {  	v62 =	vld.idx.msk [tilespmem:v51+s16+$0x0], $0xffff  }
0x2e1: {  	v63 =	vld.idx.msk [tilespmem:v63+s17+$0x0], $0xffff;
	_ =	sdelay $0x4  }
0x2e2: {  	s28 =	sld [smem:$0x7F7];
	v62 =	vmul.f32 v63, v62;
	_ =	sdelay $0x1  }
0x2e3: {  	[tilespmem:v0+s19+$0x0] =	vst.idx.msk $0xffff, v62  }
0x2e4: {  	[hbm4b:s28+s20] =	stream.strided.scatter [tilespmem:s19], [sflag:$0x1], $0x7D00, s14, s20, $0x38;
	[tilespmem:$0x1A880] =	vst v63  }
0x2e5: {  	_ =	swait.ge [sflag:s23], $0x7D00  }
0x2e6: {  	[sflag:s23] =	ssyncset.done $0x0  }
0x2e7: {  	[sflag:s23] =	ssyncadd.s32 $0xFFFF8300  }
0x2e8: {  	v0 =	vld.idx.msk [tilespmem:v49+s2+$0x0], $0xffff;
	_ =	sdelay $0x5  }
0x2e9: {  	v63 =	vimm.s32 $0x1A00;
	_ =	sdelay $0x1  }
0x2ea: {  	[tilespmem:v0+s21+$0x0] =	vst.idx.msk $0xffff, v61  }
0x2eb: {  	v0 =	vld.idx.msk [tilespmem:v52+s2+$0x0], $0xffff  }
0x2ec: {  	v62 =	vld.idx.msk [tilespmem:v52+s16+$0x0], $0xffff  }
0x2ed: {  	v63 =	vld.idx.msk [tilespmem:v63+s17+$0x0], $0xffff;
	_ =	sdelay $0x4  }
0x2ee: {  	s28 =	sld [smem:$0x7F8];
	v62 =	vmul.f32 v63, v62;
	_ =	sdelay $0x1  }
0x2ef: {  	[tilespmem:v0+s21+$0x0] =	vst.idx.msk $0xffff, v62  }
0x2f0: {  	[hbm4b:s28+s20] =	stream.strided.scatter [tilespmem:s21], [sflag:$0x2], $0x7D00, s14, s20, $0x38;
	[tilespmem:$0x1A880] =	vst v63  }
0x2f1: {  	_ =	swait.ge [sflag:s24], $0x7D00  }
0x2f2: {  	[sflag:s24] =	ssyncset.done $0x0  }
0x2f3: {  	[sflag:s24] =	ssyncadd.s32 $0xFFFF8300  }
0x2f4: {  	v0 =	vld.idx.msk [tilespmem:v50+s2+$0x0], $0xffff;
	_ =	sdelay $0x5  }
0x2f5: {  	v63 =	vimm.s32 $0x1A80;
	_ =	sdelay $0x1  }
0x2f6: {  	[tilespmem:v0+s22+$0x0] =	vst.idx.msk $0xffff, v61  }
0x2f7: {  	v0 =	vld.idx.msk [tilespmem:v53+s2+$0x0], $0xffff  }
0x2f8: {  	v62 =	vld.idx.msk [tilespmem:v53+s16+$0x0], $0xffff  }
0x2f9: {  	v63 =	vld.idx.msk [tilespmem:v63+s17+$0x0], $0xffff;
	_ =	sdelay $0x4  }
0x2fa: {  	s28 =	sld [smem:$0x7F9];
	v62 =	vmul.f32 v63, v62;
	_ =	sdelay $0x1  }
0x2fb: {  	[tilespmem:v0+s22+$0x0] =	vst.idx.msk $0xffff, v62  }
0x2fc: {  	[hbm4b:s28+s20] =	stream.strided.scatter [tilespmem:s22], [sflag:$0x3], $0x7D00, s14, s20, $0x38;
	[tilespmem:$0x1A880] =	vst v63  }
0x2fd: {  	_ =	swait.ge [sflag:s5], $0x7D00  }
0x2fe: {  	[sflag:s5] =	ssyncset.done $0x0  }
0x2ff: {  	[sflag:s5] =	ssyncadd.s32 $0xFFFF8300  }
0x300: {  	v0 =	vld.idx.msk [tilespmem:v51+s2+$0x0], $0xffff;
	_ =	sdelay $0x5  }
0x301: {  	v63 =	vimm.s32 $0x1B00;
	_ =	sdelay $0x1  }
0x302: {  	[tilespmem:v0+s19+$0x0] =	vst.idx.msk $0xffff, v61  }
0x303: {  	v0 =	vld.idx.msk [tilespmem:v54+s2+$0x0], $0xffff  }
0x304: {  	v62 =	vld.idx.msk [tilespmem:v54+s16+$0x0], $0xffff  }
0x305: {  	v63 =	vld.idx.msk [tilespmem:v63+s17+$0x0], $0xffff;
	_ =	sdelay $0x4  }
0x306: {  	s28 =	sld [smem:$0x7FA];
	v62 =	vmul.f32 v63, v62;
	_ =	sdelay $0x1  }
0x307: {  	[tilespmem:v0+s19+$0x0] =	vst.idx.msk $0xffff, v62  }
0x308: {  	[hbm4b:s28+s20] =	stream.strided.scatter [tilespmem:s19], [sflag:$0x1], $0x7D00, s14, s20, $0x38;
	[tilespmem:$0x1A880] =	vst v63  }
0x309: {  	_ =	swait.ge [sflag:s23], $0x7D00  }
0x30a: {  	[sflag:s23] =	ssyncset.done $0x0  }
0x30b: {  	[sflag:s23] =	ssyncadd.s32 $0xFFFF8300  }
0x30c: {  	v0 =	vld.idx.msk [tilespmem:v52+s2+$0x0], $0xffff;
	_ =	sdelay $0x5  }
0x30d: {  	v63 =	vimm.s32 $0x1B80;
	_ =	sdelay $0x1  }
0x30e: {  	[tilespmem:v0+s21+$0x0] =	vst.idx.msk $0xffff, v61  }
0x30f: {  	v0 =	vld.idx.msk [tilespmem:v55+s2+$0x0], $0xffff  }
0x310: {  	v62 =	vld.idx.msk [tilespmem:v55+s16+$0x0], $0xffff  }
0x311: {  	v63 =	vld.idx.msk [tilespmem:v63+s17+$0x0], $0xffff;
	_ =	sdelay $0x4  }
0x312: {  	s28 =	sld [smem:$0x7FB];
	v62 =	vmul.f32 v63, v62;
	_ =	sdelay $0x1  }
0x313: {  	[tilespmem:v0+s21+$0x0] =	vst.idx.msk $0xffff, v62  }
0x314: {  	[hbm4b:s28+s20] =	stream.strided.scatter [tilespmem:s21], [sflag:$0x2], $0x7D00, s14, s20, $0x38;
	[tilespmem:$0x1A880] =	vst v63  }
0x315: {  	_ =	swait.ge [sflag:s24], $0x7D00  }
0x316: {  	[sflag:s24] =	ssyncset.done $0x0  }
0x317: {  	[sflag:s24] =	ssyncadd.s32 $0xFFFF8300  }
0x318: {  	v0 =	vld.idx.msk [tilespmem:v53+s2+$0x0], $0xffff;
	_ =	sdelay $0x5  }
0x319: {  	v63 =	vimm.s32 $0x1C00;
	_ =	sdelay $0x1  }
0x31a: {  	[tilespmem:v0+s22+$0x0] =	vst.idx.msk $0xffff, v61  }
0x31b: {  	v0 =	vld.idx.msk [tilespmem:v56+s2+$0x0], $0xffff  }
0x31c: {  	v62 =	vld.idx.msk [tilespmem:v56+s16+$0x0], $0xffff  }
0x31d: {  	v63 =	vld.idx.msk [tilespmem:v63+s17+$0x0], $0xffff;
	_ =	sdelay $0x4  }
0x31e: {  	s28 =	sld [smem:$0x7FC];
	v62 =	vmul.f32 v63, v62;
	_ =	sdelay $0x1  }
0x31f: {  	[tilespmem:v0+s22+$0x0] =	vst.idx.msk $0xffff, v62  }
0x320: {  	[hbm4b:s28+s20] =	stream.strided.scatter [tilespmem:s22], [sflag:$0x3], $0x7D00, s14, s20, $0x38;
	[tilespmem:$0x1A880] =	vst v63  }
0x321: {  	_ =	swait.ge [sflag:s5], $0x7D00  }
0x322: {  	[sflag:s5] =	ssyncset.done $0x0  }
0x323: {  	[sflag:s5] =	ssyncadd.s32 $0xFFFF8300  }
0x324: {  	v0 =	vld.idx.msk [tilespmem:v54+s2+$0x0], $0xffff;
	_ =	sdelay $0x5  }
0x325: {  	v63 =	vimm.s32 $0x1C80;
	_ =	sdelay $0x1  }
0x326: {  	[tilespmem:v0+s19+$0x0] =	vst.idx.msk $0xffff, v61  }
0x327: {  	v0 =	vld.idx.msk [tilespmem:v57+s2+$0x0], $0xffff  }
0x328: {  	v62 =	vld.idx.msk [tilespmem:v57+s16+$0x0], $0xffff  }
0x329: {  	v63 =	vld.idx.msk [tilespmem:v63+s17+$0x0], $0xffff;
	_ =	sdelay $0x4  }
0x32a: {  	s28 =	sld [smem:$0x7FD];
	v62 =	vmul.f32 v63, v62;
	_ =	sdelay $0x1  }
0x32b: {  	[tilespmem:v0+s19+$0x0] =	vst.idx.msk $0xffff, v62  }
0x32c: {  	[hbm4b:s28+s20] =	stream.strided.scatter [tilespmem:s19], [sflag:$0x1], $0x7D00, s14, s20, $0x38;
	[tilespmem:$0x1A880] =	vst v63  }
0x32d: {  	_ =	swait.ge [sflag:s23], $0x7D00  }
0x32e: {  	[sflag:s23] =	ssyncset.done $0x0  }
0x32f: {  	[sflag:s23] =	ssyncadd.s32 $0xFFFF8300  }
0x330: {  	v0 =	vld.idx.msk [tilespmem:v55+s2+$0x0], $0xffff;
	_ =	sdelay $0x5  }
0x331: {  	v63 =	vimm.s32 $0x1D00;
	_ =	sdelay $0x1  }
0x332: {  	[tilespmem:v0+s21+$0x0] =	vst.idx.msk $0xffff, v61  }
0x333: {  	v0 =	vld.idx.msk [tilespmem:v58+s2+$0x0], $0xffff  }
0x334: {  	v62 =	vld.idx.msk [tilespmem:v58+s16+$0x0], $0xffff  }
0x335: {  	v63 =	vld.idx.msk [tilespmem:v63+s17+$0x0], $0xffff;
	_ =	sdelay $0x4  }
0x336: {  	v62 =	vmul.f32 v63, v62;
	_ =	sdelay $0x1  }
0x337: {  	[tilespmem:v0+s21+$0x0] =	vst.idx.msk $0xffff, v62  }
0x338: {  	[hbm4b:s29+s20] =	stream.strided.scatter [tilespmem:s21], [sflag:$0x2], $0x7D00, s14, s20, $0x38;
	[tilespmem:$0x1A880] =	vst v63  }
0x339: {  	_ =	swait.ge [sflag:s24], $0x7D00  }
0x33a: {  	[sflag:s24] =	ssyncset.done $0x0  }
0x33b: {  	[sflag:s24] =	ssyncadd.s32 $0xFFFF8300  }
0x33c: {  	v0 =	vld.idx.msk [tilespmem:v56+s2+$0x0], $0xffff;
	_ =	sdelay $0x5  }
0x33d: {  	v63 =	vimm.s32 $0x1D80;
	_ =	sdelay $0x1  }
0x33e: {  	[tilespmem:v0+s22+$0x0] =	vst.idx.msk $0xffff, v61  }
0x33f: {  	v0 =	vld.idx.msk [tilespmem:v59+s2+$0x0], $0xffff  }
0x340: {  	v62 =	vld.idx.msk [tilespmem:v59+s16+$0x0], $0xffff  }
0x341: {  	v63 =	vld.idx.msk [tilespmem:v63+s17+$0x0], $0xffff;
	_ =	sdelay $0x4  }
0x342: {  	v62 =	vmul.f32 v63, v62;
	_ =	sdelay $0x1  }
0x343: {  	[tilespmem:v0+s22+$0x0] =	vst.idx.msk $0xffff, v62  }
0x344: {  	[hbm4b:s30+s20] =	stream.strided.scatter [tilespmem:s22], [sflag:$0x3], $0x7D00, s14, s20, $0x38;
	[tilespmem:$0x1A880] =	vst v63  }
0x345: {  	_ =	swait.ge [sflag:s5], $0x7D00  }
0x346: {  	[sflag:s5] =	ssyncset.done $0x0  }
0x347: {  	[sflag:s5] =	ssyncadd.s32 $0xFFFF8300  }
0x348: {  	v0 =	vld.idx.msk [tilespmem:v57+s2+$0x0], $0xffff;
	_ =	sdelay $0x5  }
0x349: {  	v63 =	vimm.s32 $0x1E00;
	_ =	sdelay $0x1  }
0x34a: {  	[tilespmem:v0+s19+$0x0] =	vst.idx.msk $0xffff, v61  }
0x34b: {  	v0 =	vld.idx.msk [tilespmem:v60+s2+$0x0], $0xffff  }
0x34c: {  	v62 =	vld.idx.msk [tilespmem:v60+s16+$0x0], $0xffff  }
0x34d: {  	v63 =	vld.idx.msk [tilespmem:v63+s17+$0x0], $0xffff;
	_ =	sdelay $0x4  }
0x34e: {  	v62 =	vmul.f32 v63, v62;
	_ =	sdelay $0x1  }
0x34f: {  	[tilespmem:v0+s19+$0x0] =	vst.idx.msk $0xffff, v62  }
0x350: {  	[hbm4b:s31+s20] =	stream.strided.scatter [tilespmem:s19], [sflag:$0x1], $0x7D00, s14, s20, $0x38;
	[tilespmem:$0x1A880] =	vst v63  }
0x351: {  	_ =	swait.ge [sflag:s23], $0x7D00  }
0x352: {  	[sflag:s23] =	ssyncset.done $0x0  }
0x353: {  	[sflag:s23] =	ssyncadd.s32 $0xFFFF8300  }
0x354: {  	v0 =	vld.idx.msk [tilespmem:v58+s2+$0x0], $0xffff  }
0x355: {  	v62 =	vld [tilespmem:$0x1FFD0];
	_ =	sdelay $0x4  }
0x356: {  	v63 =	vimm.s32 $0x1E80;
	_ =	sdelay $0x1  }
0x357: {  	[tilespmem:v0+s21+$0x0] =	vst.idx.msk $0xffff, v61  }
0x358: {  	v0 =	vld.idx.msk [tilespmem:v62+s2+$0x0], $0xffff  }
0x359: {  	v62 =	vld.idx.msk [tilespmem:v62+s16+$0x0], $0xffff  }
0x35a: {  	v63 =	vld.idx.msk [tilespmem:v63+s17+$0x0], $0xffff;
	_ =	sdelay $0x4  }
0x35b: {  	v62 =	vmul.f32 v63, v62;
	_ =	sdelay $0x1  }
0x35c: {  	[tilespmem:v0+s21+$0x0] =	vst.idx.msk $0xffff, v62  }
0x35d: {  	[hbm4b:s1+s20] =	stream.strided.scatter [tilespmem:s21], [sflag:$0x2], $0x7D00, s14, s20, $0x38;
	[tilespmem:$0x1A880] =	vst v63  }
0x35e: {  	_ =	swait.ge [sflag:s24], $0x7D00  }
0x35f: {  	[sflag:s24] =	ssyncset.done $0x0  }
0x360: {  	[sflag:s24] =	ssyncadd.s32 $0xFFFF8300  }
0x361: {  	v0 =	vld.idx.msk [tilespmem:v59+s2+$0x0], $0xffff  }
0x362: {  	v62 =	vld [tilespmem:$0x1FFE0];
	_ =	sdelay $0x4  }
0x363: {  	v63 =	vimm.s32 $0x1F00;
	_ =	sdelay $0x1  }
0x364: {  	[tilespmem:v0+s22+$0x0] =	vst.idx.msk $0xffff, v61  }
0x365: {  	v0 =	vld.idx.msk [tilespmem:v62+s2+$0x0], $0xffff  }
0x366: {  	v62 =	vld.idx.msk [tilespmem:v62+s16+$0x0], $0xffff  }
0x367: {  	v63 =	vld.idx.msk [tilespmem:v63+s17+$0x0], $0xffff;
	_ =	sdelay $0x4  }
0x368: {  	v62 =	vmul.f32 v63, v62;
	_ =	sdelay $0x1  }
0x369: {  	[tilespmem:v0+s22+$0x0] =	vst.idx.msk $0xffff, v62  }
0x36a: {  	[hbm4b:s0+s20] =	stream.strided.scatter [tilespmem:s22], [sflag:$0x3], $0x7D00, s14, s20, $0x38;
	[tilespmem:$0x1A880] =	vst v63  }
0x36b: {  	_ =	swait.ge [sflag:s5], $0x7D00  }
0x36c: {  	[sflag:s5] =	ssyncset.done $0x0  }
0x36d: {  	[sflag:s5] =	ssyncadd.s32 $0xFFFF8300  }
0x36e: {  	v0 =	vld.idx.msk [tilespmem:v60+s2+$0x0], $0xffff  }
0x36f: {  	v62 =	vld [tilespmem:$0x1FFF0];
	_ =	sdelay $0x4  }
0x370: {  	v63 =	vimm.s32 $0x1F80;
	_ =	sdelay $0x1  }
0x371: {  	[tilespmem:v0+s19+$0x0] =	vst.idx.msk $0xffff, v61  }
0x372: {  	v0 =	vld.idx.msk [tilespmem:v62+s2+$0x0], $0xffff  }
0x373: {  	v62 =	vld.idx.msk [tilespmem:v62+s16+$0x0], $0xffff  }
0x374: {  	v63 =	vld.idx.msk [tilespmem:v63+s17+$0x0], $0xffff;
	_ =	sdelay $0x4  }
0x375: {  	v62 =	vmul.f32 v63, v62;
	_ =	sdelay $0x1  }
0x376: {  	[tilespmem:v0+s19+$0x0] =	vst.idx.msk $0xffff, v62  }
0x377: {  	[hbm4b:s3+s20] =	stream.strided.scatter [tilespmem:s19], [sflag:$0x1], $0x7D00, s14, s20, $0x38;
	[tilespmem:$0x1A880] =	vst v63  }
0x378: {  	_ =	swait.ge [sflag:s5], $0x7D00  }
0x379: {  	[sflag:s5] =	ssyncset.done $0x0  }
0x37a: {  	s25 =	sadd.s32 $0x1, s25;
	[sflag:s5] =	ssyncadd.s32 $0xFFFF8300  }
0x37b: {  	p0 =	sne.s32 s25, s4;
	_ =	swait.ge [sflag:s23], $0x7D00  }
.Ltmp3:
0x37c: {  	[sflag:s23] =	ssyncset.done $0x0;
	(pc) =	sbr.rel @p0 .LBB2_1-.Ltmp3, $4  }
0x37d: {  	[sflag:s23] =	ssyncadd.s32 $0xFFFF8300  }
0x37e: {  	_ =	swait.ge [sflag:s24], $0x7D00  }
0x37f: {  	[sflag:s24] =	ssyncset.done $0x0  }
0x380: {  	[sflag:s24] =	ssyncadd.s32 $0xFFFF8300  }
0x381: {  	_ =	sfence.sel $0x180000  }
0x382: {  	[bflag:$0x0] =	sbarrier.arrive $0xFFFF  }
0x383: {  	_ =	strace $0x90000047  }
0x384: {  	s0 =	stileid.u32;
	[bflag:$0x2] =	sbarrier.arrive $0xFFFF  }
0x385: {  	p0 =	sne.s32 s0, $0x0;
	s0 =	rddreg [dreg:$0x2]  }
0x386: {  	s0 =	sadd.s32 @!p0 $0x100000, s0  }
0x387: {  	[sflag:s0] =	ssyncadd.tile.s32 @!p0 $0x1;
	_ =	shalt  }
.Lfunc_end2:
_tile_overlayer_lowered:
.L_overlay_start_2:
0x388: {  	(tag) =	ssettag $0x2  }
0x389: {  	s0 =	rddreg [dreg:$0x0];
	s2 =	stileid.u32  }
0x38a: {  	s1 =	rddreg [dreg:$0x1];
	p0 =	sne.s32 s2, $0x0  }
0x38b: {  	s3 =	rddreg [dreg:$0x2];
	[bflag:$0x3] =	sbarrier.arrive $0xFFFF;
	s2 =	simm.s32 @!p0 $0x1C05  }
0x38c: {  	[timem:s3], [sflag:s2] =	dma.local @!p0 [hbm:s0], s1  }
0x38d: {  	s0 =	simm.s32 @!p0 $0x5  }
0x38e: {  	_ =	swait.ge @!p0 [sflag:s0], s1  }
0x38f: {  	s1 =	ssub.s32 @!p0 $0x0, s1;
	[sflag:s0] =	ssyncset.done @!p0 $0x0  }
0x390: {  	[sflag:s0] =	ssyncadd.s32 @!p0 s1  }
0x391: {  	[bflag:$0x3] =	sbarrier.arrive $0xFFFF  }
0x392: {  	_ =	shalt  }

</sc_bundles>
